<compile_context>
chip_gen: v7x
topology: tpu7x:2x2x1
jax: 0.10.2.dev20260603
libtpu: 0.0.44.dev20260713+nightly
codegen_flags: <defaults>
</compile_context>

<pallas_src>
import functools

import jax
import jax.numpy as jnp
from jax import lax
from jax.experimental import pallas as pl
from jax.experimental.pallas import tpu as pltpu

B = 4096
NUM_POS = 10
NUM_NEG = 990
NUM_ITEMS = 1000
N = B * NUM_POS
U_SIZE = 10000 * NUM_ITEMS
GAMMA0 = 0.1
EPS = 1e-10
ROWS_PER_STEP = 1024
NW = 32
PER_W = N // NW
ROWS_W = PER_W // 128
DUMMY_BASE = U_SIZE
SCRATCH_SIZE = U_SIZE + 8192




def _stats_body(pred_ref, uid_ref, item_ref, stats_ref, m_ref, ids_ref):
    i = pl.program_id(0)
    x = pred_ref[...]
    col = lax.broadcasted_iota(jnp.int32, x.shape, 1)
    isneg = col >= NUM_POS
    m = jnp.max(jnp.where(isneg, x, -3.4e38), axis=1, keepdims=True)
    e = jnp.where(isneg, jnp.exp(x - m), 0.0)
    esum = jnp.sum(e, axis=1, keepdims=True)
    t = jnp.sum(x * e, axis=1, keepdims=True)
    minpos = jnp.min(jnp.where(isneg, 3.4e38, x), axis=1, keepdims=True)
    stats_ref[...] = jnp.concatenate([m, esum, t, minpos], axis=1)
    blkmax = jnp.max(m - minpos, keepdims=True).reshape(1, 1)

    @pl.when(i == 0)
    def _():
        m_ref[...] = blkmax

    @pl.when(i > 0)
    def _():
        m_ref[...] = jnp.maximum(m_ref[...], blkmax)

    ids_ref[...] = uid_ref[...] * NUM_ITEMS + item_ref[...]


def _row_stats(predictions, user_id, item_id):
    grid = B // ROWS_PER_STEP
    return pl.pallas_call(
        _stats_body,
        grid=(grid,),
        in_specs=[
            pl.BlockSpec((ROWS_PER_STEP, NUM_POS + NUM_NEG), lambda i: (i, 0)),
            pl.BlockSpec((ROWS_PER_STEP, 1), lambda i: (i, 0)),
            pl.BlockSpec((ROWS_PER_STEP, NUM_POS), lambda i: (i, 0)),
        ],
        out_specs=[
            pl.BlockSpec((ROWS_PER_STEP, 4), lambda i: (i, 0)),
            pl.BlockSpec((1, 1), lambda i: (0, 0)),
            pl.BlockSpec((ROWS_PER_STEP, NUM_POS), lambda i: (i, 0)),
        ],
        out_shape=[
            jax.ShapeDtypeStruct((B, 4), jnp.float32),
            jax.ShapeDtypeStruct((1, 1), jnp.float32),
            jax.ShapeDtypeStruct((B, NUM_POS), jnp.int32),
        ],
    )(predictions, user_id.reshape(B, 1), item_id)




def _terms_body(pos_ref, stats_ref, m_ref, g_ref, numer_ref, newv_ref):
    pos = pos_ref[...]
    m = stats_ref[:, 0:1]
    esum = stats_ref[:, 1:2]
    t = stats_ref[:, 2:3]
    a = jnp.exp((m - m_ref[...]) - pos)
    meanexp = a * (esum * (1.0 / NUM_NEG))
    numer_ref[...] = a * (t - pos * esum)
    newv_ref[...] = (1.0 - GAMMA0) * g_ref[...] + GAMMA0 * meanexp


def _terms(pos, stats, m_scalar, g):
    return pl.pallas_call(
        _terms_body,
        out_shape=[
            jax.ShapeDtypeStruct((B, NUM_POS), jnp.float32),
            jax.ShapeDtypeStruct((B, NUM_POS), jnp.float32),
        ],
    )(pos, stats, m_scalar, g)




def _sum_body(part_ref, out_ref):
    out_ref[...] = jnp.sum(part_ref[...], keepdims=True).reshape(1, 1) * (
        1.0 / B
    )


def _final_sum(partials):
    return pl.pallas_call(
        _sum_body,
        out_shape=jax.ShapeDtypeStruct((1, 1), jnp.float32),
    )(partials)




def _sc_mesh():
    from jax.experimental.pallas import tpu_sc as plsc

    return plsc.VectorSubcoreMesh(core_axis_name="c", subcore_axis_name="s")


def _worker_id():
    return lax.axis_index("s") * 2 + lax.axis_index("c")


def _gather_u(u, ids3d):

    @functools.partial(
        pl.kernel,
        mesh=_sc_mesh(),
        out_type=jax.ShapeDtypeStruct((NW, ROWS_W, 128), jnp.float32),
        scratch_types=[
            pltpu.VMEM((ROWS_W, 128), jnp.int32),
            pltpu.VMEM((ROWS_W, 128), jnp.float32),
            pltpu.SemaphoreType.DMA,
        ],
    )
    def k(u_hbm, ids_hbm, g_hbm, idx_v, rows_v, sem):
        wid = _worker_id()
        pltpu.sync_copy(ids_hbm.at[wid], idx_v)
        descs = [
            pltpu.async_copy(u_hbm.at[idx_v.at[j]], rows_v.at[j], sem)
            for j in range(ROWS_W)
        ]
        for d in descs:
            d.wait()
        pltpu.sync_copy(rows_v, g_hbm.at[wid])

    return k(u, ids3d)


def _gather_denoms(wmap, newv_flat, ids3d, numer3d):

    @functools.partial(
        pl.kernel,
        mesh=_sc_mesh(),
        out_type=jax.ShapeDtypeStruct((NW, 16), jnp.float32),
        scratch_types=[
            pltpu.VMEM((ROWS_W, 128), jnp.int32),
            pltpu.VMEM((ROWS_W, 128), jnp.float32),
            pltpu.VMEM((ROWS_W, 128), jnp.int32),
            pltpu.VMEM((ROWS_W, 128), jnp.float32),
            pltpu.VMEM((ROWS_W, 128), jnp.float32),
            pltpu.VMEM((16,), jnp.float32),
            pltpu.SemaphoreType.DMA,
        ],
    )
    def k(wmap_hbm, newv_hbm, ids_hbm, num_hbm, part_hbm, idx_v, w_v, wi_v,
          den_v, num_v, acc_v, sem):
        wid = _worker_id()
        pltpu.sync_copy(ids_hbm.at[wid], idx_v)
        pltpu.sync_copy(num_hbm.at[wid], num_v)
        descs = [
            pltpu.async_copy(wmap_hbm.at[idx_v.at[j]], w_v.at[j], sem)
            for j in range(ROWS_W)
        ]
        for d in descs:
            d.wait()
        for c in range(PER_W // 16):
            r, o = c // 8, (c % 8) * 16
            wi_v[r, pl.ds(o, 16)] = w_v[r, pl.ds(o, 16)].astype(jnp.int32)
        descs = [
            pltpu.async_copy(newv_hbm.at[wi_v.at[j]], den_v.at[j], sem)
            for j in range(ROWS_W)
        ]
        for d in descs:
            d.wait()
        acc = jnp.zeros((16,), jnp.float32)
        for c in range(PER_W // 16):
            r, o = c // 8, (c % 8) * 16
            num = num_v[r, pl.ds(o, 16)]
            den = den_v[r, pl.ds(o, 16)]
            acc = acc + num / (den + EPS)
        acc_v[...] = acc
        pltpu.sync_copy(acc_v, part_hbm.at[wid])

    return k(wmap, newv_flat, ids3d, numer3d)




def kernel(predictions, user_id, item_id, u):
    stats, m_scalar, ids = _row_stats(predictions, user_id, item_id)
    ids3d = ids.reshape(NW, ROWS_W, 128)
    g = _gather_u(u, ids3d)
    numer, new_vals = _terms(
        predictions[:, :NUM_POS], stats, m_scalar, g.reshape(B, NUM_POS)
    )
    wmap = jnp.zeros((U_SIZE,), jnp.float32).at[ids.reshape(N)].set(
        lax.iota(jnp.float32, N)
    )
    partials = _gather_denoms(
        wmap,
        new_vals.reshape(N),
        ids3d,
        numer.reshape(NW, ROWS_W, 128),
    )
    return _final_sum(partials).reshape(())

# --- scband reference (transcript-rebuilt; emitter-appended) ---
"""Pipeline reference for scband-listwise-ce-loss-45655502356900 (READ-ONLY COPY).

The authoritative reference and input builder live on the scoring server;
editing this copy changes nothing except your own understanding.
"""

import jax, jax.numpy as jnp
import numpy as np

B = 4096
NUM_POS = 10
NUM_NEG = 990
NUM_USERS = 10000
NUM_ITEMS = 1000
TOTAL_RELEVANT_PAIRS = NUM_USERS * NUM_ITEMS
GAMMA0 = 0.1
EPS = 1e-10


def setup_inputs(seed: int = 0) -> dict:
    key = jax.random.key(seed)
    k1, k2, k3 = jax.random.split(key, 3)
    predictions = jax.random.normal(k1, (B, NUM_POS + NUM_NEG), dtype=jnp.float32)
    user_id = jax.random.randint(k2, (B,), 0, NUM_USERS, dtype=jnp.int32)
    item_id = jax.random.randint(k3, (B, NUM_POS), 0, NUM_ITEMS, dtype=jnp.int32)
    # u is the moving-average state buffer of shape [total_relevant_pairs]
    u = jnp.zeros((TOTAL_RELEVANT_PAIRS,), dtype=jnp.float32)
    return {"predictions": predictions, "user_id": user_id, "item_id": item_id, "u": u}


def reference(predictions, user_id, item_id, u):
    batch_size = predictions.shape[0]
    # neg_pred: repeat each row's negative scores num_pos times -> [B*num_pos, num_neg]
    neg_pred = jnp.repeat(predictions[:, NUM_POS:], NUM_POS, axis=0)
    # pos_pred: chunk/cat/permute pattern == row-major flatten of the positive block -> [B*num_pos, 1]
    pos_pred = predictions[:, :NUM_POS].reshape(batch_size * NUM_POS, 1)
    margin = neg_pred - pos_pred
    # detach_() in torch -> stop_gradient in jax
    exp_margin = jax.lax.stop_gradient(jnp.exp(margin - jnp.max(margin)))
    user_ids_tsfd = jnp.repeat(user_id, NUM_POS)
    pos_item_ids_tsfd = item_id[:, :NUM_POS].reshape(-1)
    # id_mapper (dok_matrix) maps (user_id, item_id) -> unique 1d index; realized analytically
    user_item_ids = user_ids_tsfd.astype(jnp.int32) * NUM_ITEMS + pos_item_ids_tsfd.astype(jnp.int32)
    # moving-average state update: u[ids] = (1-g)*u[ids] + g*mean(exp_margin, dim=1)
    new_vals = (1.0 - GAMMA0) * u[user_item_ids] + GAMMA0 * jnp.mean(exp_margin, axis=1)
    u_new = u.at[user_item_ids].set(new_vals)
    exp_margin_softmax = exp_margin / (u_new[user_item_ids][:, None] + EPS)
    loss = jnp.sum(margin * exp_margin_softmax) / batch_size
    return loss

if __name__ == "__main__":
    import jax
    _d = setup_inputs()
    print(jax.jit(kernel)(*tuple(_d.values())))

</pallas_src>

<mosaic_0001>
#map = affine_map<(d0, d1) -> (0)>
#map1 = affine_map<(d0, d1) -> (0, 0, 0)>
#map2 = affine_map<(d0, d1) -> (0, 0)>
module attributes {stable_mosaic.version = 14 : i64} {
  func.func @k(%arg0: i32, %arg1: i32, %arg2: memref<10000000xf32, #tpu.memory_space<hbm>>, %arg3: memref<40960xf32, #tpu.memory_space<hbm>>, %arg4: memref<32x10x128xi32, #tpu.memory_space<hbm>>, %arg5: memref<32x10x128xf32, #tpu.memory_space<hbm>>, %arg6: memref<32x16xf32, #tpu.memory_space<hbm>>, %arg7: memref<10x128xi32, #tpu.memory_space<vmem>>, %arg8: memref<10x128xf32, #tpu.memory_space<vmem>>, %arg9: memref<10x128xi32, #tpu.memory_space<vmem>>, %arg10: memref<10x128xf32, #tpu.memory_space<vmem>>, %arg11: memref<10x128xf32, #tpu.memory_space<vmem>>, %arg12: memref<16xf32, #tpu.memory_space<vmem>>, %arg13: memref<!tpu.dma_semaphore, #tpu.memory_space<semaphore_mem>>) attributes {dimension_semantics = [#tpu.dimension_semantics<core_parallel>, #tpu.dimension_semantics<subcore_parallel>], iteration_bounds = array<i64: 2, 16>, scalar_prefetch = 0 : i64, scratch_operands = 7 : i64, tpu.core_type = #tpu.core_type<sc_vector_subcore>, window_params = [{transform_indices = #map}, {transform_indices = #map}, {transform_indices = #map1}, {transform_indices = #map1}, {transform_indices = #map2}]} {
    %mul3A = arith.constant 2 : i32
    %mul3A_0 = arith.muli %arg1, %mul3A : i32
    %add3A = arith.addi %mul3A_0, %arg0 : i32
    "tpu.region"() ({
      %run_scoped3A = tpu.sem_alloc : memref<!tpu.dma_semaphore, #tpu.memory_space<semaphore_mem>>
      %dma_start3A_2560 = arith.constant 0 : i32
      %dma_start3A_2561 = arith.constant 0 : i32
      %dma_start3A_2562 = tpu.memref_slice %arg4[%add3A, %dma_start3A_2560, %dma_start3A_2561] : memref<32x10x128xi32, #tpu.memory_space<hbm>> -> memref<1x10x128xi32, #tpu.memory_space<hbm>>
      %dma_start3A_2563 = tpu.memref_squeeze %dma_start3A_2562 : memref<1x10x128xi32, #tpu.memory_space<hbm>> -> memref<10x128xi32, #tpu.memory_space<hbm>>
      %dma_start3A_2564 = arith.constant 0 : i32
      %dma_start3A_2565 = arith.constant 0 : i32
      %dma_start3A_2566 = tpu.memref_slice %arg4[%add3A, %dma_start3A_2564, %dma_start3A_2565] : memref<32x10x128xi32, #tpu.memory_space<hbm>> -> memref<1x10x128xi32, #tpu.memory_space<hbm>>
      %dma_start3A_2567 = tpu.memref_squeeze %dma_start3A_2566 : memref<1x10x128xi32, #tpu.memory_space<hbm>> -> memref<10x128xi32, #tpu.memory_space<hbm>>
      tpu.enqueue_dma source(%dma_start3A_2567 : memref<10x128xi32, #tpu.memory_space<hbm>>) target(%arg7 : memref<10x128xi32, #tpu.memory_space<vmem>>) target_semaphore(%run_scoped3A : memref<!tpu.dma_semaphore, #tpu.memory_space<semaphore_mem>>)
      %dma_wait3A_2568 = arith.constant 0 : i32
      %dma_wait3A_2569 = arith.constant 0 : i32
      %dma_wait3A_2570 = tpu.memref_slice %arg4[%add3A, %dma_wait3A_2568, %dma_wait3A_2569] : memref<32x10x128xi32, #tpu.memory_space<hbm>> -> memref<1x10x128xi32, #tpu.memory_space<hbm>>
      %dma_wait3A_2571 = tpu.memref_squeeze %dma_wait3A_2570 : memref<1x10x128xi32, #tpu.memory_space<hbm>> -> memref<10x128xi32, #tpu.memory_space<hbm>>
      %dma_wait3A_2572 = arith.constant 0 : i32
      %dma_wait3A_2573 = arith.constant 0 : i32
      %dma_wait3A_2574 = tpu.memref_slice %arg4[%add3A, %dma_wait3A_2572, %dma_wait3A_2573] : memref<32x10x128xi32, #tpu.memory_space<hbm>> -> memref<1x10x128xi32, #tpu.memory_space<hbm>>
      %dma_wait3A_2575 = tpu.memref_squeeze %dma_wait3A_2574 : memref<1x10x128xi32, #tpu.memory_space<hbm>> -> memref<10x128xi32, #tpu.memory_space<hbm>>
      tpu.wait_dma2 semaphore(%run_scoped3A : memref<!tpu.dma_semaphore, #tpu.memory_space<semaphore_mem>>) src(%dma_wait3A_2575 : memref<10x128xi32, #tpu.memory_space<hbm>>) dst(%arg7 : memref<10x128xi32, #tpu.memory_space<vmem>>)
      tpu.yield
    }) : () -> ()
    "tpu.region"() ({
      %run_scoped3A = tpu.sem_alloc : memref<!tpu.dma_semaphore, #tpu.memory_space<semaphore_mem>>
      %dma_start3A_2560 = arith.constant 0 : i32
      %dma_start3A_2561 = arith.constant 0 : i32
      %dma_start3A_2562 = tpu.memref_slice %arg5[%add3A, %dma_start3A_2560, %dma_start3A_2561] : memref<32x10x128xf32, #tpu.memory_space<hbm>> -> memref<1x10x128xf32, #tpu.memory_space<hbm>>
      %dma_start3A_2563 = tpu.memref_squeeze %dma_start3A_2562 : memref<1x10x128xf32, #tpu.memory_space<hbm>> -> memref<10x128xf32, #tpu.memory_space<hbm>>
      %dma_start3A_2564 = arith.constant 0 : i32
      %dma_start3A_2565 = arith.constant 0 : i32
      %dma_start3A_2566 = tpu.memref_slice %arg5[%add3A, %dma_start3A_2564, %dma_start3A_2565] : memref<32x10x128xf32, #tpu.memory_space<hbm>> -> memref<1x10x128xf32, #tpu.memory_space<hbm>>
      %dma_start3A_2567 = tpu.memref_squeeze %dma_start3A_2566 : memref<1x10x128xf32, #tpu.memory_space<hbm>> -> memref<10x128xf32, #tpu.memory_space<hbm>>
      tpu.enqueue_dma source(%dma_start3A_2567 : memref<10x128xf32, #tpu.memory_space<hbm>>) target(%arg11 : memref<10x128xf32, #tpu.memory_space<vmem>>) target_semaphore(%run_scoped3A : memref<!tpu.dma_semaphore, #tpu.memory_space<semaphore_mem>>)
      %dma_wait3A_2568 = arith.constant 0 : i32
      %dma_wait3A_2569 = arith.constant 0 : i32
      %dma_wait3A_2570 = tpu.memref_slice %arg5[%add3A, %dma_wait3A_2568, %dma_wait3A_2569] : memref<32x10x128xf32, #tpu.memory_space<hbm>> -> memref<1x10x128xf32, #tpu.memory_space<hbm>>
      %dma_wait3A_2571 = tpu.memref_squeeze %dma_wait3A_2570 : memref<1x10x128xf32, #tpu.memory_space<hbm>> -> memref<10x128xf32, #tpu.memory_space<hbm>>
      %dma_wait3A_2572 = arith.constant 0 : i32
      %dma_wait3A_2573 = arith.constant 0 : i32
      %dma_wait3A_2574 = tpu.memref_slice %arg5[%add3A, %dma_wait3A_2572, %dma_wait3A_2573] : memref<32x10x128xf32, #tpu.memory_space<hbm>> -> memref<1x10x128xf32, #tpu.memory_space<hbm>>
      %dma_wait3A_2575 = tpu.memref_squeeze %dma_wait3A_2574 : memref<1x10x128xf32, #tpu.memory_space<hbm>> -> memref<10x128xf32, #tpu.memory_space<hbm>>
      tpu.wait_dma2 semaphore(%run_scoped3A : memref<!tpu.dma_semaphore, #tpu.memory_space<semaphore_mem>>) src(%dma_wait3A_2575 : memref<10x128xf32, #tpu.memory_space<hbm>>) dst(%arg11 : memref<10x128xf32, #tpu.memory_space<vmem>>)
      tpu.yield
    }) : () -> ()
    %dma_start3A = arith.constant 0 : i32
    %dma_start3A_1 = arith.constant 0 : i32
    %dma_start3A_2 = arith.constant 0 : i32
    %dma_start3A_3 = tpu.memref_slice %arg8[%dma_start3A_1, %dma_start3A_2] : memref<10x128xf32, #tpu.memory_space<vmem>> -> memref<1x128xf32, #tpu.memory_space<vmem>>
    %dma_start3A_4 = tpu.memref_squeeze %dma_start3A_3 : memref<1x128xf32, #tpu.memory_space<vmem>> -> memref<128xf32, #tpu.memory_space<vmem>>
    %dma_start3A_5 = arith.constant 0 : i32
    %dma_start3A_6 = tpu.memref_slice %arg7[%dma_start3A, %dma_start3A_5] : memref<10x128xi32, #tpu.memory_space<vmem>> -> memref<1x128xi32, #tpu.memory_space<vmem>>
    %dma_start3A_7 = tpu.memref_squeeze %dma_start3A_6 : memref<1x128xi32, #tpu.memory_space<vmem>> -> memref<128xi32, #tpu.memory_space<vmem>>
    %dma_start3A_8 = arith.constant 0 : i32
    %dma_start3A_9 = tpu.memref_slice %arg2[%dma_start3A_8] : memref<10000000xf32, #tpu.memory_space<hbm>> -> memref<10000000xf32, #tpu.memory_space<hbm>>
    tpu.enqueue_indirect_dma source(%dma_start3A_9 : memref<10000000xf32, #tpu.memory_space<hbm>>) target(%dma_start3A_4 : memref<128xf32, #tpu.memory_space<vmem>>) offsets(%dma_start3A_7 : memref<128xi32, #tpu.memory_space<vmem>>) semaphore(%arg13 : memref<!tpu.dma_semaphore, #tpu.memory_space<semaphore_mem>>)
    %dma_start3A_10 = arith.constant 1 : i32
    %dma_start3A_11 = arith.constant 1 : i32
    %dma_start3A_12 = arith.constant 0 : i32
    %dma_start3A_13 = tpu.memref_slice %arg8[%dma_start3A_11, %dma_start3A_12] : memref<10x128xf32, #tpu.memory_space<vmem>> -> memref<1x128xf32, #tpu.memory_space<vmem>>
    %dma_start3A_14 = tpu.memref_squeeze %dma_start3A_13 : memref<1x128xf32, #tpu.memory_space<vmem>> -> memref<128xf32, #tpu.memory_space<vmem>>
    %dma_start3A_15 = arith.constant 0 : i32
    %dma_start3A_16 = tpu.memref_slice %arg7[%dma_start3A_10, %dma_start3A_15] : memref<10x128xi32, #tpu.memory_space<vmem>> -> memref<1x128xi32, #tpu.memory_space<vmem>>
    %dma_start3A_17 = tpu.memref_squeeze %dma_start3A_16 : memref<1x128xi32, #tpu.memory_space<vmem>> -> memref<128xi32, #tpu.memory_space<vmem>>
    %dma_start3A_18 = arith.constant 0 : i32
    %dma_start3A_19 = tpu.memref_slice %arg2[%dma_start3A_18] : memref<10000000xf32, #tpu.memory_space<hbm>> -> memref<10000000xf32, #tpu.memory_space<hbm>>
    tpu.enqueue_indirect_dma source(%dma_start3A_19 : memref<10000000xf32, #tpu.memory_space<hbm>>) target(%dma_start3A_14 : memref<128xf32, #tpu.memory_space<vmem>>) offsets(%dma_start3A_17 : memref<128xi32, #tpu.memory_space<vmem>>) semaphore(%arg13 : memref<!tpu.dma_semaphore, #tpu.memory_space<semaphore_mem>>)
    %dma_start3A_20 = arith.constant 2 : i32
    %dma_start3A_21 = arith.constant 2 : i32
    %dma_start3A_22 = arith.constant 0 : i32
    %dma_start3A_23 = tpu.memref_slice %arg8[%dma_start3A_21, %dma_start3A_22] : memref<10x128xf32, #tpu.memory_space<vmem>> -> memref<1x128xf32, #tpu.memory_space<vmem>>
    %dma_start3A_24 = tpu.memref_squeeze %dma_start3A_23 : memref<1x128xf32, #tpu.memory_space<vmem>> -> memref<128xf32, #tpu.memory_space<vmem>>
    %dma_start3A_25 = arith.constant 0 : i32
    %dma_start3A_26 = tpu.memref_slice %arg7[%dma_start3A_20, %dma_start3A_25] : memref<10x128xi32, #tpu.memory_space<vmem>> -> memref<1x128xi32, #tpu.memory_space<vmem>>
    %dma_start3A_27 = tpu.memref_squeeze %dma_start3A_26 : memref<1x128xi32, #tpu.memory_space<vmem>> -> memref<128xi32, #tpu.memory_space<vmem>>
    %dma_start3A_28 = arith.constant 0 : i32
    %dma_start3A_29 = tpu.memref_slice %arg2[%dma_start3A_28] : memref<10000000xf32, #tpu.memory_space<hbm>> -> memref<10000000xf32, #tpu.memory_space<hbm>>
    tpu.enqueue_indirect_dma source(%dma_start3A_29 : memref<10000000xf32, #tpu.memory_space<hbm>>) target(%dma_start3A_24 : memref<128xf32, #tpu.memory_space<vmem>>) offsets(%dma_start3A_27 : memref<128xi32, #tpu.memory_space<vmem>>) semaphore(%arg13 : memref<!tpu.dma_semaphore, #tpu.memory_space<semaphore_mem>>)
    %dma_start3A_30 = arith.constant 3 : i32
    %dma_start3A_31 = arith.constant 3 : i32
    %dma_start3A_32 = arith.constant 0 : i32
    %dma_start3A_33 = tpu.memref_slice %arg8[%dma_start3A_31, %dma_start3A_32] : memref<10x128xf32, #tpu.memory_space<vmem>> -> memref<1x128xf32, #tpu.memory_space<vmem>>
    %dma_start3A_34 = tpu.memref_squeeze %dma_start3A_33 : memref<1x128xf32, #tpu.memory_space<vmem>> -> memref<128xf32, #tpu.memory_space<vmem>>
    %dma_start3A_35 = arith.constant 0 : i32
    %dma_start3A_36 = tpu.memref_slice %arg7[%dma_start3A_30, %dma_start3A_35] : memref<10x128xi32, #tpu.memory_space<vmem>> -> memref<1x128xi32, #tpu.memory_space<vmem>>
    %dma_start3A_37 = tpu.memref_squeeze %dma_start3A_36 : memref<1x128xi32, #tpu.memory_space<vmem>> -> memref<128xi32, #tpu.memory_space<vmem>>
    %dma_start3A_38 = arith.constant 0 : i32
    %dma_start3A_39 = tpu.memref_slice %arg2[%dma_start3A_38] : memref<10000000xf32, #tpu.memory_space<hbm>> -> memref<10000000xf32, #tpu.memory_space<hbm>>
    tpu.enqueue_indirect_dma source(%dma_start3A_39 : memref<10000000xf32, #tpu.memory_space<hbm>>) target(%dma_start3A_34 : memref<128xf32, #tpu.memory_space<vmem>>) offsets(%dma_start3A_37 : memref<128xi32, #tpu.memory_space<vmem>>) semaphore(%arg13 : memref<!tpu.dma_semaphore, #tpu.memory_space<semaphore_mem>>)
    %dma_start3A_40 = arith.constant 4 : i32
    %dma_start3A_41 = arith.constant 4 : i32
    %dma_start3A_42 = arith.constant 0 : i32
    %dma_start3A_43 = tpu.memref_slice %arg8[%dma_start3A_41, %dma_start3A_42] : memref<10x128xf32, #tpu.memory_space<vmem>> -> memref<1x128xf32, #tpu.memory_space<vmem>>
    %dma_start3A_44 = tpu.memref_squeeze %dma_start3A_43 : memref<1x128xf32, #tpu.memory_space<vmem>> -> memref<128xf32, #tpu.memory_space<vmem>>
    %dma_start3A_45 = arith.constant 0 : i32
    %dma_start3A_46 = tpu.memref_slice %arg7[%dma_start3A_40, %dma_start3A_45] : memref<10x128xi32, #tpu.memory_space<vmem>> -> memref<1x128xi32, #tpu.memory_space<vmem>>
    %dma_start3A_47 = tpu.memref_squeeze %dma_start3A_46 : memref<1x128xi32, #tpu.memory_space<vmem>> -> memref<128xi32, #tpu.memory_space<vmem>>
    %dma_start3A_48 = arith.constant 0 : i32
    %dma_start3A_49 = tpu.memref_slice %arg2[%dma_start3A_48] : memref<10000000xf32, #tpu.memory_space<hbm>> -> memref<10000000xf32, #tpu.memory_space<hbm>>
    tpu.enqueue_indirect_dma source(%dma_start3A_49 : memref<10000000xf32, #tpu.memory_space<hbm>>) target(%dma_start3A_44 : memref<128xf32, #tpu.memory_space<vmem>>) offsets(%dma_start3A_47 : memref<128xi32, #tpu.memory_space<vmem>>) semaphore(%arg13 : memref<!tpu.dma_semaphore, #tpu.memory_space<semaphore_mem>>)
    %dma_start3A_50 = arith.constant 5 : i32
    %dma_start3A_51 = arith.constant 5 : i32
    %dma_start3A_52 = arith.constant 0 : i32
    %dma_start3A_53 = tpu.memref_slice %arg8[%dma_start3A_51, %dma_start3A_52] : memref<10x128xf32, #tpu.memory_space<vmem>> -> memref<1x128xf32, #tpu.memory_space<vmem>>
    %dma_start3A_54 = tpu.memref_squeeze %dma_start3A_53 : memref<1x128xf32, #tpu.memory_space<vmem>> -> memref<128xf32, #tpu.memory_space<vmem>>
    %dma_start3A_55 = arith.constant 0 : i32
    %dma_start3A_56 = tpu.memref_slice %arg7[%dma_start3A_50, %dma_start3A_55] : memref<10x128xi32, #tpu.memory_space<vmem>> -> memref<1x128xi32, #tpu.memory_space<vmem>>
    %dma_start3A_57 = tpu.memref_squeeze %dma_start3A_56 : memref<1x128xi32, #tpu.memory_space<vmem>> -> memref<128xi32, #tpu.memory_space<vmem>>
    %dma_start3A_58 = arith.constant 0 : i32
    %dma_start3A_59 = tpu.memref_slice %arg2[%dma_start3A_58] : memref<10000000xf32, #tpu.memory_space<hbm>> -> memref<10000000xf32, #tpu.memory_space<hbm>>
    tpu.enqueue_indirect_dma source(%dma_start3A_59 : memref<10000000xf32, #tpu.memory_space<hbm>>) target(%dma_start3A_54 : memref<128xf32, #tpu.memory_space<vmem>>) offsets(%dma_start3A_57 : memref<128xi32, #tpu.memory_space<vmem>>) semaphore(%arg13 : memref<!tpu.dma_semaphore, #tpu.memory_space<semaphore_mem>>)
    %dma_start3A_60 = arith.constant 6 : i32
    %dma_start3A_61 = arith.constant 6 : i32
    %dma_start3A_62 = arith.constant 0 : i32
    %dma_start3A_63 = tpu.memref_slice %arg8[%dma_start3A_61, %dma_start3A_62] : memref<10x128xf32, #tpu.memory_space<vmem>> -> memref<1x128xf32, #tpu.memory_space<vmem>>
    %dma_start3A_64 = tpu.memref_squeeze %dma_start3A_63 : memref<1x128xf32, #tpu.memory_space<vmem>> -> memref<128xf32, #tpu.memory_space<vmem>>
    %dma_start3A_65 = arith.constant 0 : i32
    %dma_start3A_66 = tpu.memref_slice %arg7[%dma_start3A_60, %dma_start3A_65] : memref<10x128xi32, #tpu.memory_space<vmem>> -> memref<1x128xi32, #tpu.memory_space<vmem>>
    %dma_start3A_67 = tpu.memref_squeeze %dma_start3A_66 : memref<1x128xi32, #tpu.memory_space<vmem>> -> memref<128xi32, #tpu.memory_space<vmem>>
    %dma_start3A_68 = arith.constant 0 : i32
    %dma_start3A_69 = tpu.memref_slice %arg2[%dma_start3A_68] : memref<10000000xf32, #tpu.memory_space<hbm>> -> memref<10000000xf32, #tpu.memory_space<hbm>>
    tpu.enqueue_indirect_dma source(%dma_start3A_69 : memref<10000000xf32, #tpu.memory_space<hbm>>) target(%dma_start3A_64 : memref<128xf32, #tpu.memory_space<vmem>>) offsets(%dma_start3A_67 : memref<128xi32, #tpu.memory_space<vmem>>) semaphore(%arg13 : memref<!tpu.dma_semaphore, #tpu.memory_space<semaphore_mem>>)
    %dma_start3A_70 = arith.constant 7 : i32
    %dma_start3A_71 = arith.constant 7 : i32
    %dma_start3A_72 = arith.constant 0 : i32
    %dma_start3A_73 = tpu.memref_slice %arg8[%dma_start3A_71, %dma_start3A_72] : memref<10x128xf32, #tpu.memory_space<vmem>> -> memref<1x128xf32, #tpu.memory_space<vmem>>
    %dma_start3A_74 = tpu.memref_squeeze %dma_start3A_73 : memref<1x128xf32, #tpu.memory_space<vmem>> -> memref<128xf32, #tpu.memory_space<vmem>>
    %dma_start3A_75 = arith.constant 0 : i32
    %dma_start3A_76 = tpu.memref_slice %arg7[%dma_start3A_70, %dma_start3A_75] : memref<10x128xi32, #tpu.memory_space<vmem>> -> memref<1x128xi32, #tpu.memory_space<vmem>>
    %dma_start3A_77 = tpu.memref_squeeze %dma_start3A_76 : memref<1x128xi32, #tpu.memory_space<vmem>> -> memref<128xi32, #tpu.memory_space<vmem>>
    %dma_start3A_78 = arith.constant 0 : i32
    %dma_start3A_79 = tpu.memref_slice %arg2[%dma_start3A_78] : memref<10000000xf32, #tpu.memory_space<hbm>> -> memref<10000000xf32, #tpu.memory_space<hbm>>
    tpu.enqueue_indirect_dma source(%dma_start3A_79 : memref<10000000xf32, #tpu.memory_space<hbm>>) target(%dma_start3A_74 : memref<128xf32, #tpu.memory_space<vmem>>) offsets(%dma_start3A_77 : memref<128xi32, #tpu.memory_space<vmem>>) semaphore(%arg13 : memref<!tpu.dma_semaphore, #tpu.memory_space<semaphore_mem>>)
    %dma_start3A_80 = arith.constant 8 : i32
    %dma_start3A_81 = arith.constant 8 : i32
    %dma_start3A_82 = arith.constant 0 : i32
    %dma_start3A_83 = tpu.memref_slice %arg8[%dma_start3A_81, %dma_start3A_82] : memref<10x128xf32, #tpu.memory_space<vmem>> -> memref<1x128xf32, #tpu.memory_space<vmem>>
    %dma_start3A_84 = tpu.memref_squeeze %dma_start3A_83 : memref<1x128xf32, #tpu.memory_space<vmem>> -> memref<128xf32, #tpu.memory_space<vmem>>
    %dma_start3A_85 = arith.constant 0 : i32
    %dma_start3A_86 = tpu.memref_slice %arg7[%dma_start3A_80, %dma_start3A_85] : memref<10x128xi32, #tpu.memory_space<vmem>> -> memref<1x128xi32, #tpu.memory_space<vmem>>
    %dma_start3A_87 = tpu.memref_squeeze %dma_start3A_86 : memref<1x128xi32, #tpu.memory_space<vmem>> -> memref<128xi32, #tpu.memory_space<vmem>>
    %dma_start3A_88 = arith.constant 0 : i32
    %dma_start3A_89 = tpu.memref_slice %arg2[%dma_start3A_88] : memref<10000000xf32, #tpu.memory_space<hbm>> -> memref<10000000xf32, #tpu.memory_space<hbm>>
    tpu.enqueue_indirect_dma source(%dma_start3A_89 : memref<10000000xf32, #tpu.memory_space<hbm>>) target(%dma_start3A_84 : memref<128xf32, #tpu.memory_space<vmem>>) offsets(%dma_start3A_87 : memref<128xi32, #tpu.memory_space<vmem>>) semaphore(%arg13 : memref<!tpu.dma_semaphore, #tpu.memory_space<semaphore_mem>>)
    %dma_start3A_90 = arith.constant 9 : i32
    %dma_start3A_91 = arith.constant 9 : i32
    %dma_start3A_92 = arith.constant 0 : i32
    %dma_start3A_93 = tpu.memref_slice %arg8[%dma_start3A_91, %dma_start3A_92] : memref<10x128xf32, #tpu.memory_space<vmem>> -> memref<1x128xf32, #tpu.memory_space<vmem>>
    %dma_start3A_94 = tpu.memref_squeeze %dma_start3A_93 : memref<1x128xf32, #tpu.memory_space<vmem>> -> memref<128xf32, #tpu.memory_space<vmem>>
    %dma_start3A_95 = arith.constant 0 : i32
    %dma_start3A_96 = tpu.memref_slice %arg7[%dma_start3A_90, %dma_start3A_95] : memref<10x128xi32, #tpu.memory_space<vmem>> -> memref<1x128xi32, #tpu.memory_space<vmem>>
    %dma_start3A_97 = tpu.memref_squeeze %dma_start3A_96 : memref<1x128xi32, #tpu.memory_space<vmem>> -> memref<128xi32, #tpu.memory_space<vmem>>
    %dma_start3A_98 = arith.constant 0 : i32
    %dma_start3A_99 = tpu.memref_slice %arg2[%dma_start3A_98] : memref<10000000xf32, #tpu.memory_space<hbm>> -> memref<10000000xf32, #tpu.memory_space<hbm>>
    tpu.enqueue_indirect_dma source(%dma_start3A_99 : memref<10000000xf32, #tpu.memory_space<hbm>>) target(%dma_start3A_94 : memref<128xf32, #tpu.memory_space<vmem>>) offsets(%dma_start3A_97 : memref<128xi32, #tpu.memory_space<vmem>>) semaphore(%arg13 : memref<!tpu.dma_semaphore, #tpu.memory_space<semaphore_mem>>)
    %dma_wait3A = arith.constant 0 : i32
    %dma_wait3A_100 = arith.constant 0 : i32
    %dma_wait3A_101 = arith.constant 0 : i32
    %dma_wait3A_102 = tpu.memref_slice %arg8[%dma_wait3A_100, %dma_wait3A_101] : memref<10x128xf32, #tpu.memory_space<vmem>> -> memref<1x128xf32, #tpu.memory_space<vmem>>
    %dma_wait3A_103 = tpu.memref_squeeze %dma_wait3A_102 : memref<1x128xf32, #tpu.memory_space<vmem>> -> memref<128xf32, #tpu.memory_space<vmem>>
    %dma_wait3A_104 = arith.constant 0 : i32
    %dma_wait3A_105 = tpu.memref_slice %arg7[%dma_wait3A, %dma_wait3A_104] : memref<10x128xi32, #tpu.memory_space<vmem>> -> memref<1x128xi32, #tpu.memory_space<vmem>>
    %dma_wait3A_106 = tpu.memref_squeeze %dma_wait3A_105 : memref<1x128xi32, #tpu.memory_space<vmem>> -> memref<128xi32, #tpu.memory_space<vmem>>
    %dma_wait3A_107 = arith.constant 0 : i32
    %dma_wait3A_108 = tpu.memref_slice %arg2[%dma_wait3A_107] : memref<10000000xf32, #tpu.memory_space<hbm>> -> memref<10000000xf32, #tpu.memory_space<hbm>>
    tpu.wait_indirect_dma semaphore(%arg13 : memref<!tpu.dma_semaphore, #tpu.memory_space<semaphore_mem>>) src(%dma_wait3A_108 : memref<10000000xf32, #tpu.memory_space<hbm>>) dst(%dma_wait3A_103 : memref<128xf32, #tpu.memory_space<vmem>>)
    %dma_wait3A_109 = arith.constant 1 : i32
    %dma_wait3A_110 = arith.constant 1 : i32
    %dma_wait3A_111 = arith.constant 0 : i32
    %dma_wait3A_112 = tpu.memref_slice %arg8[%dma_wait3A_110, %dma_wait3A_111] : memref<10x128xf32, #tpu.memory_space<vmem>> -> memref<1x128xf32, #tpu.memory_space<vmem>>
    %dma_wait3A_113 = tpu.memref_squeeze %dma_wait3A_112 : memref<1x128xf32, #tpu.memory_space<vmem>> -> memref<128xf32, #tpu.memory_space<vmem>>
    %dma_wait3A_114 = arith.constant 0 : i32
    %dma_wait3A_115 = tpu.memref_slice %arg7[%dma_wait3A_109, %dma_wait3A_114] : memref<10x128xi32, #tpu.memory_space<vmem>> -> memref<1x128xi32, #tpu.memory_space<vmem>>
    %dma_wait3A_116 = tpu.memref_squeeze %dma_wait3A_115 : memref<1x128xi32, #tpu.memory_space<vmem>> -> memref<128xi32, #tpu.memory_space<vmem>>
    %dma_wait3A_117 = arith.constant 0 : i32
    %dma_wait3A_118 = tpu.memref_slice %arg2[%dma_wait3A_117] : memref<10000000xf32, #tpu.memory_space<hbm>> -> memref<10000000xf32, #tpu.memory_space<hbm>>
    tpu.wait_indirect_dma semaphore(%arg13 : memref<!tpu.dma_semaphore, #tpu.memory_space<semaphore_mem>>) src(%dma_wait3A_118 : memref<10000000xf32, #tpu.memory_space<hbm>>) dst(%dma_wait3A_113 : memref<128xf32, #tpu.memory_space<vmem>>)
    %dma_wait3A_119 = arith.constant 2 : i32
    %dma_wait3A_120 = arith.constant 2 : i32
    %dma_wait3A_121 = arith.constant 0 : i32
    %dma_wait3A_122 = tpu.memref_slice %arg8[%dma_wait3A_120, %dma_wait3A_121] : memref<10x128xf32, #tpu.memory_space<vmem>> -> memref<1x128xf32, #tpu.memory_space<vmem>>
    %dma_wait3A_123 = tpu.memref_squeeze %dma_wait3A_122 : memref<1x128xf32, #tpu.memory_space<vmem>> -> memref<128xf32, #tpu.memory_space<vmem>>
    %dma_wait3A_124 = arith.constant 0 : i32
    %dma_wait3A_125 = tpu.memref_slice %arg7[%dma_wait3A_119, %dma_wait3A_124] : memref<10x128xi32, #tpu.memory_space<vmem>> -> memref<1x128xi32, #tpu.memory_space<vmem>>
    %dma_wait3A_126 = tpu.memref_squeeze %dma_wait3A_125 : memref<1x128xi32, #tpu.memory_space<vmem>> -> memref<128xi32, #tpu.memory_space<vmem>>
    %dma_wait3A_127 = arith.constant 0 : i32
    %dma_wait3A_128 = tpu.memref_slice %arg2[%dma_wait3A_127] : memref<10000000xf32, #tpu.memory_space<hbm>> -> memref<10000000xf32, #tpu.memory_space<hbm>>
    tpu.wait_indirect_dma semaphore(%arg13 : memref<!tpu.dma_semaphore, #tpu.memory_space<semaphore_mem>>) src(%dma_wait3A_128 : memref<10000000xf32, #tpu.memory_space<hbm>>) dst(%dma_wait3A_123 : memref<128xf32, #tpu.memory_space<vmem>>)
    %dma_wait3A_129 = arith.constant 3 : i32
    %dma_wait3A_130 = arith.constant 3 : i32
    %dma_wait3A_131 = arith.constant 0 : i32
    %dma_wait3A_132 = tpu.memref_slice %arg8[%dma_wait3A_130, %dma_wait3A_131] : memref<10x128xf32, #tpu.memory_space<vmem>> -> memref<1x128xf32, #tpu.memory_space<vmem>>
    %dma_wait3A_133 = tpu.memref_squeeze %dma_wait3A_132 : memref<1x128xf32, #tpu.memory_space<vmem>> -> memref<128xf32, #tpu.memory_space<vmem>>
    %dma_wait3A_134 = arith.constant 0 : i32
    %dma_wait3A_135 = tpu.memref_slice %arg7[%dma_wait3A_129, %dma_wait3A_134] : memref<10x128xi32, #tpu.memory_space<vmem>> -> memref<1x128xi32, #tpu.memory_space<vmem>>
    %dma_wait3A_136 = tpu.memref_squeeze %dma_wait3A_135 : memref<1x128xi32, #tpu.memory_space<vmem>> -> memref<128xi32, #tpu.memory_space<vmem>>
    %dma_wait3A_137 = arith.constant 0 : i32
    %dma_wait3A_138 = tpu.memref_slice %arg2[%dma_wait3A_137] : memref<10000000xf32, #tpu.memory_space<hbm>> -> memref<10000000xf32, #tpu.memory_space<hbm>>
    tpu.wait_indirect_dma semaphore(%arg13 : memref<!tpu.dma_semaphore, #tpu.memory_space<semaphore_mem>>) src(%dma_wait3A_138 : memref<10000000xf32, #tpu.memory_space<hbm>>) dst(%dma_wait3A_133 : memref<128xf32, #tpu.memory_space<vmem>>)
    %dma_wait3A_139 = arith.constant 4 : i32
    %dma_wait3A_140 = arith.constant 4 : i32
    %dma_wait3A_141 = arith.constant 0 : i32
    %dma_wait3A_142 = tpu.memref_slice %arg8[%dma_wait3A_140, %dma_wait3A_141] : memref<10x128xf32, #tpu.memory_space<vmem>> -> memref<1x128xf32, #tpu.memory_space<vmem>>
    %dma_wait3A_143 = tpu.memref_squeeze %dma_wait3A_142 : memref<1x128xf32, #tpu.memory_space<vmem>> -> memref<128xf32, #tpu.memory_space<vmem>>
    %dma_wait3A_144 = arith.constant 0 : i32
    %dma_wait3A_145 = tpu.memref_slice %arg7[%dma_wait3A_139, %dma_wait3A_144] : memref<10x128xi32, #tpu.memory_space<vmem>> -> memref<1x128xi32, #tpu.memory_space<vmem>>
    %dma_wait3A_146 = tpu.memref_squeeze %dma_wait3A_145 : memref<1x128xi32, #tpu.memory_space<vmem>> -> memref<128xi32, #tpu.memory_space<vmem>>
    %dma_wait3A_147 = arith.constant 0 : i32
    %dma_wait3A_148 = tpu.memref_slice %arg2[%dma_wait3A_147] : memref<10000000xf32, #tpu.memory_space<hbm>> -> memref<10000000xf32, #tpu.memory_space<hbm>>
    tpu.wait_indirect_dma semaphore(%arg13 : memref<!tpu.dma_semaphore, #tpu.memory_space<semaphore_mem>>) src(%dma_wait3A_148 : memref<10000000xf32, #tpu.memory_space<hbm>>) dst(%dma_wait3A_143 : memref<128xf32, #tpu.memory_space<vmem>>)
    %dma_wait3A_149 = arith.constant 5 : i32
    %dma_wait3A_150 = arith.constant 5 : i32
    %dma_wait3A_151 = arith.constant 0 : i32
    %dma_wait3A_152 = tpu.memref_slice %arg8[%dma_wait3A_150, %dma_wait3A_151] : memref<10x128xf32, #tpu.memory_space<vmem>> -> memref<1x128xf32, #tpu.memory_space<vmem>>
    %dma_wait3A_153 = tpu.memref_squeeze %dma_wait3A_152 : memref<1x128xf32, #tpu.memory_space<vmem>> -> memref<128xf32, #tpu.memory_space<vmem>>
    %dma_wait3A_154 = arith.constant 0 : i32
    %dma_wait3A_155 = tpu.memref_slice %arg7[%dma_wait3A_149, %dma_wait3A_154] : memref<10x128xi32, #tpu.memory_space<vmem>> -> memref<1x128xi32, #tpu.memory_space<vmem>>
    %dma_wait3A_156 = tpu.memref_squeeze %dma_wait3A_155 : memref<1x128xi32, #tpu.memory_space<vmem>> -> memref<128xi32, #tpu.memory_space<vmem>>
    %dma_wait3A_157 = arith.constant 0 : i32
    %dma_wait3A_158 = tpu.memref_slice %arg2[%dma_wait3A_157] : memref<10000000xf32, #tpu.memory_space<hbm>> -> memref<10000000xf32, #tpu.memory_space<hbm>>
    tpu.wait_indirect_dma semaphore(%arg13 : memref<!tpu.dma_semaphore, #tpu.memory_space<semaphore_mem>>) src(%dma_wait3A_158 : memref<10000000xf32, #tpu.memory_space<hbm>>) dst(%dma_wait3A_153 : memref<128xf32, #tpu.memory_space<vmem>>)
    %dma_wait3A_159 = arith.constant 6 : i32
    %dma_wait3A_160 = arith.constant 6 : i32
    %dma_wait3A_161 = arith.constant 0 : i32
    %dma_wait3A_162 = tpu.memref_slice %arg8[%dma_wait3A_160, %dma_wait3A_161] : memref<10x128xf32, #tpu.memory_space<vmem>> -> memref<1x128xf32, #tpu.memory_space<vmem>>
    %dma_wait3A_163 = tpu.memref_squeeze %dma_wait3A_162 : memref<1x128xf32, #tpu.memory_space<vmem>> -> memref<128xf32, #tpu.memory_space<vmem>>
    %dma_wait3A_164 = arith.constant 0 : i32
    %dma_wait3A_165 = tpu.memref_slice %arg7[%dma_wait3A_159, %dma_wait3A_164] : memref<10x128xi32, #tpu.memory_space<vmem>> -> memref<1x128xi32, #tpu.memory_space<vmem>>
    %dma_wait3A_166 = tpu.memref_squeeze %dma_wait3A_165 : memref<1x128xi32, #tpu.memory_space<vmem>> -> memref<128xi32, #tpu.memory_space<vmem>>
    %dma_wait3A_167 = arith.constant 0 : i32
    %dma_wait3A_168 = tpu.memref_slice %arg2[%dma_wait3A_167] : memref<10000000xf32, #tpu.memory_space<hbm>> -> memref<10000000xf32, #tpu.memory_space<hbm>>
    tpu.wait_indirect_dma semaphore(%arg13 : memref<!tpu.dma_semaphore, #tpu.memory_space<semaphore_mem>>) src(%dma_wait3A_168 : memref<10000000xf32, #tpu.memory_space<hbm>>) dst(%dma_wait3A_163 : memref<128xf32, #tpu.memory_space<vmem>>)
    %dma_wait3A_169 = arith.constant 7 : i32
    %dma_wait3A_170 = arith.constant 7 : i32
    %dma_wait3A_171 = arith.constant 0 : i32
    %dma_wait3A_172 = tpu.memref_slice %arg8[%dma_wait3A_170, %dma_wait3A_171] : memref<10x128xf32, #tpu.memory_space<vmem>> -> memref<1x128xf32, #tpu.memory_space<vmem>>
    %dma_wait3A_173 = tpu.memref_squeeze %dma_wait3A_172 : memref<1x128xf32, #tpu.memory_space<vmem>> -> memref<128xf32, #tpu.memory_space<vmem>>
    %dma_wait3A_174 = arith.constant 0 : i32
    %dma_wait3A_175 = tpu.memref_slice %arg7[%dma_wait3A_169, %dma_wait3A_174] : memref<10x128xi32, #tpu.memory_space<vmem>> -> memref<1x128xi32, #tpu.memory_space<vmem>>
    %dma_wait3A_176 = tpu.memref_squeeze %dma_wait3A_175 : memref<1x128xi32, #tpu.memory_space<vmem>> -> memref<128xi32, #tpu.memory_space<vmem>>
    %dma_wait3A_177 = arith.constant 0 : i32
    %dma_wait3A_178 = tpu.memref_slice %arg2[%dma_wait3A_177] : memref<10000000xf32, #tpu.memory_space<hbm>> -> memref<10000000xf32, #tpu.memory_space<hbm>>
    tpu.wait_indirect_dma semaphore(%arg13 : memref<!tpu.dma_semaphore, #tpu.memory_space<semaphore_mem>>) src(%dma_wait3A_178 : memref<10000000xf32, #tpu.memory_space<hbm>>) dst(%dma_wait3A_173 : memref<128xf32, #tpu.memory_space<vmem>>)
    %dma_wait3A_179 = arith.constant 8 : i32
    %dma_wait3A_180 = arith.constant 8 : i32
    %dma_wait3A_181 = arith.constant 0 : i32
    %dma_wait3A_182 = tpu.memref_slice %arg8[%dma_wait3A_180, %dma_wait3A_181] : memref<10x128xf32, #tpu.memory_space<vmem>> -> memref<1x128xf32, #tpu.memory_space<vmem>>
    %dma_wait3A_183 = tpu.memref_squeeze %dma_wait3A_182 : memref<1x128xf32, #tpu.memory_space<vmem>> -> memref<128xf32, #tpu.memory_space<vmem>>
    %dma_wait3A_184 = arith.constant 0 : i32
    %dma_wait3A_185 = tpu.memref_slice %arg7[%dma_wait3A_179, %dma_wait3A_184] : memref<10x128xi32, #tpu.memory_space<vmem>> -> memref<1x128xi32, #tpu.memory_space<vmem>>
    %dma_wait3A_186 = tpu.memref_squeeze %dma_wait3A_185 : memref<1x128xi32, #tpu.memory_space<vmem>> -> memref<128xi32, #tpu.memory_space<vmem>>
    %dma_wait3A_187 = arith.constant 0 : i32
    %dma_wait3A_188 = tpu.memref_slice %arg2[%dma_wait3A_187] : memref<10000000xf32, #tpu.memory_space<hbm>> -> memref<10000000xf32, #tpu.memory_space<hbm>>
    tpu.wait_indirect_dma semaphore(%arg13 : memref<!tpu.dma_semaphore, #tpu.memory_space<semaphore_mem>>) src(%dma_wait3A_188 : memref<10000000xf32, #tpu.memory_space<hbm>>) dst(%dma_wait3A_183 : memref<128xf32, #tpu.memory_space<vmem>>)
    %dma_wait3A_189 = arith.constant 9 : i32
    %dma_wait3A_190 = arith.constant 9 : i32
    %dma_wait3A_191 = arith.constant 0 : i32
    %dma_wait3A_192 = tpu.memref_slice %arg8[%dma_wait3A_190, %dma_wait3A_191] : memref<10x128xf32, #tpu.memory_space<vmem>> -> memref<1x128xf32, #tpu.memory_space<vmem>>
    %dma_wait3A_193 = tpu.memref_squeeze %dma_wait3A_192 : memref<1x128xf32, #tpu.memory_space<vmem>> -> memref<128xf32, #tpu.memory_space<vmem>>
    %dma_wait3A_194 = arith.constant 0 : i32
    %dma_wait3A_195 = tpu.memref_slice %arg7[%dma_wait3A_189, %dma_wait3A_194] : memref<10x128xi32, #tpu.memory_space<vmem>> -> memref<1x128xi32, #tpu.memory_space<vmem>>
    %dma_wait3A_196 = tpu.memref_squeeze %dma_wait3A_195 : memref<1x128xi32, #tpu.memory_space<vmem>> -> memref<128xi32, #tpu.memory_space<vmem>>
    %dma_wait3A_197 = arith.constant 0 : i32
    %dma_wait3A_198 = tpu.memref_slice %arg2[%dma_wait3A_197] : memref<10000000xf32, #tpu.memory_space<hbm>> -> memref<10000000xf32, #tpu.memory_space<hbm>>
    tpu.wait_indirect_dma semaphore(%arg13 : memref<!tpu.dma_semaphore, #tpu.memory_space<semaphore_mem>>) src(%dma_wait3A_198 : memref<10000000xf32, #tpu.memory_space<hbm>>) dst(%dma_wait3A_193 : memref<128xf32, #tpu.memory_space<vmem>>)
    %get3A = arith.constant 0 : i32
    %get3A_199 = arith.index_cast %get3A : i32 to index
    %get3A_200 = arith.constant 0 : index
    %get3A_201 = tpu.vector_load %arg8[%get3A_199, %get3A_200] {strides = array<i32>} : memref<10x128xf32, #tpu.memory_space<vmem>>, vector<1x16xf32>,
    %get3A_202 = vector.shape_cast %get3A_201 : vector<1x16xf32> to vector<16xf32>
    %convert_element_type3A = arith.fptosi %get3A_202 : vector<16xf32> to vector<16xi32>
    %swap3A = arith.constant 0 : i32
    %swap3A_203 = arith.index_cast %swap3A : i32 to index
    %swap3A_204 = arith.constant 0 : index
    %swap3A_205 = tpu.vector_load %arg9[%swap3A_203, %swap3A_204] {strides = array<i32>} : memref<10x128xi32, #tpu.memory_space<vmem>>, vector<1x16xi32>,
    %swap3A_206 = vector.shape_cast %swap3A_205 : vector<1x16xi32> to vector<16xi32>
    %swap3A_207 = vector.shape_cast %convert_element_type3A : vector<16xi32> to vector<1x16xi32>
    tpu.vector_store %arg9[%swap3A_203, %swap3A_204], %swap3A_207 {strides = array<i32>} : memref<10x128xi32, #tpu.memory_space<vmem>>, vector<1x16xi32>,
    %get3A_208 = arith.constant 0 : i32
    %get3A_209 = arith.index_cast %get3A_208 : i32 to index
    %get3A_210 = arith.constant 16 : index
    %get3A_211 = tpu.vector_load %arg8[%get3A_209, %get3A_210] {strides = array<i32>} : memref<10x128xf32, #tpu.memory_space<vmem>>, vector<1x16xf32>,
    %get3A_212 = vector.shape_cast %get3A_211 : vector<1x16xf32> to vector<16xf32>
    %convert_element_type3A_213 = arith.fptosi %get3A_212 : vector<16xf32> to vector<16xi32>
    %swap3A_214 = arith.constant 0 : i32
    %swap3A_215 = arith.index_cast %swap3A_214 : i32 to index
    %swap3A_216 = arith.constant 16 : index
    %swap3A_217 = tpu.vector_load %arg9[%swap3A_215, %swap3A_216] {strides = array<i32>} : memref<10x128xi32, #tpu.memory_space<vmem>>, vector<1x16xi32>,
    %swap3A_218 = vector.shape_cast %swap3A_217 : vector<1x16xi32> to vector<16xi32>
    %swap3A_219 = vector.shape_cast %convert_element_type3A_213 : vector<16xi32> to vector<1x16xi32>
    tpu.vector_store %arg9[%swap3A_215, %swap3A_216], %swap3A_219 {strides = array<i32>} : memref<10x128xi32, #tpu.memory_space<vmem>>, vector<1x16xi32>,
    %get3A_220 = arith.constant 0 : i32
    %get3A_221 = arith.index_cast %get3A_220 : i32 to index
    %get3A_222 = arith.constant 32 : index
    %get3A_223 = tpu.vector_load %arg8[%get3A_221, %get3A_222] {strides = array<i32>} : memref<10x128xf32, #tpu.memory_space<vmem>>, vector<1x16xf32>,
    %get3A_224 = vector.shape_cast %get3A_223 : vector<1x16xf32> to vector<16xf32>
    %convert_element_type3A_225 = arith.fptosi %get3A_224 : vector<16xf32> to vector<16xi32>
    %swap3A_226 = arith.constant 0 : i32
    %swap3A_227 = arith.index_cast %swap3A_226 : i32 to index
    %swap3A_228 = arith.constant 32 : index
    %swap3A_229 = tpu.vector_load %arg9[%swap3A_227, %swap3A_228] {strides = array<i32>} : memref<10x128xi32, #tpu.memory_space<vmem>>, vector<1x16xi32>,
    %swap3A_230 = vector.shape_cast %swap3A_229 : vector<1x16xi32> to vector<16xi32>
    %swap3A_231 = vector.shape_cast %convert_element_type3A_225 : vector<16xi32> to vector<1x16xi32>
    tpu.vector_store %arg9[%swap3A_227, %swap3A_228], %swap3A_231 {strides = array<i32>} : memref<10x128xi32, #tpu.memory_space<vmem>>, vector<1x16xi32>,
    %get3A_232 = arith.constant 0 : i32
    %get3A_233 = arith.index_cast %get3A_232 : i32 to index
    %get3A_234 = arith.constant 48 : index
    %get3A_235 = tpu.vector_load %arg8[%get3A_233, %get3A_234] {strides = array<i32>} : memref<10x128xf32, #tpu.memory_space<vmem>>, vector<1x16xf32>,
    %get3A_236 = vector.shape_cast %get3A_235 : vector<1x16xf32> to vector<16xf32>
    %convert_element_type3A_237 = arith.fptosi %get3A_236 : vector<16xf32> to vector<16xi32>
    %swap3A_238 = arith.constant 0 : i32
    %swap3A_239 = arith.index_cast %swap3A_238 : i32 to index
    %swap3A_240 = arith.constant 48 : index
    %swap3A_241 = tpu.vector_load %arg9[%swap3A_239, %swap3A_240] {strides = array<i32>} : memref<10x128xi32, #tpu.memory_space<vmem>>, vector<1x16xi32>,
    %swap3A_242 = vector.shape_cast %swap3A_241 : vector<1x16xi32> to vector<16xi32>
    %swap3A_243 = vector.shape_cast %convert_element_type3A_237 : vector<16xi32> to vector<1x16xi32>
    tpu.vector_store %arg9[%swap3A_239, %swap3A_240], %swap3A_243 {strides = array<i32>} : memref<10x128xi32, #tpu.memory_space<vmem>>, vector<1x16xi32>,
    %get3A_244 = arith.constant 0 : i32
    %get3A_245 = arith.index_cast %get3A_244 : i32 to index
    %get3A_246 = arith.constant 64 : index
    %get3A_247 = tpu.vector_load %arg8[%get3A_245, %get3A_246] {strides = array<i32>} : memref<10x128xf32, #tpu.memory_space<vmem>>, vector<1x16xf32>,
    %get3A_248 = vector.shape_cast %get3A_247 : vector<1x16xf32> to vector<16xf32>
    %convert_element_type3A_249 = arith.fptosi %get3A_248 : vector<16xf32> to vector<16xi32>
    %swap3A_250 = arith.constant 0 : i32
    %swap3A_251 = arith.index_cast %swap3A_250 : i32 to index
    %swap3A_252 = arith.constant 64 : index
    %swap3A_253 = tpu.vector_load %arg9[%swap3A_251, %swap3A_252] {strides = array<i32>} : memref<10x128xi32, #tpu.memory_space<vmem>>, vector<1x16xi32>,
    %swap3A_254 = vector.shape_cast %swap3A_253 : vector<1x16xi32> to vector<16xi32>
    %swap3A_255 = vector.shape_cast %convert_element_type3A_249 : vector<16xi32> to vector<1x16xi32>
    tpu.vector_store %arg9[%swap3A_251, %swap3A_252], %swap3A_255 {strides = array<i32>} : memref<10x128xi32, #tpu.memory_space<vmem>>, vector<1x16xi32>,
    %get3A_256 = arith.constant 0 : i32
    %get3A_257 = arith.index_cast %get3A_256 : i32 to index
    %get3A_258 = arith.constant 80 : index
    %get3A_259 = tpu.vector_load %arg8[%get3A_257, %get3A_258] {strides = array<i32>} : memref<10x128xf32, #tpu.memory_space<vmem>>, vector<1x16xf32>,
    %get3A_260 = vector.shape_cast %get3A_259 : vector<1x16xf32> to vector<16xf32>
    %convert_element_type3A_261 = arith.fptosi %get3A_260 : vector<16xf32> to vector<16xi32>
    %swap3A_262 = arith.constant 0 : i32
    %swap3A_263 = arith.index_cast %swap3A_262 : i32 to index
    %swap3A_264 = arith.constant 80 : index
    %swap3A_265 = tpu.vector_load %arg9[%swap3A_263, %swap3A_264] {strides = array<i32>} : memref<10x128xi32, #tpu.memory_space<vmem>>, vector<1x16xi32>,
    %swap3A_266 = vector.shape_cast %swap3A_265 : vector<1x16xi32> to vector<16xi32>
    %swap3A_267 = vector.shape_cast %convert_element_type3A_261 : vector<16xi32> to vector<1x16xi32>
    tpu.vector_store %arg9[%swap3A_263, %swap3A_264], %swap3A_267 {strides = array<i32>} : memref<10x128xi32, #tpu.memory_space<vmem>>, vector<1x16xi32>,
    %get3A_268 = arith.constant 0 : i32
    %get3A_269 = arith.index_cast %get3A_268 : i32 to index
    %get3A_270 = arith.constant 96 : index
    %get3A_271 = tpu.vector_load %arg8[%get3A_269, %get3A_270] {strides = array<i32>} : memref<10x128xf32, #tpu.memory_space<vmem>>, vector<1x16xf32>,
    %get3A_272 = vector.shape_cast %get3A_271 : vector<1x16xf32> to vector<16xf32>
    %convert_element_type3A_273 = arith.fptosi %get3A_272 : vector<16xf32> to vector<16xi32>
    %swap3A_274 = arith.constant 0 : i32
    %swap3A_275 = arith.index_cast %swap3A_274 : i32 to index
    %swap3A_276 = arith.constant 96 : index
    %swap3A_277 = tpu.vector_load %arg9[%swap3A_275, %swap3A_276] {strides = array<i32>} : memref<10x128xi32, #tpu.memory_space<vmem>>, vector<1x16xi32>,
    %swap3A_278 = vector.shape_cast %swap3A_277 : vector<1x16xi32> to vector<16xi32>
    %swap3A_279 = vector.shape_cast %convert_element_type3A_273 : vector<16xi32> to vector<1x16xi32>
    tpu.vector_store %arg9[%swap3A_275, %swap3A_276], %swap3A_279 {strides = array<i32>} : memref<10x128xi32, #tpu.memory_space<vmem>>, vector<1x16xi32>,
    %get3A_280 = arith.constant 0 : i32
    %get3A_281 = arith.index_cast %get3A_280 : i32 to index
    %get3A_282 = arith.constant 112 : index
    %get3A_283 = tpu.vector_load %arg8[%get3A_281, %get3A_282] {strides = array<i32>} : memref<10x128xf32, #tpu.memory_space<vmem>>, vector<1x16xf32>,
    %get3A_284 = vector.shape_cast %get3A_283 : vector<1x16xf32> to vector<16xf32>
    %convert_element_type3A_285 = arith.fptosi %get3A_284 : vector<16xf32> to vector<16xi32>
    %swap3A_286 = arith.constant 0 : i32
    %swap3A_287 = arith.index_cast %swap3A_286 : i32 to index
    %swap3A_288 = arith.constant 112 : index
    %swap3A_289 = tpu.vector_load %arg9[%swap3A_287, %swap3A_288] {strides = array<i32>} : memref<10x128xi32, #tpu.memory_space<vmem>>, vector<1x16xi32>,
    %swap3A_290 = vector.shape_cast %swap3A_289 : vector<1x16xi32> to vector<16xi32>
    %swap3A_291 = vector.shape_cast %convert_element_type3A_285 : vector<16xi32> to vector<1x16xi32>
    tpu.vector_store %arg9[%swap3A_287, %swap3A_288], %swap3A_291 {strides = array<i32>} : memref<10x128xi32, #tpu.memory_space<vmem>>, vector<1x16xi32>,
    %get3A_292 = arith.constant 1 : i32
    %get3A_293 = arith.index_cast %get3A_292 : i32 to index
    %get3A_294 = arith.constant 0 : index
    %get3A_295 = tpu.vector_load %arg8[%get3A_293, %get3A_294] {strides = array<i32>} : memref<10x128xf32, #tpu.memory_space<vmem>>, vector<1x16xf32>,
    %get3A_296 = vector.shape_cast %get3A_295 : vector<1x16xf32> to vector<16xf32>
    %convert_element_type3A_297 = arith.fptosi %get3A_296 : vector<16xf32> to vector<16xi32>
    %swap3A_298 = arith.constant 1 : i32
    %swap3A_299 = arith.index_cast %swap3A_298 : i32 to index
    %swap3A_300 = arith.constant 0 : index
    %swap3A_301 = tpu.vector_load %arg9[%swap3A_299, %swap3A_300] {strides = array<i32>} : memref<10x128xi32, #tpu.memory_space<vmem>>, vector<1x16xi32>,
    %swap3A_302 = vector.shape_cast %swap3A_301 : vector<1x16xi32> to vector<16xi32>
    %swap3A_303 = vector.shape_cast %convert_element_type3A_297 : vector<16xi32> to vector<1x16xi32>
    tpu.vector_store %arg9[%swap3A_299, %swap3A_300], %swap3A_303 {strides = array<i32>} : memref<10x128xi32, #tpu.memory_space<vmem>>, vector<1x16xi32>,
    %get3A_304 = arith.constant 1 : i32
    %get3A_305 = arith.index_cast %get3A_304 : i32 to index
    %get3A_306 = arith.constant 16 : index
    %get3A_307 = tpu.vector_load %arg8[%get3A_305, %get3A_306] {strides = array<i32>} : memref<10x128xf32, #tpu.memory_space<vmem>>, vector<1x16xf32>,
    %get3A_308 = vector.shape_cast %get3A_307 : vector<1x16xf32> to vector<16xf32>
    %convert_element_type3A_309 = arith.fptosi %get3A_308 : vector<16xf32> to vector<16xi32>
    %swap3A_310 = arith.constant 1 : i32
    %swap3A_311 = arith.index_cast %swap3A_310 : i32 to index
    %swap3A_312 = arith.constant 16 : index
    %swap3A_313 = tpu.vector_load %arg9[%swap3A_311, %swap3A_312] {strides = array<i32>} : memref<10x128xi32, #tpu.memory_space<vmem>>, vector<1x16xi32>,
    %swap3A_314 = vector.shape_cast %swap3A_313 : vector<1x16xi32> to vector<16xi32>
    %swap3A_315 = vector.shape_cast %convert_element_type3A_309 : vector<16xi32> to vector<1x16xi32>
    tpu.vector_store %arg9[%swap3A_311, %swap3A_312], %swap3A_315 {strides = array<i32>} : memref<10x128xi32, #tpu.memory_space<vmem>>, vector<1x16xi32>,
    %get3A_316 = arith.constant 1 : i32
    %get3A_317 = arith.index_cast %get3A_316 : i32 to index
    %get3A_318 = arith.constant 32 : index
    %get3A_319 = tpu.vector_load %arg8[%get3A_317, %get3A_318] {strides = array<i32>} : memref<10x128xf32, #tpu.memory_space<vmem>>, vector<1x16xf32>,
    %get3A_320 = vector.shape_cast %get3A_319 : vector<1x16xf32> to vector<16xf32>
    %convert_element_type3A_321 = arith.fptosi %get3A_320 : vector<16xf32> to vector<16xi32>
    %swap3A_322 = arith.constant 1 : i32
    %swap3A_323 = arith.index_cast %swap3A_322 : i32 to index
    %swap3A_324 = arith.constant 32 : index
    %swap3A_325 = tpu.vector_load %arg9[%swap3A_323, %swap3A_324] {strides = array<i32>} : memref<10x128xi32, #tpu.memory_space<vmem>>, vector<1x16xi32>,
    %swap3A_326 = vector.shape_cast %swap3A_325 : vector<1x16xi32> to vector<16xi32>
    %swap3A_327 = vector.shape_cast %convert_element_type3A_321 : vector<16xi32> to vector<1x16xi32>
    tpu.vector_store %arg9[%swap3A_323, %swap3A_324], %swap3A_327 {strides = array<i32>} : memref<10x128xi32, #tpu.memory_space<vmem>>, vector<1x16xi32>,
    %get3A_328 = arith.constant 1 : i32
    %get3A_329 = arith.index_cast %get3A_328 : i32 to index
    %get3A_330 = arith.constant 48 : index
    %get3A_331 = tpu.vector_load %arg8[%get3A_329, %get3A_330] {strides = array<i32>} : memref<10x128xf32, #tpu.memory_space<vmem>>, vector<1x16xf32>,
    %get3A_332 = vector.shape_cast %get3A_331 : vector<1x16xf32> to vector<16xf32>
    %convert_element_type3A_333 = arith.fptosi %get3A_332 : vector<16xf32> to vector<16xi32>
    %swap3A_334 = arith.constant 1 : i32
    %swap3A_335 = arith.index_cast %swap3A_334 : i32 to index
    %swap3A_336 = arith.constant 48 : index
    %swap3A_337 = tpu.vector_load %arg9[%swap3A_335, %swap3A_336] {strides = array<i32>} : memref<10x128xi32, #tpu.memory_space<vmem>>, vector<1x16xi32>,
    %swap3A_338 = vector.shape_cast %swap3A_337 : vector<1x16xi32> to vector<16xi32>
    %swap3A_339 = vector.shape_cast %convert_element_type3A_333 : vector<16xi32> to vector<1x16xi32>
    tpu.vector_store %arg9[%swap3A_335, %swap3A_336], %swap3A_339 {strides = array<i32>} : memref<10x128xi32, #tpu.memory_space<vmem>>, vector<1x16xi32>,
    %get3A_340 = arith.constant 1 : i32
    %get3A_341 = arith.index_cast %get3A_340 : i32 to index
    %get3A_342 = arith.constant 64 : index
    %get3A_343 = tpu.vector_load %arg8[%get3A_341, %get3A_342] {strides = array<i32>} : memref<10x128xf32, #tpu.memory_space<vmem>>, vector<1x16xf32>,
    %get3A_344 = vector.shape_cast %get3A_343 : vector<1x16xf32> to vector<16xf32>
    %convert_element_type3A_345 = arith.fptosi %get3A_344 : vector<16xf32> to vector<16xi32>
    %swap3A_346 = arith.constant 1 : i32
    %swap3A_347 = arith.index_cast %swap3A_346 : i32 to index
    %swap3A_348 = arith.constant 64 : index
    %swap3A_349 = tpu.vector_load %arg9[%swap3A_347, %swap3A_348] {strides = array<i32>} : memref<10x128xi32, #tpu.memory_space<vmem>>, vector<1x16xi32>,
    %swap3A_350 = vector.shape_cast %swap3A_349 : vector<1x16xi32> to vector<16xi32>
    %swap3A_351 = vector.shape_cast %convert_element_type3A_345 : vector<16xi32> to vector<1x16xi32>
    tpu.vector_store %arg9[%swap3A_347, %swap3A_348], %swap3A_351 {strides = array<i32>} : memref<10x128xi32, #tpu.memory_space<vmem>>, vector<1x16xi32>,
    %get3A_352 = arith.constant 1 : i32
    %get3A_353 = arith.index_cast %get3A_352 : i32 to index
    %get3A_354 = arith.constant 80 : index
    %get3A_355 = tpu.vector_load %arg8[%get3A_353, %get3A_354] {strides = array<i32>} : memref<10x128xf32, #tpu.memory_space<vmem>>, vector<1x16xf32>,
    %get3A_356 = vector.shape_cast %get3A_355 : vector<1x16xf32> to vector<16xf32>
    %convert_element_type3A_357 = arith.fptosi %get3A_356 : vector<16xf32> to vector<16xi32>
    %swap3A_358 = arith.constant 1 : i32
    %swap3A_359 = arith.index_cast %swap3A_358 : i32 to index
    %swap3A_360 = arith.constant 80 : index
    %swap3A_361 = tpu.vector_load %arg9[%swap3A_359, %swap3A_360] {strides = array<i32>} : memref<10x128xi32, #tpu.memory_space<vmem>>, vector<1x16xi32>,
    %swap3A_362 = vector.shape_cast %swap3A_361 : vector<1x16xi32> to vector<16xi32>
    %swap3A_363 = vector.shape_cast %convert_element_type3A_357 : vector<16xi32> to vector<1x16xi32>
    tpu.vector_store %arg9[%swap3A_359, %swap3A_360], %swap3A_363 {strides = array<i32>} : memref<10x128xi32, #tpu.memory_space<vmem>>, vector<1x16xi32>,
    %get3A_364 = arith.constant 1 : i32
    %get3A_365 = arith.index_cast %get3A_364 : i32 to index
    %get3A_366 = arith.constant 96 : index
    %get3A_367 = tpu.vector_load %arg8[%get3A_365, %get3A_366] {strides = array<i32>} : memref<10x128xf32, #tpu.memory_space<vmem>>, vector<1x16xf32>,
    %get3A_368 = vector.shape_cast %get3A_367 : vector<1x16xf32> to vector<16xf32>
    %convert_element_type3A_369 = arith.fptosi %get3A_368 : vector<16xf32> to vector<16xi32>
    %swap3A_370 = arith.constant 1 : i32
    %swap3A_371 = arith.index_cast %swap3A_370 : i32 to index
    %swap3A_372 = arith.constant 96 : index
    %swap3A_373 = tpu.vector_load %arg9[%swap3A_371, %swap3A_372] {strides = array<i32>} : memref<10x128xi32, #tpu.memory_space<vmem>>, vector<1x16xi32>,
    %swap3A_374 = vector.shape_cast %swap3A_373 : vector<1x16xi32> to vector<16xi32>
    %swap3A_375 = vector.shape_cast %convert_element_type3A_369 : vector<16xi32> to vector<1x16xi32>
    tpu.vector_store %arg9[%swap3A_371, %swap3A_372], %swap3A_375 {strides = array<i32>} : memref<10x128xi32, #tpu.memory_space<vmem>>, vector<1x16xi32>,
    %get3A_376 = arith.constant 1 : i32
    %get3A_377 = arith.index_cast %get3A_376 : i32 to index
    %get3A_378 = arith.constant 112 : index
    %get3A_379 = tpu.vector_load %arg8[%get3A_377, %get3A_378] {strides = array<i32>} : memref<10x128xf32, #tpu.memory_space<vmem>>, vector<1x16xf32>,
    %get3A_380 = vector.shape_cast %get3A_379 : vector<1x16xf32> to vector<16xf32>
    %convert_element_type3A_381 = arith.fptosi %get3A_380 : vector<16xf32> to vector<16xi32>
    %swap3A_382 = arith.constant 1 : i32
    %swap3A_383 = arith.index_cast %swap3A_382 : i32 to index
    %swap3A_384 = arith.constant 112 : index
    %swap3A_385 = tpu.vector_load %arg9[%swap3A_383, %swap3A_384] {strides = array<i32>} : memref<10x128xi32, #tpu.memory_space<vmem>>, vector<1x16xi32>,
    %swap3A_386 = vector.shape_cast %swap3A_385 : vector<1x16xi32> to vector<16xi32>
    %swap3A_387 = vector.shape_cast %convert_element_type3A_381 : vector<16xi32> to vector<1x16xi32>
    tpu.vector_store %arg9[%swap3A_383, %swap3A_384], %swap3A_387 {strides = array<i32>} : memref<10x128xi32, #tpu.memory_space<vmem>>, vector<1x16xi32>,
    %get3A_388 = arith.constant 2 : i32
    %get3A_389 = arith.index_cast %get3A_388 : i32 to index
    %get3A_390 = arith.constant 0 : index
    %get3A_391 = tpu.vector_load %arg8[%get3A_389, %get3A_390] {strides = array<i32>} : memref<10x128xf32, #tpu.memory_space<vmem>>, vector<1x16xf32>,
    %get3A_392 = vector.shape_cast %get3A_391 : vector<1x16xf32> to vector<16xf32>
    %convert_element_type3A_393 = arith.fptosi %get3A_392 : vector<16xf32> to vector<16xi32>
    %swap3A_394 = arith.constant 2 : i32
    %swap3A_395 = arith.index_cast %swap3A_394 : i32 to index
    %swap3A_396 = arith.constant 0 : index
    %swap3A_397 = tpu.vector_load %arg9[%swap3A_395, %swap3A_396] {strides = array<i32>} : memref<10x128xi32, #tpu.memory_space<vmem>>, vector<1x16xi32>,
    %swap3A_398 = vector.shape_cast %swap3A_397 : vector<1x16xi32> to vector<16xi32>
    %swap3A_399 = vector.shape_cast %convert_element_type3A_393 : vector<16xi32> to vector<1x16xi32>
    tpu.vector_store %arg9[%swap3A_395, %swap3A_396], %swap3A_399 {strides = array<i32>} : memref<10x128xi32, #tpu.memory_space<vmem>>, vector<1x16xi32>,
    %get3A_400 = arith.constant 2 : i32
    %get3A_401 = arith.index_cast %get3A_400 : i32 to index
    %get3A_402 = arith.constant 16 : index
    %get3A_403 = tpu.vector_load %arg8[%get3A_401, %get3A_402] {strides = array<i32>} : memref<10x128xf32, #tpu.memory_space<vmem>>, vector<1x16xf32>,
    %get3A_404 = vector.shape_cast %get3A_403 : vector<1x16xf32> to vector<16xf32>
    %convert_element_type3A_405 = arith.fptosi %get3A_404 : vector<16xf32> to vector<16xi32>
    %swap3A_406 = arith.constant 2 : i32
    %swap3A_407 = arith.index_cast %swap3A_406 : i32 to index
    %swap3A_408 = arith.constant 16 : index
    %swap3A_409 = tpu.vector_load %arg9[%swap3A_407, %swap3A_408] {strides = array<i32>} : memref<10x128xi32, #tpu.memory_space<vmem>>, vector<1x16xi32>,
    %swap3A_410 = vector.shape_cast %swap3A_409 : vector<1x16xi32> to vector<16xi32>
    %swap3A_411 = vector.shape_cast %convert_element_type3A_405 : vector<16xi32> to vector<1x16xi32>
    tpu.vector_store %arg9[%swap3A_407, %swap3A_408], %swap3A_411 {strides = array<i32>} : memref<10x128xi32, #tpu.memory_space<vmem>>, vector<1x16xi32>,
    %get3A_412 = arith.constant 2 : i32
    %get3A_413 = arith.index_cast %get3A_412 : i32 to index
    %get3A_414 = arith.constant 32 : index
    %get3A_415 = tpu.vector_load %arg8[%get3A_413, %get3A_414] {strides = array<i32>} : memref<10x128xf32, #tpu.memory_space<vmem>>, vector<1x16xf32>,
    %get3A_416 = vector.shape_cast %get3A_415 : vector<1x16xf32> to vector<16xf32>
    %convert_element_type3A_417 = arith.fptosi %get3A_416 : vector<16xf32> to vector<16xi32>
    %swap3A_418 = arith.constant 2 : i32
    %swap3A_419 = arith.index_cast %swap3A_418 : i32 to index
    %swap3A_420 = arith.constant 32 : index
    %swap3A_421 = tpu.vector_load %arg9[%swap3A_419, %swap3A_420] {strides = array<i32>} : memref<10x128xi32, #tpu.memory_space<vmem>>, vector<1x16xi32>,
    %swap3A_422 = vector.shape_cast %swap3A_421 : vector<1x16xi32> to vector<16xi32>
    %swap3A_423 = vector.shape_cast %convert_element_type3A_417 : vector<16xi32> to vector<1x16xi32>
    tpu.vector_store %arg9[%swap3A_419, %swap3A_420], %swap3A_423 {strides = array<i32>} : memref<10x128xi32, #tpu.memory_space<vmem>>, vector<1x16xi32>,
    %get3A_424 = arith.constant 2 : i32
    %get3A_425 = arith.index_cast %get3A_424 : i32 to index
    %get3A_426 = arith.constant 48 : index
    %get3A_427 = tpu.vector_load %arg8[%get3A_425, %get3A_426] {strides = array<i32>} : memref<10x128xf32, #tpu.memory_space<vmem>>, vector<1x16xf32>,
    %get3A_428 = vector.shape_cast %get3A_427 : vector<1x16xf32> to vector<16xf32>
    %convert_element_type3A_429 = arith.fptosi %get3A_428 : vector<16xf32> to vector<16xi32>
    %swap3A_430 = arith.constant 2 : i32
    %swap3A_431 = arith.index_cast %swap3A_430 : i32 to index
    %swap3A_432 = arith.constant 48 : index
    %swap3A_433 = tpu.vector_load %arg9[%swap3A_431, %swap3A_432] {strides = array<i32>} : memref<10x128xi32, #tpu.memory_space<vmem>>, vector<1x16xi32>,
    %swap3A_434 = vector.shape_cast %swap3A_433 : vector<1x16xi32> to vector<16xi32>
    %swap3A_435 = vector.shape_cast %convert_element_type3A_429 : vector<16xi32> to vector<1x16xi32>
    tpu.vector_store %arg9[%swap3A_431, %swap3A_432], %swap3A_435 {strides = array<i32>} : memref<10x128xi32, #tpu.memory_space<vmem>>, vector<1x16xi32>,
    %get3A_436 = arith.constant 2 : i32
    %get3A_437 = arith.index_cast %get3A_436 : i32 to index
    %get3A_438 = arith.constant 64 : index
    %get3A_439 = tpu.vector_load %arg8[%get3A_437, %get3A_438] {strides = array<i32>} : memref<10x128xf32, #tpu.memory_space<vmem>>, vector<1x16xf32>,
    %get3A_440 = vector.shape_cast %get3A_439 : vector<1x16xf32> to vector<16xf32>
    %convert_element_type3A_441 = arith.fptosi %get3A_440 : vector<16xf32> to vector<16xi32>
    %swap3A_442 = arith.constant 2 : i32
    %swap3A_443 = arith.index_cast %swap3A_442 : i32 to index
    %swap3A_444 = arith.constant 64 : index
    %swap3A_445 = tpu.vector_load %arg9[%swap3A_443, %swap3A_444] {strides = array<i32>} : memref<10x128xi32, #tpu.memory_space<vmem>>, vector<1x16xi32>,
    %swap3A_446 = vector.shape_cast %swap3A_445 : vector<1x16xi32> to vector<16xi32>
    %swap3A_447 = vector.shape_cast %convert_element_type3A_441 : vector<16xi32> to vector<1x16xi32>
    tpu.vector_store %arg9[%swap3A_443, %swap3A_444], %swap3A_447 {strides = array<i32>} : memref<10x128xi32, #tpu.memory_space<vmem>>, vector<1x16xi32>,
    %get3A_448 = arith.constant 2 : i32
    %get3A_449 = arith.index_cast %get3A_448 : i32 to index
    %get3A_450 = arith.constant 80 : index
    %get3A_451 = tpu.vector_load %arg8[%get3A_449, %get3A_450] {strides = array<i32>} : memref<10x128xf32, #tpu.memory_space<vmem>>, vector<1x16xf32>,
    %get3A_452 = vector.shape_cast %get3A_451 : vector<1x16xf32> to vector<16xf32>
    %convert_element_type3A_453 = arith.fptosi %get3A_452 : vector<16xf32> to vector<16xi32>
    %swap3A_454 = arith.constant 2 : i32
    %swap3A_455 = arith.index_cast %swap3A_454 : i32 to index
    %swap3A_456 = arith.constant 80 : index
    %swap3A_457 = tpu.vector_load %arg9[%swap3A_455, %swap3A_456] {strides = array<i32>} : memref<10x128xi32, #tpu.memory_space<vmem>>, vector<1x16xi32>,
    %swap3A_458 = vector.shape_cast %swap3A_457 : vector<1x16xi32> to vector<16xi32>
    %swap3A_459 = vector.shape_cast %convert_element_type3A_453 : vector<16xi32> to vector<1x16xi32>
    tpu.vector_store %arg9[%swap3A_455, %swap3A_456], %swap3A_459 {strides = array<i32>} : memref<10x128xi32, #tpu.memory_space<vmem>>, vector<1x16xi32>,
    %get3A_460 = arith.constant 2 : i32
    %get3A_461 = arith.index_cast %get3A_460 : i32 to index
    %get3A_462 = arith.constant 96 : index
    %get3A_463 = tpu.vector_load %arg8[%get3A_461, %get3A_462] {strides = array<i32>} : memref<10x128xf32, #tpu.memory_space<vmem>>, vector<1x16xf32>,
    %get3A_464 = vector.shape_cast %get3A_463 : vector<1x16xf32> to vector<16xf32>
    %convert_element_type3A_465 = arith.fptosi %get3A_464 : vector<16xf32> to vector<16xi32>
    %swap3A_466 = arith.constant 2 : i32
    %swap3A_467 = arith.index_cast %swap3A_466 : i32 to index
    %swap3A_468 = arith.constant 96 : index
    %swap3A_469 = tpu.vector_load %arg9[%swap3A_467, %swap3A_468] {strides = array<i32>} : memref<10x128xi32, #tpu.memory_space<vmem>>, vector<1x16xi32>,
    %swap3A_470 = vector.shape_cast %swap3A_469 : vector<1x16xi32> to vector<16xi32>
    %swap3A_471 = vector.shape_cast %convert_element_type3A_465 : vector<16xi32> to vector<1x16xi32>
    tpu.vector_store %arg9[%swap3A_467, %swap3A_468], %swap3A_471 {strides = array<i32>} : memref<10x128xi32, #tpu.memory_space<vmem>>, vector<1x16xi32>,
    %get3A_472 = arith.constant 2 : i32
    %get3A_473 = arith.index_cast %get3A_472 : i32 to index
    %get3A_474 = arith.constant 112 : index
    %get3A_475 = tpu.vector_load %arg8[%get3A_473, %get3A_474] {strides = array<i32>} : memref<10x128xf32, #tpu.memory_space<vmem>>, vector<1x16xf32>,
    %get3A_476 = vector.shape_cast %get3A_475 : vector<1x16xf32> to vector<16xf32>
    %convert_element_type3A_477 = arith.fptosi %get3A_476 : vector<16xf32> to vector<16xi32>
    %swap3A_478 = arith.constant 2 : i32
    %swap3A_479 = arith.index_cast %swap3A_478 : i32 to index
    %swap3A_480 = arith.constant 112 : index
    %swap3A_481 = tpu.vector_load %arg9[%swap3A_479, %swap3A_480] {strides = array<i32>} : memref<10x128xi32, #tpu.memory_space<vmem>>, vector<1x16xi32>,
    %swap3A_482 = vector.shape_cast %swap3A_481 : vector<1x16xi32> to vector<16xi32>
    %swap3A_483 = vector.shape_cast %convert_element_type3A_477 : vector<16xi32> to vector<1x16xi32>
    tpu.vector_store %arg9[%swap3A_479, %swap3A_480], %swap3A_483 {strides = array<i32>} : memref<10x128xi32, #tpu.memory_space<vmem>>, vector<1x16xi32>,
    %get3A_484 = arith.constant 3 : i32
    %get3A_485 = arith.index_cast %get3A_484 : i32 to index
    %get3A_486 = arith.constant 0 : index
    %get3A_487 = tpu.vector_load %arg8[%get3A_485, %get3A_486] {strides = array<i32>} : memref<10x128xf32, #tpu.memory_space<vmem>>, vector<1x16xf32>,
    %get3A_488 = vector.shape_cast %get3A_487 : vector<1x16xf32> to vector<16xf32>
    %convert_element_type3A_489 = arith.fptosi %get3A_488 : vector<16xf32> to vector<16xi32>
    %swap3A_490 = arith.constant 3 : i32
    %swap3A_491 = arith.index_cast %swap3A_490 : i32 to index
    %swap3A_492 = arith.constant 0 : index
    %swap3A_493 = tpu.vector_load %arg9[%swap3A_491, %swap3A_492] {strides = array<i32>} : memref<10x128xi32, #tpu.memory_space<vmem>>, vector<1x16xi32>,
    %swap3A_494 = vector.shape_cast %swap3A_493 : vector<1x16xi32> to vector<16xi32>
    %swap3A_495 = vector.shape_cast %convert_element_type3A_489 : vector<16xi32> to vector<1x16xi32>
    tpu.vector_store %arg9[%swap3A_491, %swap3A_492], %swap3A_495 {strides = array<i32>} : memref<10x128xi32, #tpu.memory_space<vmem>>, vector<1x16xi32>,
    %get3A_496 = arith.constant 3 : i32
    %get3A_497 = arith.index_cast %get3A_496 : i32 to index
    %get3A_498 = arith.constant 16 : index
    %get3A_499 = tpu.vector_load %arg8[%get3A_497, %get3A_498] {strides = array<i32>} : memref<10x128xf32, #tpu.memory_space<vmem>>, vector<1x16xf32>,
    %get3A_500 = vector.shape_cast %get3A_499 : vector<1x16xf32> to vector<16xf32>
    %convert_element_type3A_501 = arith.fptosi %get3A_500 : vector<16xf32> to vector<16xi32>
    %swap3A_502 = arith.constant 3 : i32
    %swap3A_503 = arith.index_cast %swap3A_502 : i32 to index
    %swap3A_504 = arith.constant 16 : index
    %swap3A_505 = tpu.vector_load %arg9[%swap3A_503, %swap3A_504] {strides = array<i32>} : memref<10x128xi32, #tpu.memory_space<vmem>>, vector<1x16xi32>,
    %swap3A_506 = vector.shape_cast %swap3A_505 : vector<1x16xi32> to vector<16xi32>
    %swap3A_507 = vector.shape_cast %convert_element_type3A_501 : vector<16xi32> to vector<1x16xi32>
    tpu.vector_store %arg9[%swap3A_503, %swap3A_504], %swap3A_507 {strides = array<i32>} : memref<10x128xi32, #tpu.memory_space<vmem>>, vector<1x16xi32>,
    %get3A_508 = arith.constant 3 : i32
    %get3A_509 = arith.index_cast %get3A_508 : i32 to index
    %get3A_510 = arith.constant 32 : index
    %get3A_511 = tpu.vector_load %arg8[%get3A_509, %get3A_510] {strides = array<i32>} : memref<10x128xf32, #tpu.memory_space<vmem>>, vector<1x16xf32>,
    %get3A_512 = vector.shape_cast %get3A_511 : vector<1x16xf32> to vector<16xf32>
    %convert_element_type3A_513 = arith.fptosi %get3A_512 : vector<16xf32> to vector<16xi32>
    %swap3A_514 = arith.constant 3 : i32
    %swap3A_515 = arith.index_cast %swap3A_514 : i32 to index
    %swap3A_516 = arith.constant 32 : index
    %swap3A_517 = tpu.vector_load %arg9[%swap3A_515, %swap3A_516] {strides = array<i32>} : memref<10x128xi32, #tpu.memory_space<vmem>>, vector<1x16xi32>,
    %swap3A_518 = vector.shape_cast %swap3A_517 : vector<1x16xi32> to vector<16xi32>
    %swap3A_519 = vector.shape_cast %convert_element_type3A_513 : vector<16xi32> to vector<1x16xi32>
    tpu.vector_store %arg9[%swap3A_515, %swap3A_516], %swap3A_519 {strides = array<i32>} : memref<10x128xi32, #tpu.memory_space<vmem>>, vector<1x16xi32>,
    %get3A_520 = arith.constant 3 : i32
    %get3A_521 = arith.index_cast %get3A_520 : i32 to index
    %get3A_522 = arith.constant 48 : index
    %get3A_523 = tpu.vector_load %arg8[%get3A_521, %get3A_522] {strides = array<i32>} : memref<10x128xf32, #tpu.memory_space<vmem>>, vector<1x16xf32>,
    %get3A_524 = vector.shape_cast %get3A_523 : vector<1x16xf32> to vector<16xf32>
    %convert_element_type3A_525 = arith.fptosi %get3A_524 : vector<16xf32> to vector<16xi32>
    %swap3A_526 = arith.constant 3 : i32
    %swap3A_527 = arith.index_cast %swap3A_526 : i32 to index
    %swap3A_528 = arith.constant 48 : index
    %swap3A_529 = tpu.vector_load %arg9[%swap3A_527, %swap3A_528] {strides = array<i32>} : memref<10x128xi32, #tpu.memory_space<vmem>>, vector<1x16xi32>,
    %swap3A_530 = vector.shape_cast %swap3A_529 : vector<1x16xi32> to vector<16xi32>
    %swap3A_531 = vector.shape_cast %convert_element_type3A_525 : vector<16xi32> to vector<1x16xi32>
    tpu.vector_store %arg9[%swap3A_527, %swap3A_528], %swap3A_531 {strides = array<i32>} : memref<10x128xi32, #tpu.memory_space<vmem>>, vector<1x16xi32>,
    %get3A_532 = arith.constant 3 : i32
    %get3A_533 = arith.index_cast %get3A_532 : i32 to index
    %get3A_534 = arith.constant 64 : index
    %get3A_535 = tpu.vector_load %arg8[%get3A_533, %get3A_534] {strides = array<i32>} : memref<10x128xf32, #tpu.memory_space<vmem>>, vector<1x16xf32>,
    %get3A_536 = vector.shape_cast %get3A_535 : vector<1x16xf32> to vector<16xf32>
    %convert_element_type3A_537 = arith.fptosi %get3A_536 : vector<16xf32> to vector<16xi32>
    %swap3A_538 = arith.constant 3 : i32
    %swap3A_539 = arith.index_cast %swap3A_538 : i32 to index
    %swap3A_540 = arith.constant 64 : index
    %swap3A_541 = tpu.vector_load %arg9[%swap3A_539, %swap3A_540] {strides = array<i32>} : memref<10x128xi32, #tpu.memory_space<vmem>>, vector<1x16xi32>,
    %swap3A_542 = vector.shape_cast %swap3A_541 : vector<1x16xi32> to vector<16xi32>
    %swap3A_543 = vector.shape_cast %convert_element_type3A_537 : vector<16xi32> to vector<1x16xi32>
    tpu.vector_store %arg9[%swap3A_539, %swap3A_540], %swap3A_543 {strides = array<i32>} : memref<10x128xi32, #tpu.memory_space<vmem>>, vector<1x16xi32>,
    %get3A_544 = arith.constant 3 : i32
    %get3A_545 = arith.index_cast %get3A_544 : i32 to index
    %get3A_546 = arith.constant 80 : index
    %get3A_547 = tpu.vector_load %arg8[%get3A_545, %get3A_546] {strides = array<i32>} : memref<10x128xf32, #tpu.memory_space<vmem>>, vector<1x16xf32>,
    %get3A_548 = vector.shape_cast %get3A_547 : vector<1x16xf32> to vector<16xf32>
    %convert_element_type3A_549 = arith.fptosi %get3A_548 : vector<16xf32> to vector<16xi32>
    %swap3A_550 = arith.constant 3 : i32
    %swap3A_551 = arith.index_cast %swap3A_550 : i32 to index
    %swap3A_552 = arith.constant 80 : index
    %swap3A_553 = tpu.vector_load %arg9[%swap3A_551, %swap3A_552] {strides = array<i32>} : memref<10x128xi32, #tpu.memory_space<vmem>>, vector<1x16xi32>,
    %swap3A_554 = vector.shape_cast %swap3A_553 : vector<1x16xi32> to vector<16xi32>
    %swap3A_555 = vector.shape_cast %convert_element_type3A_549 : vector<16xi32> to vector<1x16xi32>
    tpu.vector_store %arg9[%swap3A_551, %swap3A_552], %swap3A_555 {strides = array<i32>} : memref<10x128xi32, #tpu.memory_space<vmem>>, vector<1x16xi32>,
    %get3A_556 = arith.constant 3 : i32
    %get3A_557 = arith.index_cast %get3A_556 : i32 to index
    %get3A_558 = arith.constant 96 : index
    %get3A_559 = tpu.vector_load %arg8[%get3A_557, %get3A_558] {strides = array<i32>} : memref<10x128xf32, #tpu.memory_space<vmem>>, vector<1x16xf32>,
    %get3A_560 = vector.shape_cast %get3A_559 : vector<1x16xf32> to vector<16xf32>
    %convert_element_type3A_561 = arith.fptosi %get3A_560 : vector<16xf32> to vector<16xi32>
    %swap3A_562 = arith.constant 3 : i32
    %swap3A_563 = arith.index_cast %swap3A_562 : i32 to index
    %swap3A_564 = arith.constant 96 : index
    %swap3A_565 = tpu.vector_load %arg9[%swap3A_563, %swap3A_564] {strides = array<i32>} : memref<10x128xi32, #tpu.memory_space<vmem>>, vector<1x16xi32>,
    %swap3A_566 = vector.shape_cast %swap3A_565 : vector<1x16xi32> to vector<16xi32>
    %swap3A_567 = vector.shape_cast %convert_element_type3A_561 : vector<16xi32> to vector<1x16xi32>
    tpu.vector_store %arg9[%swap3A_563, %swap3A_564], %swap3A_567 {strides = array<i32>} : memref<10x128xi32, #tpu.memory_space<vmem>>, vector<1x16xi32>,
    %get3A_568 = arith.constant 3 : i32
    %get3A_569 = arith.index_cast %get3A_568 : i32 to index
    %get3A_570 = arith.constant 112 : index
    %get3A_571 = tpu.vector_load %arg8[%get3A_569, %get3A_570] {strides = array<i32>} : memref<10x128xf32, #tpu.memory_space<vmem>>, vector<1x16xf32>,
    %get3A_572 = vector.shape_cast %get3A_571 : vector<1x16xf32> to vector<16xf32>
    %convert_element_type3A_573 = arith.fptosi %get3A_572 : vector<16xf32> to vector<16xi32>
    %swap3A_574 = arith.constant 3 : i32
    %swap3A_575 = arith.index_cast %swap3A_574 : i32 to index
    %swap3A_576 = arith.constant 112 : index
    %swap3A_577 = tpu.vector_load %arg9[%swap3A_575, %swap3A_576] {strides = array<i32>} : memref<10x128xi32, #tpu.memory_space<vmem>>, vector<1x16xi32>,
    %swap3A_578 = vector.shape_cast %swap3A_577 : vector<1x16xi32> to vector<16xi32>
    %swap3A_579 = vector.shape_cast %convert_element_type3A_573 : vector<16xi32> to vector<1x16xi32>
    tpu.vector_store %arg9[%swap3A_575, %swap3A_576], %swap3A_579 {strides = array<i32>} : memref<10x128xi32, #tpu.memory_space<vmem>>, vector<1x16xi32>,
    %get3A_580 = arith.constant 4 : i32
    %get3A_581 = arith.index_cast %get3A_580 : i32 to index
    %get3A_582 = arith.constant 0 : index
    %get3A_583 = tpu.vector_load %arg8[%get3A_581, %get3A_582] {strides = array<i32>} : memref<10x128xf32, #tpu.memory_space<vmem>>, vector<1x16xf32>,
    %get3A_584 = vector.shape_cast %get3A_583 : vector<1x16xf32> to vector<16xf32>
    %convert_element_type3A_585 = arith.fptosi %get3A_584 : vector<16xf32> to vector<16xi32>
    %swap3A_586 = arith.constant 4 : i32
    %swap3A_587 = arith.index_cast %swap3A_586 : i32 to index
    %swap3A_588 = arith.constant 0 : index
    %swap3A_589 = tpu.vector_load %arg9[%swap3A_587, %swap3A_588] {strides = array<i32>} : memref<10x128xi32, #tpu.memory_space<vmem>>, vector<1x16xi32>,
    %swap3A_590 = vector.shape_cast %swap3A_589 : vector<1x16xi32> to vector<16xi32>
    %swap3A_591 = vector.shape_cast %convert_element_type3A_585 : vector<16xi32> to vector<1x16xi32>
    tpu.vector_store %arg9[%swap3A_587, %swap3A_588], %swap3A_591 {strides = array<i32>} : memref<10x128xi32, #tpu.memory_space<vmem>>, vector<1x16xi32>,
    %get3A_592 = arith.constant 4 : i32
    %get3A_593 = arith.index_cast %get3A_592 : i32 to index
    %get3A_594 = arith.constant 16 : index
    %get3A_595 = tpu.vector_load %arg8[%get3A_593, %get3A_594] {strides = array<i32>} : memref<10x128xf32, #tpu.memory_space<vmem>>, vector<1x16xf32>,
    %get3A_596 = vector.shape_cast %get3A_595 : vector<1x16xf32> to vector<16xf32>
    %convert_element_type3A_597 = arith.fptosi %get3A_596 : vector<16xf32> to vector<16xi32>
    %swap3A_598 = arith.constant 4 : i32
    %swap3A_599 = arith.index_cast %swap3A_598 : i32 to index
    %swap3A_600 = arith.constant 16 : index
    %swap3A_601 = tpu.vector_load %arg9[%swap3A_599, %swap3A_600] {strides = array<i32>} : memref<10x128xi32, #tpu.memory_space<vmem>>, vector<1x16xi32>,
    %swap3A_602 = vector.shape_cast %swap3A_601 : vector<1x16xi32> to vector<16xi32>
    %swap3A_603 = vector.shape_cast %convert_element_type3A_597 : vector<16xi32> to vector<1x16xi32>
    tpu.vector_store %arg9[%swap3A_599, %swap3A_600], %swap3A_603 {strides = array<i32>} : memref<10x128xi32, #tpu.memory_space<vmem>>, vector<1x16xi32>,
    %get3A_604 = arith.constant 4 : i32
    %get3A_605 = arith.index_cast %get3A_604 : i32 to index
    %get3A_606 = arith.constant 32 : index
    %get3A_607 = tpu.vector_load %arg8[%get3A_605, %get3A_606] {strides = array<i32>} : memref<10x128xf32, #tpu.memory_space<vmem>>, vector<1x16xf32>,
    %get3A_608 = vector.shape_cast %get3A_607 : vector<1x16xf32> to vector<16xf32>
    %convert_element_type3A_609 = arith.fptosi %get3A_608 : vector<16xf32> to vector<16xi32>
    %swap3A_610 = arith.constant 4 : i32
    %swap3A_611 = arith.index_cast %swap3A_610 : i32 to index
    %swap3A_612 = arith.constant 32 : index
    %swap3A_613 = tpu.vector_load %arg9[%swap3A_611, %swap3A_612] {strides = array<i32>} : memref<10x128xi32, #tpu.memory_space<vmem>>, vector<1x16xi32>,
    %swap3A_614 = vector.shape_cast %swap3A_613 : vector<1x16xi32> to vector<16xi32>
    %swap3A_615 = vector.shape_cast %convert_element_type3A_609 : vector<16xi32> to vector<1x16xi32>
    tpu.vector_store %arg9[%swap3A_611, %swap3A_612], %swap3A_615 {strides = array<i32>} : memref<10x128xi32, #tpu.memory_space<vmem>>, vector<1x16xi32>,
    %get3A_616 = arith.constant 4 : i32
    %get3A_617 = arith.index_cast %get3A_616 : i32 to index
    %get3A_618 = arith.constant 48 : index
    %get3A_619 = tpu.vector_load %arg8[%get3A_617, %get3A_618] {strides = array<i32>} : memref<10x128xf32, #tpu.memory_space<vmem>>, vector<1x16xf32>,
    %get3A_620 = vector.shape_cast %get3A_619 : vector<1x16xf32> to vector<16xf32>
    %convert_element_type3A_621 = arith.fptosi %get3A_620 : vector<16xf32> to vector<16xi32>
    %swap3A_622 = arith.constant 4 : i32
    %swap3A_623 = arith.index_cast %swap3A_622 : i32 to index
    %swap3A_624 = arith.constant 48 : index
    %swap3A_625 = tpu.vector_load %arg9[%swap3A_623, %swap3A_624] {strides = array<i32>} : memref<10x128xi32, #tpu.memory_space<vmem>>, vector<1x16xi32>,
    %swap3A_626 = vector.shape_cast %swap3A_625 : vector<1x16xi32> to vector<16xi32>
    %swap3A_627 = vector.shape_cast %convert_element_type3A_621 : vector<16xi32> to vector<1x16xi32>
    tpu.vector_store %arg9[%swap3A_623, %swap3A_624], %swap3A_627 {strides = array<i32>} : memref<10x128xi32, #tpu.memory_space<vmem>>, vector<1x16xi32>,
    %get3A_628 = arith.constant 4 : i32
    %get3A_629 = arith.index_cast %get3A_628 : i32 to index
    %get3A_630 = arith.constant 64 : index
    %get3A_631 = tpu.vector_load %arg8[%get3A_629, %get3A_630] {strides = array<i32>} : memref<10x128xf32, #tpu.memory_space<vmem>>, vector<1x16xf32>,
    %get3A_632 = vector.shape_cast %get3A_631 : vector<1x16xf32> to vector<16xf32>
    %convert_element_type3A_633 = arith.fptosi %get3A_632 : vector<16xf32> to vector<16xi32>
    %swap3A_634 = arith.constant 4 : i32
    %swap3A_635 = arith.index_cast %swap3A_634 : i32 to index
    %swap3A_636 = arith.constant 64 : index
    %swap3A_637 = tpu.vector_load %arg9[%swap3A_635, %swap3A_636] {strides = array<i32>} : memref<10x128xi32, #tpu.memory_space<vmem>>, vector<1x16xi32>,
    %swap3A_638 = vector.shape_cast %swap3A_637 : vector<1x16xi32> to vector<16xi32>
    %swap3A_639 = vector.shape_cast %convert_element_type3A_633 : vector<16xi32> to vector<1x16xi32>
    tpu.vector_store %arg9[%swap3A_635, %swap3A_636], %swap3A_639 {strides = array<i32>} : memref<10x128xi32, #tpu.memory_space<vmem>>, vector<1x16xi32>,
    %get3A_640 = arith.constant 4 : i32
    %get3A_641 = arith.index_cast %get3A_640 : i32 to index
    %get3A_642 = arith.constant 80 : index
    %get3A_643 = tpu.vector_load %arg8[%get3A_641, %get3A_642] {strides = array<i32>} : memref<10x128xf32, #tpu.memory_space<vmem>>, vector<1x16xf32>,
    %get3A_644 = vector.shape_cast %get3A_643 : vector<1x16xf32> to vector<16xf32>
    %convert_element_type3A_645 = arith.fptosi %get3A_644 : vector<16xf32> to vector<16xi32>
    %swap3A_646 = arith.constant 4 : i32
    %swap3A_647 = arith.index_cast %swap3A_646 : i32 to index
    %swap3A_648 = arith.constant 80 : index
    %swap3A_649 = tpu.vector_load %arg9[%swap3A_647, %swap3A_648] {strides = array<i32>} : memref<10x128xi32, #tpu.memory_space<vmem>>, vector<1x16xi32>,
    %swap3A_650 = vector.shape_cast %swap3A_649 : vector<1x16xi32> to vector<16xi32>
    %swap3A_651 = vector.shape_cast %convert_element_type3A_645 : vector<16xi32> to vector<1x16xi32>
    tpu.vector_store %arg9[%swap3A_647, %swap3A_648], %swap3A_651 {strides = array<i32>} : memref<10x128xi32, #tpu.memory_space<vmem>>, vector<1x16xi32>,
    %get3A_652 = arith.constant 4 : i32
    %get3A_653 = arith.index_cast %get3A_652 : i32 to index
    %get3A_654 = arith.constant 96 : index
    %get3A_655 = tpu.vector_load %arg8[%get3A_653, %get3A_654] {strides = array<i32>} : memref<10x128xf32, #tpu.memory_space<vmem>>, vector<1x16xf32>,
    %get3A_656 = vector.shape_cast %get3A_655 : vector<1x16xf32> to vector<16xf32>
    %convert_element_type3A_657 = arith.fptosi %get3A_656 : vector<16xf32> to vector<16xi32>
    %swap3A_658 = arith.constant 4 : i32
    %swap3A_659 = arith.index_cast %swap3A_658 : i32 to index
    %swap3A_660 = arith.constant 96 : index
    %swap3A_661 = tpu.vector_load %arg9[%swap3A_659, %swap3A_660] {strides = array<i32>} : memref<10x128xi32, #tpu.memory_space<vmem>>, vector<1x16xi32>,
    %swap3A_662 = vector.shape_cast %swap3A_661 : vector<1x16xi32> to vector<16xi32>
    %swap3A_663 = vector.shape_cast %convert_element_type3A_657 : vector<16xi32> to vector<1x16xi32>
    tpu.vector_store %arg9[%swap3A_659, %swap3A_660], %swap3A_663 {strides = array<i32>} : memref<10x128xi32, #tpu.memory_space<vmem>>, vector<1x16xi32>,
    %get3A_664 = arith.constant 4 : i32
    %get3A_665 = arith.index_cast %get3A_664 : i32 to index
    %get3A_666 = arith.constant 112 : index
    %get3A_667 = tpu.vector_load %arg8[%get3A_665, %get3A_666] {strides = array<i32>} : memref<10x128xf32, #tpu.memory_space<vmem>>, vector<1x16xf32>,
    %get3A_668 = vector.shape_cast %get3A_667 : vector<1x16xf32> to vector<16xf32>
    %convert_element_type3A_669 = arith.fptosi %get3A_668 : vector<16xf32> to vector<16xi32>
    %swap3A_670 = arith.constant 4 : i32
    %swap3A_671 = arith.index_cast %swap3A_670 : i32 to index
    %swap3A_672 = arith.constant 112 : index
    %swap3A_673 = tpu.vector_load %arg9[%swap3A_671, %swap3A_672] {strides = array<i32>} : memref<10x128xi32, #tpu.memory_space<vmem>>, vector<1x16xi32>,
    %swap3A_674 = vector.shape_cast %swap3A_673 : vector<1x16xi32> to vector<16xi32>
    %swap3A_675 = vector.shape_cast %convert_element_type3A_669 : vector<16xi32> to vector<1x16xi32>
    tpu.vector_store %arg9[%swap3A_671, %swap3A_672], %swap3A_675 {strides = array<i32>} : memref<10x128xi32, #tpu.memory_space<vmem>>, vector<1x16xi32>,
    %get3A_676 = arith.constant 5 : i32
    %get3A_677 = arith.index_cast %get3A_676 : i32 to index
    %get3A_678 = arith.constant 0 : index
    %get3A_679 = tpu.vector_load %arg8[%get3A_677, %get3A_678] {strides = array<i32>} : memref<10x128xf32, #tpu.memory_space<vmem>>, vector<1x16xf32>,
    %get3A_680 = vector.shape_cast %get3A_679 : vector<1x16xf32> to vector<16xf32>
    %convert_element_type3A_681 = arith.fptosi %get3A_680 : vector<16xf32> to vector<16xi32>
    %swap3A_682 = arith.constant 5 : i32
    %swap3A_683 = arith.index_cast %swap3A_682 : i32 to index
    %swap3A_684 = arith.constant 0 : index
    %swap3A_685 = tpu.vector_load %arg9[%swap3A_683, %swap3A_684] {strides = array<i32>} : memref<10x128xi32, #tpu.memory_space<vmem>>, vector<1x16xi32>,
    %swap3A_686 = vector.shape_cast %swap3A_685 : vector<1x16xi32> to vector<16xi32>
    %swap3A_687 = vector.shape_cast %convert_element_type3A_681 : vector<16xi32> to vector<1x16xi32>
    tpu.vector_store %arg9[%swap3A_683, %swap3A_684], %swap3A_687 {strides = array<i32>} : memref<10x128xi32, #tpu.memory_space<vmem>>, vector<1x16xi32>,
    %get3A_688 = arith.constant 5 : i32
    %get3A_689 = arith.index_cast %get3A_688 : i32 to index
    %get3A_690 = arith.constant 16 : index
    %get3A_691 = tpu.vector_load %arg8[%get3A_689, %get3A_690] {strides = array<i32>} : memref<10x128xf32, #tpu.memory_space<vmem>>, vector<1x16xf32>,
    %get3A_692 = vector.shape_cast %get3A_691 : vector<1x16xf32> to vector<16xf32>
    %convert_element_type3A_693 = arith.fptosi %get3A_692 : vector<16xf32> to vector<16xi32>
    %swap3A_694 = arith.constant 5 : i32
    %swap3A_695 = arith.index_cast %swap3A_694 : i32 to index
    %swap3A_696 = arith.constant 16 : index
    %swap3A_697 = tpu.vector_load %arg9[%swap3A_695, %swap3A_696] {strides = array<i32>} : memref<10x128xi32, #tpu.memory_space<vmem>>, vector<1x16xi32>,
    %swap3A_698 = vector.shape_cast %swap3A_697 : vector<1x16xi32> to vector<16xi32>
    %swap3A_699 = vector.shape_cast %convert_element_type3A_693 : vector<16xi32> to vector<1x16xi32>
    tpu.vector_store %arg9[%swap3A_695, %swap3A_696], %swap3A_699 {strides = array<i32>} : memref<10x128xi32, #tpu.memory_space<vmem>>, vector<1x16xi32>,
    %get3A_700 = arith.constant 5 : i32
    %get3A_701 = arith.index_cast %get3A_700 : i32 to index
    %get3A_702 = arith.constant 32 : index
    %get3A_703 = tpu.vector_load %arg8[%get3A_701, %get3A_702] {strides = array<i32>} : memref<10x128xf32, #tpu.memory_space<vmem>>, vector<1x16xf32>,
    %get3A_704 = vector.shape_cast %get3A_703 : vector<1x16xf32> to vector<16xf32>
    %convert_element_type3A_705 = arith.fptosi %get3A_704 : vector<16xf32> to vector<16xi32>
    %swap3A_706 = arith.constant 5 : i32
    %swap3A_707 = arith.index_cast %swap3A_706 : i32 to index
    %swap3A_708 = arith.constant 32 : index
    %swap3A_709 = tpu.vector_load %arg9[%swap3A_707, %swap3A_708] {strides = array<i32>} : memref<10x128xi32, #tpu.memory_space<vmem>>, vector<1x16xi32>,
    %swap3A_710 = vector.shape_cast %swap3A_709 : vector<1x16xi32> to vector<16xi32>
    %swap3A_711 = vector.shape_cast %convert_element_type3A_705 : vector<16xi32> to vector<1x16xi32>
    tpu.vector_store %arg9[%swap3A_707, %swap3A_708], %swap3A_711 {strides = array<i32>} : memref<10x128xi32, #tpu.memory_space<vmem>>, vector<1x16xi32>,
    %get3A_712 = arith.constant 5 : i32
    %get3A_713 = arith.index_cast %get3A_712 : i32 to index
    %get3A_714 = arith.constant 48 : index
    %get3A_715 = tpu.vector_load %arg8[%get3A_713, %get3A_714] {strides = array<i32>} : memref<10x128xf32, #tpu.memory_space<vmem>>, vector<1x16xf32>,
    %get3A_716 = vector.shape_cast %get3A_715 : vector<1x16xf32> to vector<16xf32>
    %convert_element_type3A_717 = arith.fptosi %get3A_716 : vector<16xf32> to vector<16xi32>
    %swap3A_718 = arith.constant 5 : i32
    %swap3A_719 = arith.index_cast %swap3A_718 : i32 to index
    %swap3A_720 = arith.constant 48 : index
    %swap3A_721 = tpu.vector_load %arg9[%swap3A_719, %swap3A_720] {strides = array<i32>} : memref<10x128xi32, #tpu.memory_space<vmem>>, vector<1x16xi32>,
    %swap3A_722 = vector.shape_cast %swap3A_721 : vector<1x16xi32> to vector<16xi32>
    %swap3A_723 = vector.shape_cast %convert_element_type3A_717 : vector<16xi32> to vector<1x16xi32>
    tpu.vector_store %arg9[%swap3A_719, %swap3A_720], %swap3A_723 {strides = array<i32>} : memref<10x128xi32, #tpu.memory_space<vmem>>, vector<1x16xi32>,
    %get3A_724 = arith.constant 5 : i32
    %get3A_725 = arith.index_cast %get3A_724 : i32 to index
    %get3A_726 = arith.constant 64 : index
    %get3A_727 = tpu.vector_load %arg8[%get3A_725, %get3A_726] {strides = array<i32>} : memref<10x128xf32, #tpu.memory_space<vmem>>, vector<1x16xf32>,
    %get3A_728 = vector.shape_cast %get3A_727 : vector<1x16xf32> to vector<16xf32>
    %convert_element_type3A_729 = arith.fptosi %get3A_728 : vector<16xf32> to vector<16xi32>
    %swap3A_730 = arith.constant 5 : i32
    %swap3A_731 = arith.index_cast %swap3A_730 : i32 to index
    %swap3A_732 = arith.constant 64 : index
    %swap3A_733 = tpu.vector_load %arg9[%swap3A_731, %swap3A_732] {strides = array<i32>} : memref<10x128xi32, #tpu.memory_space<vmem>>, vector<1x16xi32>,
    %swap3A_734 = vector.shape_cast %swap3A_733 : vector<1x16xi32> to vector<16xi32>
    %swap3A_735 = vector.shape_cast %convert_element_type3A_729 : vector<16xi32> to vector<1x16xi32>
    tpu.vector_store %arg9[%swap3A_731, %swap3A_732], %swap3A_735 {strides = array<i32>} : memref<10x128xi32, #tpu.memory_space<vmem>>, vector<1x16xi32>,
    %get3A_736 = arith.constant 5 : i32
    %get3A_737 = arith.index_cast %get3A_736 : i32 to index
    %get3A_738 = arith.constant 80 : index
    %get3A_739 = tpu.vector_load %arg8[%get3A_737, %get3A_738] {strides = array<i32>} : memref<10x128xf32, #tpu.memory_space<vmem>>, vector<1x16xf32>,
    %get3A_740 = vector.shape_cast %get3A_739 : vector<1x16xf32> to vector<16xf32>
    %convert_element_type3A_741 = arith.fptosi %get3A_740 : vector<16xf32> to vector<16xi32>
    %swap3A_742 = arith.constant 5 : i32
    %swap3A_743 = arith.index_cast %swap3A_742 : i32 to index
    %swap3A_744 = arith.constant 80 : index
    %swap3A_745 = tpu.vector_load %arg9[%swap3A_743, %swap3A_744] {strides = array<i32>} : memref<10x128xi32, #tpu.memory_space<vmem>>, vector<1x16xi32>,
    %swap3A_746 = vector.shape_cast %swap3A_745 : vector<1x16xi32> to vector<16xi32>
    %swap3A_747 = vector.shape_cast %convert_element_type3A_741 : vector<16xi32> to vector<1x16xi32>
    tpu.vector_store %arg9[%swap3A_743, %swap3A_744], %swap3A_747 {strides = array<i32>} : memref<10x128xi32, #tpu.memory_space<vmem>>, vector<1x16xi32>,
    %get3A_748 = arith.constant 5 : i32
    %get3A_749 = arith.index_cast %get3A_748 : i32 to index
    %get3A_750 = arith.constant 96 : index
    %get3A_751 = tpu.vector_load %arg8[%get3A_749, %get3A_750] {strides = array<i32>} : memref<10x128xf32, #tpu.memory_space<vmem>>, vector<1x16xf32>,
    %get3A_752 = vector.shape_cast %get3A_751 : vector<1x16xf32> to vector<16xf32>
    %convert_element_type3A_753 = arith.fptosi %get3A_752 : vector<16xf32> to vector<16xi32>
    %swap3A_754 = arith.constant 5 : i32
    %swap3A_755 = arith.index_cast %swap3A_754 : i32 to index
    %swap3A_756 = arith.constant 96 : index
    %swap3A_757 = tpu.vector_load %arg9[%swap3A_755, %swap3A_756] {strides = array<i32>} : memref<10x128xi32, #tpu.memory_space<vmem>>, vector<1x16xi32>,
    %swap3A_758 = vector.shape_cast %swap3A_757 : vector<1x16xi32> to vector<16xi32>
    %swap3A_759 = vector.shape_cast %convert_element_type3A_753 : vector<16xi32> to vector<1x16xi32>
    tpu.vector_store %arg9[%swap3A_755, %swap3A_756], %swap3A_759 {strides = array<i32>} : memref<10x128xi32, #tpu.memory_space<vmem>>, vector<1x16xi32>,
    %get3A_760 = arith.constant 5 : i32
    %get3A_761 = arith.index_cast %get3A_760 : i32 to index
    %get3A_762 = arith.constant 112 : index
    %get3A_763 = tpu.vector_load %arg8[%get3A_761, %get3A_762] {strides = array<i32>} : memref<10x128xf32, #tpu.memory_space<vmem>>, vector<1x16xf32>,
    %get3A_764 = vector.shape_cast %get3A_763 : vector<1x16xf32> to vector<16xf32>
    %convert_element_type3A_765 = arith.fptosi %get3A_764 : vector<16xf32> to vector<16xi32>
    %swap3A_766 = arith.constant 5 : i32
    %swap3A_767 = arith.index_cast %swap3A_766 : i32 to index
    %swap3A_768 = arith.constant 112 : index
    %swap3A_769 = tpu.vector_load %arg9[%swap3A_767, %swap3A_768] {strides = array<i32>} : memref<10x128xi32, #tpu.memory_space<vmem>>, vector<1x16xi32>,
    %swap3A_770 = vector.shape_cast %swap3A_769 : vector<1x16xi32> to vector<16xi32>
    %swap3A_771 = vector.shape_cast %convert_element_type3A_765 : vector<16xi32> to vector<1x16xi32>
    tpu.vector_store %arg9[%swap3A_767, %swap3A_768], %swap3A_771 {strides = array<i32>} : memref<10x128xi32, #tpu.memory_space<vmem>>, vector<1x16xi32>,
    %get3A_772 = arith.constant 6 : i32
    %get3A_773 = arith.index_cast %get3A_772 : i32 to index
    %get3A_774 = arith.constant 0 : index
    %get3A_775 = tpu.vector_load %arg8[%get3A_773, %get3A_774] {strides = array<i32>} : memref<10x128xf32, #tpu.memory_space<vmem>>, vector<1x16xf32>,
    %get3A_776 = vector.shape_cast %get3A_775 : vector<1x16xf32> to vector<16xf32>
    %convert_element_type3A_777 = arith.fptosi %get3A_776 : vector<16xf32> to vector<16xi32>
    %swap3A_778 = arith.constant 6 : i32
    %swap3A_779 = arith.index_cast %swap3A_778 : i32 to index
    %swap3A_780 = arith.constant 0 : index
    %swap3A_781 = tpu.vector_load %arg9[%swap3A_779, %swap3A_780] {strides = array<i32>} : memref<10x128xi32, #tpu.memory_space<vmem>>, vector<1x16xi32>,
    %swap3A_782 = vector.shape_cast %swap3A_781 : vector<1x16xi32> to vector<16xi32>
    %swap3A_783 = vector.shape_cast %convert_element_type3A_777 : vector<16xi32> to vector<1x16xi32>
    tpu.vector_store %arg9[%swap3A_779, %swap3A_780], %swap3A_783 {strides = array<i32>} : memref<10x128xi32, #tpu.memory_space<vmem>>, vector<1x16xi32>,
    %get3A_784 = arith.constant 6 : i32
    %get3A_785 = arith.index_cast %get3A_784 : i32 to index
    %get3A_786 = arith.constant 16 : index
    %get3A_787 = tpu.vector_load %arg8[%get3A_785, %get3A_786] {strides = array<i32>} : memref<10x128xf32, #tpu.memory_space<vmem>>, vector<1x16xf32>,
    %get3A_788 = vector.shape_cast %get3A_787 : vector<1x16xf32> to vector<16xf32>
    %convert_element_type3A_789 = arith.fptosi %get3A_788 : vector<16xf32> to vector<16xi32>
    %swap3A_790 = arith.constant 6 : i32
    %swap3A_791 = arith.index_cast %swap3A_790 : i32 to index
    %swap3A_792 = arith.constant 16 : index
    %swap3A_793 = tpu.vector_load %arg9[%swap3A_791, %swap3A_792] {strides = array<i32>} : memref<10x128xi32, #tpu.memory_space<vmem>>, vector<1x16xi32>,
    %swap3A_794 = vector.shape_cast %swap3A_793 : vector<1x16xi32> to vector<16xi32>
    %swap3A_795 = vector.shape_cast %convert_element_type3A_789 : vector<16xi32> to vector<1x16xi32>
    tpu.vector_store %arg9[%swap3A_791, %swap3A_792], %swap3A_795 {strides = array<i32>} : memref<10x128xi32, #tpu.memory_space<vmem>>, vector<1x16xi32>,
    %get3A_796 = arith.constant 6 : i32
    %get3A_797 = arith.index_cast %get3A_796 : i32 to index
    %get3A_798 = arith.constant 32 : index
    %get3A_799 = tpu.vector_load %arg8[%get3A_797, %get3A_798] {strides = array<i32>} : memref<10x128xf32, #tpu.memory_space<vmem>>, vector<1x16xf32>,
    %get3A_800 = vector.shape_cast %get3A_799 : vector<1x16xf32> to vector<16xf32>
    %convert_element_type3A_801 = arith.fptosi %get3A_800 : vector<16xf32> to vector<16xi32>
    %swap3A_802 = arith.constant 6 : i32
    %swap3A_803 = arith.index_cast %swap3A_802 : i32 to index
    %swap3A_804 = arith.constant 32 : index
    %swap3A_805 = tpu.vector_load %arg9[%swap3A_803, %swap3A_804] {strides = array<i32>} : memref<10x128xi32, #tpu.memory_space<vmem>>, vector<1x16xi32>,
    %swap3A_806 = vector.shape_cast %swap3A_805 : vector<1x16xi32> to vector<16xi32>
    %swap3A_807 = vector.shape_cast %convert_element_type3A_801 : vector<16xi32> to vector<1x16xi32>
    tpu.vector_store %arg9[%swap3A_803, %swap3A_804], %swap3A_807 {strides = array<i32>} : memref<10x128xi32, #tpu.memory_space<vmem>>, vector<1x16xi32>,
    %get3A_808 = arith.constant 6 : i32
    %get3A_809 = arith.index_cast %get3A_808 : i32 to index
    %get3A_810 = arith.constant 48 : index
    %get3A_811 = tpu.vector_load %arg8[%get3A_809, %get3A_810] {strides = array<i32>} : memref<10x128xf32, #tpu.memory_space<vmem>>, vector<1x16xf32>,
    %get3A_812 = vector.shape_cast %get3A_811 : vector<1x16xf32> to vector<16xf32>
    %convert_element_type3A_813 = arith.fptosi %get3A_812 : vector<16xf32> to vector<16xi32>
    %swap3A_814 = arith.constant 6 : i32
    %swap3A_815 = arith.index_cast %swap3A_814 : i32 to index
    %swap3A_816 = arith.constant 48 : index
    %swap3A_817 = tpu.vector_load %arg9[%swap3A_815, %swap3A_816] {strides = array<i32>} : memref<10x128xi32, #tpu.memory_space<vmem>>, vector<1x16xi32>,
    %swap3A_818 = vector.shape_cast %swap3A_817 : vector<1x16xi32> to vector<16xi32>
    %swap3A_819 = vector.shape_cast %convert_element_type3A_813 : vector<16xi32> to vector<1x16xi32>
    tpu.vector_store %arg9[%swap3A_815, %swap3A_816], %swap3A_819 {strides = array<i32>} : memref<10x128xi32, #tpu.memory_space<vmem>>, vector<1x16xi32>,
    %get3A_820 = arith.constant 6 : i32
    %get3A_821 = arith.index_cast %get3A_820 : i32 to index
    %get3A_822 = arith.constant 64 : index
    %get3A_823 = tpu.vector_load %arg8[%get3A_821, %get3A_822] {strides = array<i32>} : memref<10x128xf32, #tpu.memory_space<vmem>>, vector<1x16xf32>,
    %get3A_824 = vector.shape_cast %get3A_823 : vector<1x16xf32> to vector<16xf32>
    %convert_element_type3A_825 = arith.fptosi %get3A_824 : vector<16xf32> to vector<16xi32>
    %swap3A_826 = arith.constant 6 : i32
    %swap3A_827 = arith.index_cast %swap3A_826 : i32 to index
    %swap3A_828 = arith.constant 64 : index
    %swap3A_829 = tpu.vector_load %arg9[%swap3A_827, %swap3A_828] {strides = array<i32>} : memref<10x128xi32, #tpu.memory_space<vmem>>, vector<1x16xi32>,
    %swap3A_830 = vector.shape_cast %swap3A_829 : vector<1x16xi32> to vector<16xi32>
    %swap3A_831 = vector.shape_cast %convert_element_type3A_825 : vector<16xi32> to vector<1x16xi32>
    tpu.vector_store %arg9[%swap3A_827, %swap3A_828], %swap3A_831 {strides = array<i32>} : memref<10x128xi32, #tpu.memory_space<vmem>>, vector<1x16xi32>,
    %get3A_832 = arith.constant 6 : i32
    %get3A_833 = arith.index_cast %get3A_832 : i32 to index
    %get3A_834 = arith.constant 80 : index
    %get3A_835 = tpu.vector_load %arg8[%get3A_833, %get3A_834] {strides = array<i32>} : memref<10x128xf32, #tpu.memory_space<vmem>>, vector<1x16xf32>,
    %get3A_836 = vector.shape_cast %get3A_835 : vector<1x16xf32> to vector<16xf32>
    %convert_element_type3A_837 = arith.fptosi %get3A_836 : vector<16xf32> to vector<16xi32>
    %swap3A_838 = arith.constant 6 : i32
    %swap3A_839 = arith.index_cast %swap3A_838 : i32 to index
    %swap3A_840 = arith.constant 80 : index
    %swap3A_841 = tpu.vector_load %arg9[%swap3A_839, %swap3A_840] {strides = array<i32>} : memref<10x128xi32, #tpu.memory_space<vmem>>, vector<1x16xi32>,
    %swap3A_842 = vector.shape_cast %swap3A_841 : vector<1x16xi32> to vector<16xi32>
    %swap3A_843 = vector.shape_cast %convert_element_type3A_837 : vector<16xi32> to vector<1x16xi32>
    tpu.vector_store %arg9[%swap3A_839, %swap3A_840], %swap3A_843 {strides = array<i32>} : memref<10x128xi32, #tpu.memory_space<vmem>>, vector<1x16xi32>,
    %get3A_844 = arith.constant 6 : i32
    %get3A_845 = arith.index_cast %get3A_844 : i32 to index
    %get3A_846 = arith.constant 96 : index
    %get3A_847 = tpu.vector_load %arg8[%get3A_845, %get3A_846] {strides = array<i32>} : memref<10x128xf32, #tpu.memory_space<vmem>>, vector<1x16xf32>,
    %get3A_848 = vector.shape_cast %get3A_847 : vector<1x16xf32> to vector<16xf32>
    %convert_element_type3A_849 = arith.fptosi %get3A_848 : vector<16xf32> to vector<16xi32>
    %swap3A_850 = arith.constant 6 : i32
    %swap3A_851 = arith.index_cast %swap3A_850 : i32 to index
    %swap3A_852 = arith.constant 96 : index
    %swap3A_853 = tpu.vector_load %arg9[%swap3A_851, %swap3A_852] {strides = array<i32>} : memref<10x128xi32, #tpu.memory_space<vmem>>, vector<1x16xi32>,
    %swap3A_854 = vector.shape_cast %swap3A_853 : vector<1x16xi32> to vector<16xi32>
    %swap3A_855 = vector.shape_cast %convert_element_type3A_849 : vector<16xi32> to vector<1x16xi32>
    tpu.vector_store %arg9[%swap3A_851, %swap3A_852], %swap3A_855 {strides = array<i32>} : memref<10x128xi32, #tpu.memory_space<vmem>>, vector<1x16xi32>,
    %get3A_856 = arith.constant 6 : i32
    %get3A_857 = arith.index_cast %get3A_856 : i32 to index
    %get3A_858 = arith.constant 112 : index
    %get3A_859 = tpu.vector_load %arg8[%get3A_857, %get3A_858] {strides = array<i32>} : memref<10x128xf32, #tpu.memory_space<vmem>>, vector<1x16xf32>,
    %get3A_860 = vector.shape_cast %get3A_859 : vector<1x16xf32> to vector<16xf32>
    %convert_element_type3A_861 = arith.fptosi %get3A_860 : vector<16xf32> to vector<16xi32>
    %swap3A_862 = arith.constant 6 : i32
    %swap3A_863 = arith.index_cast %swap3A_862 : i32 to index
    %swap3A_864 = arith.constant 112 : index
    %swap3A_865 = tpu.vector_load %arg9[%swap3A_863, %swap3A_864] {strides = array<i32>} : memref<10x128xi32, #tpu.memory_space<vmem>>, vector<1x16xi32>,
    %swap3A_866 = vector.shape_cast %swap3A_865 : vector<1x16xi32> to vector<16xi32>
    %swap3A_867 = vector.shape_cast %convert_element_type3A_861 : vector<16xi32> to vector<1x16xi32>
    tpu.vector_store %arg9[%swap3A_863, %swap3A_864], %swap3A_867 {strides = array<i32>} : memref<10x128xi32, #tpu.memory_space<vmem>>, vector<1x16xi32>,
    %get3A_868 = arith.constant 7 : i32
    %get3A_869 = arith.index_cast %get3A_868 : i32 to index
    %get3A_870 = arith.constant 0 : index
    %get3A_871 = tpu.vector_load %arg8[%get3A_869, %get3A_870] {strides = array<i32>} : memref<10x128xf32, #tpu.memory_space<vmem>>, vector<1x16xf32>,
    %get3A_872 = vector.shape_cast %get3A_871 : vector<1x16xf32> to vector<16xf32>
    %convert_element_type3A_873 = arith.fptosi %get3A_872 : vector<16xf32> to vector<16xi32>
    %swap3A_874 = arith.constant 7 : i32
    %swap3A_875 = arith.index_cast %swap3A_874 : i32 to index
    %swap3A_876 = arith.constant 0 : index
    %swap3A_877 = tpu.vector_load %arg9[%swap3A_875, %swap3A_876] {strides = array<i32>} : memref<10x128xi32, #tpu.memory_space<vmem>>, vector<1x16xi32>,
    %swap3A_878 = vector.shape_cast %swap3A_877 : vector<1x16xi32> to vector<16xi32>
    %swap3A_879 = vector.shape_cast %convert_element_type3A_873 : vector<16xi32> to vector<1x16xi32>
    tpu.vector_store %arg9[%swap3A_875, %swap3A_876], %swap3A_879 {strides = array<i32>} : memref<10x128xi32, #tpu.memory_space<vmem>>, vector<1x16xi32>,
    %get3A_880 = arith.constant 7 : i32
    %get3A_881 = arith.index_cast %get3A_880 : i32 to index
    %get3A_882 = arith.constant 16 : index
    %get3A_883 = tpu.vector_load %arg8[%get3A_881, %get3A_882] {strides = array<i32>} : memref<10x128xf32, #tpu.memory_space<vmem>>, vector<1x16xf32>,
    %get3A_884 = vector.shape_cast %get3A_883 : vector<1x16xf32> to vector<16xf32>
    %convert_element_type3A_885 = arith.fptosi %get3A_884 : vector<16xf32> to vector<16xi32>
    %swap3A_886 = arith.constant 7 : i32
    %swap3A_887 = arith.index_cast %swap3A_886 : i32 to index
    %swap3A_888 = arith.constant 16 : index
    %swap3A_889 = tpu.vector_load %arg9[%swap3A_887, %swap3A_888] {strides = array<i32>} : memref<10x128xi32, #tpu.memory_space<vmem>>, vector<1x16xi32>,
    %swap3A_890 = vector.shape_cast %swap3A_889 : vector<1x16xi32> to vector<16xi32>
    %swap3A_891 = vector.shape_cast %convert_element_type3A_885 : vector<16xi32> to vector<1x16xi32>
    tpu.vector_store %arg9[%swap3A_887, %swap3A_888], %swap3A_891 {strides = array<i32>} : memref<10x128xi32, #tpu.memory_space<vmem>>, vector<1x16xi32>,
    %get3A_892 = arith.constant 7 : i32
    %get3A_893 = arith.index_cast %get3A_892 : i32 to index
    %get3A_894 = arith.constant 32 : index
    %get3A_895 = tpu.vector_load %arg8[%get3A_893, %get3A_894] {strides = array<i32>} : memref<10x128xf32, #tpu.memory_space<vmem>>, vector<1x16xf32>,
    %get3A_896 = vector.shape_cast %get3A_895 : vector<1x16xf32> to vector<16xf32>
    %convert_element_type3A_897 = arith.fptosi %get3A_896 : vector<16xf32> to vector<16xi32>
    %swap3A_898 = arith.constant 7 : i32
    %swap3A_899 = arith.index_cast %swap3A_898 : i32 to index
    %swap3A_900 = arith.constant 32 : index
    %swap3A_901 = tpu.vector_load %arg9[%swap3A_899, %swap3A_900] {strides = array<i32>} : memref<10x128xi32, #tpu.memory_space<vmem>>, vector<1x16xi32>,
    %swap3A_902 = vector.shape_cast %swap3A_901 : vector<1x16xi32> to vector<16xi32>
    %swap3A_903 = vector.shape_cast %convert_element_type3A_897 : vector<16xi32> to vector<1x16xi32>
    tpu.vector_store %arg9[%swap3A_899, %swap3A_900], %swap3A_903 {strides = array<i32>} : memref<10x128xi32, #tpu.memory_space<vmem>>, vector<1x16xi32>,
    %get3A_904 = arith.constant 7 : i32
    %get3A_905 = arith.index_cast %get3A_904 : i32 to index
    %get3A_906 = arith.constant 48 : index
    %get3A_907 = tpu.vector_load %arg8[%get3A_905, %get3A_906] {strides = array<i32>} : memref<10x128xf32, #tpu.memory_space<vmem>>, vector<1x16xf32>,
    %get3A_908 = vector.shape_cast %get3A_907 : vector<1x16xf32> to vector<16xf32>
    %convert_element_type3A_909 = arith.fptosi %get3A_908 : vector<16xf32> to vector<16xi32>
    %swap3A_910 = arith.constant 7 : i32
    %swap3A_911 = arith.index_cast %swap3A_910 : i32 to index
    %swap3A_912 = arith.constant 48 : index
    %swap3A_913 = tpu.vector_load %arg9[%swap3A_911, %swap3A_912] {strides = array<i32>} : memref<10x128xi32, #tpu.memory_space<vmem>>, vector<1x16xi32>,
    %swap3A_914 = vector.shape_cast %swap3A_913 : vector<1x16xi32> to vector<16xi32>
    %swap3A_915 = vector.shape_cast %convert_element_type3A_909 : vector<16xi32> to vector<1x16xi32>
    tpu.vector_store %arg9[%swap3A_911, %swap3A_912], %swap3A_915 {strides = array<i32>} : memref<10x128xi32, #tpu.memory_space<vmem>>, vector<1x16xi32>,
    %get3A_916 = arith.constant 7 : i32
    %get3A_917 = arith.index_cast %get3A_916 : i32 to index
    %get3A_918 = arith.constant 64 : index
    %get3A_919 = tpu.vector_load %arg8[%get3A_917, %get3A_918] {strides = array<i32>} : memref<10x128xf32, #tpu.memory_space<vmem>>, vector<1x16xf32>,
    %get3A_920 = vector.shape_cast %get3A_919 : vector<1x16xf32> to vector<16xf32>
    %convert_element_type3A_921 = arith.fptosi %get3A_920 : vector<16xf32> to vector<16xi32>
    %swap3A_922 = arith.constant 7 : i32
    %swap3A_923 = arith.index_cast %swap3A_922 : i32 to index
    %swap3A_924 = arith.constant 64 : index
    %swap3A_925 = tpu.vector_load %arg9[%swap3A_923, %swap3A_924] {strides = array<i32>} : memref<10x128xi32, #tpu.memory_space<vmem>>, vector<1x16xi32>,
    %swap3A_926 = vector.shape_cast %swap3A_925 : vector<1x16xi32> to vector<16xi32>
    %swap3A_927 = vector.shape_cast %convert_element_type3A_921 : vector<16xi32> to vector<1x16xi32>
    tpu.vector_store %arg9[%swap3A_923, %swap3A_924], %swap3A_927 {strides = array<i32>} : memref<10x128xi32, #tpu.memory_space<vmem>>, vector<1x16xi32>,
    %get3A_928 = arith.constant 7 : i32
    %get3A_929 = arith.index_cast %get3A_928 : i32 to index
    %get3A_930 = arith.constant 80 : index
    %get3A_931 = tpu.vector_load %arg8[%get3A_929, %get3A_930] {strides = array<i32>} : memref<10x128xf32, #tpu.memory_space<vmem>>, vector<1x16xf32>,
    %get3A_932 = vector.shape_cast %get3A_931 : vector<1x16xf32> to vector<16xf32>
    %convert_element_type3A_933 = arith.fptosi %get3A_932 : vector<16xf32> to vector<16xi32>
    %swap3A_934 = arith.constant 7 : i32
    %swap3A_935 = arith.index_cast %swap3A_934 : i32 to index
    %swap3A_936 = arith.constant 80 : index
    %swap3A_937 = tpu.vector_load %arg9[%swap3A_935, %swap3A_936] {strides = array<i32>} : memref<10x128xi32, #tpu.memory_space<vmem>>, vector<1x16xi32>,
    %swap3A_938 = vector.shape_cast %swap3A_937 : vector<1x16xi32> to vector<16xi32>
    %swap3A_939 = vector.shape_cast %convert_element_type3A_933 : vector<16xi32> to vector<1x16xi32>
    tpu.vector_store %arg9[%swap3A_935, %swap3A_936], %swap3A_939 {strides = array<i32>} : memref<10x128xi32, #tpu.memory_space<vmem>>, vector<1x16xi32>,
    %get3A_940 = arith.constant 7 : i32
    %get3A_941 = arith.index_cast %get3A_940 : i32 to index
    %get3A_942 = arith.constant 96 : index
    %get3A_943 = tpu.vector_load %arg8[%get3A_941, %get3A_942] {strides = array<i32>} : memref<10x128xf32, #tpu.memory_space<vmem>>, vector<1x16xf32>,
    %get3A_944 = vector.shape_cast %get3A_943 : vector<1x16xf32> to vector<16xf32>
    %convert_element_type3A_945 = arith.fptosi %get3A_944 : vector<16xf32> to vector<16xi32>
    %swap3A_946 = arith.constant 7 : i32
    %swap3A_947 = arith.index_cast %swap3A_946 : i32 to index
    %swap3A_948 = arith.constant 96 : index
    %swap3A_949 = tpu.vector_load %arg9[%swap3A_947, %swap3A_948] {strides = array<i32>} : memref<10x128xi32, #tpu.memory_space<vmem>>, vector<1x16xi32>,
    %swap3A_950 = vector.shape_cast %swap3A_949 : vector<1x16xi32> to vector<16xi32>
    %swap3A_951 = vector.shape_cast %convert_element_type3A_945 : vector<16xi32> to vector<1x16xi32>
    tpu.vector_store %arg9[%swap3A_947, %swap3A_948], %swap3A_951 {strides = array<i32>} : memref<10x128xi32, #tpu.memory_space<vmem>>, vector<1x16xi32>,
    %get3A_952 = arith.constant 7 : i32
    %get3A_953 = arith.index_cast %get3A_952 : i32 to index
    %get3A_954 = arith.constant 112 : index
    %get3A_955 = tpu.vector_load %arg8[%get3A_953, %get3A_954] {strides = array<i32>} : memref<10x128xf32, #tpu.memory_space<vmem>>, vector<1x16xf32>,
    %get3A_956 = vector.shape_cast %get3A_955 : vector<1x16xf32> to vector<16xf32>
    %convert_element_type3A_957 = arith.fptosi %get3A_956 : vector<16xf32> to vector<16xi32>
    %swap3A_958 = arith.constant 7 : i32
    %swap3A_959 = arith.index_cast %swap3A_958 : i32 to index
    %swap3A_960 = arith.constant 112 : index
    %swap3A_961 = tpu.vector_load %arg9[%swap3A_959, %swap3A_960] {strides = array<i32>} : memref<10x128xi32, #tpu.memory_space<vmem>>, vector<1x16xi32>,
    %swap3A_962 = vector.shape_cast %swap3A_961 : vector<1x16xi32> to vector<16xi32>
    %swap3A_963 = vector.shape_cast %convert_element_type3A_957 : vector<16xi32> to vector<1x16xi32>
    tpu.vector_store %arg9[%swap3A_959, %swap3A_960], %swap3A_963 {strides = array<i32>} : memref<10x128xi32, #tpu.memory_space<vmem>>, vector<1x16xi32>,
    %get3A_964 = arith.constant 8 : i32
    %get3A_965 = arith.index_cast %get3A_964 : i32 to index
    %get3A_966 = arith.constant 0 : index
    %get3A_967 = tpu.vector_load %arg8[%get3A_965, %get3A_966] {strides = array<i32>} : memref<10x128xf32, #tpu.memory_space<vmem>>, vector<1x16xf32>,
    %get3A_968 = vector.shape_cast %get3A_967 : vector<1x16xf32> to vector<16xf32>
    %convert_element_type3A_969 = arith.fptosi %get3A_968 : vector<16xf32> to vector<16xi32>
    %swap3A_970 = arith.constant 8 : i32
    %swap3A_971 = arith.index_cast %swap3A_970 : i32 to index
    %swap3A_972 = arith.constant 0 : index
    %swap3A_973 = tpu.vector_load %arg9[%swap3A_971, %swap3A_972] {strides = array<i32>} : memref<10x128xi32, #tpu.memory_space<vmem>>, vector<1x16xi32>,
    %swap3A_974 = vector.shape_cast %swap3A_973 : vector<1x16xi32> to vector<16xi32>
    %swap3A_975 = vector.shape_cast %convert_element_type3A_969 : vector<16xi32> to vector<1x16xi32>
    tpu.vector_store %arg9[%swap3A_971, %swap3A_972], %swap3A_975 {strides = array<i32>} : memref<10x128xi32, #tpu.memory_space<vmem>>, vector<1x16xi32>,
    %get3A_976 = arith.constant 8 : i32
    %get3A_977 = arith.index_cast %get3A_976 : i32 to index
    %get3A_978 = arith.constant 16 : index
    %get3A_979 = tpu.vector_load %arg8[%get3A_977, %get3A_978] {strides = array<i32>} : memref<10x128xf32, #tpu.memory_space<vmem>>, vector<1x16xf32>,
    %get3A_980 = vector.shape_cast %get3A_979 : vector<1x16xf32> to vector<16xf32>
    %convert_element_type3A_981 = arith.fptosi %get3A_980 : vector<16xf32> to vector<16xi32>
    %swap3A_982 = arith.constant 8 : i32
    %swap3A_983 = arith.index_cast %swap3A_982 : i32 to index
    %swap3A_984 = arith.constant 16 : index
    %swap3A_985 = tpu.vector_load %arg9[%swap3A_983, %swap3A_984] {strides = array<i32>} : memref<10x128xi32, #tpu.memory_space<vmem>>, vector<1x16xi32>,
    %swap3A_986 = vector.shape_cast %swap3A_985 : vector<1x16xi32> to vector<16xi32>
    %swap3A_987 = vector.shape_cast %convert_element_type3A_981 : vector<16xi32> to vector<1x16xi32>
    tpu.vector_store %arg9[%swap3A_983, %swap3A_984], %swap3A_987 {strides = array<i32>} : memref<10x128xi32, #tpu.memory_space<vmem>>, vector<1x16xi32>,
    %get3A_988 = arith.constant 8 : i32
    %get3A_989 = arith.index_cast %get3A_988 : i32 to index
    %get3A_990 = arith.constant 32 : index
    %get3A_991 = tpu.vector_load %arg8[%get3A_989, %get3A_990] {strides = array<i32>} : memref<10x128xf32, #tpu.memory_space<vmem>>, vector<1x16xf32>,
    %get3A_992 = vector.shape_cast %get3A_991 : vector<1x16xf32> to vector<16xf32>
    %convert_element_type3A_993 = arith.fptosi %get3A_992 : vector<16xf32> to vector<16xi32>
    %swap3A_994 = arith.constant 8 : i32
    %swap3A_995 = arith.index_cast %swap3A_994 : i32 to index
    %swap3A_996 = arith.constant 32 : index
    %swap3A_997 = tpu.vector_load %arg9[%swap3A_995, %swap3A_996] {strides = array<i32>} : memref<10x128xi32, #tpu.memory_space<vmem>>, vector<1x16xi32>,
    %swap3A_998 = vector.shape_cast %swap3A_997 : vector<1x16xi32> to vector<16xi32>
    %swap3A_999 = vector.shape_cast %convert_element_type3A_993 : vector<16xi32> to vector<1x16xi32>
    tpu.vector_store %arg9[%swap3A_995, %swap3A_996], %swap3A_999 {strides = array<i32>} : memref<10x128xi32, #tpu.memory_space<vmem>>, vector<1x16xi32>,
    %get3A_1000 = arith.constant 8 : i32
    %get3A_1001 = arith.index_cast %get3A_1000 : i32 to index
    %get3A_1002 = arith.constant 48 : index
    %get3A_1003 = tpu.vector_load %arg8[%get3A_1001, %get3A_1002] {strides = array<i32>} : memref<10x128xf32, #tpu.memory_space<vmem>>, vector<1x16xf32>,
    %get3A_1004 = vector.shape_cast %get3A_1003 : vector<1x16xf32> to vector<16xf32>
    %convert_element_type3A_1005 = arith.fptosi %get3A_1004 : vector<16xf32> to vector<16xi32>
    %swap3A_1006 = arith.constant 8 : i32
    %swap3A_1007 = arith.index_cast %swap3A_1006 : i32 to index
    %swap3A_1008 = arith.constant 48 : index
    %swap3A_1009 = tpu.vector_load %arg9[%swap3A_1007, %swap3A_1008] {strides = array<i32>} : memref<10x128xi32, #tpu.memory_space<vmem>>, vector<1x16xi32>,
    %swap3A_1010 = vector.shape_cast %swap3A_1009 : vector<1x16xi32> to vector<16xi32>
    %swap3A_1011 = vector.shape_cast %convert_element_type3A_1005 : vector<16xi32> to vector<1x16xi32>
    tpu.vector_store %arg9[%swap3A_1007, %swap3A_1008], %swap3A_1011 {strides = array<i32>} : memref<10x128xi32, #tpu.memory_space<vmem>>, vector<1x16xi32>,
    %get3A_1012 = arith.constant 8 : i32
    %get3A_1013 = arith.index_cast %get3A_1012 : i32 to index
    %get3A_1014 = arith.constant 64 : index
    %get3A_1015 = tpu.vector_load %arg8[%get3A_1013, %get3A_1014] {strides = array<i32>} : memref<10x128xf32, #tpu.memory_space<vmem>>, vector<1x16xf32>,
    %get3A_1016 = vector.shape_cast %get3A_1015 : vector<1x16xf32> to vector<16xf32>
    %convert_element_type3A_1017 = arith.fptosi %get3A_1016 : vector<16xf32> to vector<16xi32>
    %swap3A_1018 = arith.constant 8 : i32
    %swap3A_1019 = arith.index_cast %swap3A_1018 : i32 to index
    %swap3A_1020 = arith.constant 64 : index
    %swap3A_1021 = tpu.vector_load %arg9[%swap3A_1019, %swap3A_1020] {strides = array<i32>} : memref<10x128xi32, #tpu.memory_space<vmem>>, vector<1x16xi32>,
    %swap3A_1022 = vector.shape_cast %swap3A_1021 : vector<1x16xi32> to vector<16xi32>
    %swap3A_1023 = vector.shape_cast %convert_element_type3A_1017 : vector<16xi32> to vector<1x16xi32>
    tpu.vector_store %arg9[%swap3A_1019, %swap3A_1020], %swap3A_1023 {strides = array<i32>} : memref<10x128xi32, #tpu.memory_space<vmem>>, vector<1x16xi32>,
    %get3A_1024 = arith.constant 8 : i32
    %get3A_1025 = arith.index_cast %get3A_1024 : i32 to index
    %get3A_1026 = arith.constant 80 : index
    %get3A_1027 = tpu.vector_load %arg8[%get3A_1025, %get3A_1026] {strides = array<i32>} : memref<10x128xf32, #tpu.memory_space<vmem>>, vector<1x16xf32>,
    %get3A_1028 = vector.shape_cast %get3A_1027 : vector<1x16xf32> to vector<16xf32>
    %convert_element_type3A_1029 = arith.fptosi %get3A_1028 : vector<16xf32> to vector<16xi32>
    %swap3A_1030 = arith.constant 8 : i32
    %swap3A_1031 = arith.index_cast %swap3A_1030 : i32 to index
    %swap3A_1032 = arith.constant 80 : index
    %swap3A_1033 = tpu.vector_load %arg9[%swap3A_1031, %swap3A_1032] {strides = array<i32>} : memref<10x128xi32, #tpu.memory_space<vmem>>, vector<1x16xi32>,
    %swap3A_1034 = vector.shape_cast %swap3A_1033 : vector<1x16xi32> to vector<16xi32>
    %swap3A_1035 = vector.shape_cast %convert_element_type3A_1029 : vector<16xi32> to vector<1x16xi32>
    tpu.vector_store %arg9[%swap3A_1031, %swap3A_1032], %swap3A_1035 {strides = array<i32>} : memref<10x128xi32, #tpu.memory_space<vmem>>, vector<1x16xi32>,
    %get3A_1036 = arith.constant 8 : i32
    %get3A_1037 = arith.index_cast %get3A_1036 : i32 to index
    %get3A_1038 = arith.constant 96 : index
    %get3A_1039 = tpu.vector_load %arg8[%get3A_1037, %get3A_1038] {strides = array<i32>} : memref<10x128xf32, #tpu.memory_space<vmem>>, vector<1x16xf32>,
    %get3A_1040 = vector.shape_cast %get3A_1039 : vector<1x16xf32> to vector<16xf32>
    %convert_element_type3A_1041 = arith.fptosi %get3A_1040 : vector<16xf32> to vector<16xi32>
    %swap3A_1042 = arith.constant 8 : i32
    %swap3A_1043 = arith.index_cast %swap3A_1042 : i32 to index
    %swap3A_1044 = arith.constant 96 : index
    %swap3A_1045 = tpu.vector_load %arg9[%swap3A_1043, %swap3A_1044] {strides = array<i32>} : memref<10x128xi32, #tpu.memory_space<vmem>>, vector<1x16xi32>,
    %swap3A_1046 = vector.shape_cast %swap3A_1045 : vector<1x16xi32> to vector<16xi32>
    %swap3A_1047 = vector.shape_cast %convert_element_type3A_1041 : vector<16xi32> to vector<1x16xi32>
    tpu.vector_store %arg9[%swap3A_1043, %swap3A_1044], %swap3A_1047 {strides = array<i32>} : memref<10x128xi32, #tpu.memory_space<vmem>>, vector<1x16xi32>,
    %get3A_1048 = arith.constant 8 : i32
    %get3A_1049 = arith.index_cast %get3A_1048 : i32 to index
    %get3A_1050 = arith.constant 112 : index
    %get3A_1051 = tpu.vector_load %arg8[%get3A_1049, %get3A_1050] {strides = array<i32>} : memref<10x128xf32, #tpu.memory_space<vmem>>, vector<1x16xf32>,
    %get3A_1052 = vector.shape_cast %get3A_1051 : vector<1x16xf32> to vector<16xf32>
    %convert_element_type3A_1053 = arith.fptosi %get3A_1052 : vector<16xf32> to vector<16xi32>
    %swap3A_1054 = arith.constant 8 : i32
    %swap3A_1055 = arith.index_cast %swap3A_1054 : i32 to index
    %swap3A_1056 = arith.constant 112 : index
    %swap3A_1057 = tpu.vector_load %arg9[%swap3A_1055, %swap3A_1056] {strides = array<i32>} : memref<10x128xi32, #tpu.memory_space<vmem>>, vector<1x16xi32>,
    %swap3A_1058 = vector.shape_cast %swap3A_1057 : vector<1x16xi32> to vector<16xi32>
    %swap3A_1059 = vector.shape_cast %convert_element_type3A_1053 : vector<16xi32> to vector<1x16xi32>
    tpu.vector_store %arg9[%swap3A_1055, %swap3A_1056], %swap3A_1059 {strides = array<i32>} : memref<10x128xi32, #tpu.memory_space<vmem>>, vector<1x16xi32>,
    %get3A_1060 = arith.constant 9 : i32
    %get3A_1061 = arith.index_cast %get3A_1060 : i32 to index
    %get3A_1062 = arith.constant 0 : index
    %get3A_1063 = tpu.vector_load %arg8[%get3A_1061, %get3A_1062] {strides = array<i32>} : memref<10x128xf32, #tpu.memory_space<vmem>>, vector<1x16xf32>,
    %get3A_1064 = vector.shape_cast %get3A_1063 : vector<1x16xf32> to vector<16xf32>
    %convert_element_type3A_1065 = arith.fptosi %get3A_1064 : vector<16xf32> to vector<16xi32>
    %swap3A_1066 = arith.constant 9 : i32
    %swap3A_1067 = arith.index_cast %swap3A_1066 : i32 to index
    %swap3A_1068 = arith.constant 0 : index
    %swap3A_1069 = tpu.vector_load %arg9[%swap3A_1067, %swap3A_1068] {strides = array<i32>} : memref<10x128xi32, #tpu.memory_space<vmem>>, vector<1x16xi32>,
    %swap3A_1070 = vector.shape_cast %swap3A_1069 : vector<1x16xi32> to vector<16xi32>
    %swap3A_1071 = vector.shape_cast %convert_element_type3A_1065 : vector<16xi32> to vector<1x16xi32>
    tpu.vector_store %arg9[%swap3A_1067, %swap3A_1068], %swap3A_1071 {strides = array<i32>} : memref<10x128xi32, #tpu.memory_space<vmem>>, vector<1x16xi32>,
    %get3A_1072 = arith.constant 9 : i32
    %get3A_1073 = arith.index_cast %get3A_1072 : i32 to index
    %get3A_1074 = arith.constant 16 : index
    %get3A_1075 = tpu.vector_load %arg8[%get3A_1073, %get3A_1074] {strides = array<i32>} : memref<10x128xf32, #tpu.memory_space<vmem>>, vector<1x16xf32>,
    %get3A_1076 = vector.shape_cast %get3A_1075 : vector<1x16xf32> to vector<16xf32>
    %convert_element_type3A_1077 = arith.fptosi %get3A_1076 : vector<16xf32> to vector<16xi32>
    %swap3A_1078 = arith.constant 9 : i32
    %swap3A_1079 = arith.index_cast %swap3A_1078 : i32 to index
    %swap3A_1080 = arith.constant 16 : index
    %swap3A_1081 = tpu.vector_load %arg9[%swap3A_1079, %swap3A_1080] {strides = array<i32>} : memref<10x128xi32, #tpu.memory_space<vmem>>, vector<1x16xi32>,
    %swap3A_1082 = vector.shape_cast %swap3A_1081 : vector<1x16xi32> to vector<16xi32>
    %swap3A_1083 = vector.shape_cast %convert_element_type3A_1077 : vector<16xi32> to vector<1x16xi32>
    tpu.vector_store %arg9[%swap3A_1079, %swap3A_1080], %swap3A_1083 {strides = array<i32>} : memref<10x128xi32, #tpu.memory_space<vmem>>, vector<1x16xi32>,
    %get3A_1084 = arith.constant 9 : i32
    %get3A_1085 = arith.index_cast %get3A_1084 : i32 to index
    %get3A_1086 = arith.constant 32 : index
    %get3A_1087 = tpu.vector_load %arg8[%get3A_1085, %get3A_1086] {strides = array<i32>} : memref<10x128xf32, #tpu.memory_space<vmem>>, vector<1x16xf32>,
    %get3A_1088 = vector.shape_cast %get3A_1087 : vector<1x16xf32> to vector<16xf32>
    %convert_element_type3A_1089 = arith.fptosi %get3A_1088 : vector<16xf32> to vector<16xi32>
    %swap3A_1090 = arith.constant 9 : i32
    %swap3A_1091 = arith.index_cast %swap3A_1090 : i32 to index
    %swap3A_1092 = arith.constant 32 : index
    %swap3A_1093 = tpu.vector_load %arg9[%swap3A_1091, %swap3A_1092] {strides = array<i32>} : memref<10x128xi32, #tpu.memory_space<vmem>>, vector<1x16xi32>,
    %swap3A_1094 = vector.shape_cast %swap3A_1093 : vector<1x16xi32> to vector<16xi32>
    %swap3A_1095 = vector.shape_cast %convert_element_type3A_1089 : vector<16xi32> to vector<1x16xi32>
    tpu.vector_store %arg9[%swap3A_1091, %swap3A_1092], %swap3A_1095 {strides = array<i32>} : memref<10x128xi32, #tpu.memory_space<vmem>>, vector<1x16xi32>,
    %get3A_1096 = arith.constant 9 : i32
    %get3A_1097 = arith.index_cast %get3A_1096 : i32 to index
    %get3A_1098 = arith.constant 48 : index
    %get3A_1099 = tpu.vector_load %arg8[%get3A_1097, %get3A_1098] {strides = array<i32>} : memref<10x128xf32, #tpu.memory_space<vmem>>, vector<1x16xf32>,
    %get3A_1100 = vector.shape_cast %get3A_1099 : vector<1x16xf32> to vector<16xf32>
    %convert_element_type3A_1101 = arith.fptosi %get3A_1100 : vector<16xf32> to vector<16xi32>
    %swap3A_1102 = arith.constant 9 : i32
    %swap3A_1103 = arith.index_cast %swap3A_1102 : i32 to index
    %swap3A_1104 = arith.constant 48 : index
    %swap3A_1105 = tpu.vector_load %arg9[%swap3A_1103, %swap3A_1104] {strides = array<i32>} : memref<10x128xi32, #tpu.memory_space<vmem>>, vector<1x16xi32>,
    %swap3A_1106 = vector.shape_cast %swap3A_1105 : vector<1x16xi32> to vector<16xi32>
    %swap3A_1107 = vector.shape_cast %convert_element_type3A_1101 : vector<16xi32> to vector<1x16xi32>
    tpu.vector_store %arg9[%swap3A_1103, %swap3A_1104], %swap3A_1107 {strides = array<i32>} : memref<10x128xi32, #tpu.memory_space<vmem>>, vector<1x16xi32>,
    %get3A_1108 = arith.constant 9 : i32
    %get3A_1109 = arith.index_cast %get3A_1108 : i32 to index
    %get3A_1110 = arith.constant 64 : index
    %get3A_1111 = tpu.vector_load %arg8[%get3A_1109, %get3A_1110] {strides = array<i32>} : memref<10x128xf32, #tpu.memory_space<vmem>>, vector<1x16xf32>,
    %get3A_1112 = vector.shape_cast %get3A_1111 : vector<1x16xf32> to vector<16xf32>
    %convert_element_type3A_1113 = arith.fptosi %get3A_1112 : vector<16xf32> to vector<16xi32>
    %swap3A_1114 = arith.constant 9 : i32
    %swap3A_1115 = arith.index_cast %swap3A_1114 : i32 to index
    %swap3A_1116 = arith.constant 64 : index
    %swap3A_1117 = tpu.vector_load %arg9[%swap3A_1115, %swap3A_1116] {strides = array<i32>} : memref<10x128xi32, #tpu.memory_space<vmem>>, vector<1x16xi32>,
    %swap3A_1118 = vector.shape_cast %swap3A_1117 : vector<1x16xi32> to vector<16xi32>
    %swap3A_1119 = vector.shape_cast %convert_element_type3A_1113 : vector<16xi32> to vector<1x16xi32>
    tpu.vector_store %arg9[%swap3A_1115, %swap3A_1116], %swap3A_1119 {strides = array<i32>} : memref<10x128xi32, #tpu.memory_space<vmem>>, vector<1x16xi32>,
    %get3A_1120 = arith.constant 9 : i32
    %get3A_1121 = arith.index_cast %get3A_1120 : i32 to index
    %get3A_1122 = arith.constant 80 : index
    %get3A_1123 = tpu.vector_load %arg8[%get3A_1121, %get3A_1122] {strides = array<i32>} : memref<10x128xf32, #tpu.memory_space<vmem>>, vector<1x16xf32>,
    %get3A_1124 = vector.shape_cast %get3A_1123 : vector<1x16xf32> to vector<16xf32>
    %convert_element_type3A_1125 = arith.fptosi %get3A_1124 : vector<16xf32> to vector<16xi32>
    %swap3A_1126 = arith.constant 9 : i32
    %swap3A_1127 = arith.index_cast %swap3A_1126 : i32 to index
    %swap3A_1128 = arith.constant 80 : index
    %swap3A_1129 = tpu.vector_load %arg9[%swap3A_1127, %swap3A_1128] {strides = array<i32>} : memref<10x128xi32, #tpu.memory_space<vmem>>, vector<1x16xi32>,
    %swap3A_1130 = vector.shape_cast %swap3A_1129 : vector<1x16xi32> to vector<16xi32>
    %swap3A_1131 = vector.shape_cast %convert_element_type3A_1125 : vector<16xi32> to vector<1x16xi32>
    tpu.vector_store %arg9[%swap3A_1127, %swap3A_1128], %swap3A_1131 {strides = array<i32>} : memref<10x128xi32, #tpu.memory_space<vmem>>, vector<1x16xi32>,
    %get3A_1132 = arith.constant 9 : i32
    %get3A_1133 = arith.index_cast %get3A_1132 : i32 to index
    %get3A_1134 = arith.constant 96 : index
    %get3A_1135 = tpu.vector_load %arg8[%get3A_1133, %get3A_1134] {strides = array<i32>} : memref<10x128xf32, #tpu.memory_space<vmem>>, vector<1x16xf32>,
    %get3A_1136 = vector.shape_cast %get3A_1135 : vector<1x16xf32> to vector<16xf32>
    %convert_element_type3A_1137 = arith.fptosi %get3A_1136 : vector<16xf32> to vector<16xi32>
    %swap3A_1138 = arith.constant 9 : i32
    %swap3A_1139 = arith.index_cast %swap3A_1138 : i32 to index
    %swap3A_1140 = arith.constant 96 : index
    %swap3A_1141 = tpu.vector_load %arg9[%swap3A_1139, %swap3A_1140] {strides = array<i32>} : memref<10x128xi32, #tpu.memory_space<vmem>>, vector<1x16xi32>,
    %swap3A_1142 = vector.shape_cast %swap3A_1141 : vector<1x16xi32> to vector<16xi32>
    %swap3A_1143 = vector.shape_cast %convert_element_type3A_1137 : vector<16xi32> to vector<1x16xi32>
    tpu.vector_store %arg9[%swap3A_1139, %swap3A_1140], %swap3A_1143 {strides = array<i32>} : memref<10x128xi32, #tpu.memory_space<vmem>>, vector<1x16xi32>,
    %get3A_1144 = arith.constant 9 : i32
    %get3A_1145 = arith.index_cast %get3A_1144 : i32 to index
    %get3A_1146 = arith.constant 112 : index
    %get3A_1147 = tpu.vector_load %arg8[%get3A_1145, %get3A_1146] {strides = array<i32>} : memref<10x128xf32, #tpu.memory_space<vmem>>, vector<1x16xf32>,
    %get3A_1148 = vector.shape_cast %get3A_1147 : vector<1x16xf32> to vector<16xf32>
    %convert_element_type3A_1149 = arith.fptosi %get3A_1148 : vector<16xf32> to vector<16xi32>
    %swap3A_1150 = arith.constant 9 : i32
    %swap3A_1151 = arith.index_cast %swap3A_1150 : i32 to index
    %swap3A_1152 = arith.constant 112 : index
    %swap3A_1153 = tpu.vector_load %arg9[%swap3A_1151, %swap3A_1152] {strides = array<i32>} : memref<10x128xi32, #tpu.memory_space<vmem>>, vector<1x16xi32>,
    %swap3A_1154 = vector.shape_cast %swap3A_1153 : vector<1x16xi32> to vector<16xi32>
    %swap3A_1155 = vector.shape_cast %convert_element_type3A_1149 : vector<16xi32> to vector<1x16xi32>
    tpu.vector_store %arg9[%swap3A_1151, %swap3A_1152], %swap3A_1155 {strides = array<i32>} : memref<10x128xi32, #tpu.memory_space<vmem>>, vector<1x16xi32>,
    %dma_start3A_1156 = arith.constant 0 : i32
    %dma_start3A_1157 = arith.constant 0 : i32
    %dma_start3A_1158 = arith.constant 0 : i32
    %dma_start3A_1159 = tpu.memref_slice %arg10[%dma_start3A_1157, %dma_start3A_1158] : memref<10x128xf32, #tpu.memory_space<vmem>> -> memref<1x128xf32, #tpu.memory_space<vmem>>
    %dma_start3A_1160 = tpu.memref_squeeze %dma_start3A_1159 : memref<1x128xf32, #tpu.memory_space<vmem>> -> memref<128xf32, #tpu.memory_space<vmem>>
    %dma_start3A_1161 = arith.constant 0 : i32
    %dma_start3A_1162 = tpu.memref_slice %arg9[%dma_start3A_1156, %dma_start3A_1161] : memref<10x128xi32, #tpu.memory_space<vmem>> -> memref<1x128xi32, #tpu.memory_space<vmem>>
    %dma_start3A_1163 = tpu.memref_squeeze %dma_start3A_1162 : memref<1x128xi32, #tpu.memory_space<vmem>> -> memref<128xi32, #tpu.memory_space<vmem>>
    %dma_start3A_1164 = arith.constant 0 : i32
    %dma_start3A_1165 = tpu.memref_slice %arg3[%dma_start3A_1164] : memref<40960xf32, #tpu.memory_space<hbm>> -> memref<40960xf32, #tpu.memory_space<hbm>>
    tpu.enqueue_indirect_dma source(%dma_start3A_1165 : memref<40960xf32, #tpu.memory_space<hbm>>) target(%dma_start3A_1160 : memref<128xf32, #tpu.memory_space<vmem>>) offsets(%dma_start3A_1163 : memref<128xi32, #tpu.memory_space<vmem>>) semaphore(%arg13 : memref<!tpu.dma_semaphore, #tpu.memory_space<semaphore_mem>>)
    %dma_start3A_1166 = arith.constant 1 : i32
    %dma_start3A_1167 = arith.constant 1 : i32
    %dma_start3A_1168 = arith.constant 0 : i32
    %dma_start3A_1169 = tpu.memref_slice %arg10[%dma_start3A_1167, %dma_start3A_1168] : memref<10x128xf32, #tpu.memory_space<vmem>> -> memref<1x128xf32, #tpu.memory_space<vmem>>
    %dma_start3A_1170 = tpu.memref_squeeze %dma_start3A_1169 : memref<1x128xf32, #tpu.memory_space<vmem>> -> memref<128xf32, #tpu.memory_space<vmem>>
    %dma_start3A_1171 = arith.constant 0 : i32
    %dma_start3A_1172 = tpu.memref_slice %arg9[%dma_start3A_1166, %dma_start3A_1171] : memref<10x128xi32, #tpu.memory_space<vmem>> -> memref<1x128xi32, #tpu.memory_space<vmem>>
    %dma_start3A_1173 = tpu.memref_squeeze %dma_start3A_1172 : memref<1x128xi32, #tpu.memory_space<vmem>> -> memref<128xi32, #tpu.memory_space<vmem>>
    %dma_start3A_1174 = arith.constant 0 : i32
    %dma_start3A_1175 = tpu.memref_slice %arg3[%dma_start3A_1174] : memref<40960xf32, #tpu.memory_space<hbm>> -> memref<40960xf32, #tpu.memory_space<hbm>>
    tpu.enqueue_indirect_dma source(%dma_start3A_1175 : memref<40960xf32, #tpu.memory_space<hbm>>) target(%dma_start3A_1170 : memref<128xf32, #tpu.memory_space<vmem>>) offsets(%dma_start3A_1173 : memref<128xi32, #tpu.memory_space<vmem>>) semaphore(%arg13 : memref<!tpu.dma_semaphore, #tpu.memory_space<semaphore_mem>>)
    %dma_start3A_1176 = arith.constant 2 : i32
    %dma_start3A_1177 = arith.constant 2 : i32
    %dma_start3A_1178 = arith.constant 0 : i32
    %dma_start3A_1179 = tpu.memref_slice %arg10[%dma_start3A_1177, %dma_start3A_1178] : memref<10x128xf32, #tpu.memory_space<vmem>> -> memref<1x128xf32, #tpu.memory_space<vmem>>
    %dma_start3A_1180 = tpu.memref_squeeze %dma_start3A_1179 : memref<1x128xf32, #tpu.memory_space<vmem>> -> memref<128xf32, #tpu.memory_space<vmem>>
    %dma_start3A_1181 = arith.constant 0 : i32
    %dma_start3A_1182 = tpu.memref_slice %arg9[%dma_start3A_1176, %dma_start3A_1181] : memref<10x128xi32, #tpu.memory_space<vmem>> -> memref<1x128xi32, #tpu.memory_space<vmem>>
    %dma_start3A_1183 = tpu.memref_squeeze %dma_start3A_1182 : memref<1x128xi32, #tpu.memory_space<vmem>> -> memref<128xi32, #tpu.memory_space<vmem>>
    %dma_start3A_1184 = arith.constant 0 : i32
    %dma_start3A_1185 = tpu.memref_slice %arg3[%dma_start3A_1184] : memref<40960xf32, #tpu.memory_space<hbm>> -> memref<40960xf32, #tpu.memory_space<hbm>>
    tpu.enqueue_indirect_dma source(%dma_start3A_1185 : memref<40960xf32, #tpu.memory_space<hbm>>) target(%dma_start3A_1180 : memref<128xf32, #tpu.memory_space<vmem>>) offsets(%dma_start3A_1183 : memref<128xi32, #tpu.memory_space<vmem>>) semaphore(%arg13 : memref<!tpu.dma_semaphore, #tpu.memory_space<semaphore_mem>>)
    %dma_start3A_1186 = arith.constant 3 : i32
    %dma_start3A_1187 = arith.constant 3 : i32
    %dma_start3A_1188 = arith.constant 0 : i32
    %dma_start3A_1189 = tpu.memref_slice %arg10[%dma_start3A_1187, %dma_start3A_1188] : memref<10x128xf32, #tpu.memory_space<vmem>> -> memref<1x128xf32, #tpu.memory_space<vmem>>
    %dma_start3A_1190 = tpu.memref_squeeze %dma_start3A_1189 : memref<1x128xf32, #tpu.memory_space<vmem>> -> memref<128xf32, #tpu.memory_space<vmem>>
    %dma_start3A_1191 = arith.constant 0 : i32
    %dma_start3A_1192 = tpu.memref_slice %arg9[%dma_start3A_1186, %dma_start3A_1191] : memref<10x128xi32, #tpu.memory_space<vmem>> -> memref<1x128xi32, #tpu.memory_space<vmem>>
    %dma_start3A_1193 = tpu.memref_squeeze %dma_start3A_1192 : memref<1x128xi32, #tpu.memory_space<vmem>> -> memref<128xi32, #tpu.memory_space<vmem>>
    %dma_start3A_1194 = arith.constant 0 : i32
    %dma_start3A_1195 = tpu.memref_slice %arg3[%dma_start3A_1194] : memref<40960xf32, #tpu.memory_space<hbm>> -> memref<40960xf32, #tpu.memory_space<hbm>>
    tpu.enqueue_indirect_dma source(%dma_start3A_1195 : memref<40960xf32, #tpu.memory_space<hbm>>) target(%dma_start3A_1190 : memref<128xf32, #tpu.memory_space<vmem>>) offsets(%dma_start3A_1193 : memref<128xi32, #tpu.memory_space<vmem>>) semaphore(%arg13 : memref<!tpu.dma_semaphore, #tpu.memory_space<semaphore_mem>>)
    %dma_start3A_1196 = arith.constant 4 : i32
    %dma_start3A_1197 = arith.constant 4 : i32
    %dma_start3A_1198 = arith.constant 0 : i32
    %dma_start3A_1199 = tpu.memref_slice %arg10[%dma_start3A_1197, %dma_start3A_1198] : memref<10x128xf32, #tpu.memory_space<vmem>> -> memref<1x128xf32, #tpu.memory_space<vmem>>
    %dma_start3A_1200 = tpu.memref_squeeze %dma_start3A_1199 : memref<1x128xf32, #tpu.memory_space<vmem>> -> memref<128xf32, #tpu.memory_space<vmem>>
    %dma_start3A_1201 = arith.constant 0 : i32
    %dma_start3A_1202 = tpu.memref_slice %arg9[%dma_start3A_1196, %dma_start3A_1201] : memref<10x128xi32, #tpu.memory_space<vmem>> -> memref<1x128xi32, #tpu.memory_space<vmem>>
    %dma_start3A_1203 = tpu.memref_squeeze %dma_start3A_1202 : memref<1x128xi32, #tpu.memory_space<vmem>> -> memref<128xi32, #tpu.memory_space<vmem>>
    %dma_start3A_1204 = arith.constant 0 : i32
    %dma_start3A_1205 = tpu.memref_slice %arg3[%dma_start3A_1204] : memref<40960xf32, #tpu.memory_space<hbm>> -> memref<40960xf32, #tpu.memory_space<hbm>>
    tpu.enqueue_indirect_dma source(%dma_start3A_1205 : memref<40960xf32, #tpu.memory_space<hbm>>) target(%dma_start3A_1200 : memref<128xf32, #tpu.memory_space<vmem>>) offsets(%dma_start3A_1203 : memref<128xi32, #tpu.memory_space<vmem>>) semaphore(%arg13 : memref<!tpu.dma_semaphore, #tpu.memory_space<semaphore_mem>>)
    %dma_start3A_1206 = arith.constant 5 : i32
    %dma_start3A_1207 = arith.constant 5 : i32
    %dma_start3A_1208 = arith.constant 0 : i32
    %dma_start3A_1209 = tpu.memref_slice %arg10[%dma_start3A_1207, %dma_start3A_1208] : memref<10x128xf32, #tpu.memory_space<vmem>> -> memref<1x128xf32, #tpu.memory_space<vmem>>
    %dma_start3A_1210 = tpu.memref_squeeze %dma_start3A_1209 : memref<1x128xf32, #tpu.memory_space<vmem>> -> memref<128xf32, #tpu.memory_space<vmem>>
    %dma_start3A_1211 = arith.constant 0 : i32
    %dma_start3A_1212 = tpu.memref_slice %arg9[%dma_start3A_1206, %dma_start3A_1211] : memref<10x128xi32, #tpu.memory_space<vmem>> -> memref<1x128xi32, #tpu.memory_space<vmem>>
    %dma_start3A_1213 = tpu.memref_squeeze %dma_start3A_1212 : memref<1x128xi32, #tpu.memory_space<vmem>> -> memref<128xi32, #tpu.memory_space<vmem>>
    %dma_start3A_1214 = arith.constant 0 : i32
    %dma_start3A_1215 = tpu.memref_slice %arg3[%dma_start3A_1214] : memref<40960xf32, #tpu.memory_space<hbm>> -> memref<40960xf32, #tpu.memory_space<hbm>>
    tpu.enqueue_indirect_dma source(%dma_start3A_1215 : memref<40960xf32, #tpu.memory_space<hbm>>) target(%dma_start3A_1210 : memref<128xf32, #tpu.memory_space<vmem>>) offsets(%dma_start3A_1213 : memref<128xi32, #tpu.memory_space<vmem>>) semaphore(%arg13 : memref<!tpu.dma_semaphore, #tpu.memory_space<semaphore_mem>>)
    %dma_start3A_1216 = arith.constant 6 : i32
    %dma_start3A_1217 = arith.constant 6 : i32
    %dma_start3A_1218 = arith.constant 0 : i32
    %dma_start3A_1219 = tpu.memref_slice %arg10[%dma_start3A_1217, %dma_start3A_1218] : memref<10x128xf32, #tpu.memory_space<vmem>> -> memref<1x128xf32, #tpu.memory_space<vmem>>
    %dma_start3A_1220 = tpu.memref_squeeze %dma_start3A_1219 : memref<1x128xf32, #tpu.memory_space<vmem>> -> memref<128xf32, #tpu.memory_space<vmem>>
    %dma_start3A_1221 = arith.constant 0 : i32
    %dma_start3A_1222 = tpu.memref_slice %arg9[%dma_start3A_1216, %dma_start3A_1221] : memref<10x128xi32, #tpu.memory_space<vmem>> -> memref<1x128xi32, #tpu.memory_space<vmem>>
    %dma_start3A_1223 = tpu.memref_squeeze %dma_start3A_1222 : memref<1x128xi32, #tpu.memory_space<vmem>> -> memref<128xi32, #tpu.memory_space<vmem>>
    %dma_start3A_1224 = arith.constant 0 : i32
    %dma_start3A_1225 = tpu.memref_slice %arg3[%dma_start3A_1224] : memref<40960xf32, #tpu.memory_space<hbm>> -> memref<40960xf32, #tpu.memory_space<hbm>>
    tpu.enqueue_indirect_dma source(%dma_start3A_1225 : memref<40960xf32, #tpu.memory_space<hbm>>) target(%dma_start3A_1220 : memref<128xf32, #tpu.memory_space<vmem>>) offsets(%dma_start3A_1223 : memref<128xi32, #tpu.memory_space<vmem>>) semaphore(%arg13 : memref<!tpu.dma_semaphore, #tpu.memory_space<semaphore_mem>>)
    %dma_start3A_1226 = arith.constant 7 : i32
    %dma_start3A_1227 = arith.constant 7 : i32
    %dma_start3A_1228 = arith.constant 0 : i32
    %dma_start3A_1229 = tpu.memref_slice %arg10[%dma_start3A_1227, %dma_start3A_1228] : memref<10x128xf32, #tpu.memory_space<vmem>> -> memref<1x128xf32, #tpu.memory_space<vmem>>
    %dma_start3A_1230 = tpu.memref_squeeze %dma_start3A_1229 : memref<1x128xf32, #tpu.memory_space<vmem>> -> memref<128xf32, #tpu.memory_space<vmem>>
    %dma_start3A_1231 = arith.constant 0 : i32
    %dma_start3A_1232 = tpu.memref_slice %arg9[%dma_start3A_1226, %dma_start3A_1231] : memref<10x128xi32, #tpu.memory_space<vmem>> -> memref<1x128xi32, #tpu.memory_space<vmem>>
    %dma_start3A_1233 = tpu.memref_squeeze %dma_start3A_1232 : memref<1x128xi32, #tpu.memory_space<vmem>> -> memref<128xi32, #tpu.memory_space<vmem>>
    %dma_start3A_1234 = arith.constant 0 : i32
    %dma_start3A_1235 = tpu.memref_slice %arg3[%dma_start3A_1234] : memref<40960xf32, #tpu.memory_space<hbm>> -> memref<40960xf32, #tpu.memory_space<hbm>>
    tpu.enqueue_indirect_dma source(%dma_start3A_1235 : memref<40960xf32, #tpu.memory_space<hbm>>) target(%dma_start3A_1230 : memref<128xf32, #tpu.memory_space<vmem>>) offsets(%dma_start3A_1233 : memref<128xi32, #tpu.memory_space<vmem>>) semaphore(%arg13 : memref<!tpu.dma_semaphore, #tpu.memory_space<semaphore_mem>>)
    %dma_start3A_1236 = arith.constant 8 : i32
    %dma_start3A_1237 = arith.constant 8 : i32
    %dma_start3A_1238 = arith.constant 0 : i32
    %dma_start3A_1239 = tpu.memref_slice %arg10[%dma_start3A_1237, %dma_start3A_1238] : memref<10x128xf32, #tpu.memory_space<vmem>> -> memref<1x128xf32, #tpu.memory_space<vmem>>
    %dma_start3A_1240 = tpu.memref_squeeze %dma_start3A_1239 : memref<1x128xf32, #tpu.memory_space<vmem>> -> memref<128xf32, #tpu.memory_space<vmem>>
    %dma_start3A_1241 = arith.constant 0 : i32
    %dma_start3A_1242 = tpu.memref_slice %arg9[%dma_start3A_1236, %dma_start3A_1241] : memref<10x128xi32, #tpu.memory_space<vmem>> -> memref<1x128xi32, #tpu.memory_space<vmem>>
    %dma_start3A_1243 = tpu.memref_squeeze %dma_start3A_1242 : memref<1x128xi32, #tpu.memory_space<vmem>> -> memref<128xi32, #tpu.memory_space<vmem>>
    %dma_start3A_1244 = arith.constant 0 : i32
    %dma_start3A_1245 = tpu.memref_slice %arg3[%dma_start3A_1244] : memref<40960xf32, #tpu.memory_space<hbm>> -> memref<40960xf32, #tpu.memory_space<hbm>>
    tpu.enqueue_indirect_dma source(%dma_start3A_1245 : memref<40960xf32, #tpu.memory_space<hbm>>) target(%dma_start3A_1240 : memref<128xf32, #tpu.memory_space<vmem>>) offsets(%dma_start3A_1243 : memref<128xi32, #tpu.memory_space<vmem>>) semaphore(%arg13 : memref<!tpu.dma_semaphore, #tpu.memory_space<semaphore_mem>>)
    %dma_start3A_1246 = arith.constant 9 : i32
    %dma_start3A_1247 = arith.constant 9 : i32
    %dma_start3A_1248 = arith.constant 0 : i32
    %dma_start3A_1249 = tpu.memref_slice %arg10[%dma_start3A_1247, %dma_start3A_1248] : memref<10x128xf32, #tpu.memory_space<vmem>> -> memref<1x128xf32, #tpu.memory_space<vmem>>
    %dma_start3A_1250 = tpu.memref_squeeze %dma_start3A_1249 : memref<1x128xf32, #tpu.memory_space<vmem>> -> memref<128xf32, #tpu.memory_space<vmem>>
    %dma_start3A_1251 = arith.constant 0 : i32
    %dma_start3A_1252 = tpu.memref_slice %arg9[%dma_start3A_1246, %dma_start3A_1251] : memref<10x128xi32, #tpu.memory_space<vmem>> -> memref<1x128xi32, #tpu.memory_space<vmem>>
    %dma_start3A_1253 = tpu.memref_squeeze %dma_start3A_1252 : memref<1x128xi32, #tpu.memory_space<vmem>> -> memref<128xi32, #tpu.memory_space<vmem>>
    %dma_start3A_1254 = arith.constant 0 : i32
    %dma_start3A_1255 = tpu.memref_slice %arg3[%dma_start3A_1254] : memref<40960xf32, #tpu.memory_space<hbm>> -> memref<40960xf32, #tpu.memory_space<hbm>>
    tpu.enqueue_indirect_dma source(%dma_start3A_1255 : memref<40960xf32, #tpu.memory_space<hbm>>) target(%dma_start3A_1250 : memref<128xf32, #tpu.memory_space<vmem>>) offsets(%dma_start3A_1253 : memref<128xi32, #tpu.memory_space<vmem>>) semaphore(%arg13 : memref<!tpu.dma_semaphore, #tpu.memory_space<semaphore_mem>>)
    %dma_wait3A_1256 = arith.constant 0 : i32
    %dma_wait3A_1257 = arith.constant 0 : i32
    %dma_wait3A_1258 = arith.constant 0 : i32
    %dma_wait3A_1259 = tpu.memref_slice %arg10[%dma_wait3A_1257, %dma_wait3A_1258] : memref<10x128xf32, #tpu.memory_space<vmem>> -> memref<1x128xf32, #tpu.memory_space<vmem>>
    %dma_wait3A_1260 = tpu.memref_squeeze %dma_wait3A_1259 : memref<1x128xf32, #tpu.memory_space<vmem>> -> memref<128xf32, #tpu.memory_space<vmem>>
    %dma_wait3A_1261 = arith.constant 0 : i32
    %dma_wait3A_1262 = tpu.memref_slice %arg9[%dma_wait3A_1256, %dma_wait3A_1261] : memref<10x128xi32, #tpu.memory_space<vmem>> -> memref<1x128xi32, #tpu.memory_space<vmem>>
    %dma_wait3A_1263 = tpu.memref_squeeze %dma_wait3A_1262 : memref<1x128xi32, #tpu.memory_space<vmem>> -> memref<128xi32, #tpu.memory_space<vmem>>
    %dma_wait3A_1264 = arith.constant 0 : i32
    %dma_wait3A_1265 = tpu.memref_slice %arg3[%dma_wait3A_1264] : memref<40960xf32, #tpu.memory_space<hbm>> -> memref<40960xf32, #tpu.memory_space<hbm>>
    tpu.wait_indirect_dma semaphore(%arg13 : memref<!tpu.dma_semaphore, #tpu.memory_space<semaphore_mem>>) src(%dma_wait3A_1265 : memref<40960xf32, #tpu.memory_space<hbm>>) dst(%dma_wait3A_1260 : memref<128xf32, #tpu.memory_space<vmem>>)
    %dma_wait3A_1266 = arith.constant 1 : i32
    %dma_wait3A_1267 = arith.constant 1 : i32
    %dma_wait3A_1268 = arith.constant 0 : i32
    %dma_wait3A_1269 = tpu.memref_slice %arg10[%dma_wait3A_1267, %dma_wait3A_1268] : memref<10x128xf32, #tpu.memory_space<vmem>> -> memref<1x128xf32, #tpu.memory_space<vmem>>
    %dma_wait3A_1270 = tpu.memref_squeeze %dma_wait3A_1269 : memref<1x128xf32, #tpu.memory_space<vmem>> -> memref<128xf32, #tpu.memory_space<vmem>>
    %dma_wait3A_1271 = arith.constant 0 : i32
    %dma_wait3A_1272 = tpu.memref_slice %arg9[%dma_wait3A_1266, %dma_wait3A_1271] : memref<10x128xi32, #tpu.memory_space<vmem>> -> memref<1x128xi32, #tpu.memory_space<vmem>>
    %dma_wait3A_1273 = tpu.memref_squeeze %dma_wait3A_1272 : memref<1x128xi32, #tpu.memory_space<vmem>> -> memref<128xi32, #tpu.memory_space<vmem>>
    %dma_wait3A_1274 = arith.constant 0 : i32
    %dma_wait3A_1275 = tpu.memref_slice %arg3[%dma_wait3A_1274] : memref<40960xf32, #tpu.memory_space<hbm>> -> memref<40960xf32, #tpu.memory_space<hbm>>
    tpu.wait_indirect_dma semaphore(%arg13 : memref<!tpu.dma_semaphore, #tpu.memory_space<semaphore_mem>>) src(%dma_wait3A_1275 : memref<40960xf32, #tpu.memory_space<hbm>>) dst(%dma_wait3A_1270 : memref<128xf32, #tpu.memory_space<vmem>>)
    %dma_wait3A_1276 = arith.constant 2 : i32
    %dma_wait3A_1277 = arith.constant 2 : i32
    %dma_wait3A_1278 = arith.constant 0 : i32
    %dma_wait3A_1279 = tpu.memref_slice %arg10[%dma_wait3A_1277, %dma_wait3A_1278] : memref<10x128xf32, #tpu.memory_space<vmem>> -> memref<1x128xf32, #tpu.memory_space<vmem>>
    %dma_wait3A_1280 = tpu.memref_squeeze %dma_wait3A_1279 : memref<1x128xf32, #tpu.memory_space<vmem>> -> memref<128xf32, #tpu.memory_space<vmem>>
    %dma_wait3A_1281 = arith.constant 0 : i32
    %dma_wait3A_1282 = tpu.memref_slice %arg9[%dma_wait3A_1276, %dma_wait3A_1281] : memref<10x128xi32, #tpu.memory_space<vmem>> -> memref<1x128xi32, #tpu.memory_space<vmem>>
    %dma_wait3A_1283 = tpu.memref_squeeze %dma_wait3A_1282 : memref<1x128xi32, #tpu.memory_space<vmem>> -> memref<128xi32, #tpu.memory_space<vmem>>
    %dma_wait3A_1284 = arith.constant 0 : i32
    %dma_wait3A_1285 = tpu.memref_slice %arg3[%dma_wait3A_1284] : memref<40960xf32, #tpu.memory_space<hbm>> -> memref<40960xf32, #tpu.memory_space<hbm>>
    tpu.wait_indirect_dma semaphore(%arg13 : memref<!tpu.dma_semaphore, #tpu.memory_space<semaphore_mem>>) src(%dma_wait3A_1285 : memref<40960xf32, #tpu.memory_space<hbm>>) dst(%dma_wait3A_1280 : memref<128xf32, #tpu.memory_space<vmem>>)
    %dma_wait3A_1286 = arith.constant 3 : i32
    %dma_wait3A_1287 = arith.constant 3 : i32
    %dma_wait3A_1288 = arith.constant 0 : i32
    %dma_wait3A_1289 = tpu.memref_slice %arg10[%dma_wait3A_1287, %dma_wait3A_1288] : memref<10x128xf32, #tpu.memory_space<vmem>> -> memref<1x128xf32, #tpu.memory_space<vmem>>
    %dma_wait3A_1290 = tpu.memref_squeeze %dma_wait3A_1289 : memref<1x128xf32, #tpu.memory_space<vmem>> -> memref<128xf32, #tpu.memory_space<vmem>>
    %dma_wait3A_1291 = arith.constant 0 : i32
    %dma_wait3A_1292 = tpu.memref_slice %arg9[%dma_wait3A_1286, %dma_wait3A_1291] : memref<10x128xi32, #tpu.memory_space<vmem>> -> memref<1x128xi32, #tpu.memory_space<vmem>>
    %dma_wait3A_1293 = tpu.memref_squeeze %dma_wait3A_1292 : memref<1x128xi32, #tpu.memory_space<vmem>> -> memref<128xi32, #tpu.memory_space<vmem>>
    %dma_wait3A_1294 = arith.constant 0 : i32
    %dma_wait3A_1295 = tpu.memref_slice %arg3[%dma_wait3A_1294] : memref<40960xf32, #tpu.memory_space<hbm>> -> memref<40960xf32, #tpu.memory_space<hbm>>
    tpu.wait_indirect_dma semaphore(%arg13 : memref<!tpu.dma_semaphore, #tpu.memory_space<semaphore_mem>>) src(%dma_wait3A_1295 : memref<40960xf32, #tpu.memory_space<hbm>>) dst(%dma_wait3A_1290 : memref<128xf32, #tpu.memory_space<vmem>>)
    %dma_wait3A_1296 = arith.constant 4 : i32
    %dma_wait3A_1297 = arith.constant 4 : i32
    %dma_wait3A_1298 = arith.constant 0 : i32
    %dma_wait3A_1299 = tpu.memref_slice %arg10[%dma_wait3A_1297, %dma_wait3A_1298] : memref<10x128xf32, #tpu.memory_space<vmem>> -> memref<1x128xf32, #tpu.memory_space<vmem>>
    %dma_wait3A_1300 = tpu.memref_squeeze %dma_wait3A_1299 : memref<1x128xf32, #tpu.memory_space<vmem>> -> memref<128xf32, #tpu.memory_space<vmem>>
    %dma_wait3A_1301 = arith.constant 0 : i32
    %dma_wait3A_1302 = tpu.memref_slice %arg9[%dma_wait3A_1296, %dma_wait3A_1301] : memref<10x128xi32, #tpu.memory_space<vmem>> -> memref<1x128xi32, #tpu.memory_space<vmem>>
    %dma_wait3A_1303 = tpu.memref_squeeze %dma_wait3A_1302 : memref<1x128xi32, #tpu.memory_space<vmem>> -> memref<128xi32, #tpu.memory_space<vmem>>
    %dma_wait3A_1304 = arith.constant 0 : i32
    %dma_wait3A_1305 = tpu.memref_slice %arg3[%dma_wait3A_1304] : memref<40960xf32, #tpu.memory_space<hbm>> -> memref<40960xf32, #tpu.memory_space<hbm>>
    tpu.wait_indirect_dma semaphore(%arg13 : memref<!tpu.dma_semaphore, #tpu.memory_space<semaphore_mem>>) src(%dma_wait3A_1305 : memref<40960xf32, #tpu.memory_space<hbm>>) dst(%dma_wait3A_1300 : memref<128xf32, #tpu.memory_space<vmem>>)
    %dma_wait3A_1306 = arith.constant 5 : i32
    %dma_wait3A_1307 = arith.constant 5 : i32
    %dma_wait3A_1308 = arith.constant 0 : i32
    %dma_wait3A_1309 = tpu.memref_slice %arg10[%dma_wait3A_1307, %dma_wait3A_1308] : memref<10x128xf32, #tpu.memory_space<vmem>> -> memref<1x128xf32, #tpu.memory_space<vmem>>
    %dma_wait3A_1310 = tpu.memref_squeeze %dma_wait3A_1309 : memref<1x128xf32, #tpu.memory_space<vmem>> -> memref<128xf32, #tpu.memory_space<vmem>>
    %dma_wait3A_1311 = arith.constant 0 : i32
    %dma_wait3A_1312 = tpu.memref_slice %arg9[%dma_wait3A_1306, %dma_wait3A_1311] : memref<10x128xi32, #tpu.memory_space<vmem>> -> memref<1x128xi32, #tpu.memory_space<vmem>>
    %dma_wait3A_1313 = tpu.memref_squeeze %dma_wait3A_1312 : memref<1x128xi32, #tpu.memory_space<vmem>> -> memref<128xi32, #tpu.memory_space<vmem>>
    %dma_wait3A_1314 = arith.constant 0 : i32
    %dma_wait3A_1315 = tpu.memref_slice %arg3[%dma_wait3A_1314] : memref<40960xf32, #tpu.memory_space<hbm>> -> memref<40960xf32, #tpu.memory_space<hbm>>
    tpu.wait_indirect_dma semaphore(%arg13 : memref<!tpu.dma_semaphore, #tpu.memory_space<semaphore_mem>>) src(%dma_wait3A_1315 : memref<40960xf32, #tpu.memory_space<hbm>>) dst(%dma_wait3A_1310 : memref<128xf32, #tpu.memory_space<vmem>>)
    %dma_wait3A_1316 = arith.constant 6 : i32
    %dma_wait3A_1317 = arith.constant 6 : i32
    %dma_wait3A_1318 = arith.constant 0 : i32
    %dma_wait3A_1319 = tpu.memref_slice %arg10[%dma_wait3A_1317, %dma_wait3A_1318] : memref<10x128xf32, #tpu.memory_space<vmem>> -> memref<1x128xf32, #tpu.memory_space<vmem>>
    %dma_wait3A_1320 = tpu.memref_squeeze %dma_wait3A_1319 : memref<1x128xf32, #tpu.memory_space<vmem>> -> memref<128xf32, #tpu.memory_space<vmem>>
    %dma_wait3A_1321 = arith.constant 0 : i32
    %dma_wait3A_1322 = tpu.memref_slice %arg9[%dma_wait3A_1316, %dma_wait3A_1321] : memref<10x128xi32, #tpu.memory_space<vmem>> -> memref<1x128xi32, #tpu.memory_space<vmem>>
    %dma_wait3A_1323 = tpu.memref_squeeze %dma_wait3A_1322 : memref<1x128xi32, #tpu.memory_space<vmem>> -> memref<128xi32, #tpu.memory_space<vmem>>
    %dma_wait3A_1324 = arith.constant 0 : i32
    %dma_wait3A_1325 = tpu.memref_slice %arg3[%dma_wait3A_1324] : memref<40960xf32, #tpu.memory_space<hbm>> -> memref<40960xf32, #tpu.memory_space<hbm>>
    tpu.wait_indirect_dma semaphore(%arg13 : memref<!tpu.dma_semaphore, #tpu.memory_space<semaphore_mem>>) src(%dma_wait3A_1325 : memref<40960xf32, #tpu.memory_space<hbm>>) dst(%dma_wait3A_1320 : memref<128xf32, #tpu.memory_space<vmem>>)
    %dma_wait3A_1326 = arith.constant 7 : i32
    %dma_wait3A_1327 = arith.constant 7 : i32
    %dma_wait3A_1328 = arith.constant 0 : i32
    %dma_wait3A_1329 = tpu.memref_slice %arg10[%dma_wait3A_1327, %dma_wait3A_1328] : memref<10x128xf32, #tpu.memory_space<vmem>> -> memref<1x128xf32, #tpu.memory_space<vmem>>
    %dma_wait3A_1330 = tpu.memref_squeeze %dma_wait3A_1329 : memref<1x128xf32, #tpu.memory_space<vmem>> -> memref<128xf32, #tpu.memory_space<vmem>>
    %dma_wait3A_1331 = arith.constant 0 : i32
    %dma_wait3A_1332 = tpu.memref_slice %arg9[%dma_wait3A_1326, %dma_wait3A_1331] : memref<10x128xi32, #tpu.memory_space<vmem>> -> memref<1x128xi32, #tpu.memory_space<vmem>>
    %dma_wait3A_1333 = tpu.memref_squeeze %dma_wait3A_1332 : memref<1x128xi32, #tpu.memory_space<vmem>> -> memref<128xi32, #tpu.memory_space<vmem>>
    %dma_wait3A_1334 = arith.constant 0 : i32
    %dma_wait3A_1335 = tpu.memref_slice %arg3[%dma_wait3A_1334] : memref<40960xf32, #tpu.memory_space<hbm>> -> memref<40960xf32, #tpu.memory_space<hbm>>
    tpu.wait_indirect_dma semaphore(%arg13 : memref<!tpu.dma_semaphore, #tpu.memory_space<semaphore_mem>>) src(%dma_wait3A_1335 : memref<40960xf32, #tpu.memory_space<hbm>>) dst(%dma_wait3A_1330 : memref<128xf32, #tpu.memory_space<vmem>>)
    %dma_wait3A_1336 = arith.constant 8 : i32
    %dma_wait3A_1337 = arith.constant 8 : i32
    %dma_wait3A_1338 = arith.constant 0 : i32
    %dma_wait3A_1339 = tpu.memref_slice %arg10[%dma_wait3A_1337, %dma_wait3A_1338] : memref<10x128xf32, #tpu.memory_space<vmem>> -> memref<1x128xf32, #tpu.memory_space<vmem>>
    %dma_wait3A_1340 = tpu.memref_squeeze %dma_wait3A_1339 : memref<1x128xf32, #tpu.memory_space<vmem>> -> memref<128xf32, #tpu.memory_space<vmem>>
    %dma_wait3A_1341 = arith.constant 0 : i32
    %dma_wait3A_1342 = tpu.memref_slice %arg9[%dma_wait3A_1336, %dma_wait3A_1341] : memref<10x128xi32, #tpu.memory_space<vmem>> -> memref<1x128xi32, #tpu.memory_space<vmem>>
    %dma_wait3A_1343 = tpu.memref_squeeze %dma_wait3A_1342 : memref<1x128xi32, #tpu.memory_space<vmem>> -> memref<128xi32, #tpu.memory_space<vmem>>
    %dma_wait3A_1344 = arith.constant 0 : i32
    %dma_wait3A_1345 = tpu.memref_slice %arg3[%dma_wait3A_1344] : memref<40960xf32, #tpu.memory_space<hbm>> -> memref<40960xf32, #tpu.memory_space<hbm>>
    tpu.wait_indirect_dma semaphore(%arg13 : memref<!tpu.dma_semaphore, #tpu.memory_space<semaphore_mem>>) src(%dma_wait3A_1345 : memref<40960xf32, #tpu.memory_space<hbm>>) dst(%dma_wait3A_1340 : memref<128xf32, #tpu.memory_space<vmem>>)
    %dma_wait3A_1346 = arith.constant 9 : i32
    %dma_wait3A_1347 = arith.constant 9 : i32
    %dma_wait3A_1348 = arith.constant 0 : i32
    %dma_wait3A_1349 = tpu.memref_slice %arg10[%dma_wait3A_1347, %dma_wait3A_1348] : memref<10x128xf32, #tpu.memory_space<vmem>> -> memref<1x128xf32, #tpu.memory_space<vmem>>
    %dma_wait3A_1350 = tpu.memref_squeeze %dma_wait3A_1349 : memref<1x128xf32, #tpu.memory_space<vmem>> -> memref<128xf32, #tpu.memory_space<vmem>>
    %dma_wait3A_1351 = arith.constant 0 : i32
    %dma_wait3A_1352 = tpu.memref_slice %arg9[%dma_wait3A_1346, %dma_wait3A_1351] : memref<10x128xi32, #tpu.memory_space<vmem>> -> memref<1x128xi32, #tpu.memory_space<vmem>>
    %dma_wait3A_1353 = tpu.memref_squeeze %dma_wait3A_1352 : memref<1x128xi32, #tpu.memory_space<vmem>> -> memref<128xi32, #tpu.memory_space<vmem>>
    %dma_wait3A_1354 = arith.constant 0 : i32
    %dma_wait3A_1355 = tpu.memref_slice %arg3[%dma_wait3A_1354] : memref<40960xf32, #tpu.memory_space<hbm>> -> memref<40960xf32, #tpu.memory_space<hbm>>
    tpu.wait_indirect_dma semaphore(%arg13 : memref<!tpu.dma_semaphore, #tpu.memory_space<semaphore_mem>>) src(%dma_wait3A_1355 : memref<40960xf32, #tpu.memory_space<hbm>>) dst(%dma_wait3A_1350 : memref<128xf32, #tpu.memory_space<vmem>>)
    %broadcast_in_dim3A = arith.constant 0.000000e+00 : f32
    %broadcast_in_dim3A_1356 = vector.broadcast %broadcast_in_dim3A : f32 to vector<16xf32>
    %get3A_1357 = arith.constant 0 : i32
    %get3A_1358 = arith.index_cast %get3A_1357 : i32 to index
    %get3A_1359 = arith.constant 0 : index
    %get3A_1360 = tpu.vector_load %arg11[%get3A_1358, %get3A_1359] {strides = array<i32>} : memref<10x128xf32, #tpu.memory_space<vmem>>, vector<1x16xf32>,
    %get3A_1361 = vector.shape_cast %get3A_1360 : vector<1x16xf32> to vector<16xf32>
    %get3A_1362 = arith.constant 0 : i32
    %get3A_1363 = arith.index_cast %get3A_1362 : i32 to index
    %get3A_1364 = arith.constant 0 : index
    %get3A_1365 = tpu.vector_load %arg10[%get3A_1363, %get3A_1364] {strides = array<i32>} : memref<10x128xf32, #tpu.memory_space<vmem>>, vector<1x16xf32>,
    %get3A_1366 = vector.shape_cast %get3A_1365 : vector<1x16xf32> to vector<16xf32>
    %add3A_1367 = arith.constant 1.000000e-10 : f32
    %add3A_1368 = vector.broadcast %add3A_1367 : f32 to vector<16xf32>
    %add3A_1369 = arith.addf %get3A_1366, %add3A_1368 : vector<16xf32>
    %div3A = arith.divf %get3A_1361, %add3A_1369 : vector<16xf32>
    %add3A_1370 = arith.addf %broadcast_in_dim3A_1356, %div3A : vector<16xf32>
    %get3A_1371 = arith.constant 0 : i32
    %get3A_1372 = arith.index_cast %get3A_1371 : i32 to index
    %get3A_1373 = arith.constant 16 : index
    %get3A_1374 = tpu.vector_load %arg11[%get3A_1372, %get3A_1373] {strides = array<i32>} : memref<10x128xf32, #tpu.memory_space<vmem>>, vector<1x16xf32>,
    %get3A_1375 = vector.shape_cast %get3A_1374 : vector<1x16xf32> to vector<16xf32>
    %get3A_1376 = arith.constant 0 : i32
    %get3A_1377 = arith.index_cast %get3A_1376 : i32 to index
    %get3A_1378 = arith.constant 16 : index
    %get3A_1379 = tpu.vector_load %arg10[%get3A_1377, %get3A_1378] {strides = array<i32>} : memref<10x128xf32, #tpu.memory_space<vmem>>, vector<1x16xf32>,
    %get3A_1380 = vector.shape_cast %get3A_1379 : vector<1x16xf32> to vector<16xf32>
    %add3A_1381 = arith.constant 1.000000e-10 : f32
    %add3A_1382 = vector.broadcast %add3A_1381 : f32 to vector<16xf32>
    %add3A_1383 = arith.addf %get3A_1380, %add3A_1382 : vector<16xf32>
    %div3A_1384 = arith.divf %get3A_1375, %add3A_1383 : vector<16xf32>
    %add3A_1385 = arith.addf %add3A_1370, %div3A_1384 : vector<16xf32>
    %get3A_1386 = arith.constant 0 : i32
    %get3A_1387 = arith.index_cast %get3A_1386 : i32 to index
    %get3A_1388 = arith.constant 32 : index
    %get3A_1389 = tpu.vector_load %arg11[%get3A_1387, %get3A_1388] {strides = array<i32>} : memref<10x128xf32, #tpu.memory_space<vmem>>, vector<1x16xf32>,
    %get3A_1390 = vector.shape_cast %get3A_1389 : vector<1x16xf32> to vector<16xf32>
    %get3A_1391 = arith.constant 0 : i32
    %get3A_1392 = arith.index_cast %get3A_1391 : i32 to index
    %get3A_1393 = arith.constant 32 : index
    %get3A_1394 = tpu.vector_load %arg10[%get3A_1392, %get3A_1393] {strides = array<i32>} : memref<10x128xf32, #tpu.memory_space<vmem>>, vector<1x16xf32>,
    %get3A_1395 = vector.shape_cast %get3A_1394 : vector<1x16xf32> to vector<16xf32>
    %add3A_1396 = arith.constant 1.000000e-10 : f32
    %add3A_1397 = vector.broadcast %add3A_1396 : f32 to vector<16xf32>
    %add3A_1398 = arith.addf %get3A_1395, %add3A_1397 : vector<16xf32>
    %div3A_1399 = arith.divf %get3A_1390, %add3A_1398 : vector<16xf32>
    %add3A_1400 = arith.addf %add3A_1385, %div3A_1399 : vector<16xf32>
    %get3A_1401 = arith.constant 0 : i32
    %get3A_1402 = arith.index_cast %get3A_1401 : i32 to index
    %get3A_1403 = arith.constant 48 : index
    %get3A_1404 = tpu.vector_load %arg11[%get3A_1402, %get3A_1403] {strides = array<i32>} : memref<10x128xf32, #tpu.memory_space<vmem>>, vector<1x16xf32>,
    %get3A_1405 = vector.shape_cast %get3A_1404 : vector<1x16xf32> to vector<16xf32>
    %get3A_1406 = arith.constant 0 : i32
    %get3A_1407 = arith.index_cast %get3A_1406 : i32 to index
    %get3A_1408 = arith.constant 48 : index
    %get3A_1409 = tpu.vector_load %arg10[%get3A_1407, %get3A_1408] {strides = array<i32>} : memref<10x128xf32, #tpu.memory_space<vmem>>, vector<1x16xf32>,
    %get3A_1410 = vector.shape_cast %get3A_1409 : vector<1x16xf32> to vector<16xf32>
    %add3A_1411 = arith.constant 1.000000e-10 : f32
    %add3A_1412 = vector.broadcast %add3A_1411 : f32 to vector<16xf32>
    %add3A_1413 = arith.addf %get3A_1410, %add3A_1412 : vector<16xf32>
    %div3A_1414 = arith.divf %get3A_1405, %add3A_1413 : vector<16xf32>
    %add3A_1415 = arith.addf %add3A_1400, %div3A_1414 : vector<16xf32>
    %get3A_1416 = arith.constant 0 : i32
    %get3A_1417 = arith.index_cast %get3A_1416 : i32 to index
    %get3A_1418 = arith.constant 64 : index
    %get3A_1419 = tpu.vector_load %arg11[%get3A_1417, %get3A_1418] {strides = array<i32>} : memref<10x128xf32, #tpu.memory_space<vmem>>, vector<1x16xf32>,
    %get3A_1420 = vector.shape_cast %get3A_1419 : vector<1x16xf32> to vector<16xf32>
    %get3A_1421 = arith.constant 0 : i32
    %get3A_1422 = arith.index_cast %get3A_1421 : i32 to index
    %get3A_1423 = arith.constant 64 : index
    %get3A_1424 = tpu.vector_load %arg10[%get3A_1422, %get3A_1423] {strides = array<i32>} : memref<10x128xf32, #tpu.memory_space<vmem>>, vector<1x16xf32>,
    %get3A_1425 = vector.shape_cast %get3A_1424 : vector<1x16xf32> to vector<16xf32>
    %add3A_1426 = arith.constant 1.000000e-10 : f32
    %add3A_1427 = vector.broadcast %add3A_1426 : f32 to vector<16xf32>
    %add3A_1428 = arith.addf %get3A_1425, %add3A_1427 : vector<16xf32>
    %div3A_1429 = arith.divf %get3A_1420, %add3A_1428 : vector<16xf32>
    %add3A_1430 = arith.addf %add3A_1415, %div3A_1429 : vector<16xf32>
    %get3A_1431 = arith.constant 0 : i32
    %get3A_1432 = arith.index_cast %get3A_1431 : i32 to index
    %get3A_1433 = arith.constant 80 : index
    %get3A_1434 = tpu.vector_load %arg11[%get3A_1432, %get3A_1433] {strides = array<i32>} : memref<10x128xf32, #tpu.memory_space<vmem>>, vector<1x16xf32>,
    %get3A_1435 = vector.shape_cast %get3A_1434 : vector<1x16xf32> to vector<16xf32>
    %get3A_1436 = arith.constant 0 : i32
    %get3A_1437 = arith.index_cast %get3A_1436 : i32 to index
    %get3A_1438 = arith.constant 80 : index
    %get3A_1439 = tpu.vector_load %arg10[%get3A_1437, %get3A_1438] {strides = array<i32>} : memref<10x128xf32, #tpu.memory_space<vmem>>, vector<1x16xf32>,
    %get3A_1440 = vector.shape_cast %get3A_1439 : vector<1x16xf32> to vector<16xf32>
    %add3A_1441 = arith.constant 1.000000e-10 : f32
    %add3A_1442 = vector.broadcast %add3A_1441 : f32 to vector<16xf32>
    %add3A_1443 = arith.addf %get3A_1440, %add3A_1442 : vector<16xf32>
    %div3A_1444 = arith.divf %get3A_1435, %add3A_1443 : vector<16xf32>
    %add3A_1445 = arith.addf %add3A_1430, %div3A_1444 : vector<16xf32>
    %get3A_1446 = arith.constant 0 : i32
    %get3A_1447 = arith.index_cast %get3A_1446 : i32 to index
    %get3A_1448 = arith.constant 96 : index
    %get3A_1449 = tpu.vector_load %arg11[%get3A_1447, %get3A_1448] {strides = array<i32>} : memref<10x128xf32, #tpu.memory_space<vmem>>, vector<1x16xf32>,
    %get3A_1450 = vector.shape_cast %get3A_1449 : vector<1x16xf32> to vector<16xf32>
    %get3A_1451 = arith.constant 0 : i32
    %get3A_1452 = arith.index_cast %get3A_1451 : i32 to index
    %get3A_1453 = arith.constant 96 : index
    %get3A_1454 = tpu.vector_load %arg10[%get3A_1452, %get3A_1453] {strides = array<i32>} : memref<10x128xf32, #tpu.memory_space<vmem>>, vector<1x16xf32>,
    %get3A_1455 = vector.shape_cast %get3A_1454 : vector<1x16xf32> to vector<16xf32>
    %add3A_1456 = arith.constant 1.000000e-10 : f32
    %add3A_1457 = vector.broadcast %add3A_1456 : f32 to vector<16xf32>
    %add3A_1458 = arith.addf %get3A_1455, %add3A_1457 : vector<16xf32>
    %div3A_1459 = arith.divf %get3A_1450, %add3A_1458 : vector<16xf32>
    %add3A_1460 = arith.addf %add3A_1445, %div3A_1459 : vector<16xf32>
    %get3A_1461 = arith.constant 0 : i32
    %get3A_1462 = arith.index_cast %get3A_1461 : i32 to index
    %get3A_1463 = arith.constant 112 : index
    %get3A_1464 = tpu.vector_load %arg11[%get3A_1462, %get3A_1463] {strides = array<i32>} : memref<10x128xf32, #tpu.memory_space<vmem>>, vector<1x16xf32>,
    %get3A_1465 = vector.shape_cast %get3A_1464 : vector<1x16xf32> to vector<16xf32>
    %get3A_1466 = arith.constant 0 : i32
    %get3A_1467 = arith.index_cast %get3A_1466 : i32 to index
    %get3A_1468 = arith.constant 112 : index
    %get3A_1469 = tpu.vector_load %arg10[%get3A_1467, %get3A_1468] {strides = array<i32>} : memref<10x128xf32, #tpu.memory_space<vmem>>, vector<1x16xf32>,
    %get3A_1470 = vector.shape_cast %get3A_1469 : vector<1x16xf32> to vector<16xf32>
    %add3A_1471 = arith.constant 1.000000e-10 : f32
    %add3A_1472 = vector.broadcast %add3A_1471 : f32 to vector<16xf32>
    %add3A_1473 = arith.addf %get3A_1470, %add3A_1472 : vector<16xf32>
    %div3A_1474 = arith.divf %get3A_1465, %add3A_1473 : vector<16xf32>
    %add3A_1475 = arith.addf %add3A_1460, %div3A_1474 : vector<16xf32>
    %get3A_1476 = arith.constant 1 : i32
    %get3A_1477 = arith.index_cast %get3A_1476 : i32 to index
    %get3A_1478 = arith.constant 0 : index
    %get3A_1479 = tpu.vector_load %arg11[%get3A_1477, %get3A_1478] {strides = array<i32>} : memref<10x128xf32, #tpu.memory_space<vmem>>, vector<1x16xf32>,
    %get3A_1480 = vector.shape_cast %get3A_1479 : vector<1x16xf32> to vector<16xf32>
    %get3A_1481 = arith.constant 1 : i32
    %get3A_1482 = arith.index_cast %get3A_1481 : i32 to index
    %get3A_1483 = arith.constant 0 : index
    %get3A_1484 = tpu.vector_load %arg10[%get3A_1482, %get3A_1483] {strides = array<i32>} : memref<10x128xf32, #tpu.memory_space<vmem>>, vector<1x16xf32>,
    %get3A_1485 = vector.shape_cast %get3A_1484 : vector<1x16xf32> to vector<16xf32>
    %add3A_1486 = arith.constant 1.000000e-10 : f32
    %add3A_1487 = vector.broadcast %add3A_1486 : f32 to vector<16xf32>
    %add3A_1488 = arith.addf %get3A_1485, %add3A_1487 : vector<16xf32>
    %div3A_1489 = arith.divf %get3A_1480, %add3A_1488 : vector<16xf32>
    %add3A_1490 = arith.addf %add3A_1475, %div3A_1489 : vector<16xf32>
    %get3A_1491 = arith.constant 1 : i32
    %get3A_1492 = arith.index_cast %get3A_1491 : i32 to index
    %get3A_1493 = arith.constant 16 : index
    %get3A_1494 = tpu.vector_load %arg11[%get3A_1492, %get3A_1493] {strides = array<i32>} : memref<10x128xf32, #tpu.memory_space<vmem>>, vector<1x16xf32>,
    %get3A_1495 = vector.shape_cast %get3A_1494 : vector<1x16xf32> to vector<16xf32>
    %get3A_1496 = arith.constant 1 : i32
    %get3A_1497 = arith.index_cast %get3A_1496 : i32 to index
    %get3A_1498 = arith.constant 16 : index
    %get3A_1499 = tpu.vector_load %arg10[%get3A_1497, %get3A_1498] {strides = array<i32>} : memref<10x128xf32, #tpu.memory_space<vmem>>, vector<1x16xf32>,
    %get3A_1500 = vector.shape_cast %get3A_1499 : vector<1x16xf32> to vector<16xf32>
    %add3A_1501 = arith.constant 1.000000e-10 : f32
    %add3A_1502 = vector.broadcast %add3A_1501 : f32 to vector<16xf32>
    %add3A_1503 = arith.addf %get3A_1500, %add3A_1502 : vector<16xf32>
    %div3A_1504 = arith.divf %get3A_1495, %add3A_1503 : vector<16xf32>
    %add3A_1505 = arith.addf %add3A_1490, %div3A_1504 : vector<16xf32>
    %get3A_1506 = arith.constant 1 : i32
    %get3A_1507 = arith.index_cast %get3A_1506 : i32 to index
    %get3A_1508 = arith.constant 32 : index
    %get3A_1509 = tpu.vector_load %arg11[%get3A_1507, %get3A_1508] {strides = array<i32>} : memref<10x128xf32, #tpu.memory_space<vmem>>, vector<1x16xf32>,
    %get3A_1510 = vector.shape_cast %get3A_1509 : vector<1x16xf32> to vector<16xf32>
    %get3A_1511 = arith.constant 1 : i32
    %get3A_1512 = arith.index_cast %get3A_1511 : i32 to index
    %get3A_1513 = arith.constant 32 : index
    %get3A_1514 = tpu.vector_load %arg10[%get3A_1512, %get3A_1513] {strides = array<i32>} : memref<10x128xf32, #tpu.memory_space<vmem>>, vector<1x16xf32>,
    %get3A_1515 = vector.shape_cast %get3A_1514 : vector<1x16xf32> to vector<16xf32>
    %add3A_1516 = arith.constant 1.000000e-10 : f32
    %add3A_1517 = vector.broadcast %add3A_1516 : f32 to vector<16xf32>
    %add3A_1518 = arith.addf %get3A_1515, %add3A_1517 : vector<16xf32>
    %div3A_1519 = arith.divf %get3A_1510, %add3A_1518 : vector<16xf32>
    %add3A_1520 = arith.addf %add3A_1505, %div3A_1519 : vector<16xf32>
    %get3A_1521 = arith.constant 1 : i32
    %get3A_1522 = arith.index_cast %get3A_1521 : i32 to index
    %get3A_1523 = arith.constant 48 : index
    %get3A_1524 = tpu.vector_load %arg11[%get3A_1522, %get3A_1523] {strides = array<i32>} : memref<10x128xf32, #tpu.memory_space<vmem>>, vector<1x16xf32>,
    %get3A_1525 = vector.shape_cast %get3A_1524 : vector<1x16xf32> to vector<16xf32>
    %get3A_1526 = arith.constant 1 : i32
    %get3A_1527 = arith.index_cast %get3A_1526 : i32 to index
    %get3A_1528 = arith.constant 48 : index
    %get3A_1529 = tpu.vector_load %arg10[%get3A_1527, %get3A_1528] {strides = array<i32>} : memref<10x128xf32, #tpu.memory_space<vmem>>, vector<1x16xf32>,
    %get3A_1530 = vector.shape_cast %get3A_1529 : vector<1x16xf32> to vector<16xf32>
    %add3A_1531 = arith.constant 1.000000e-10 : f32
    %add3A_1532 = vector.broadcast %add3A_1531 : f32 to vector<16xf32>
    %add3A_1533 = arith.addf %get3A_1530, %add3A_1532 : vector<16xf32>
    %div3A_1534 = arith.divf %get3A_1525, %add3A_1533 : vector<16xf32>
    %add3A_1535 = arith.addf %add3A_1520, %div3A_1534 : vector<16xf32>
    %get3A_1536 = arith.constant 1 : i32
    %get3A_1537 = arith.index_cast %get3A_1536 : i32 to index
    %get3A_1538 = arith.constant 64 : index
    %get3A_1539 = tpu.vector_load %arg11[%get3A_1537, %get3A_1538] {strides = array<i32>} : memref<10x128xf32, #tpu.memory_space<vmem>>, vector<1x16xf32>,
    %get3A_1540 = vector.shape_cast %get3A_1539 : vector<1x16xf32> to vector<16xf32>
    %get3A_1541 = arith.constant 1 : i32
    %get3A_1542 = arith.index_cast %get3A_1541 : i32 to index
    %get3A_1543 = arith.constant 64 : index
    %get3A_1544 = tpu.vector_load %arg10[%get3A_1542, %get3A_1543] {strides = array<i32>} : memref<10x128xf32, #tpu.memory_space<vmem>>, vector<1x16xf32>,
    %get3A_1545 = vector.shape_cast %get3A_1544 : vector<1x16xf32> to vector<16xf32>
    %add3A_1546 = arith.constant 1.000000e-10 : f32
    %add3A_1547 = vector.broadcast %add3A_1546 : f32 to vector<16xf32>
    %add3A_1548 = arith.addf %get3A_1545, %add3A_1547 : vector<16xf32>
    %div3A_1549 = arith.divf %get3A_1540, %add3A_1548 : vector<16xf32>
    %add3A_1550 = arith.addf %add3A_1535, %div3A_1549 : vector<16xf32>
    %get3A_1551 = arith.constant 1 : i32
    %get3A_1552 = arith.index_cast %get3A_1551 : i32 to index
    %get3A_1553 = arith.constant 80 : index
    %get3A_1554 = tpu.vector_load %arg11[%get3A_1552, %get3A_1553] {strides = array<i32>} : memref<10x128xf32, #tpu.memory_space<vmem>>, vector<1x16xf32>,
    %get3A_1555 = vector.shape_cast %get3A_1554 : vector<1x16xf32> to vector<16xf32>
    %get3A_1556 = arith.constant 1 : i32
    %get3A_1557 = arith.index_cast %get3A_1556 : i32 to index
    %get3A_1558 = arith.constant 80 : index
    %get3A_1559 = tpu.vector_load %arg10[%get3A_1557, %get3A_1558] {strides = array<i32>} : memref<10x128xf32, #tpu.memory_space<vmem>>, vector<1x16xf32>,
    %get3A_1560 = vector.shape_cast %get3A_1559 : vector<1x16xf32> to vector<16xf32>
    %add3A_1561 = arith.constant 1.000000e-10 : f32
    %add3A_1562 = vector.broadcast %add3A_1561 : f32 to vector<16xf32>
    %add3A_1563 = arith.addf %get3A_1560, %add3A_1562 : vector<16xf32>
    %div3A_1564 = arith.divf %get3A_1555, %add3A_1563 : vector<16xf32>
    %add3A_1565 = arith.addf %add3A_1550, %div3A_1564 : vector<16xf32>
    %get3A_1566 = arith.constant 1 : i32
    %get3A_1567 = arith.index_cast %get3A_1566 : i32 to index
    %get3A_1568 = arith.constant 96 : index
    %get3A_1569 = tpu.vector_load %arg11[%get3A_1567, %get3A_1568] {strides = array<i32>} : memref<10x128xf32, #tpu.memory_space<vmem>>, vector<1x16xf32>,
    %get3A_1570 = vector.shape_cast %get3A_1569 : vector<1x16xf32> to vector<16xf32>
    %get3A_1571 = arith.constant 1 : i32
    %get3A_1572 = arith.index_cast %get3A_1571 : i32 to index
    %get3A_1573 = arith.constant 96 : index
    %get3A_1574 = tpu.vector_load %arg10[%get3A_1572, %get3A_1573] {strides = array<i32>} : memref<10x128xf32, #tpu.memory_space<vmem>>, vector<1x16xf32>,
    %get3A_1575 = vector.shape_cast %get3A_1574 : vector<1x16xf32> to vector<16xf32>
    %add3A_1576 = arith.constant 1.000000e-10 : f32
    %add3A_1577 = vector.broadcast %add3A_1576 : f32 to vector<16xf32>
    %add3A_1578 = arith.addf %get3A_1575, %add3A_1577 : vector<16xf32>
    %div3A_1579 = arith.divf %get3A_1570, %add3A_1578 : vector<16xf32>
    %add3A_1580 = arith.addf %add3A_1565, %div3A_1579 : vector<16xf32>
    %get3A_1581 = arith.constant 1 : i32
    %get3A_1582 = arith.index_cast %get3A_1581 : i32 to index
    %get3A_1583 = arith.constant 112 : index
    %get3A_1584 = tpu.vector_load %arg11[%get3A_1582, %get3A_1583] {strides = array<i32>} : memref<10x128xf32, #tpu.memory_space<vmem>>, vector<1x16xf32>,
    %get3A_1585 = vector.shape_cast %get3A_1584 : vector<1x16xf32> to vector<16xf32>
    %get3A_1586 = arith.constant 1 : i32
    %get3A_1587 = arith.index_cast %get3A_1586 : i32 to index
    %get3A_1588 = arith.constant 112 : index
    %get3A_1589 = tpu.vector_load %arg10[%get3A_1587, %get3A_1588] {strides = array<i32>} : memref<10x128xf32, #tpu.memory_space<vmem>>, vector<1x16xf32>,
    %get3A_1590 = vector.shape_cast %get3A_1589 : vector<1x16xf32> to vector<16xf32>
    %add3A_1591 = arith.constant 1.000000e-10 : f32
    %add3A_1592 = vector.broadcast %add3A_1591 : f32 to vector<16xf32>
    %add3A_1593 = arith.addf %get3A_1590, %add3A_1592 : vector<16xf32>
    %div3A_1594 = arith.divf %get3A_1585, %add3A_1593 : vector<16xf32>
    %add3A_1595 = arith.addf %add3A_1580, %div3A_1594 : vector<16xf32>
    %get3A_1596 = arith.constant 2 : i32
    %get3A_1597 = arith.index_cast %get3A_1596 : i32 to index
    %get3A_1598 = arith.constant 0 : index
    %get3A_1599 = tpu.vector_load %arg11[%get3A_1597, %get3A_1598] {strides = array<i32>} : memref<10x128xf32, #tpu.memory_space<vmem>>, vector<1x16xf32>,
    %get3A_1600 = vector.shape_cast %get3A_1599 : vector<1x16xf32> to vector<16xf32>
    %get3A_1601 = arith.constant 2 : i32
    %get3A_1602 = arith.index_cast %get3A_1601 : i32 to index
    %get3A_1603 = arith.constant 0 : index
    %get3A_1604 = tpu.vector_load %arg10[%get3A_1602, %get3A_1603] {strides = array<i32>} : memref<10x128xf32, #tpu.memory_space<vmem>>, vector<1x16xf32>,
    %get3A_1605 = vector.shape_cast %get3A_1604 : vector<1x16xf32> to vector<16xf32>
    %add3A_1606 = arith.constant 1.000000e-10 : f32
    %add3A_1607 = vector.broadcast %add3A_1606 : f32 to vector<16xf32>
    %add3A_1608 = arith.addf %get3A_1605, %add3A_1607 : vector<16xf32>
    %div3A_1609 = arith.divf %get3A_1600, %add3A_1608 : vector<16xf32>
    %add3A_1610 = arith.addf %add3A_1595, %div3A_1609 : vector<16xf32>
    %get3A_1611 = arith.constant 2 : i32
    %get3A_1612 = arith.index_cast %get3A_1611 : i32 to index
    %get3A_1613 = arith.constant 16 : index
    %get3A_1614 = tpu.vector_load %arg11[%get3A_1612, %get3A_1613] {strides = array<i32>} : memref<10x128xf32, #tpu.memory_space<vmem>>, vector<1x16xf32>,
    %get3A_1615 = vector.shape_cast %get3A_1614 : vector<1x16xf32> to vector<16xf32>
    %get3A_1616 = arith.constant 2 : i32
    %get3A_1617 = arith.index_cast %get3A_1616 : i32 to index
    %get3A_1618 = arith.constant 16 : index
    %get3A_1619 = tpu.vector_load %arg10[%get3A_1617, %get3A_1618] {strides = array<i32>} : memref<10x128xf32, #tpu.memory_space<vmem>>, vector<1x16xf32>,
    %get3A_1620 = vector.shape_cast %get3A_1619 : vector<1x16xf32> to vector<16xf32>
    %add3A_1621 = arith.constant 1.000000e-10 : f32
    %add3A_1622 = vector.broadcast %add3A_1621 : f32 to vector<16xf32>
    %add3A_1623 = arith.addf %get3A_1620, %add3A_1622 : vector<16xf32>
    %div3A_1624 = arith.divf %get3A_1615, %add3A_1623 : vector<16xf32>
    %add3A_1625 = arith.addf %add3A_1610, %div3A_1624 : vector<16xf32>
    %get3A_1626 = arith.constant 2 : i32
    %get3A_1627 = arith.index_cast %get3A_1626 : i32 to index
    %get3A_1628 = arith.constant 32 : index
    %get3A_1629 = tpu.vector_load %arg11[%get3A_1627, %get3A_1628] {strides = array<i32>} : memref<10x128xf32, #tpu.memory_space<vmem>>, vector<1x16xf32>,
    %get3A_1630 = vector.shape_cast %get3A_1629 : vector<1x16xf32> to vector<16xf32>
    %get3A_1631 = arith.constant 2 : i32
    %get3A_1632 = arith.index_cast %get3A_1631 : i32 to index
    %get3A_1633 = arith.constant 32 : index
    %get3A_1634 = tpu.vector_load %arg10[%get3A_1632, %get3A_1633] {strides = array<i32>} : memref<10x128xf32, #tpu.memory_space<vmem>>, vector<1x16xf32>,
    %get3A_1635 = vector.shape_cast %get3A_1634 : vector<1x16xf32> to vector<16xf32>
    %add3A_1636 = arith.constant 1.000000e-10 : f32
    %add3A_1637 = vector.broadcast %add3A_1636 : f32 to vector<16xf32>
    %add3A_1638 = arith.addf %get3A_1635, %add3A_1637 : vector<16xf32>
    %div3A_1639 = arith.divf %get3A_1630, %add3A_1638 : vector<16xf32>
    %add3A_1640 = arith.addf %add3A_1625, %div3A_1639 : vector<16xf32>
    %get3A_1641 = arith.constant 2 : i32
    %get3A_1642 = arith.index_cast %get3A_1641 : i32 to index
    %get3A_1643 = arith.constant 48 : index
    %get3A_1644 = tpu.vector_load %arg11[%get3A_1642, %get3A_1643] {strides = array<i32>} : memref<10x128xf32, #tpu.memory_space<vmem>>, vector<1x16xf32>,
    %get3A_1645 = vector.shape_cast %get3A_1644 : vector<1x16xf32> to vector<16xf32>
    %get3A_1646 = arith.constant 2 : i32
    %get3A_1647 = arith.index_cast %get3A_1646 : i32 to index
    %get3A_1648 = arith.constant 48 : index
    %get3A_1649 = tpu.vector_load %arg10[%get3A_1647, %get3A_1648] {strides = array<i32>} : memref<10x128xf32, #tpu.memory_space<vmem>>, vector<1x16xf32>,
    %get3A_1650 = vector.shape_cast %get3A_1649 : vector<1x16xf32> to vector<16xf32>
    %add3A_1651 = arith.constant 1.000000e-10 : f32
    %add3A_1652 = vector.broadcast %add3A_1651 : f32 to vector<16xf32>
    %add3A_1653 = arith.addf %get3A_1650, %add3A_1652 : vector<16xf32>
    %div3A_1654 = arith.divf %get3A_1645, %add3A_1653 : vector<16xf32>
    %add3A_1655 = arith.addf %add3A_1640, %div3A_1654 : vector<16xf32>
    %get3A_1656 = arith.constant 2 : i32
    %get3A_1657 = arith.index_cast %get3A_1656 : i32 to index
    %get3A_1658 = arith.constant 64 : index
    %get3A_1659 = tpu.vector_load %arg11[%get3A_1657, %get3A_1658] {strides = array<i32>} : memref<10x128xf32, #tpu.memory_space<vmem>>, vector<1x16xf32>,
    %get3A_1660 = vector.shape_cast %get3A_1659 : vector<1x16xf32> to vector<16xf32>
    %get3A_1661 = arith.constant 2 : i32
    %get3A_1662 = arith.index_cast %get3A_1661 : i32 to index
    %get3A_1663 = arith.constant 64 : index
    %get3A_1664 = tpu.vector_load %arg10[%get3A_1662, %get3A_1663] {strides = array<i32>} : memref<10x128xf32, #tpu.memory_space<vmem>>, vector<1x16xf32>,
    %get3A_1665 = vector.shape_cast %get3A_1664 : vector<1x16xf32> to vector<16xf32>
    %add3A_1666 = arith.constant 1.000000e-10 : f32
    %add3A_1667 = vector.broadcast %add3A_1666 : f32 to vector<16xf32>
    %add3A_1668 = arith.addf %get3A_1665, %add3A_1667 : vector<16xf32>
    %div3A_1669 = arith.divf %get3A_1660, %add3A_1668 : vector<16xf32>
    %add3A_1670 = arith.addf %add3A_1655, %div3A_1669 : vector<16xf32>
    %get3A_1671 = arith.constant 2 : i32
    %get3A_1672 = arith.index_cast %get3A_1671 : i32 to index
    %get3A_1673 = arith.constant 80 : index
    %get3A_1674 = tpu.vector_load %arg11[%get3A_1672, %get3A_1673] {strides = array<i32>} : memref<10x128xf32, #tpu.memory_space<vmem>>, vector<1x16xf32>,
    %get3A_1675 = vector.shape_cast %get3A_1674 : vector<1x16xf32> to vector<16xf32>
    %get3A_1676 = arith.constant 2 : i32
    %get3A_1677 = arith.index_cast %get3A_1676 : i32 to index
    %get3A_1678 = arith.constant 80 : index
    %get3A_1679 = tpu.vector_load %arg10[%get3A_1677, %get3A_1678] {strides = array<i32>} : memref<10x128xf32, #tpu.memory_space<vmem>>, vector<1x16xf32>,
    %get3A_1680 = vector.shape_cast %get3A_1679 : vector<1x16xf32> to vector<16xf32>
    %add3A_1681 = arith.constant 1.000000e-10 : f32
    %add3A_1682 = vector.broadcast %add3A_1681 : f32 to vector<16xf32>
    %add3A_1683 = arith.addf %get3A_1680, %add3A_1682 : vector<16xf32>
    %div3A_1684 = arith.divf %get3A_1675, %add3A_1683 : vector<16xf32>
    %add3A_1685 = arith.addf %add3A_1670, %div3A_1684 : vector<16xf32>
    %get3A_1686 = arith.constant 2 : i32
    %get3A_1687 = arith.index_cast %get3A_1686 : i32 to index
    %get3A_1688 = arith.constant 96 : index
    %get3A_1689 = tpu.vector_load %arg11[%get3A_1687, %get3A_1688] {strides = array<i32>} : memref<10x128xf32, #tpu.memory_space<vmem>>, vector<1x16xf32>,
    %get3A_1690 = vector.shape_cast %get3A_1689 : vector<1x16xf32> to vector<16xf32>
    %get3A_1691 = arith.constant 2 : i32
    %get3A_1692 = arith.index_cast %get3A_1691 : i32 to index
    %get3A_1693 = arith.constant 96 : index
    %get3A_1694 = tpu.vector_load %arg10[%get3A_1692, %get3A_1693] {strides = array<i32>} : memref<10x128xf32, #tpu.memory_space<vmem>>, vector<1x16xf32>,
    %get3A_1695 = vector.shape_cast %get3A_1694 : vector<1x16xf32> to vector<16xf32>
    %add3A_1696 = arith.constant 1.000000e-10 : f32
    %add3A_1697 = vector.broadcast %add3A_1696 : f32 to vector<16xf32>
    %add3A_1698 = arith.addf %get3A_1695, %add3A_1697 : vector<16xf32>
    %div3A_1699 = arith.divf %get3A_1690, %add3A_1698 : vector<16xf32>
    %add3A_1700 = arith.addf %add3A_1685, %div3A_1699 : vector<16xf32>
    %get3A_1701 = arith.constant 2 : i32
    %get3A_1702 = arith.index_cast %get3A_1701 : i32 to index
    %get3A_1703 = arith.constant 112 : index
    %get3A_1704 = tpu.vector_load %arg11[%get3A_1702, %get3A_1703] {strides = array<i32>} : memref<10x128xf32, #tpu.memory_space<vmem>>, vector<1x16xf32>,
    %get3A_1705 = vector.shape_cast %get3A_1704 : vector<1x16xf32> to vector<16xf32>
    %get3A_1706 = arith.constant 2 : i32
    %get3A_1707 = arith.index_cast %get3A_1706 : i32 to index
    %get3A_1708 = arith.constant 112 : index
    %get3A_1709 = tpu.vector_load %arg10[%get3A_1707, %get3A_1708] {strides = array<i32>} : memref<10x128xf32, #tpu.memory_space<vmem>>, vector<1x16xf32>,
    %get3A_1710 = vector.shape_cast %get3A_1709 : vector<1x16xf32> to vector<16xf32>
    %add3A_1711 = arith.constant 1.000000e-10 : f32
    %add3A_1712 = vector.broadcast %add3A_1711 : f32 to vector<16xf32>
    %add3A_1713 = arith.addf %get3A_1710, %add3A_1712 : vector<16xf32>
    %div3A_1714 = arith.divf %get3A_1705, %add3A_1713 : vector<16xf32>
    %add3A_1715 = arith.addf %add3A_1700, %div3A_1714 : vector<16xf32>
    %get3A_1716 = arith.constant 3 : i32
    %get3A_1717 = arith.index_cast %get3A_1716 : i32 to index
    %get3A_1718 = arith.constant 0 : index
    %get3A_1719 = tpu.vector_load %arg11[%get3A_1717, %get3A_1718] {strides = array<i32>} : memref<10x128xf32, #tpu.memory_space<vmem>>, vector<1x16xf32>,
    %get3A_1720 = vector.shape_cast %get3A_1719 : vector<1x16xf32> to vector<16xf32>
    %get3A_1721 = arith.constant 3 : i32
    %get3A_1722 = arith.index_cast %get3A_1721 : i32 to index
    %get3A_1723 = arith.constant 0 : index
    %get3A_1724 = tpu.vector_load %arg10[%get3A_1722, %get3A_1723] {strides = array<i32>} : memref<10x128xf32, #tpu.memory_space<vmem>>, vector<1x16xf32>,
    %get3A_1725 = vector.shape_cast %get3A_1724 : vector<1x16xf32> to vector<16xf32>
    %add3A_1726 = arith.constant 1.000000e-10 : f32
    %add3A_1727 = vector.broadcast %add3A_1726 : f32 to vector<16xf32>
    %add3A_1728 = arith.addf %get3A_1725, %add3A_1727 : vector<16xf32>
    %div3A_1729 = arith.divf %get3A_1720, %add3A_1728 : vector<16xf32>
    %add3A_1730 = arith.addf %add3A_1715, %div3A_1729 : vector<16xf32>
    %get3A_1731 = arith.constant 3 : i32
    %get3A_1732 = arith.index_cast %get3A_1731 : i32 to index
    %get3A_1733 = arith.constant 16 : index
    %get3A_1734 = tpu.vector_load %arg11[%get3A_1732, %get3A_1733] {strides = array<i32>} : memref<10x128xf32, #tpu.memory_space<vmem>>, vector<1x16xf32>,
    %get3A_1735 = vector.shape_cast %get3A_1734 : vector<1x16xf32> to vector<16xf32>
    %get3A_1736 = arith.constant 3 : i32
    %get3A_1737 = arith.index_cast %get3A_1736 : i32 to index
    %get3A_1738 = arith.constant 16 : index
    %get3A_1739 = tpu.vector_load %arg10[%get3A_1737, %get3A_1738] {strides = array<i32>} : memref<10x128xf32, #tpu.memory_space<vmem>>, vector<1x16xf32>,
    %get3A_1740 = vector.shape_cast %get3A_1739 : vector<1x16xf32> to vector<16xf32>
    %add3A_1741 = arith.constant 1.000000e-10 : f32
    %add3A_1742 = vector.broadcast %add3A_1741 : f32 to vector<16xf32>
    %add3A_1743 = arith.addf %get3A_1740, %add3A_1742 : vector<16xf32>
    %div3A_1744 = arith.divf %get3A_1735, %add3A_1743 : vector<16xf32>
    %add3A_1745 = arith.addf %add3A_1730, %div3A_1744 : vector<16xf32>
    %get3A_1746 = arith.constant 3 : i32
    %get3A_1747 = arith.index_cast %get3A_1746 : i32 to index
    %get3A_1748 = arith.constant 32 : index
    %get3A_1749 = tpu.vector_load %arg11[%get3A_1747, %get3A_1748] {strides = array<i32>} : memref<10x128xf32, #tpu.memory_space<vmem>>, vector<1x16xf32>,
    %get3A_1750 = vector.shape_cast %get3A_1749 : vector<1x16xf32> to vector<16xf32>
    %get3A_1751 = arith.constant 3 : i32
    %get3A_1752 = arith.index_cast %get3A_1751 : i32 to index
    %get3A_1753 = arith.constant 32 : index
    %get3A_1754 = tpu.vector_load %arg10[%get3A_1752, %get3A_1753] {strides = array<i32>} : memref<10x128xf32, #tpu.memory_space<vmem>>, vector<1x16xf32>,
    %get3A_1755 = vector.shape_cast %get3A_1754 : vector<1x16xf32> to vector<16xf32>
    %add3A_1756 = arith.constant 1.000000e-10 : f32
    %add3A_1757 = vector.broadcast %add3A_1756 : f32 to vector<16xf32>
    %add3A_1758 = arith.addf %get3A_1755, %add3A_1757 : vector<16xf32>
    %div3A_1759 = arith.divf %get3A_1750, %add3A_1758 : vector<16xf32>
    %add3A_1760 = arith.addf %add3A_1745, %div3A_1759 : vector<16xf32>
    %get3A_1761 = arith.constant 3 : i32
    %get3A_1762 = arith.index_cast %get3A_1761 : i32 to index
    %get3A_1763 = arith.constant 48 : index
    %get3A_1764 = tpu.vector_load %arg11[%get3A_1762, %get3A_1763] {strides = array<i32>} : memref<10x128xf32, #tpu.memory_space<vmem>>, vector<1x16xf32>,
    %get3A_1765 = vector.shape_cast %get3A_1764 : vector<1x16xf32> to vector<16xf32>
    %get3A_1766 = arith.constant 3 : i32
    %get3A_1767 = arith.index_cast %get3A_1766 : i32 to index
    %get3A_1768 = arith.constant 48 : index
    %get3A_1769 = tpu.vector_load %arg10[%get3A_1767, %get3A_1768] {strides = array<i32>} : memref<10x128xf32, #tpu.memory_space<vmem>>, vector<1x16xf32>,
    %get3A_1770 = vector.shape_cast %get3A_1769 : vector<1x16xf32> to vector<16xf32>
    %add3A_1771 = arith.constant 1.000000e-10 : f32
    %add3A_1772 = vector.broadcast %add3A_1771 : f32 to vector<16xf32>
    %add3A_1773 = arith.addf %get3A_1770, %add3A_1772 : vector<16xf32>
    %div3A_1774 = arith.divf %get3A_1765, %add3A_1773 : vector<16xf32>
    %add3A_1775 = arith.addf %add3A_1760, %div3A_1774 : vector<16xf32>
    %get3A_1776 = arith.constant 3 : i32
    %get3A_1777 = arith.index_cast %get3A_1776 : i32 to index
    %get3A_1778 = arith.constant 64 : index
    %get3A_1779 = tpu.vector_load %arg11[%get3A_1777, %get3A_1778] {strides = array<i32>} : memref<10x128xf32, #tpu.memory_space<vmem>>, vector<1x16xf32>,
    %get3A_1780 = vector.shape_cast %get3A_1779 : vector<1x16xf32> to vector<16xf32>
    %get3A_1781 = arith.constant 3 : i32
    %get3A_1782 = arith.index_cast %get3A_1781 : i32 to index
    %get3A_1783 = arith.constant 64 : index
    %get3A_1784 = tpu.vector_load %arg10[%get3A_1782, %get3A_1783] {strides = array<i32>} : memref<10x128xf32, #tpu.memory_space<vmem>>, vector<1x16xf32>,
    %get3A_1785 = vector.shape_cast %get3A_1784 : vector<1x16xf32> to vector<16xf32>
    %add3A_1786 = arith.constant 1.000000e-10 : f32
    %add3A_1787 = vector.broadcast %add3A_1786 : f32 to vector<16xf32>
    %add3A_1788 = arith.addf %get3A_1785, %add3A_1787 : vector<16xf32>
    %div3A_1789 = arith.divf %get3A_1780, %add3A_1788 : vector<16xf32>
    %add3A_1790 = arith.addf %add3A_1775, %div3A_1789 : vector<16xf32>
    %get3A_1791 = arith.constant 3 : i32
    %get3A_1792 = arith.index_cast %get3A_1791 : i32 to index
    %get3A_1793 = arith.constant 80 : index
    %get3A_1794 = tpu.vector_load %arg11[%get3A_1792, %get3A_1793] {strides = array<i32>} : memref<10x128xf32, #tpu.memory_space<vmem>>, vector<1x16xf32>,
    %get3A_1795 = vector.shape_cast %get3A_1794 : vector<1x16xf32> to vector<16xf32>
    %get3A_1796 = arith.constant 3 : i32
    %get3A_1797 = arith.index_cast %get3A_1796 : i32 to index
    %get3A_1798 = arith.constant 80 : index
    %get3A_1799 = tpu.vector_load %arg10[%get3A_1797, %get3A_1798] {strides = array<i32>} : memref<10x128xf32, #tpu.memory_space<vmem>>, vector<1x16xf32>,
    %get3A_1800 = vector.shape_cast %get3A_1799 : vector<1x16xf32> to vector<16xf32>
    %add3A_1801 = arith.constant 1.000000e-10 : f32
    %add3A_1802 = vector.broadcast %add3A_1801 : f32 to vector<16xf32>
    %add3A_1803 = arith.addf %get3A_1800, %add3A_1802 : vector<16xf32>
    %div3A_1804 = arith.divf %get3A_1795, %add3A_1803 : vector<16xf32>
    %add3A_1805 = arith.addf %add3A_1790, %div3A_1804 : vector<16xf32>
    %get3A_1806 = arith.constant 3 : i32
    %get3A_1807 = arith.index_cast %get3A_1806 : i32 to index
    %get3A_1808 = arith.constant 96 : index
    %get3A_1809 = tpu.vector_load %arg11[%get3A_1807, %get3A_1808] {strides = array<i32>} : memref<10x128xf32, #tpu.memory_space<vmem>>, vector<1x16xf32>,
    %get3A_1810 = vector.shape_cast %get3A_1809 : vector<1x16xf32> to vector<16xf32>
    %get3A_1811 = arith.constant 3 : i32
    %get3A_1812 = arith.index_cast %get3A_1811 : i32 to index
    %get3A_1813 = arith.constant 96 : index
    %get3A_1814 = tpu.vector_load %arg10[%get3A_1812, %get3A_1813] {strides = array<i32>} : memref<10x128xf32, #tpu.memory_space<vmem>>, vector<1x16xf32>,
    %get3A_1815 = vector.shape_cast %get3A_1814 : vector<1x16xf32> to vector<16xf32>
    %add3A_1816 = arith.constant 1.000000e-10 : f32
    %add3A_1817 = vector.broadcast %add3A_1816 : f32 to vector<16xf32>
    %add3A_1818 = arith.addf %get3A_1815, %add3A_1817 : vector<16xf32>
    %div3A_1819 = arith.divf %get3A_1810, %add3A_1818 : vector<16xf32>
    %add3A_1820 = arith.addf %add3A_1805, %div3A_1819 : vector<16xf32>
    %get3A_1821 = arith.constant 3 : i32
    %get3A_1822 = arith.index_cast %get3A_1821 : i32 to index
    %get3A_1823 = arith.constant 112 : index
    %get3A_1824 = tpu.vector_load %arg11[%get3A_1822, %get3A_1823] {strides = array<i32>} : memref<10x128xf32, #tpu.memory_space<vmem>>, vector<1x16xf32>,
    %get3A_1825 = vector.shape_cast %get3A_1824 : vector<1x16xf32> to vector<16xf32>
    %get3A_1826 = arith.constant 3 : i32
    %get3A_1827 = arith.index_cast %get3A_1826 : i32 to index
    %get3A_1828 = arith.constant 112 : index
    %get3A_1829 = tpu.vector_load %arg10[%get3A_1827, %get3A_1828] {strides = array<i32>} : memref<10x128xf32, #tpu.memory_space<vmem>>, vector<1x16xf32>,
    %get3A_1830 = vector.shape_cast %get3A_1829 : vector<1x16xf32> to vector<16xf32>
    %add3A_1831 = arith.constant 1.000000e-10 : f32
    %add3A_1832 = vector.broadcast %add3A_1831 : f32 to vector<16xf32>
    %add3A_1833 = arith.addf %get3A_1830, %add3A_1832 : vector<16xf32>
    %div3A_1834 = arith.divf %get3A_1825, %add3A_1833 : vector<16xf32>
    %add3A_1835 = arith.addf %add3A_1820, %div3A_1834 : vector<16xf32>
    %get3A_1836 = arith.constant 4 : i32
    %get3A_1837 = arith.index_cast %get3A_1836 : i32 to index
    %get3A_1838 = arith.constant 0 : index
    %get3A_1839 = tpu.vector_load %arg11[%get3A_1837, %get3A_1838] {strides = array<i32>} : memref<10x128xf32, #tpu.memory_space<vmem>>, vector<1x16xf32>,
    %get3A_1840 = vector.shape_cast %get3A_1839 : vector<1x16xf32> to vector<16xf32>
    %get3A_1841 = arith.constant 4 : i32
    %get3A_1842 = arith.index_cast %get3A_1841 : i32 to index
    %get3A_1843 = arith.constant 0 : index
    %get3A_1844 = tpu.vector_load %arg10[%get3A_1842, %get3A_1843] {strides = array<i32>} : memref<10x128xf32, #tpu.memory_space<vmem>>, vector<1x16xf32>,
    %get3A_1845 = vector.shape_cast %get3A_1844 : vector<1x16xf32> to vector<16xf32>
    %add3A_1846 = arith.constant 1.000000e-10 : f32
    %add3A_1847 = vector.broadcast %add3A_1846 : f32 to vector<16xf32>
    %add3A_1848 = arith.addf %get3A_1845, %add3A_1847 : vector<16xf32>
    %div3A_1849 = arith.divf %get3A_1840, %add3A_1848 : vector<16xf32>
    %add3A_1850 = arith.addf %add3A_1835, %div3A_1849 : vector<16xf32>
    %get3A_1851 = arith.constant 4 : i32
    %get3A_1852 = arith.index_cast %get3A_1851 : i32 to index
    %get3A_1853 = arith.constant 16 : index
    %get3A_1854 = tpu.vector_load %arg11[%get3A_1852, %get3A_1853] {strides = array<i32>} : memref<10x128xf32, #tpu.memory_space<vmem>>, vector<1x16xf32>,
    %get3A_1855 = vector.shape_cast %get3A_1854 : vector<1x16xf32> to vector<16xf32>
    %get3A_1856 = arith.constant 4 : i32
    %get3A_1857 = arith.index_cast %get3A_1856 : i32 to index
    %get3A_1858 = arith.constant 16 : index
    %get3A_1859 = tpu.vector_load %arg10[%get3A_1857, %get3A_1858] {strides = array<i32>} : memref<10x128xf32, #tpu.memory_space<vmem>>, vector<1x16xf32>,
    %get3A_1860 = vector.shape_cast %get3A_1859 : vector<1x16xf32> to vector<16xf32>
    %add3A_1861 = arith.constant 1.000000e-10 : f32
    %add3A_1862 = vector.broadcast %add3A_1861 : f32 to vector<16xf32>
    %add3A_1863 = arith.addf %get3A_1860, %add3A_1862 : vector<16xf32>
    %div3A_1864 = arith.divf %get3A_1855, %add3A_1863 : vector<16xf32>
    %add3A_1865 = arith.addf %add3A_1850, %div3A_1864 : vector<16xf32>
    %get3A_1866 = arith.constant 4 : i32
    %get3A_1867 = arith.index_cast %get3A_1866 : i32 to index
    %get3A_1868 = arith.constant 32 : index
    %get3A_1869 = tpu.vector_load %arg11[%get3A_1867, %get3A_1868] {strides = array<i32>} : memref<10x128xf32, #tpu.memory_space<vmem>>, vector<1x16xf32>,
    %get3A_1870 = vector.shape_cast %get3A_1869 : vector<1x16xf32> to vector<16xf32>
    %get3A_1871 = arith.constant 4 : i32
    %get3A_1872 = arith.index_cast %get3A_1871 : i32 to index
    %get3A_1873 = arith.constant 32 : index
    %get3A_1874 = tpu.vector_load %arg10[%get3A_1872, %get3A_1873] {strides = array<i32>} : memref<10x128xf32, #tpu.memory_space<vmem>>, vector<1x16xf32>,
    %get3A_1875 = vector.shape_cast %get3A_1874 : vector<1x16xf32> to vector<16xf32>
    %add3A_1876 = arith.constant 1.000000e-10 : f32
    %add3A_1877 = vector.broadcast %add3A_1876 : f32 to vector<16xf32>
    %add3A_1878 = arith.addf %get3A_1875, %add3A_1877 : vector<16xf32>
    %div3A_1879 = arith.divf %get3A_1870, %add3A_1878 : vector<16xf32>
    %add3A_1880 = arith.addf %add3A_1865, %div3A_1879 : vector<16xf32>
    %get3A_1881 = arith.constant 4 : i32
    %get3A_1882 = arith.index_cast %get3A_1881 : i32 to index
    %get3A_1883 = arith.constant 48 : index
    %get3A_1884 = tpu.vector_load %arg11[%get3A_1882, %get3A_1883] {strides = array<i32>} : memref<10x128xf32, #tpu.memory_space<vmem>>, vector<1x16xf32>,
    %get3A_1885 = vector.shape_cast %get3A_1884 : vector<1x16xf32> to vector<16xf32>
    %get3A_1886 = arith.constant 4 : i32
    %get3A_1887 = arith.index_cast %get3A_1886 : i32 to index
    %get3A_1888 = arith.constant 48 : index
    %get3A_1889 = tpu.vector_load %arg10[%get3A_1887, %get3A_1888] {strides = array<i32>} : memref<10x128xf32, #tpu.memory_space<vmem>>, vector<1x16xf32>,
    %get3A_1890 = vector.shape_cast %get3A_1889 : vector<1x16xf32> to vector<16xf32>
    %add3A_1891 = arith.constant 1.000000e-10 : f32
    %add3A_1892 = vector.broadcast %add3A_1891 : f32 to vector<16xf32>
    %add3A_1893 = arith.addf %get3A_1890, %add3A_1892 : vector<16xf32>
    %div3A_1894 = arith.divf %get3A_1885, %add3A_1893 : vector<16xf32>
    %add3A_1895 = arith.addf %add3A_1880, %div3A_1894 : vector<16xf32>
    %get3A_1896 = arith.constant 4 : i32
    %get3A_1897 = arith.index_cast %get3A_1896 : i32 to index
    %get3A_1898 = arith.constant 64 : index
    %get3A_1899 = tpu.vector_load %arg11[%get3A_1897, %get3A_1898] {strides = array<i32>} : memref<10x128xf32, #tpu.memory_space<vmem>>, vector<1x16xf32>,
    %get3A_1900 = vector.shape_cast %get3A_1899 : vector<1x16xf32> to vector<16xf32>
    %get3A_1901 = arith.constant 4 : i32
    %get3A_1902 = arith.index_cast %get3A_1901 : i32 to index
    %get3A_1903 = arith.constant 64 : index
    %get3A_1904 = tpu.vector_load %arg10[%get3A_1902, %get3A_1903] {strides = array<i32>} : memref<10x128xf32, #tpu.memory_space<vmem>>, vector<1x16xf32>,
    %get3A_1905 = vector.shape_cast %get3A_1904 : vector<1x16xf32> to vector<16xf32>
    %add3A_1906 = arith.constant 1.000000e-10 : f32
    %add3A_1907 = vector.broadcast %add3A_1906 : f32 to vector<16xf32>
    %add3A_1908 = arith.addf %get3A_1905, %add3A_1907 : vector<16xf32>
    %div3A_1909 = arith.divf %get3A_1900, %add3A_1908 : vector<16xf32>
    %add3A_1910 = arith.addf %add3A_1895, %div3A_1909 : vector<16xf32>
    %get3A_1911 = arith.constant 4 : i32
    %get3A_1912 = arith.index_cast %get3A_1911 : i32 to index
    %get3A_1913 = arith.constant 80 : index
    %get3A_1914 = tpu.vector_load %arg11[%get3A_1912, %get3A_1913] {strides = array<i32>} : memref<10x128xf32, #tpu.memory_space<vmem>>, vector<1x16xf32>,
    %get3A_1915 = vector.shape_cast %get3A_1914 : vector<1x16xf32> to vector<16xf32>
    %get3A_1916 = arith.constant 4 : i32
    %get3A_1917 = arith.index_cast %get3A_1916 : i32 to index
    %get3A_1918 = arith.constant 80 : index
    %get3A_1919 = tpu.vector_load %arg10[%get3A_1917, %get3A_1918] {strides = array<i32>} : memref<10x128xf32, #tpu.memory_space<vmem>>, vector<1x16xf32>,
    %get3A_1920 = vector.shape_cast %get3A_1919 : vector<1x16xf32> to vector<16xf32>
    %add3A_1921 = arith.constant 1.000000e-10 : f32
    %add3A_1922 = vector.broadcast %add3A_1921 : f32 to vector<16xf32>
    %add3A_1923 = arith.addf %get3A_1920, %add3A_1922 : vector<16xf32>
    %div3A_1924 = arith.divf %get3A_1915, %add3A_1923 : vector<16xf32>
    %add3A_1925 = arith.addf %add3A_1910, %div3A_1924 : vector<16xf32>
    %get3A_1926 = arith.constant 4 : i32
    %get3A_1927 = arith.index_cast %get3A_1926 : i32 to index
    %get3A_1928 = arith.constant 96 : index
    %get3A_1929 = tpu.vector_load %arg11[%get3A_1927, %get3A_1928] {strides = array<i32>} : memref<10x128xf32, #tpu.memory_space<vmem>>, vector<1x16xf32>,
    %get3A_1930 = vector.shape_cast %get3A_1929 : vector<1x16xf32> to vector<16xf32>
    %get3A_1931 = arith.constant 4 : i32
    %get3A_1932 = arith.index_cast %get3A_1931 : i32 to index
    %get3A_1933 = arith.constant 96 : index
    %get3A_1934 = tpu.vector_load %arg10[%get3A_1932, %get3A_1933] {strides = array<i32>} : memref<10x128xf32, #tpu.memory_space<vmem>>, vector<1x16xf32>,
    %get3A_1935 = vector.shape_cast %get3A_1934 : vector<1x16xf32> to vector<16xf32>
    %add3A_1936 = arith.constant 1.000000e-10 : f32
    %add3A_1937 = vector.broadcast %add3A_1936 : f32 to vector<16xf32>
    %add3A_1938 = arith.addf %get3A_1935, %add3A_1937 : vector<16xf32>
    %div3A_1939 = arith.divf %get3A_1930, %add3A_1938 : vector<16xf32>
    %add3A_1940 = arith.addf %add3A_1925, %div3A_1939 : vector<16xf32>
    %get3A_1941 = arith.constant 4 : i32
    %get3A_1942 = arith.index_cast %get3A_1941 : i32 to index
    %get3A_1943 = arith.constant 112 : index
    %get3A_1944 = tpu.vector_load %arg11[%get3A_1942, %get3A_1943] {strides = array<i32>} : memref<10x128xf32, #tpu.memory_space<vmem>>, vector<1x16xf32>,
    %get3A_1945 = vector.shape_cast %get3A_1944 : vector<1x16xf32> to vector<16xf32>
    %get3A_1946 = arith.constant 4 : i32
    %get3A_1947 = arith.index_cast %get3A_1946 : i32 to index
    %get3A_1948 = arith.constant 112 : index
    %get3A_1949 = tpu.vector_load %arg10[%get3A_1947, %get3A_1948] {strides = array<i32>} : memref<10x128xf32, #tpu.memory_space<vmem>>, vector<1x16xf32>,
    %get3A_1950 = vector.shape_cast %get3A_1949 : vector<1x16xf32> to vector<16xf32>
    %add3A_1951 = arith.constant 1.000000e-10 : f32
    %add3A_1952 = vector.broadcast %add3A_1951 : f32 to vector<16xf32>
    %add3A_1953 = arith.addf %get3A_1950, %add3A_1952 : vector<16xf32>
    %div3A_1954 = arith.divf %get3A_1945, %add3A_1953 : vector<16xf32>
    %add3A_1955 = arith.addf %add3A_1940, %div3A_1954 : vector<16xf32>
    %get3A_1956 = arith.constant 5 : i32
    %get3A_1957 = arith.index_cast %get3A_1956 : i32 to index
    %get3A_1958 = arith.constant 0 : index
    %get3A_1959 = tpu.vector_load %arg11[%get3A_1957, %get3A_1958] {strides = array<i32>} : memref<10x128xf32, #tpu.memory_space<vmem>>, vector<1x16xf32>,
    %get3A_1960 = vector.shape_cast %get3A_1959 : vector<1x16xf32> to vector<16xf32>
    %get3A_1961 = arith.constant 5 : i32
    %get3A_1962 = arith.index_cast %get3A_1961 : i32 to index
    %get3A_1963 = arith.constant 0 : index
    %get3A_1964 = tpu.vector_load %arg10[%get3A_1962, %get3A_1963] {strides = array<i32>} : memref<10x128xf32, #tpu.memory_space<vmem>>, vector<1x16xf32>,
    %get3A_1965 = vector.shape_cast %get3A_1964 : vector<1x16xf32> to vector<16xf32>
    %add3A_1966 = arith.constant 1.000000e-10 : f32
    %add3A_1967 = vector.broadcast %add3A_1966 : f32 to vector<16xf32>
    %add3A_1968 = arith.addf %get3A_1965, %add3A_1967 : vector<16xf32>
    %div3A_1969 = arith.divf %get3A_1960, %add3A_1968 : vector<16xf32>
    %add3A_1970 = arith.addf %add3A_1955, %div3A_1969 : vector<16xf32>
    %get3A_1971 = arith.constant 5 : i32
    %get3A_1972 = arith.index_cast %get3A_1971 : i32 to index
    %get3A_1973 = arith.constant 16 : index
    %get3A_1974 = tpu.vector_load %arg11[%get3A_1972, %get3A_1973] {strides = array<i32>} : memref<10x128xf32, #tpu.memory_space<vmem>>, vector<1x16xf32>,
    %get3A_1975 = vector.shape_cast %get3A_1974 : vector<1x16xf32> to vector<16xf32>
    %get3A_1976 = arith.constant 5 : i32
    %get3A_1977 = arith.index_cast %get3A_1976 : i32 to index
    %get3A_1978 = arith.constant 16 : index
    %get3A_1979 = tpu.vector_load %arg10[%get3A_1977, %get3A_1978] {strides = array<i32>} : memref<10x128xf32, #tpu.memory_space<vmem>>, vector<1x16xf32>,
    %get3A_1980 = vector.shape_cast %get3A_1979 : vector<1x16xf32> to vector<16xf32>
    %add3A_1981 = arith.constant 1.000000e-10 : f32
    %add3A_1982 = vector.broadcast %add3A_1981 : f32 to vector<16xf32>
    %add3A_1983 = arith.addf %get3A_1980, %add3A_1982 : vector<16xf32>
    %div3A_1984 = arith.divf %get3A_1975, %add3A_1983 : vector<16xf32>
    %add3A_1985 = arith.addf %add3A_1970, %div3A_1984 : vector<16xf32>
    %get3A_1986 = arith.constant 5 : i32
    %get3A_1987 = arith.index_cast %get3A_1986 : i32 to index
    %get3A_1988 = arith.constant 32 : index
    %get3A_1989 = tpu.vector_load %arg11[%get3A_1987, %get3A_1988] {strides = array<i32>} : memref<10x128xf32, #tpu.memory_space<vmem>>, vector<1x16xf32>,
    %get3A_1990 = vector.shape_cast %get3A_1989 : vector<1x16xf32> to vector<16xf32>
    %get3A_1991 = arith.constant 5 : i32
    %get3A_1992 = arith.index_cast %get3A_1991 : i32 to index
    %get3A_1993 = arith.constant 32 : index
    %get3A_1994 = tpu.vector_load %arg10[%get3A_1992, %get3A_1993] {strides = array<i32>} : memref<10x128xf32, #tpu.memory_space<vmem>>, vector<1x16xf32>,
    %get3A_1995 = vector.shape_cast %get3A_1994 : vector<1x16xf32> to vector<16xf32>
    %add3A_1996 = arith.constant 1.000000e-10 : f32
    %add3A_1997 = vector.broadcast %add3A_1996 : f32 to vector<16xf32>
    %add3A_1998 = arith.addf %get3A_1995, %add3A_1997 : vector<16xf32>
    %div3A_1999 = arith.divf %get3A_1990, %add3A_1998 : vector<16xf32>
    %add3A_2000 = arith.addf %add3A_1985, %div3A_1999 : vector<16xf32>
    %get3A_2001 = arith.constant 5 : i32
    %get3A_2002 = arith.index_cast %get3A_2001 : i32 to index
    %get3A_2003 = arith.constant 48 : index
    %get3A_2004 = tpu.vector_load %arg11[%get3A_2002, %get3A_2003] {strides = array<i32>} : memref<10x128xf32, #tpu.memory_space<vmem>>, vector<1x16xf32>,
    %get3A_2005 = vector.shape_cast %get3A_2004 : vector<1x16xf32> to vector<16xf32>
    %get3A_2006 = arith.constant 5 : i32
    %get3A_2007 = arith.index_cast %get3A_2006 : i32 to index
    %get3A_2008 = arith.constant 48 : index
    %get3A_2009 = tpu.vector_load %arg10[%get3A_2007, %get3A_2008] {strides = array<i32>} : memref<10x128xf32, #tpu.memory_space<vmem>>, vector<1x16xf32>,
    %get3A_2010 = vector.shape_cast %get3A_2009 : vector<1x16xf32> to vector<16xf32>
    %add3A_2011 = arith.constant 1.000000e-10 : f32
    %add3A_2012 = vector.broadcast %add3A_2011 : f32 to vector<16xf32>
    %add3A_2013 = arith.addf %get3A_2010, %add3A_2012 : vector<16xf32>
    %div3A_2014 = arith.divf %get3A_2005, %add3A_2013 : vector<16xf32>
    %add3A_2015 = arith.addf %add3A_2000, %div3A_2014 : vector<16xf32>
    %get3A_2016 = arith.constant 5 : i32
    %get3A_2017 = arith.index_cast %get3A_2016 : i32 to index
    %get3A_2018 = arith.constant 64 : index
    %get3A_2019 = tpu.vector_load %arg11[%get3A_2017, %get3A_2018] {strides = array<i32>} : memref<10x128xf32, #tpu.memory_space<vmem>>, vector<1x16xf32>,
    %get3A_2020 = vector.shape_cast %get3A_2019 : vector<1x16xf32> to vector<16xf32>
    %get3A_2021 = arith.constant 5 : i32
    %get3A_2022 = arith.index_cast %get3A_2021 : i32 to index
    %get3A_2023 = arith.constant 64 : index
    %get3A_2024 = tpu.vector_load %arg10[%get3A_2022, %get3A_2023] {strides = array<i32>} : memref<10x128xf32, #tpu.memory_space<vmem>>, vector<1x16xf32>,
    %get3A_2025 = vector.shape_cast %get3A_2024 : vector<1x16xf32> to vector<16xf32>
    %add3A_2026 = arith.constant 1.000000e-10 : f32
    %add3A_2027 = vector.broadcast %add3A_2026 : f32 to vector<16xf32>
    %add3A_2028 = arith.addf %get3A_2025, %add3A_2027 : vector<16xf32>
    %div3A_2029 = arith.divf %get3A_2020, %add3A_2028 : vector<16xf32>
    %add3A_2030 = arith.addf %add3A_2015, %div3A_2029 : vector<16xf32>
    %get3A_2031 = arith.constant 5 : i32
    %get3A_2032 = arith.index_cast %get3A_2031 : i32 to index
    %get3A_2033 = arith.constant 80 : index
    %get3A_2034 = tpu.vector_load %arg11[%get3A_2032, %get3A_2033] {strides = array<i32>} : memref<10x128xf32, #tpu.memory_space<vmem>>, vector<1x16xf32>,
    %get3A_2035 = vector.shape_cast %get3A_2034 : vector<1x16xf32> to vector<16xf32>
    %get3A_2036 = arith.constant 5 : i32
    %get3A_2037 = arith.index_cast %get3A_2036 : i32 to index
    %get3A_2038 = arith.constant 80 : index
    %get3A_2039 = tpu.vector_load %arg10[%get3A_2037, %get3A_2038] {strides = array<i32>} : memref<10x128xf32, #tpu.memory_space<vmem>>, vector<1x16xf32>,
    %get3A_2040 = vector.shape_cast %get3A_2039 : vector<1x16xf32> to vector<16xf32>
    %add3A_2041 = arith.constant 1.000000e-10 : f32
    %add3A_2042 = vector.broadcast %add3A_2041 : f32 to vector<16xf32>
    %add3A_2043 = arith.addf %get3A_2040, %add3A_2042 : vector<16xf32>
    %div3A_2044 = arith.divf %get3A_2035, %add3A_2043 : vector<16xf32>
    %add3A_2045 = arith.addf %add3A_2030, %div3A_2044 : vector<16xf32>
    %get3A_2046 = arith.constant 5 : i32
    %get3A_2047 = arith.index_cast %get3A_2046 : i32 to index
    %get3A_2048 = arith.constant 96 : index
    %get3A_2049 = tpu.vector_load %arg11[%get3A_2047, %get3A_2048] {strides = array<i32>} : memref<10x128xf32, #tpu.memory_space<vmem>>, vector<1x16xf32>,
    %get3A_2050 = vector.shape_cast %get3A_2049 : vector<1x16xf32> to vector<16xf32>
    %get3A_2051 = arith.constant 5 : i32
    %get3A_2052 = arith.index_cast %get3A_2051 : i32 to index
    %get3A_2053 = arith.constant 96 : index
    %get3A_2054 = tpu.vector_load %arg10[%get3A_2052, %get3A_2053] {strides = array<i32>} : memref<10x128xf32, #tpu.memory_space<vmem>>, vector<1x16xf32>,
    %get3A_2055 = vector.shape_cast %get3A_2054 : vector<1x16xf32> to vector<16xf32>
    %add3A_2056 = arith.constant 1.000000e-10 : f32
    %add3A_2057 = vector.broadcast %add3A_2056 : f32 to vector<16xf32>
    %add3A_2058 = arith.addf %get3A_2055, %add3A_2057 : vector<16xf32>
    %div3A_2059 = arith.divf %get3A_2050, %add3A_2058 : vector<16xf32>
    %add3A_2060 = arith.addf %add3A_2045, %div3A_2059 : vector<16xf32>
    %get3A_2061 = arith.constant 5 : i32
    %get3A_2062 = arith.index_cast %get3A_2061 : i32 to index
    %get3A_2063 = arith.constant 112 : index
    %get3A_2064 = tpu.vector_load %arg11[%get3A_2062, %get3A_2063] {strides = array<i32>} : memref<10x128xf32, #tpu.memory_space<vmem>>, vector<1x16xf32>,
    %get3A_2065 = vector.shape_cast %get3A_2064 : vector<1x16xf32> to vector<16xf32>
    %get3A_2066 = arith.constant 5 : i32
    %get3A_2067 = arith.index_cast %get3A_2066 : i32 to index
    %get3A_2068 = arith.constant 112 : index
    %get3A_2069 = tpu.vector_load %arg10[%get3A_2067, %get3A_2068] {strides = array<i32>} : memref<10x128xf32, #tpu.memory_space<vmem>>, vector<1x16xf32>,
    %get3A_2070 = vector.shape_cast %get3A_2069 : vector<1x16xf32> to vector<16xf32>
    %add3A_2071 = arith.constant 1.000000e-10 : f32
    %add3A_2072 = vector.broadcast %add3A_2071 : f32 to vector<16xf32>
    %add3A_2073 = arith.addf %get3A_2070, %add3A_2072 : vector<16xf32>
    %div3A_2074 = arith.divf %get3A_2065, %add3A_2073 : vector<16xf32>
    %add3A_2075 = arith.addf %add3A_2060, %div3A_2074 : vector<16xf32>
    %get3A_2076 = arith.constant 6 : i32
    %get3A_2077 = arith.index_cast %get3A_2076 : i32 to index
    %get3A_2078 = arith.constant 0 : index
    %get3A_2079 = tpu.vector_load %arg11[%get3A_2077, %get3A_2078] {strides = array<i32>} : memref<10x128xf32, #tpu.memory_space<vmem>>, vector<1x16xf32>,
    %get3A_2080 = vector.shape_cast %get3A_2079 : vector<1x16xf32> to vector<16xf32>
    %get3A_2081 = arith.constant 6 : i32
    %get3A_2082 = arith.index_cast %get3A_2081 : i32 to index
    %get3A_2083 = arith.constant 0 : index
    %get3A_2084 = tpu.vector_load %arg10[%get3A_2082, %get3A_2083] {strides = array<i32>} : memref<10x128xf32, #tpu.memory_space<vmem>>, vector<1x16xf32>,
    %get3A_2085 = vector.shape_cast %get3A_2084 : vector<1x16xf32> to vector<16xf32>
    %add3A_2086 = arith.constant 1.000000e-10 : f32
    %add3A_2087 = vector.broadcast %add3A_2086 : f32 to vector<16xf32>
    %add3A_2088 = arith.addf %get3A_2085, %add3A_2087 : vector<16xf32>
    %div3A_2089 = arith.divf %get3A_2080, %add3A_2088 : vector<16xf32>
    %add3A_2090 = arith.addf %add3A_2075, %div3A_2089 : vector<16xf32>
    %get3A_2091 = arith.constant 6 : i32
    %get3A_2092 = arith.index_cast %get3A_2091 : i32 to index
    %get3A_2093 = arith.constant 16 : index
    %get3A_2094 = tpu.vector_load %arg11[%get3A_2092, %get3A_2093] {strides = array<i32>} : memref<10x128xf32, #tpu.memory_space<vmem>>, vector<1x16xf32>,
    %get3A_2095 = vector.shape_cast %get3A_2094 : vector<1x16xf32> to vector<16xf32>
    %get3A_2096 = arith.constant 6 : i32
    %get3A_2097 = arith.index_cast %get3A_2096 : i32 to index
    %get3A_2098 = arith.constant 16 : index
    %get3A_2099 = tpu.vector_load %arg10[%get3A_2097, %get3A_2098] {strides = array<i32>} : memref<10x128xf32, #tpu.memory_space<vmem>>, vector<1x16xf32>,
    %get3A_2100 = vector.shape_cast %get3A_2099 : vector<1x16xf32> to vector<16xf32>
    %add3A_2101 = arith.constant 1.000000e-10 : f32
    %add3A_2102 = vector.broadcast %add3A_2101 : f32 to vector<16xf32>
    %add3A_2103 = arith.addf %get3A_2100, %add3A_2102 : vector<16xf32>
    %div3A_2104 = arith.divf %get3A_2095, %add3A_2103 : vector<16xf32>
    %add3A_2105 = arith.addf %add3A_2090, %div3A_2104 : vector<16xf32>
    %get3A_2106 = arith.constant 6 : i32
    %get3A_2107 = arith.index_cast %get3A_2106 : i32 to index
    %get3A_2108 = arith.constant 32 : index
    %get3A_2109 = tpu.vector_load %arg11[%get3A_2107, %get3A_2108] {strides = array<i32>} : memref<10x128xf32, #tpu.memory_space<vmem>>, vector<1x16xf32>,
    %get3A_2110 = vector.shape_cast %get3A_2109 : vector<1x16xf32> to vector<16xf32>
    %get3A_2111 = arith.constant 6 : i32
    %get3A_2112 = arith.index_cast %get3A_2111 : i32 to index
    %get3A_2113 = arith.constant 32 : index
    %get3A_2114 = tpu.vector_load %arg10[%get3A_2112, %get3A_2113] {strides = array<i32>} : memref<10x128xf32, #tpu.memory_space<vmem>>, vector<1x16xf32>,
    %get3A_2115 = vector.shape_cast %get3A_2114 : vector<1x16xf32> to vector<16xf32>
    %add3A_2116 = arith.constant 1.000000e-10 : f32
    %add3A_2117 = vector.broadcast %add3A_2116 : f32 to vector<16xf32>
    %add3A_2118 = arith.addf %get3A_2115, %add3A_2117 : vector<16xf32>
    %div3A_2119 = arith.divf %get3A_2110, %add3A_2118 : vector<16xf32>
    %add3A_2120 = arith.addf %add3A_2105, %div3A_2119 : vector<16xf32>
    %get3A_2121 = arith.constant 6 : i32
    %get3A_2122 = arith.index_cast %get3A_2121 : i32 to index
    %get3A_2123 = arith.constant 48 : index
    %get3A_2124 = tpu.vector_load %arg11[%get3A_2122, %get3A_2123] {strides = array<i32>} : memref<10x128xf32, #tpu.memory_space<vmem>>, vector<1x16xf32>,
    %get3A_2125 = vector.shape_cast %get3A_2124 : vector<1x16xf32> to vector<16xf32>
    %get3A_2126 = arith.constant 6 : i32
    %get3A_2127 = arith.index_cast %get3A_2126 : i32 to index
    %get3A_2128 = arith.constant 48 : index
    %get3A_2129 = tpu.vector_load %arg10[%get3A_2127, %get3A_2128] {strides = array<i32>} : memref<10x128xf32, #tpu.memory_space<vmem>>, vector<1x16xf32>,
    %get3A_2130 = vector.shape_cast %get3A_2129 : vector<1x16xf32> to vector<16xf32>
    %add3A_2131 = arith.constant 1.000000e-10 : f32
    %add3A_2132 = vector.broadcast %add3A_2131 : f32 to vector<16xf32>
    %add3A_2133 = arith.addf %get3A_2130, %add3A_2132 : vector<16xf32>
    %div3A_2134 = arith.divf %get3A_2125, %add3A_2133 : vector<16xf32>
    %add3A_2135 = arith.addf %add3A_2120, %div3A_2134 : vector<16xf32>
    %get3A_2136 = arith.constant 6 : i32
    %get3A_2137 = arith.index_cast %get3A_2136 : i32 to index
    %get3A_2138 = arith.constant 64 : index
    %get3A_2139 = tpu.vector_load %arg11[%get3A_2137, %get3A_2138] {strides = array<i32>} : memref<10x128xf32, #tpu.memory_space<vmem>>, vector<1x16xf32>,
    %get3A_2140 = vector.shape_cast %get3A_2139 : vector<1x16xf32> to vector<16xf32>
    %get3A_2141 = arith.constant 6 : i32
    %get3A_2142 = arith.index_cast %get3A_2141 : i32 to index
    %get3A_2143 = arith.constant 64 : index
    %get3A_2144 = tpu.vector_load %arg10[%get3A_2142, %get3A_2143] {strides = array<i32>} : memref<10x128xf32, #tpu.memory_space<vmem>>, vector<1x16xf32>,
    %get3A_2145 = vector.shape_cast %get3A_2144 : vector<1x16xf32> to vector<16xf32>
    %add3A_2146 = arith.constant 1.000000e-10 : f32
    %add3A_2147 = vector.broadcast %add3A_2146 : f32 to vector<16xf32>
    %add3A_2148 = arith.addf %get3A_2145, %add3A_2147 : vector<16xf32>
    %div3A_2149 = arith.divf %get3A_2140, %add3A_2148 : vector<16xf32>
    %add3A_2150 = arith.addf %add3A_2135, %div3A_2149 : vector<16xf32>
    %get3A_2151 = arith.constant 6 : i32
    %get3A_2152 = arith.index_cast %get3A_2151 : i32 to index
    %get3A_2153 = arith.constant 80 : index
    %get3A_2154 = tpu.vector_load %arg11[%get3A_2152, %get3A_2153] {strides = array<i32>} : memref<10x128xf32, #tpu.memory_space<vmem>>, vector<1x16xf32>,
    %get3A_2155 = vector.shape_cast %get3A_2154 : vector<1x16xf32> to vector<16xf32>
    %get3A_2156 = arith.constant 6 : i32
    %get3A_2157 = arith.index_cast %get3A_2156 : i32 to index
    %get3A_2158 = arith.constant 80 : index
    %get3A_2159 = tpu.vector_load %arg10[%get3A_2157, %get3A_2158] {strides = array<i32>} : memref<10x128xf32, #tpu.memory_space<vmem>>, vector<1x16xf32>,
    %get3A_2160 = vector.shape_cast %get3A_2159 : vector<1x16xf32> to vector<16xf32>
    %add3A_2161 = arith.constant 1.000000e-10 : f32
    %add3A_2162 = vector.broadcast %add3A_2161 : f32 to vector<16xf32>
    %add3A_2163 = arith.addf %get3A_2160, %add3A_2162 : vector<16xf32>
    %div3A_2164 = arith.divf %get3A_2155, %add3A_2163 : vector<16xf32>
    %add3A_2165 = arith.addf %add3A_2150, %div3A_2164 : vector<16xf32>
    %get3A_2166 = arith.constant 6 : i32
    %get3A_2167 = arith.index_cast %get3A_2166 : i32 to index
    %get3A_2168 = arith.constant 96 : index
    %get3A_2169 = tpu.vector_load %arg11[%get3A_2167, %get3A_2168] {strides = array<i32>} : memref<10x128xf32, #tpu.memory_space<vmem>>, vector<1x16xf32>,
    %get3A_2170 = vector.shape_cast %get3A_2169 : vector<1x16xf32> to vector<16xf32>
    %get3A_2171 = arith.constant 6 : i32
    %get3A_2172 = arith.index_cast %get3A_2171 : i32 to index
    %get3A_2173 = arith.constant 96 : index
    %get3A_2174 = tpu.vector_load %arg10[%get3A_2172, %get3A_2173] {strides = array<i32>} : memref<10x128xf32, #tpu.memory_space<vmem>>, vector<1x16xf32>,
    %get3A_2175 = vector.shape_cast %get3A_2174 : vector<1x16xf32> to vector<16xf32>
    %add3A_2176 = arith.constant 1.000000e-10 : f32
    %add3A_2177 = vector.broadcast %add3A_2176 : f32 to vector<16xf32>
    %add3A_2178 = arith.addf %get3A_2175, %add3A_2177 : vector<16xf32>
    %div3A_2179 = arith.divf %get3A_2170, %add3A_2178 : vector<16xf32>
    %add3A_2180 = arith.addf %add3A_2165, %div3A_2179 : vector<16xf32>
    %get3A_2181 = arith.constant 6 : i32
    %get3A_2182 = arith.index_cast %get3A_2181 : i32 to index
    %get3A_2183 = arith.constant 112 : index
    %get3A_2184 = tpu.vector_load %arg11[%get3A_2182, %get3A_2183] {strides = array<i32>} : memref<10x128xf32, #tpu.memory_space<vmem>>, vector<1x16xf32>,
    %get3A_2185 = vector.shape_cast %get3A_2184 : vector<1x16xf32> to vector<16xf32>
    %get3A_2186 = arith.constant 6 : i32
    %get3A_2187 = arith.index_cast %get3A_2186 : i32 to index
    %get3A_2188 = arith.constant 112 : index
    %get3A_2189 = tpu.vector_load %arg10[%get3A_2187, %get3A_2188] {strides = array<i32>} : memref<10x128xf32, #tpu.memory_space<vmem>>, vector<1x16xf32>,
    %get3A_2190 = vector.shape_cast %get3A_2189 : vector<1x16xf32> to vector<16xf32>
    %add3A_2191 = arith.constant 1.000000e-10 : f32
    %add3A_2192 = vector.broadcast %add3A_2191 : f32 to vector<16xf32>
    %add3A_2193 = arith.addf %get3A_2190, %add3A_2192 : vector<16xf32>
    %div3A_2194 = arith.divf %get3A_2185, %add3A_2193 : vector<16xf32>
    %add3A_2195 = arith.addf %add3A_2180, %div3A_2194 : vector<16xf32>
    %get3A_2196 = arith.constant 7 : i32
    %get3A_2197 = arith.index_cast %get3A_2196 : i32 to index
    %get3A_2198 = arith.constant 0 : index
    %get3A_2199 = tpu.vector_load %arg11[%get3A_2197, %get3A_2198] {strides = array<i32>} : memref<10x128xf32, #tpu.memory_space<vmem>>, vector<1x16xf32>,
    %get3A_2200 = vector.shape_cast %get3A_2199 : vector<1x16xf32> to vector<16xf32>
    %get3A_2201 = arith.constant 7 : i32
    %get3A_2202 = arith.index_cast %get3A_2201 : i32 to index
    %get3A_2203 = arith.constant 0 : index
    %get3A_2204 = tpu.vector_load %arg10[%get3A_2202, %get3A_2203] {strides = array<i32>} : memref<10x128xf32, #tpu.memory_space<vmem>>, vector<1x16xf32>,
    %get3A_2205 = vector.shape_cast %get3A_2204 : vector<1x16xf32> to vector<16xf32>
    %add3A_2206 = arith.constant 1.000000e-10 : f32
    %add3A_2207 = vector.broadcast %add3A_2206 : f32 to vector<16xf32>
    %add3A_2208 = arith.addf %get3A_2205, %add3A_2207 : vector<16xf32>
    %div3A_2209 = arith.divf %get3A_2200, %add3A_2208 : vector<16xf32>
    %add3A_2210 = arith.addf %add3A_2195, %div3A_2209 : vector<16xf32>
    %get3A_2211 = arith.constant 7 : i32
    %get3A_2212 = arith.index_cast %get3A_2211 : i32 to index
    %get3A_2213 = arith.constant 16 : index
    %get3A_2214 = tpu.vector_load %arg11[%get3A_2212, %get3A_2213] {strides = array<i32>} : memref<10x128xf32, #tpu.memory_space<vmem>>, vector<1x16xf32>,
    %get3A_2215 = vector.shape_cast %get3A_2214 : vector<1x16xf32> to vector<16xf32>
    %get3A_2216 = arith.constant 7 : i32
    %get3A_2217 = arith.index_cast %get3A_2216 : i32 to index
    %get3A_2218 = arith.constant 16 : index
    %get3A_2219 = tpu.vector_load %arg10[%get3A_2217, %get3A_2218] {strides = array<i32>} : memref<10x128xf32, #tpu.memory_space<vmem>>, vector<1x16xf32>,
    %get3A_2220 = vector.shape_cast %get3A_2219 : vector<1x16xf32> to vector<16xf32>
    %add3A_2221 = arith.constant 1.000000e-10 : f32
    %add3A_2222 = vector.broadcast %add3A_2221 : f32 to vector<16xf32>
    %add3A_2223 = arith.addf %get3A_2220, %add3A_2222 : vector<16xf32>
    %div3A_2224 = arith.divf %get3A_2215, %add3A_2223 : vector<16xf32>
    %add3A_2225 = arith.addf %add3A_2210, %div3A_2224 : vector<16xf32>
    %get3A_2226 = arith.constant 7 : i32
    %get3A_2227 = arith.index_cast %get3A_2226 : i32 to index
    %get3A_2228 = arith.constant 32 : index
    %get3A_2229 = tpu.vector_load %arg11[%get3A_2227, %get3A_2228] {strides = array<i32>} : memref<10x128xf32, #tpu.memory_space<vmem>>, vector<1x16xf32>,
    %get3A_2230 = vector.shape_cast %get3A_2229 : vector<1x16xf32> to vector<16xf32>
    %get3A_2231 = arith.constant 7 : i32
    %get3A_2232 = arith.index_cast %get3A_2231 : i32 to index
    %get3A_2233 = arith.constant 32 : index
    %get3A_2234 = tpu.vector_load %arg10[%get3A_2232, %get3A_2233] {strides = array<i32>} : memref<10x128xf32, #tpu.memory_space<vmem>>, vector<1x16xf32>,
    %get3A_2235 = vector.shape_cast %get3A_2234 : vector<1x16xf32> to vector<16xf32>
    %add3A_2236 = arith.constant 1.000000e-10 : f32
    %add3A_2237 = vector.broadcast %add3A_2236 : f32 to vector<16xf32>
    %add3A_2238 = arith.addf %get3A_2235, %add3A_2237 : vector<16xf32>
    %div3A_2239 = arith.divf %get3A_2230, %add3A_2238 : vector<16xf32>
    %add3A_2240 = arith.addf %add3A_2225, %div3A_2239 : vector<16xf32>
    %get3A_2241 = arith.constant 7 : i32
    %get3A_2242 = arith.index_cast %get3A_2241 : i32 to index
    %get3A_2243 = arith.constant 48 : index
    %get3A_2244 = tpu.vector_load %arg11[%get3A_2242, %get3A_2243] {strides = array<i32>} : memref<10x128xf32, #tpu.memory_space<vmem>>, vector<1x16xf32>,
    %get3A_2245 = vector.shape_cast %get3A_2244 : vector<1x16xf32> to vector<16xf32>
    %get3A_2246 = arith.constant 7 : i32
    %get3A_2247 = arith.index_cast %get3A_2246 : i32 to index
    %get3A_2248 = arith.constant 48 : index
    %get3A_2249 = tpu.vector_load %arg10[%get3A_2247, %get3A_2248] {strides = array<i32>} : memref<10x128xf32, #tpu.memory_space<vmem>>, vector<1x16xf32>,
    %get3A_2250 = vector.shape_cast %get3A_2249 : vector<1x16xf32> to vector<16xf32>
    %add3A_2251 = arith.constant 1.000000e-10 : f32
    %add3A_2252 = vector.broadcast %add3A_2251 : f32 to vector<16xf32>
    %add3A_2253 = arith.addf %get3A_2250, %add3A_2252 : vector<16xf32>
    %div3A_2254 = arith.divf %get3A_2245, %add3A_2253 : vector<16xf32>
    %add3A_2255 = arith.addf %add3A_2240, %div3A_2254 : vector<16xf32>
    %get3A_2256 = arith.constant 7 : i32
    %get3A_2257 = arith.index_cast %get3A_2256 : i32 to index
    %get3A_2258 = arith.constant 64 : index
    %get3A_2259 = tpu.vector_load %arg11[%get3A_2257, %get3A_2258] {strides = array<i32>} : memref<10x128xf32, #tpu.memory_space<vmem>>, vector<1x16xf32>,
    %get3A_2260 = vector.shape_cast %get3A_2259 : vector<1x16xf32> to vector<16xf32>
    %get3A_2261 = arith.constant 7 : i32
    %get3A_2262 = arith.index_cast %get3A_2261 : i32 to index
    %get3A_2263 = arith.constant 64 : index
    %get3A_2264 = tpu.vector_load %arg10[%get3A_2262, %get3A_2263] {strides = array<i32>} : memref<10x128xf32, #tpu.memory_space<vmem>>, vector<1x16xf32>,
    %get3A_2265 = vector.shape_cast %get3A_2264 : vector<1x16xf32> to vector<16xf32>
    %add3A_2266 = arith.constant 1.000000e-10 : f32
    %add3A_2267 = vector.broadcast %add3A_2266 : f32 to vector<16xf32>
    %add3A_2268 = arith.addf %get3A_2265, %add3A_2267 : vector<16xf32>
    %div3A_2269 = arith.divf %get3A_2260, %add3A_2268 : vector<16xf32>
    %add3A_2270 = arith.addf %add3A_2255, %div3A_2269 : vector<16xf32>
    %get3A_2271 = arith.constant 7 : i32
    %get3A_2272 = arith.index_cast %get3A_2271 : i32 to index
    %get3A_2273 = arith.constant 80 : index
    %get3A_2274 = tpu.vector_load %arg11[%get3A_2272, %get3A_2273] {strides = array<i32>} : memref<10x128xf32, #tpu.memory_space<vmem>>, vector<1x16xf32>,
    %get3A_2275 = vector.shape_cast %get3A_2274 : vector<1x16xf32> to vector<16xf32>
    %get3A_2276 = arith.constant 7 : i32
    %get3A_2277 = arith.index_cast %get3A_2276 : i32 to index
    %get3A_2278 = arith.constant 80 : index
    %get3A_2279 = tpu.vector_load %arg10[%get3A_2277, %get3A_2278] {strides = array<i32>} : memref<10x128xf32, #tpu.memory_space<vmem>>, vector<1x16xf32>,
    %get3A_2280 = vector.shape_cast %get3A_2279 : vector<1x16xf32> to vector<16xf32>
    %add3A_2281 = arith.constant 1.000000e-10 : f32
    %add3A_2282 = vector.broadcast %add3A_2281 : f32 to vector<16xf32>
    %add3A_2283 = arith.addf %get3A_2280, %add3A_2282 : vector<16xf32>
    %div3A_2284 = arith.divf %get3A_2275, %add3A_2283 : vector<16xf32>
    %add3A_2285 = arith.addf %add3A_2270, %div3A_2284 : vector<16xf32>
    %get3A_2286 = arith.constant 7 : i32
    %get3A_2287 = arith.index_cast %get3A_2286 : i32 to index
    %get3A_2288 = arith.constant 96 : index
    %get3A_2289 = tpu.vector_load %arg11[%get3A_2287, %get3A_2288] {strides = array<i32>} : memref<10x128xf32, #tpu.memory_space<vmem>>, vector<1x16xf32>,
    %get3A_2290 = vector.shape_cast %get3A_2289 : vector<1x16xf32> to vector<16xf32>
    %get3A_2291 = arith.constant 7 : i32
    %get3A_2292 = arith.index_cast %get3A_2291 : i32 to index
    %get3A_2293 = arith.constant 96 : index
    %get3A_2294 = tpu.vector_load %arg10[%get3A_2292, %get3A_2293] {strides = array<i32>} : memref<10x128xf32, #tpu.memory_space<vmem>>, vector<1x16xf32>,
    %get3A_2295 = vector.shape_cast %get3A_2294 : vector<1x16xf32> to vector<16xf32>
    %add3A_2296 = arith.constant 1.000000e-10 : f32
    %add3A_2297 = vector.broadcast %add3A_2296 : f32 to vector<16xf32>
    %add3A_2298 = arith.addf %get3A_2295, %add3A_2297 : vector<16xf32>
    %div3A_2299 = arith.divf %get3A_2290, %add3A_2298 : vector<16xf32>
    %add3A_2300 = arith.addf %add3A_2285, %div3A_2299 : vector<16xf32>
    %get3A_2301 = arith.constant 7 : i32
    %get3A_2302 = arith.index_cast %get3A_2301 : i32 to index
    %get3A_2303 = arith.constant 112 : index
    %get3A_2304 = tpu.vector_load %arg11[%get3A_2302, %get3A_2303] {strides = array<i32>} : memref<10x128xf32, #tpu.memory_space<vmem>>, vector<1x16xf32>,
    %get3A_2305 = vector.shape_cast %get3A_2304 : vector<1x16xf32> to vector<16xf32>
    %get3A_2306 = arith.constant 7 : i32
    %get3A_2307 = arith.index_cast %get3A_2306 : i32 to index
    %get3A_2308 = arith.constant 112 : index
    %get3A_2309 = tpu.vector_load %arg10[%get3A_2307, %get3A_2308] {strides = array<i32>} : memref<10x128xf32, #tpu.memory_space<vmem>>, vector<1x16xf32>,
    %get3A_2310 = vector.shape_cast %get3A_2309 : vector<1x16xf32> to vector<16xf32>
    %add3A_2311 = arith.constant 1.000000e-10 : f32
    %add3A_2312 = vector.broadcast %add3A_2311 : f32 to vector<16xf32>
    %add3A_2313 = arith.addf %get3A_2310, %add3A_2312 : vector<16xf32>
    %div3A_2314 = arith.divf %get3A_2305, %add3A_2313 : vector<16xf32>
    %add3A_2315 = arith.addf %add3A_2300, %div3A_2314 : vector<16xf32>
    %get3A_2316 = arith.constant 8 : i32
    %get3A_2317 = arith.index_cast %get3A_2316 : i32 to index
    %get3A_2318 = arith.constant 0 : index
    %get3A_2319 = tpu.vector_load %arg11[%get3A_2317, %get3A_2318] {strides = array<i32>} : memref<10x128xf32, #tpu.memory_space<vmem>>, vector<1x16xf32>,
    %get3A_2320 = vector.shape_cast %get3A_2319 : vector<1x16xf32> to vector<16xf32>
    %get3A_2321 = arith.constant 8 : i32
    %get3A_2322 = arith.index_cast %get3A_2321 : i32 to index
    %get3A_2323 = arith.constant 0 : index
    %get3A_2324 = tpu.vector_load %arg10[%get3A_2322, %get3A_2323] {strides = array<i32>} : memref<10x128xf32, #tpu.memory_space<vmem>>, vector<1x16xf32>,
    %get3A_2325 = vector.shape_cast %get3A_2324 : vector<1x16xf32> to vector<16xf32>
    %add3A_2326 = arith.constant 1.000000e-10 : f32
    %add3A_2327 = vector.broadcast %add3A_2326 : f32 to vector<16xf32>
    %add3A_2328 = arith.addf %get3A_2325, %add3A_2327 : vector<16xf32>
    %div3A_2329 = arith.divf %get3A_2320, %add3A_2328 : vector<16xf32>
    %add3A_2330 = arith.addf %add3A_2315, %div3A_2329 : vector<16xf32>
    %get3A_2331 = arith.constant 8 : i32
    %get3A_2332 = arith.index_cast %get3A_2331 : i32 to index
    %get3A_2333 = arith.constant 16 : index
    %get3A_2334 = tpu.vector_load %arg11[%get3A_2332, %get3A_2333] {strides = array<i32>} : memref<10x128xf32, #tpu.memory_space<vmem>>, vector<1x16xf32>,
    %get3A_2335 = vector.shape_cast %get3A_2334 : vector<1x16xf32> to vector<16xf32>
    %get3A_2336 = arith.constant 8 : i32
    %get3A_2337 = arith.index_cast %get3A_2336 : i32 to index
    %get3A_2338 = arith.constant 16 : index
    %get3A_2339 = tpu.vector_load %arg10[%get3A_2337, %get3A_2338] {strides = array<i32>} : memref<10x128xf32, #tpu.memory_space<vmem>>, vector<1x16xf32>,
    %get3A_2340 = vector.shape_cast %get3A_2339 : vector<1x16xf32> to vector<16xf32>
    %add3A_2341 = arith.constant 1.000000e-10 : f32
    %add3A_2342 = vector.broadcast %add3A_2341 : f32 to vector<16xf32>
    %add3A_2343 = arith.addf %get3A_2340, %add3A_2342 : vector<16xf32>
    %div3A_2344 = arith.divf %get3A_2335, %add3A_2343 : vector<16xf32>
    %add3A_2345 = arith.addf %add3A_2330, %div3A_2344 : vector<16xf32>
    %get3A_2346 = arith.constant 8 : i32
    %get3A_2347 = arith.index_cast %get3A_2346 : i32 to index
    %get3A_2348 = arith.constant 32 : index
    %get3A_2349 = tpu.vector_load %arg11[%get3A_2347, %get3A_2348] {strides = array<i32>} : memref<10x128xf32, #tpu.memory_space<vmem>>, vector<1x16xf32>,
    %get3A_2350 = vector.shape_cast %get3A_2349 : vector<1x16xf32> to vector<16xf32>
    %get3A_2351 = arith.constant 8 : i32
    %get3A_2352 = arith.index_cast %get3A_2351 : i32 to index
    %get3A_2353 = arith.constant 32 : index
    %get3A_2354 = tpu.vector_load %arg10[%get3A_2352, %get3A_2353] {strides = array<i32>} : memref<10x128xf32, #tpu.memory_space<vmem>>, vector<1x16xf32>,
    %get3A_2355 = vector.shape_cast %get3A_2354 : vector<1x16xf32> to vector<16xf32>
    %add3A_2356 = arith.constant 1.000000e-10 : f32
    %add3A_2357 = vector.broadcast %add3A_2356 : f32 to vector<16xf32>
    %add3A_2358 = arith.addf %get3A_2355, %add3A_2357 : vector<16xf32>
    %div3A_2359 = arith.divf %get3A_2350, %add3A_2358 : vector<16xf32>
    %add3A_2360 = arith.addf %add3A_2345, %div3A_2359 : vector<16xf32>
    %get3A_2361 = arith.constant 8 : i32
    %get3A_2362 = arith.index_cast %get3A_2361 : i32 to index
    %get3A_2363 = arith.constant 48 : index
    %get3A_2364 = tpu.vector_load %arg11[%get3A_2362, %get3A_2363] {strides = array<i32>} : memref<10x128xf32, #tpu.memory_space<vmem>>, vector<1x16xf32>,
    %get3A_2365 = vector.shape_cast %get3A_2364 : vector<1x16xf32> to vector<16xf32>
    %get3A_2366 = arith.constant 8 : i32
    %get3A_2367 = arith.index_cast %get3A_2366 : i32 to index
    %get3A_2368 = arith.constant 48 : index
    %get3A_2369 = tpu.vector_load %arg10[%get3A_2367, %get3A_2368] {strides = array<i32>} : memref<10x128xf32, #tpu.memory_space<vmem>>, vector<1x16xf32>,
    %get3A_2370 = vector.shape_cast %get3A_2369 : vector<1x16xf32> to vector<16xf32>
    %add3A_2371 = arith.constant 1.000000e-10 : f32
    %add3A_2372 = vector.broadcast %add3A_2371 : f32 to vector<16xf32>
    %add3A_2373 = arith.addf %get3A_2370, %add3A_2372 : vector<16xf32>
    %div3A_2374 = arith.divf %get3A_2365, %add3A_2373 : vector<16xf32>
    %add3A_2375 = arith.addf %add3A_2360, %div3A_2374 : vector<16xf32>
    %get3A_2376 = arith.constant 8 : i32
    %get3A_2377 = arith.index_cast %get3A_2376 : i32 to index
    %get3A_2378 = arith.constant 64 : index
    %get3A_2379 = tpu.vector_load %arg11[%get3A_2377, %get3A_2378] {strides = array<i32>} : memref<10x128xf32, #tpu.memory_space<vmem>>, vector<1x16xf32>,
    %get3A_2380 = vector.shape_cast %get3A_2379 : vector<1x16xf32> to vector<16xf32>
    %get3A_2381 = arith.constant 8 : i32
    %get3A_2382 = arith.index_cast %get3A_2381 : i32 to index
    %get3A_2383 = arith.constant 64 : index
    %get3A_2384 = tpu.vector_load %arg10[%get3A_2382, %get3A_2383] {strides = array<i32>} : memref<10x128xf32, #tpu.memory_space<vmem>>, vector<1x16xf32>,
    %get3A_2385 = vector.shape_cast %get3A_2384 : vector<1x16xf32> to vector<16xf32>
    %add3A_2386 = arith.constant 1.000000e-10 : f32
    %add3A_2387 = vector.broadcast %add3A_2386 : f32 to vector<16xf32>
    %add3A_2388 = arith.addf %get3A_2385, %add3A_2387 : vector<16xf32>
    %div3A_2389 = arith.divf %get3A_2380, %add3A_2388 : vector<16xf32>
    %add3A_2390 = arith.addf %add3A_2375, %div3A_2389 : vector<16xf32>
    %get3A_2391 = arith.constant 8 : i32
    %get3A_2392 = arith.index_cast %get3A_2391 : i32 to index
    %get3A_2393 = arith.constant 80 : index
    %get3A_2394 = tpu.vector_load %arg11[%get3A_2392, %get3A_2393] {strides = array<i32>} : memref<10x128xf32, #tpu.memory_space<vmem>>, vector<1x16xf32>,
    %get3A_2395 = vector.shape_cast %get3A_2394 : vector<1x16xf32> to vector<16xf32>
    %get3A_2396 = arith.constant 8 : i32
    %get3A_2397 = arith.index_cast %get3A_2396 : i32 to index
    %get3A_2398 = arith.constant 80 : index
    %get3A_2399 = tpu.vector_load %arg10[%get3A_2397, %get3A_2398] {strides = array<i32>} : memref<10x128xf32, #tpu.memory_space<vmem>>, vector<1x16xf32>,
    %get3A_2400 = vector.shape_cast %get3A_2399 : vector<1x16xf32> to vector<16xf32>
    %add3A_2401 = arith.constant 1.000000e-10 : f32
    %add3A_2402 = vector.broadcast %add3A_2401 : f32 to vector<16xf32>
    %add3A_2403 = arith.addf %get3A_2400, %add3A_2402 : vector<16xf32>
    %div3A_2404 = arith.divf %get3A_2395, %add3A_2403 : vector<16xf32>
    %add3A_2405 = arith.addf %add3A_2390, %div3A_2404 : vector<16xf32>
    %get3A_2406 = arith.constant 8 : i32
    %get3A_2407 = arith.index_cast %get3A_2406 : i32 to index
    %get3A_2408 = arith.constant 96 : index
    %get3A_2409 = tpu.vector_load %arg11[%get3A_2407, %get3A_2408] {strides = array<i32>} : memref<10x128xf32, #tpu.memory_space<vmem>>, vector<1x16xf32>,
    %get3A_2410 = vector.shape_cast %get3A_2409 : vector<1x16xf32> to vector<16xf32>
    %get3A_2411 = arith.constant 8 : i32
    %get3A_2412 = arith.index_cast %get3A_2411 : i32 to index
    %get3A_2413 = arith.constant 96 : index
    %get3A_2414 = tpu.vector_load %arg10[%get3A_2412, %get3A_2413] {strides = array<i32>} : memref<10x128xf32, #tpu.memory_space<vmem>>, vector<1x16xf32>,
    %get3A_2415 = vector.shape_cast %get3A_2414 : vector<1x16xf32> to vector<16xf32>
    %add3A_2416 = arith.constant 1.000000e-10 : f32
    %add3A_2417 = vector.broadcast %add3A_2416 : f32 to vector<16xf32>
    %add3A_2418 = arith.addf %get3A_2415, %add3A_2417 : vector<16xf32>
    %div3A_2419 = arith.divf %get3A_2410, %add3A_2418 : vector<16xf32>
    %add3A_2420 = arith.addf %add3A_2405, %div3A_2419 : vector<16xf32>
    %get3A_2421 = arith.constant 8 : i32
    %get3A_2422 = arith.index_cast %get3A_2421 : i32 to index
    %get3A_2423 = arith.constant 112 : index
    %get3A_2424 = tpu.vector_load %arg11[%get3A_2422, %get3A_2423] {strides = array<i32>} : memref<10x128xf32, #tpu.memory_space<vmem>>, vector<1x16xf32>,
    %get3A_2425 = vector.shape_cast %get3A_2424 : vector<1x16xf32> to vector<16xf32>
    %get3A_2426 = arith.constant 8 : i32
    %get3A_2427 = arith.index_cast %get3A_2426 : i32 to index
    %get3A_2428 = arith.constant 112 : index
    %get3A_2429 = tpu.vector_load %arg10[%get3A_2427, %get3A_2428] {strides = array<i32>} : memref<10x128xf32, #tpu.memory_space<vmem>>, vector<1x16xf32>,
    %get3A_2430 = vector.shape_cast %get3A_2429 : vector<1x16xf32> to vector<16xf32>
    %add3A_2431 = arith.constant 1.000000e-10 : f32
    %add3A_2432 = vector.broadcast %add3A_2431 : f32 to vector<16xf32>
    %add3A_2433 = arith.addf %get3A_2430, %add3A_2432 : vector<16xf32>
    %div3A_2434 = arith.divf %get3A_2425, %add3A_2433 : vector<16xf32>
    %add3A_2435 = arith.addf %add3A_2420, %div3A_2434 : vector<16xf32>
    %get3A_2436 = arith.constant 9 : i32
    %get3A_2437 = arith.index_cast %get3A_2436 : i32 to index
    %get3A_2438 = arith.constant 0 : index
    %get3A_2439 = tpu.vector_load %arg11[%get3A_2437, %get3A_2438] {strides = array<i32>} : memref<10x128xf32, #tpu.memory_space<vmem>>, vector<1x16xf32>,
    %get3A_2440 = vector.shape_cast %get3A_2439 : vector<1x16xf32> to vector<16xf32>
    %get3A_2441 = arith.constant 9 : i32
    %get3A_2442 = arith.index_cast %get3A_2441 : i32 to index
    %get3A_2443 = arith.constant 0 : index
    %get3A_2444 = tpu.vector_load %arg10[%get3A_2442, %get3A_2443] {strides = array<i32>} : memref<10x128xf32, #tpu.memory_space<vmem>>, vector<1x16xf32>,
    %get3A_2445 = vector.shape_cast %get3A_2444 : vector<1x16xf32> to vector<16xf32>
    %add3A_2446 = arith.constant 1.000000e-10 : f32
    %add3A_2447 = vector.broadcast %add3A_2446 : f32 to vector<16xf32>
    %add3A_2448 = arith.addf %get3A_2445, %add3A_2447 : vector<16xf32>
    %div3A_2449 = arith.divf %get3A_2440, %add3A_2448 : vector<16xf32>
    %add3A_2450 = arith.addf %add3A_2435, %div3A_2449 : vector<16xf32>
    %get3A_2451 = arith.constant 9 : i32
    %get3A_2452 = arith.index_cast %get3A_2451 : i32 to index
    %get3A_2453 = arith.constant 16 : index
    %get3A_2454 = tpu.vector_load %arg11[%get3A_2452, %get3A_2453] {strides = array<i32>} : memref<10x128xf32, #tpu.memory_space<vmem>>, vector<1x16xf32>,
    %get3A_2455 = vector.shape_cast %get3A_2454 : vector<1x16xf32> to vector<16xf32>
    %get3A_2456 = arith.constant 9 : i32
    %get3A_2457 = arith.index_cast %get3A_2456 : i32 to index
    %get3A_2458 = arith.constant 16 : index
    %get3A_2459 = tpu.vector_load %arg10[%get3A_2457, %get3A_2458] {strides = array<i32>} : memref<10x128xf32, #tpu.memory_space<vmem>>, vector<1x16xf32>,
    %get3A_2460 = vector.shape_cast %get3A_2459 : vector<1x16xf32> to vector<16xf32>
    %add3A_2461 = arith.constant 1.000000e-10 : f32
    %add3A_2462 = vector.broadcast %add3A_2461 : f32 to vector<16xf32>
    %add3A_2463 = arith.addf %get3A_2460, %add3A_2462 : vector<16xf32>
    %div3A_2464 = arith.divf %get3A_2455, %add3A_2463 : vector<16xf32>
    %add3A_2465 = arith.addf %add3A_2450, %div3A_2464 : vector<16xf32>
    %get3A_2466 = arith.constant 9 : i32
    %get3A_2467 = arith.index_cast %get3A_2466 : i32 to index
    %get3A_2468 = arith.constant 32 : index
    %get3A_2469 = tpu.vector_load %arg11[%get3A_2467, %get3A_2468] {strides = array<i32>} : memref<10x128xf32, #tpu.memory_space<vmem>>, vector<1x16xf32>,
    %get3A_2470 = vector.shape_cast %get3A_2469 : vector<1x16xf32> to vector<16xf32>
    %get3A_2471 = arith.constant 9 : i32
    %get3A_2472 = arith.index_cast %get3A_2471 : i32 to index
    %get3A_2473 = arith.constant 32 : index
    %get3A_2474 = tpu.vector_load %arg10[%get3A_2472, %get3A_2473] {strides = array<i32>} : memref<10x128xf32, #tpu.memory_space<vmem>>, vector<1x16xf32>,
    %get3A_2475 = vector.shape_cast %get3A_2474 : vector<1x16xf32> to vector<16xf32>
    %add3A_2476 = arith.constant 1.000000e-10 : f32
    %add3A_2477 = vector.broadcast %add3A_2476 : f32 to vector<16xf32>
    %add3A_2478 = arith.addf %get3A_2475, %add3A_2477 : vector<16xf32>
    %div3A_2479 = arith.divf %get3A_2470, %add3A_2478 : vector<16xf32>
    %add3A_2480 = arith.addf %add3A_2465, %div3A_2479 : vector<16xf32>
    %get3A_2481 = arith.constant 9 : i32
    %get3A_2482 = arith.index_cast %get3A_2481 : i32 to index
    %get3A_2483 = arith.constant 48 : index
    %get3A_2484 = tpu.vector_load %arg11[%get3A_2482, %get3A_2483] {strides = array<i32>} : memref<10x128xf32, #tpu.memory_space<vmem>>, vector<1x16xf32>,
    %get3A_2485 = vector.shape_cast %get3A_2484 : vector<1x16xf32> to vector<16xf32>
    %get3A_2486 = arith.constant 9 : i32
    %get3A_2487 = arith.index_cast %get3A_2486 : i32 to index
    %get3A_2488 = arith.constant 48 : index
    %get3A_2489 = tpu.vector_load %arg10[%get3A_2487, %get3A_2488] {strides = array<i32>} : memref<10x128xf32, #tpu.memory_space<vmem>>, vector<1x16xf32>,
    %get3A_2490 = vector.shape_cast %get3A_2489 : vector<1x16xf32> to vector<16xf32>
    %add3A_2491 = arith.constant 1.000000e-10 : f32
    %add3A_2492 = vector.broadcast %add3A_2491 : f32 to vector<16xf32>
    %add3A_2493 = arith.addf %get3A_2490, %add3A_2492 : vector<16xf32>
    %div3A_2494 = arith.divf %get3A_2485, %add3A_2493 : vector<16xf32>
    %add3A_2495 = arith.addf %add3A_2480, %div3A_2494 : vector<16xf32>
    %get3A_2496 = arith.constant 9 : i32
    %get3A_2497 = arith.index_cast %get3A_2496 : i32 to index
    %get3A_2498 = arith.constant 64 : index
    %get3A_2499 = tpu.vector_load %arg11[%get3A_2497, %get3A_2498] {strides = array<i32>} : memref<10x128xf32, #tpu.memory_space<vmem>>, vector<1x16xf32>,
    %get3A_2500 = vector.shape_cast %get3A_2499 : vector<1x16xf32> to vector<16xf32>
    %get3A_2501 = arith.constant 9 : i32
    %get3A_2502 = arith.index_cast %get3A_2501 : i32 to index
    %get3A_2503 = arith.constant 64 : index
    %get3A_2504 = tpu.vector_load %arg10[%get3A_2502, %get3A_2503] {strides = array<i32>} : memref<10x128xf32, #tpu.memory_space<vmem>>, vector<1x16xf32>,
    %get3A_2505 = vector.shape_cast %get3A_2504 : vector<1x16xf32> to vector<16xf32>
    %add3A_2506 = arith.constant 1.000000e-10 : f32
    %add3A_2507 = vector.broadcast %add3A_2506 : f32 to vector<16xf32>
    %add3A_2508 = arith.addf %get3A_2505, %add3A_2507 : vector<16xf32>
    %div3A_2509 = arith.divf %get3A_2500, %add3A_2508 : vector<16xf32>
    %add3A_2510 = arith.addf %add3A_2495, %div3A_2509 : vector<16xf32>
    %get3A_2511 = arith.constant 9 : i32
    %get3A_2512 = arith.index_cast %get3A_2511 : i32 to index
    %get3A_2513 = arith.constant 80 : index
    %get3A_2514 = tpu.vector_load %arg11[%get3A_2512, %get3A_2513] {strides = array<i32>} : memref<10x128xf32, #tpu.memory_space<vmem>>, vector<1x16xf32>,
    %get3A_2515 = vector.shape_cast %get3A_2514 : vector<1x16xf32> to vector<16xf32>
    %get3A_2516 = arith.constant 9 : i32
    %get3A_2517 = arith.index_cast %get3A_2516 : i32 to index
    %get3A_2518 = arith.constant 80 : index
    %get3A_2519 = tpu.vector_load %arg10[%get3A_2517, %get3A_2518] {strides = array<i32>} : memref<10x128xf32, #tpu.memory_space<vmem>>, vector<1x16xf32>,
    %get3A_2520 = vector.shape_cast %get3A_2519 : vector<1x16xf32> to vector<16xf32>
    %add3A_2521 = arith.constant 1.000000e-10 : f32
    %add3A_2522 = vector.broadcast %add3A_2521 : f32 to vector<16xf32>
    %add3A_2523 = arith.addf %get3A_2520, %add3A_2522 : vector<16xf32>
    %div3A_2524 = arith.divf %get3A_2515, %add3A_2523 : vector<16xf32>
    %add3A_2525 = arith.addf %add3A_2510, %div3A_2524 : vector<16xf32>
    %get3A_2526 = arith.constant 9 : i32
    %get3A_2527 = arith.index_cast %get3A_2526 : i32 to index
    %get3A_2528 = arith.constant 96 : index
    %get3A_2529 = tpu.vector_load %arg11[%get3A_2527, %get3A_2528] {strides = array<i32>} : memref<10x128xf32, #tpu.memory_space<vmem>>, vector<1x16xf32>,
    %get3A_2530 = vector.shape_cast %get3A_2529 : vector<1x16xf32> to vector<16xf32>
    %get3A_2531 = arith.constant 9 : i32
    %get3A_2532 = arith.index_cast %get3A_2531 : i32 to index
    %get3A_2533 = arith.constant 96 : index
    %get3A_2534 = tpu.vector_load %arg10[%get3A_2532, %get3A_2533] {strides = array<i32>} : memref<10x128xf32, #tpu.memory_space<vmem>>, vector<1x16xf32>,
    %get3A_2535 = vector.shape_cast %get3A_2534 : vector<1x16xf32> to vector<16xf32>
    %add3A_2536 = arith.constant 1.000000e-10 : f32
    %add3A_2537 = vector.broadcast %add3A_2536 : f32 to vector<16xf32>
    %add3A_2538 = arith.addf %get3A_2535, %add3A_2537 : vector<16xf32>
    %div3A_2539 = arith.divf %get3A_2530, %add3A_2538 : vector<16xf32>
    %add3A_2540 = arith.addf %add3A_2525, %div3A_2539 : vector<16xf32>
    %get3A_2541 = arith.constant 9 : i32
    %get3A_2542 = arith.index_cast %get3A_2541 : i32 to index
    %get3A_2543 = arith.constant 112 : index
    %get3A_2544 = tpu.vector_load %arg11[%get3A_2542, %get3A_2543] {strides = array<i32>} : memref<10x128xf32, #tpu.memory_space<vmem>>, vector<1x16xf32>,
    %get3A_2545 = vector.shape_cast %get3A_2544 : vector<1x16xf32> to vector<16xf32>
    %get3A_2546 = arith.constant 9 : i32
    %get3A_2547 = arith.index_cast %get3A_2546 : i32 to index
    %get3A_2548 = arith.constant 112 : index
    %get3A_2549 = tpu.vector_load %arg10[%get3A_2547, %get3A_2548] {strides = array<i32>} : memref<10x128xf32, #tpu.memory_space<vmem>>, vector<1x16xf32>,
    %get3A_2550 = vector.shape_cast %get3A_2549 : vector<1x16xf32> to vector<16xf32>
    %add3A_2551 = arith.constant 1.000000e-10 : f32
    %add3A_2552 = vector.broadcast %add3A_2551 : f32 to vector<16xf32>
    %add3A_2553 = arith.addf %get3A_2550, %add3A_2552 : vector<16xf32>
    %div3A_2554 = arith.divf %get3A_2545, %add3A_2553 : vector<16xf32>
    %add3A_2555 = arith.addf %add3A_2540, %div3A_2554 : vector<16xf32>
    %swap3A_2556 = arith.constant 0 : index
    %swap3A_2557 = tpu.vector_load %arg12[%swap3A_2556] {strides = array<i32>} : memref<16xf32, #tpu.memory_space<vmem>>, vector<16xf32>,
    %swap3A_2558 = vector.shape_cast %swap3A_2557 : vector<16xf32> to vector<16xf32>
    %swap3A_2559 = vector.shape_cast %add3A_2555 : vector<16xf32> to vector<16xf32>
    tpu.vector_store %arg12[%swap3A_2556], %swap3A_2559 {strides = array<i32>} : memref<16xf32, #tpu.memory_space<vmem>>, vector<16xf32>,
    "tpu.region"() ({
      %run_scoped3A = tpu.sem_alloc : memref<!tpu.dma_semaphore, #tpu.memory_space<semaphore_mem>>
      %dma_start3A_2560 = arith.constant 0 : i32
      %dma_start3A_2561 = tpu.memref_slice %arg6[%add3A, %dma_start3A_2560] : memref<32x16xf32, #tpu.memory_space<hbm>> -> memref<1x16xf32, #tpu.memory_space<hbm>>
      %dma_start3A_2562 = tpu.memref_squeeze %dma_start3A_2561 : memref<1x16xf32, #tpu.memory_space<hbm>> -> memref<16xf32, #tpu.memory_space<hbm>>
      %dma_start3A_2563 = arith.constant 0 : i32
      %dma_start3A_2564 = tpu.memref_slice %arg6[%add3A, %dma_start3A_2563] : memref<32x16xf32, #tpu.memory_space<hbm>> -> memref<1x16xf32, #tpu.memory_space<hbm>>
      %dma_start3A_2565 = tpu.memref_squeeze %dma_start3A_2564 : memref<1x16xf32, #tpu.memory_space<hbm>> -> memref<16xf32, #tpu.memory_space<hbm>>
      tpu.enqueue_dma source(%arg12 : memref<16xf32, #tpu.memory_space<vmem>>) target(%dma_start3A_2565 : memref<16xf32, #tpu.memory_space<hbm>>) target_semaphore(%run_scoped3A : memref<!tpu.dma_semaphore, #tpu.memory_space<semaphore_mem>>)
      %dma_wait3A_2566 = arith.constant 0 : i32
      %dma_wait3A_2567 = tpu.memref_slice %arg6[%add3A, %dma_wait3A_2566] : memref<32x16xf32, #tpu.memory_space<hbm>> -> memref<1x16xf32, #tpu.memory_space<hbm>>
      %dma_wait3A_2568 = tpu.memref_squeeze %dma_wait3A_2567 : memref<1x16xf32, #tpu.memory_space<hbm>> -> memref<16xf32, #tpu.memory_space<hbm>>
      %dma_wait3A_2569 = arith.constant 0 : i32
      %dma_wait3A_2570 = tpu.memref_slice %arg6[%add3A, %dma_wait3A_2569] : memref<32x16xf32, #tpu.memory_space<hbm>> -> memref<1x16xf32, #tpu.memory_space<hbm>>
      %dma_wait3A_2571 = tpu.memref_squeeze %dma_wait3A_2570 : memref<1x16xf32, #tpu.memory_space<hbm>> -> memref<16xf32, #tpu.memory_space<hbm>>
      tpu.wait_dma2 semaphore(%run_scoped3A : memref<!tpu.dma_semaphore, #tpu.memory_space<semaphore_mem>>) src(%arg12 : memref<16xf32, #tpu.memory_space<vmem>>) dst(%dma_wait3A_2571 : memref<16xf32, #tpu.memory_space<hbm>>)
      tpu.yield
    }) : () -> ()
    return
  }
}

#map = affine_map<(d0, d1) -> (0)>
#map1 = affine_map<(d0, d1) -> (0, 0, 0)>
module attributes {stable_mosaic.version = 14 : i64} {
  func.func @k(%arg0: i32, %arg1: i32, %arg2: memref<10000000xf32, #tpu.memory_space<hbm>>, %arg3: memref<32x10x128xi32, #tpu.memory_space<hbm>>, %arg4: memref<32x10x128xf32, #tpu.memory_space<hbm>>, %arg5: memref<10x128xi32, #tpu.memory_space<vmem>>, %arg6: memref<10x128xf32, #tpu.memory_space<vmem>>, %arg7: memref<!tpu.dma_semaphore, #tpu.memory_space<semaphore_mem>>) attributes {dimension_semantics = [#tpu.dimension_semantics<core_parallel>, #tpu.dimension_semantics<subcore_parallel>], iteration_bounds = array<i64: 2, 16>, scalar_prefetch = 0 : i64, scratch_operands = 3 : i64, tpu.core_type = #tpu.core_type<sc_vector_subcore>, window_params = [{transform_indices = #map}, {transform_indices = #map1}, {transform_indices = #map1}]} {
    %mul3A = arith.constant 2 : i32
    %mul3A_0 = arith.muli %arg1, %mul3A : i32
    %add3A = arith.addi %mul3A_0, %arg0 : i32
    "tpu.region"() ({
      %run_scoped3A = tpu.sem_alloc : memref<!tpu.dma_semaphore, #tpu.memory_space<semaphore_mem>>
      %dma_start3A_199 = arith.constant 0 : i32
      %dma_start3A_200 = arith.constant 0 : i32
      %dma_start3A_201 = tpu.memref_slice %arg3[%add3A, %dma_start3A_199, %dma_start3A_200] : memref<32x10x128xi32, #tpu.memory_space<hbm>> -> memref<1x10x128xi32, #tpu.memory_space<hbm>>
      %dma_start3A_202 = tpu.memref_squeeze %dma_start3A_201 : memref<1x10x128xi32, #tpu.memory_space<hbm>> -> memref<10x128xi32, #tpu.memory_space<hbm>>
      %dma_start3A_203 = arith.constant 0 : i32
      %dma_start3A_204 = arith.constant 0 : i32
      %dma_start3A_205 = tpu.memref_slice %arg3[%add3A, %dma_start3A_203, %dma_start3A_204] : memref<32x10x128xi32, #tpu.memory_space<hbm>> -> memref<1x10x128xi32, #tpu.memory_space<hbm>>
      %dma_start3A_206 = tpu.memref_squeeze %dma_start3A_205 : memref<1x10x128xi32, #tpu.memory_space<hbm>> -> memref<10x128xi32, #tpu.memory_space<hbm>>
      tpu.enqueue_dma source(%dma_start3A_206 : memref<10x128xi32, #tpu.memory_space<hbm>>) target(%arg5 : memref<10x128xi32, #tpu.memory_space<vmem>>) target_semaphore(%run_scoped3A : memref<!tpu.dma_semaphore, #tpu.memory_space<semaphore_mem>>)
      %dma_wait3A_207 = arith.constant 0 : i32
      %dma_wait3A_208 = arith.constant 0 : i32
      %dma_wait3A_209 = tpu.memref_slice %arg3[%add3A, %dma_wait3A_207, %dma_wait3A_208] : memref<32x10x128xi32, #tpu.memory_space<hbm>> -> memref<1x10x128xi32, #tpu.memory_space<hbm>>
      %dma_wait3A_210 = tpu.memref_squeeze %dma_wait3A_209 : memref<1x10x128xi32, #tpu.memory_space<hbm>> -> memref<10x128xi32, #tpu.memory_space<hbm>>
      %dma_wait3A_211 = arith.constant 0 : i32
      %dma_wait3A_212 = arith.constant 0 : i32
      %dma_wait3A_213 = tpu.memref_slice %arg3[%add3A, %dma_wait3A_211, %dma_wait3A_212] : memref<32x10x128xi32, #tpu.memory_space<hbm>> -> memref<1x10x128xi32, #tpu.memory_space<hbm>>
      %dma_wait3A_214 = tpu.memref_squeeze %dma_wait3A_213 : memref<1x10x128xi32, #tpu.memory_space<hbm>> -> memref<10x128xi32, #tpu.memory_space<hbm>>
      tpu.wait_dma2 semaphore(%run_scoped3A : memref<!tpu.dma_semaphore, #tpu.memory_space<semaphore_mem>>) src(%dma_wait3A_214 : memref<10x128xi32, #tpu.memory_space<hbm>>) dst(%arg5 : memref<10x128xi32, #tpu.memory_space<vmem>>)
      tpu.yield
    }) : () -> ()
    %dma_start3A = arith.constant 0 : i32
    %dma_start3A_1 = arith.constant 0 : i32
    %dma_start3A_2 = arith.constant 0 : i32
    %dma_start3A_3 = tpu.memref_slice %arg6[%dma_start3A_1, %dma_start3A_2] : memref<10x128xf32, #tpu.memory_space<vmem>> -> memref<1x128xf32, #tpu.memory_space<vmem>>
    %dma_start3A_4 = tpu.memref_squeeze %dma_start3A_3 : memref<1x128xf32, #tpu.memory_space<vmem>> -> memref<128xf32, #tpu.memory_space<vmem>>
    %dma_start3A_5 = arith.constant 0 : i32
    %dma_start3A_6 = tpu.memref_slice %arg5[%dma_start3A, %dma_start3A_5] : memref<10x128xi32, #tpu.memory_space<vmem>> -> memref<1x128xi32, #tpu.memory_space<vmem>>
    %dma_start3A_7 = tpu.memref_squeeze %dma_start3A_6 : memref<1x128xi32, #tpu.memory_space<vmem>> -> memref<128xi32, #tpu.memory_space<vmem>>
    %dma_start3A_8 = arith.constant 0 : i32
    %dma_start3A_9 = tpu.memref_slice %arg2[%dma_start3A_8] : memref<10000000xf32, #tpu.memory_space<hbm>> -> memref<10000000xf32, #tpu.memory_space<hbm>>
    tpu.enqueue_indirect_dma source(%dma_start3A_9 : memref<10000000xf32, #tpu.memory_space<hbm>>) target(%dma_start3A_4 : memref<128xf32, #tpu.memory_space<vmem>>) offsets(%dma_start3A_7 : memref<128xi32, #tpu.memory_space<vmem>>) semaphore(%arg7 : memref<!tpu.dma_semaphore, #tpu.memory_space<semaphore_mem>>)
    %dma_start3A_10 = arith.constant 1 : i32
    %dma_start3A_11 = arith.constant 1 : i32
    %dma_start3A_12 = arith.constant 0 : i32
    %dma_start3A_13 = tpu.memref_slice %arg6[%dma_start3A_11, %dma_start3A_12] : memref<10x128xf32, #tpu.memory_space<vmem>> -> memref<1x128xf32, #tpu.memory_space<vmem>>
    %dma_start3A_14 = tpu.memref_squeeze %dma_start3A_13 : memref<1x128xf32, #tpu.memory_space<vmem>> -> memref<128xf32, #tpu.memory_space<vmem>>
    %dma_start3A_15 = arith.constant 0 : i32
    %dma_start3A_16 = tpu.memref_slice %arg5[%dma_start3A_10, %dma_start3A_15] : memref<10x128xi32, #tpu.memory_space<vmem>> -> memref<1x128xi32, #tpu.memory_space<vmem>>
    %dma_start3A_17 = tpu.memref_squeeze %dma_start3A_16 : memref<1x128xi32, #tpu.memory_space<vmem>> -> memref<128xi32, #tpu.memory_space<vmem>>
    %dma_start3A_18 = arith.constant 0 : i32
    %dma_start3A_19 = tpu.memref_slice %arg2[%dma_start3A_18] : memref<10000000xf32, #tpu.memory_space<hbm>> -> memref<10000000xf32, #tpu.memory_space<hbm>>
    tpu.enqueue_indirect_dma source(%dma_start3A_19 : memref<10000000xf32, #tpu.memory_space<hbm>>) target(%dma_start3A_14 : memref<128xf32, #tpu.memory_space<vmem>>) offsets(%dma_start3A_17 : memref<128xi32, #tpu.memory_space<vmem>>) semaphore(%arg7 : memref<!tpu.dma_semaphore, #tpu.memory_space<semaphore_mem>>)
    %dma_start3A_20 = arith.constant 2 : i32
    %dma_start3A_21 = arith.constant 2 : i32
    %dma_start3A_22 = arith.constant 0 : i32
    %dma_start3A_23 = tpu.memref_slice %arg6[%dma_start3A_21, %dma_start3A_22] : memref<10x128xf32, #tpu.memory_space<vmem>> -> memref<1x128xf32, #tpu.memory_space<vmem>>
    %dma_start3A_24 = tpu.memref_squeeze %dma_start3A_23 : memref<1x128xf32, #tpu.memory_space<vmem>> -> memref<128xf32, #tpu.memory_space<vmem>>
    %dma_start3A_25 = arith.constant 0 : i32
    %dma_start3A_26 = tpu.memref_slice %arg5[%dma_start3A_20, %dma_start3A_25] : memref<10x128xi32, #tpu.memory_space<vmem>> -> memref<1x128xi32, #tpu.memory_space<vmem>>
    %dma_start3A_27 = tpu.memref_squeeze %dma_start3A_26 : memref<1x128xi32, #tpu.memory_space<vmem>> -> memref<128xi32, #tpu.memory_space<vmem>>
    %dma_start3A_28 = arith.constant 0 : i32
    %dma_start3A_29 = tpu.memref_slice %arg2[%dma_start3A_28] : memref<10000000xf32, #tpu.memory_space<hbm>> -> memref<10000000xf32, #tpu.memory_space<hbm>>
    tpu.enqueue_indirect_dma source(%dma_start3A_29 : memref<10000000xf32, #tpu.memory_space<hbm>>) target(%dma_start3A_24 : memref<128xf32, #tpu.memory_space<vmem>>) offsets(%dma_start3A_27 : memref<128xi32, #tpu.memory_space<vmem>>) semaphore(%arg7 : memref<!tpu.dma_semaphore, #tpu.memory_space<semaphore_mem>>)
    %dma_start3A_30 = arith.constant 3 : i32
    %dma_start3A_31 = arith.constant 3 : i32
    %dma_start3A_32 = arith.constant 0 : i32
    %dma_start3A_33 = tpu.memref_slice %arg6[%dma_start3A_31, %dma_start3A_32] : memref<10x128xf32, #tpu.memory_space<vmem>> -> memref<1x128xf32, #tpu.memory_space<vmem>>
    %dma_start3A_34 = tpu.memref_squeeze %dma_start3A_33 : memref<1x128xf32, #tpu.memory_space<vmem>> -> memref<128xf32, #tpu.memory_space<vmem>>
    %dma_start3A_35 = arith.constant 0 : i32
    %dma_start3A_36 = tpu.memref_slice %arg5[%dma_start3A_30, %dma_start3A_35] : memref<10x128xi32, #tpu.memory_space<vmem>> -> memref<1x128xi32, #tpu.memory_space<vmem>>
    %dma_start3A_37 = tpu.memref_squeeze %dma_start3A_36 : memref<1x128xi32, #tpu.memory_space<vmem>> -> memref<128xi32, #tpu.memory_space<vmem>>
    %dma_start3A_38 = arith.constant 0 : i32
    %dma_start3A_39 = tpu.memref_slice %arg2[%dma_start3A_38] : memref<10000000xf32, #tpu.memory_space<hbm>> -> memref<10000000xf32, #tpu.memory_space<hbm>>
    tpu.enqueue_indirect_dma source(%dma_start3A_39 : memref<10000000xf32, #tpu.memory_space<hbm>>) target(%dma_start3A_34 : memref<128xf32, #tpu.memory_space<vmem>>) offsets(%dma_start3A_37 : memref<128xi32, #tpu.memory_space<vmem>>) semaphore(%arg7 : memref<!tpu.dma_semaphore, #tpu.memory_space<semaphore_mem>>)
    %dma_start3A_40 = arith.constant 4 : i32
    %dma_start3A_41 = arith.constant 4 : i32
    %dma_start3A_42 = arith.constant 0 : i32
    %dma_start3A_43 = tpu.memref_slice %arg6[%dma_start3A_41, %dma_start3A_42] : memref<10x128xf32, #tpu.memory_space<vmem>> -> memref<1x128xf32, #tpu.memory_space<vmem>>
    %dma_start3A_44 = tpu.memref_squeeze %dma_start3A_43 : memref<1x128xf32, #tpu.memory_space<vmem>> -> memref<128xf32, #tpu.memory_space<vmem>>
    %dma_start3A_45 = arith.constant 0 : i32
    %dma_start3A_46 = tpu.memref_slice %arg5[%dma_start3A_40, %dma_start3A_45] : memref<10x128xi32, #tpu.memory_space<vmem>> -> memref<1x128xi32, #tpu.memory_space<vmem>>
    %dma_start3A_47 = tpu.memref_squeeze %dma_start3A_46 : memref<1x128xi32, #tpu.memory_space<vmem>> -> memref<128xi32, #tpu.memory_space<vmem>>
    %dma_start3A_48 = arith.constant 0 : i32
    %dma_start3A_49 = tpu.memref_slice %arg2[%dma_start3A_48] : memref<10000000xf32, #tpu.memory_space<hbm>> -> memref<10000000xf32, #tpu.memory_space<hbm>>
    tpu.enqueue_indirect_dma source(%dma_start3A_49 : memref<10000000xf32, #tpu.memory_space<hbm>>) target(%dma_start3A_44 : memref<128xf32, #tpu.memory_space<vmem>>) offsets(%dma_start3A_47 : memref<128xi32, #tpu.memory_space<vmem>>) semaphore(%arg7 : memref<!tpu.dma_semaphore, #tpu.memory_space<semaphore_mem>>)
    %dma_start3A_50 = arith.constant 5 : i32
    %dma_start3A_51 = arith.constant 5 : i32
    %dma_start3A_52 = arith.constant 0 : i32
    %dma_start3A_53 = tpu.memref_slice %arg6[%dma_start3A_51, %dma_start3A_52] : memref<10x128xf32, #tpu.memory_space<vmem>> -> memref<1x128xf32, #tpu.memory_space<vmem>>
    %dma_start3A_54 = tpu.memref_squeeze %dma_start3A_53 : memref<1x128xf32, #tpu.memory_space<vmem>> -> memref<128xf32, #tpu.memory_space<vmem>>
    %dma_start3A_55 = arith.constant 0 : i32
    %dma_start3A_56 = tpu.memref_slice %arg5[%dma_start3A_50, %dma_start3A_55] : memref<10x128xi32, #tpu.memory_space<vmem>> -> memref<1x128xi32, #tpu.memory_space<vmem>>
    %dma_start3A_57 = tpu.memref_squeeze %dma_start3A_56 : memref<1x128xi32, #tpu.memory_space<vmem>> -> memref<128xi32, #tpu.memory_space<vmem>>
    %dma_start3A_58 = arith.constant 0 : i32
    %dma_start3A_59 = tpu.memref_slice %arg2[%dma_start3A_58] : memref<10000000xf32, #tpu.memory_space<hbm>> -> memref<10000000xf32, #tpu.memory_space<hbm>>
    tpu.enqueue_indirect_dma source(%dma_start3A_59 : memref<10000000xf32, #tpu.memory_space<hbm>>) target(%dma_start3A_54 : memref<128xf32, #tpu.memory_space<vmem>>) offsets(%dma_start3A_57 : memref<128xi32, #tpu.memory_space<vmem>>) semaphore(%arg7 : memref<!tpu.dma_semaphore, #tpu.memory_space<semaphore_mem>>)
    %dma_start3A_60 = arith.constant 6 : i32
    %dma_start3A_61 = arith.constant 6 : i32
    %dma_start3A_62 = arith.constant 0 : i32
    %dma_start3A_63 = tpu.memref_slice %arg6[%dma_start3A_61, %dma_start3A_62] : memref<10x128xf32, #tpu.memory_space<vmem>> -> memref<1x128xf32, #tpu.memory_space<vmem>>
    %dma_start3A_64 = tpu.memref_squeeze %dma_start3A_63 : memref<1x128xf32, #tpu.memory_space<vmem>> -> memref<128xf32, #tpu.memory_space<vmem>>
    %dma_start3A_65 = arith.constant 0 : i32
    %dma_start3A_66 = tpu.memref_slice %arg5[%dma_start3A_60, %dma_start3A_65] : memref<10x128xi32, #tpu.memory_space<vmem>> -> memref<1x128xi32, #tpu.memory_space<vmem>>
    %dma_start3A_67 = tpu.memref_squeeze %dma_start3A_66 : memref<1x128xi32, #tpu.memory_space<vmem>> -> memref<128xi32, #tpu.memory_space<vmem>>
    %dma_start3A_68 = arith.constant 0 : i32
    %dma_start3A_69 = tpu.memref_slice %arg2[%dma_start3A_68] : memref<10000000xf32, #tpu.memory_space<hbm>> -> memref<10000000xf32, #tpu.memory_space<hbm>>
    tpu.enqueue_indirect_dma source(%dma_start3A_69 : memref<10000000xf32, #tpu.memory_space<hbm>>) target(%dma_start3A_64 : memref<128xf32, #tpu.memory_space<vmem>>) offsets(%dma_start3A_67 : memref<128xi32, #tpu.memory_space<vmem>>) semaphore(%arg7 : memref<!tpu.dma_semaphore, #tpu.memory_space<semaphore_mem>>)
    %dma_start3A_70 = arith.constant 7 : i32
    %dma_start3A_71 = arith.constant 7 : i32
    %dma_start3A_72 = arith.constant 0 : i32
    %dma_start3A_73 = tpu.memref_slice %arg6[%dma_start3A_71, %dma_start3A_72] : memref<10x128xf32, #tpu.memory_space<vmem>> -> memref<1x128xf32, #tpu.memory_space<vmem>>
    %dma_start3A_74 = tpu.memref_squeeze %dma_start3A_73 : memref<1x128xf32, #tpu.memory_space<vmem>> -> memref<128xf32, #tpu.memory_space<vmem>>
    %dma_start3A_75 = arith.constant 0 : i32
    %dma_start3A_76 = tpu.memref_slice %arg5[%dma_start3A_70, %dma_start3A_75] : memref<10x128xi32, #tpu.memory_space<vmem>> -> memref<1x128xi32, #tpu.memory_space<vmem>>
    %dma_start3A_77 = tpu.memref_squeeze %dma_start3A_76 : memref<1x128xi32, #tpu.memory_space<vmem>> -> memref<128xi32, #tpu.memory_space<vmem>>
    %dma_start3A_78 = arith.constant 0 : i32
    %dma_start3A_79 = tpu.memref_slice %arg2[%dma_start3A_78] : memref<10000000xf32, #tpu.memory_space<hbm>> -> memref<10000000xf32, #tpu.memory_space<hbm>>
    tpu.enqueue_indirect_dma source(%dma_start3A_79 : memref<10000000xf32, #tpu.memory_space<hbm>>) target(%dma_start3A_74 : memref<128xf32, #tpu.memory_space<vmem>>) offsets(%dma_start3A_77 : memref<128xi32, #tpu.memory_space<vmem>>) semaphore(%arg7 : memref<!tpu.dma_semaphore, #tpu.memory_space<semaphore_mem>>)
    %dma_start3A_80 = arith.constant 8 : i32
    %dma_start3A_81 = arith.constant 8 : i32
    %dma_start3A_82 = arith.constant 0 : i32
    %dma_start3A_83 = tpu.memref_slice %arg6[%dma_start3A_81, %dma_start3A_82] : memref<10x128xf32, #tpu.memory_space<vmem>> -> memref<1x128xf32, #tpu.memory_space<vmem>>
    %dma_start3A_84 = tpu.memref_squeeze %dma_start3A_83 : memref<1x128xf32, #tpu.memory_space<vmem>> -> memref<128xf32, #tpu.memory_space<vmem>>
    %dma_start3A_85 = arith.constant 0 : i32
    %dma_start3A_86 = tpu.memref_slice %arg5[%dma_start3A_80, %dma_start3A_85] : memref<10x128xi32, #tpu.memory_space<vmem>> -> memref<1x128xi32, #tpu.memory_space<vmem>>
    %dma_start3A_87 = tpu.memref_squeeze %dma_start3A_86 : memref<1x128xi32, #tpu.memory_space<vmem>> -> memref<128xi32, #tpu.memory_space<vmem>>
    %dma_start3A_88 = arith.constant 0 : i32
    %dma_start3A_89 = tpu.memref_slice %arg2[%dma_start3A_88] : memref<10000000xf32, #tpu.memory_space<hbm>> -> memref<10000000xf32, #tpu.memory_space<hbm>>
    tpu.enqueue_indirect_dma source(%dma_start3A_89 : memref<10000000xf32, #tpu.memory_space<hbm>>) target(%dma_start3A_84 : memref<128xf32, #tpu.memory_space<vmem>>) offsets(%dma_start3A_87 : memref<128xi32, #tpu.memory_space<vmem>>) semaphore(%arg7 : memref<!tpu.dma_semaphore, #tpu.memory_space<semaphore_mem>>)
    %dma_start3A_90 = arith.constant 9 : i32
    %dma_start3A_91 = arith.constant 9 : i32
    %dma_start3A_92 = arith.constant 0 : i32
    %dma_start3A_93 = tpu.memref_slice %arg6[%dma_start3A_91, %dma_start3A_92] : memref<10x128xf32, #tpu.memory_space<vmem>> -> memref<1x128xf32, #tpu.memory_space<vmem>>
    %dma_start3A_94 = tpu.memref_squeeze %dma_start3A_93 : memref<1x128xf32, #tpu.memory_space<vmem>> -> memref<128xf32, #tpu.memory_space<vmem>>
    %dma_start3A_95 = arith.constant 0 : i32
    %dma_start3A_96 = tpu.memref_slice %arg5[%dma_start3A_90, %dma_start3A_95] : memref<10x128xi32, #tpu.memory_space<vmem>> -> memref<1x128xi32, #tpu.memory_space<vmem>>
    %dma_start3A_97 = tpu.memref_squeeze %dma_start3A_96 : memref<1x128xi32, #tpu.memory_space<vmem>> -> memref<128xi32, #tpu.memory_space<vmem>>
    %dma_start3A_98 = arith.constant 0 : i32
    %dma_start3A_99 = tpu.memref_slice %arg2[%dma_start3A_98] : memref<10000000xf32, #tpu.memory_space<hbm>> -> memref<10000000xf32, #tpu.memory_space<hbm>>
    tpu.enqueue_indirect_dma source(%dma_start3A_99 : memref<10000000xf32, #tpu.memory_space<hbm>>) target(%dma_start3A_94 : memref<128xf32, #tpu.memory_space<vmem>>) offsets(%dma_start3A_97 : memref<128xi32, #tpu.memory_space<vmem>>) semaphore(%arg7 : memref<!tpu.dma_semaphore, #tpu.memory_space<semaphore_mem>>)
    %dma_wait3A = arith.constant 0 : i32
    %dma_wait3A_100 = arith.constant 0 : i32
    %dma_wait3A_101 = arith.constant 0 : i32
    %dma_wait3A_102 = tpu.memref_slice %arg6[%dma_wait3A_100, %dma_wait3A_101] : memref<10x128xf32, #tpu.memory_space<vmem>> -> memref<1x128xf32, #tpu.memory_space<vmem>>
    %dma_wait3A_103 = tpu.memref_squeeze %dma_wait3A_102 : memref<1x128xf32, #tpu.memory_space<vmem>> -> memref<128xf32, #tpu.memory_space<vmem>>
    %dma_wait3A_104 = arith.constant 0 : i32
    %dma_wait3A_105 = tpu.memref_slice %arg5[%dma_wait3A, %dma_wait3A_104] : memref<10x128xi32, #tpu.memory_space<vmem>> -> memref<1x128xi32, #tpu.memory_space<vmem>>
    %dma_wait3A_106 = tpu.memref_squeeze %dma_wait3A_105 : memref<1x128xi32, #tpu.memory_space<vmem>> -> memref<128xi32, #tpu.memory_space<vmem>>
    %dma_wait3A_107 = arith.constant 0 : i32
    %dma_wait3A_108 = tpu.memref_slice %arg2[%dma_wait3A_107] : memref<10000000xf32, #tpu.memory_space<hbm>> -> memref<10000000xf32, #tpu.memory_space<hbm>>
    tpu.wait_indirect_dma semaphore(%arg7 : memref<!tpu.dma_semaphore, #tpu.memory_space<semaphore_mem>>) src(%dma_wait3A_108 : memref<10000000xf32, #tpu.memory_space<hbm>>) dst(%dma_wait3A_103 : memref<128xf32, #tpu.memory_space<vmem>>)
    %dma_wait3A_109 = arith.constant 1 : i32
    %dma_wait3A_110 = arith.constant 1 : i32
    %dma_wait3A_111 = arith.constant 0 : i32
    %dma_wait3A_112 = tpu.memref_slice %arg6[%dma_wait3A_110, %dma_wait3A_111] : memref<10x128xf32, #tpu.memory_space<vmem>> -> memref<1x128xf32, #tpu.memory_space<vmem>>
    %dma_wait3A_113 = tpu.memref_squeeze %dma_wait3A_112 : memref<1x128xf32, #tpu.memory_space<vmem>> -> memref<128xf32, #tpu.memory_space<vmem>>
    %dma_wait3A_114 = arith.constant 0 : i32
    %dma_wait3A_115 = tpu.memref_slice %arg5[%dma_wait3A_109, %dma_wait3A_114] : memref<10x128xi32, #tpu.memory_space<vmem>> -> memref<1x128xi32, #tpu.memory_space<vmem>>
    %dma_wait3A_116 = tpu.memref_squeeze %dma_wait3A_115 : memref<1x128xi32, #tpu.memory_space<vmem>> -> memref<128xi32, #tpu.memory_space<vmem>>
    %dma_wait3A_117 = arith.constant 0 : i32
    %dma_wait3A_118 = tpu.memref_slice %arg2[%dma_wait3A_117] : memref<10000000xf32, #tpu.memory_space<hbm>> -> memref<10000000xf32, #tpu.memory_space<hbm>>
    tpu.wait_indirect_dma semaphore(%arg7 : memref<!tpu.dma_semaphore, #tpu.memory_space<semaphore_mem>>) src(%dma_wait3A_118 : memref<10000000xf32, #tpu.memory_space<hbm>>) dst(%dma_wait3A_113 : memref<128xf32, #tpu.memory_space<vmem>>)
    %dma_wait3A_119 = arith.constant 2 : i32
    %dma_wait3A_120 = arith.constant 2 : i32
    %dma_wait3A_121 = arith.constant 0 : i32
    %dma_wait3A_122 = tpu.memref_slice %arg6[%dma_wait3A_120, %dma_wait3A_121] : memref<10x128xf32, #tpu.memory_space<vmem>> -> memref<1x128xf32, #tpu.memory_space<vmem>>
    %dma_wait3A_123 = tpu.memref_squeeze %dma_wait3A_122 : memref<1x128xf32, #tpu.memory_space<vmem>> -> memref<128xf32, #tpu.memory_space<vmem>>
    %dma_wait3A_124 = arith.constant 0 : i32
    %dma_wait3A_125 = tpu.memref_slice %arg5[%dma_wait3A_119, %dma_wait3A_124] : memref<10x128xi32, #tpu.memory_space<vmem>> -> memref<1x128xi32, #tpu.memory_space<vmem>>
    %dma_wait3A_126 = tpu.memref_squeeze %dma_wait3A_125 : memref<1x128xi32, #tpu.memory_space<vmem>> -> memref<128xi32, #tpu.memory_space<vmem>>
    %dma_wait3A_127 = arith.constant 0 : i32
    %dma_wait3A_128 = tpu.memref_slice %arg2[%dma_wait3A_127] : memref<10000000xf32, #tpu.memory_space<hbm>> -> memref<10000000xf32, #tpu.memory_space<hbm>>
    tpu.wait_indirect_dma semaphore(%arg7 : memref<!tpu.dma_semaphore, #tpu.memory_space<semaphore_mem>>) src(%dma_wait3A_128 : memref<10000000xf32, #tpu.memory_space<hbm>>) dst(%dma_wait3A_123 : memref<128xf32, #tpu.memory_space<vmem>>)
    %dma_wait3A_129 = arith.constant 3 : i32
    %dma_wait3A_130 = arith.constant 3 : i32
    %dma_wait3A_131 = arith.constant 0 : i32
    %dma_wait3A_132 = tpu.memref_slice %arg6[%dma_wait3A_130, %dma_wait3A_131] : memref<10x128xf32, #tpu.memory_space<vmem>> -> memref<1x128xf32, #tpu.memory_space<vmem>>
    %dma_wait3A_133 = tpu.memref_squeeze %dma_wait3A_132 : memref<1x128xf32, #tpu.memory_space<vmem>> -> memref<128xf32, #tpu.memory_space<vmem>>
    %dma_wait3A_134 = arith.constant 0 : i32
    %dma_wait3A_135 = tpu.memref_slice %arg5[%dma_wait3A_129, %dma_wait3A_134] : memref<10x128xi32, #tpu.memory_space<vmem>> -> memref<1x128xi32, #tpu.memory_space<vmem>>
    %dma_wait3A_136 = tpu.memref_squeeze %dma_wait3A_135 : memref<1x128xi32, #tpu.memory_space<vmem>> -> memref<128xi32, #tpu.memory_space<vmem>>
    %dma_wait3A_137 = arith.constant 0 : i32
    %dma_wait3A_138 = tpu.memref_slice %arg2[%dma_wait3A_137] : memref<10000000xf32, #tpu.memory_space<hbm>> -> memref<10000000xf32, #tpu.memory_space<hbm>>
    tpu.wait_indirect_dma semaphore(%arg7 : memref<!tpu.dma_semaphore, #tpu.memory_space<semaphore_mem>>) src(%dma_wait3A_138 : memref<10000000xf32, #tpu.memory_space<hbm>>) dst(%dma_wait3A_133 : memref<128xf32, #tpu.memory_space<vmem>>)
    %dma_wait3A_139 = arith.constant 4 : i32
    %dma_wait3A_140 = arith.constant 4 : i32
    %dma_wait3A_141 = arith.constant 0 : i32
    %dma_wait3A_142 = tpu.memref_slice %arg6[%dma_wait3A_140, %dma_wait3A_141] : memref<10x128xf32, #tpu.memory_space<vmem>> -> memref<1x128xf32, #tpu.memory_space<vmem>>
    %dma_wait3A_143 = tpu.memref_squeeze %dma_wait3A_142 : memref<1x128xf32, #tpu.memory_space<vmem>> -> memref<128xf32, #tpu.memory_space<vmem>>
    %dma_wait3A_144 = arith.constant 0 : i32
    %dma_wait3A_145 = tpu.memref_slice %arg5[%dma_wait3A_139, %dma_wait3A_144] : memref<10x128xi32, #tpu.memory_space<vmem>> -> memref<1x128xi32, #tpu.memory_space<vmem>>
    %dma_wait3A_146 = tpu.memref_squeeze %dma_wait3A_145 : memref<1x128xi32, #tpu.memory_space<vmem>> -> memref<128xi32, #tpu.memory_space<vmem>>
    %dma_wait3A_147 = arith.constant 0 : i32
    %dma_wait3A_148 = tpu.memref_slice %arg2[%dma_wait3A_147] : memref<10000000xf32, #tpu.memory_space<hbm>> -> memref<10000000xf32, #tpu.memory_space<hbm>>
    tpu.wait_indirect_dma semaphore(%arg7 : memref<!tpu.dma_semaphore, #tpu.memory_space<semaphore_mem>>) src(%dma_wait3A_148 : memref<10000000xf32, #tpu.memory_space<hbm>>) dst(%dma_wait3A_143 : memref<128xf32, #tpu.memory_space<vmem>>)
    %dma_wait3A_149 = arith.constant 5 : i32
    %dma_wait3A_150 = arith.constant 5 : i32
    %dma_wait3A_151 = arith.constant 0 : i32
    %dma_wait3A_152 = tpu.memref_slice %arg6[%dma_wait3A_150, %dma_wait3A_151] : memref<10x128xf32, #tpu.memory_space<vmem>> -> memref<1x128xf32, #tpu.memory_space<vmem>>
    %dma_wait3A_153 = tpu.memref_squeeze %dma_wait3A_152 : memref<1x128xf32, #tpu.memory_space<vmem>> -> memref<128xf32, #tpu.memory_space<vmem>>
    %dma_wait3A_154 = arith.constant 0 : i32
    %dma_wait3A_155 = tpu.memref_slice %arg5[%dma_wait3A_149, %dma_wait3A_154] : memref<10x128xi32, #tpu.memory_space<vmem>> -> memref<1x128xi32, #tpu.memory_space<vmem>>
    %dma_wait3A_156 = tpu.memref_squeeze %dma_wait3A_155 : memref<1x128xi32, #tpu.memory_space<vmem>> -> memref<128xi32, #tpu.memory_space<vmem>>
    %dma_wait3A_157 = arith.constant 0 : i32
    %dma_wait3A_158 = tpu.memref_slice %arg2[%dma_wait3A_157] : memref<10000000xf32, #tpu.memory_space<hbm>> -> memref<10000000xf32, #tpu.memory_space<hbm>>
    tpu.wait_indirect_dma semaphore(%arg7 : memref<!tpu.dma_semaphore, #tpu.memory_space<semaphore_mem>>) src(%dma_wait3A_158 : memref<10000000xf32, #tpu.memory_space<hbm>>) dst(%dma_wait3A_153 : memref<128xf32, #tpu.memory_space<vmem>>)
    %dma_wait3A_159 = arith.constant 6 : i32
    %dma_wait3A_160 = arith.constant 6 : i32
    %dma_wait3A_161 = arith.constant 0 : i32
    %dma_wait3A_162 = tpu.memref_slice %arg6[%dma_wait3A_160, %dma_wait3A_161] : memref<10x128xf32, #tpu.memory_space<vmem>> -> memref<1x128xf32, #tpu.memory_space<vmem>>
    %dma_wait3A_163 = tpu.memref_squeeze %dma_wait3A_162 : memref<1x128xf32, #tpu.memory_space<vmem>> -> memref<128xf32, #tpu.memory_space<vmem>>
    %dma_wait3A_164 = arith.constant 0 : i32
    %dma_wait3A_165 = tpu.memref_slice %arg5[%dma_wait3A_159, %dma_wait3A_164] : memref<10x128xi32, #tpu.memory_space<vmem>> -> memref<1x128xi32, #tpu.memory_space<vmem>>
    %dma_wait3A_166 = tpu.memref_squeeze %dma_wait3A_165 : memref<1x128xi32, #tpu.memory_space<vmem>> -> memref<128xi32, #tpu.memory_space<vmem>>
    %dma_wait3A_167 = arith.constant 0 : i32
    %dma_wait3A_168 = tpu.memref_slice %arg2[%dma_wait3A_167] : memref<10000000xf32, #tpu.memory_space<hbm>> -> memref<10000000xf32, #tpu.memory_space<hbm>>
    tpu.wait_indirect_dma semaphore(%arg7 : memref<!tpu.dma_semaphore, #tpu.memory_space<semaphore_mem>>) src(%dma_wait3A_168 : memref<10000000xf32, #tpu.memory_space<hbm>>) dst(%dma_wait3A_163 : memref<128xf32, #tpu.memory_space<vmem>>)
    %dma_wait3A_169 = arith.constant 7 : i32
    %dma_wait3A_170 = arith.constant 7 : i32
    %dma_wait3A_171 = arith.constant 0 : i32
    %dma_wait3A_172 = tpu.memref_slice %arg6[%dma_wait3A_170, %dma_wait3A_171] : memref<10x128xf32, #tpu.memory_space<vmem>> -> memref<1x128xf32, #tpu.memory_space<vmem>>
    %dma_wait3A_173 = tpu.memref_squeeze %dma_wait3A_172 : memref<1x128xf32, #tpu.memory_space<vmem>> -> memref<128xf32, #tpu.memory_space<vmem>>
    %dma_wait3A_174 = arith.constant 0 : i32
    %dma_wait3A_175 = tpu.memref_slice %arg5[%dma_wait3A_169, %dma_wait3A_174] : memref<10x128xi32, #tpu.memory_space<vmem>> -> memref<1x128xi32, #tpu.memory_space<vmem>>
    %dma_wait3A_176 = tpu.memref_squeeze %dma_wait3A_175 : memref<1x128xi32, #tpu.memory_space<vmem>> -> memref<128xi32, #tpu.memory_space<vmem>>
    %dma_wait3A_177 = arith.constant 0 : i32
    %dma_wait3A_178 = tpu.memref_slice %arg2[%dma_wait3A_177] : memref<10000000xf32, #tpu.memory_space<hbm>> -> memref<10000000xf32, #tpu.memory_space<hbm>>
    tpu.wait_indirect_dma semaphore(%arg7 : memref<!tpu.dma_semaphore, #tpu.memory_space<semaphore_mem>>) src(%dma_wait3A_178 : memref<10000000xf32, #tpu.memory_space<hbm>>) dst(%dma_wait3A_173 : memref<128xf32, #tpu.memory_space<vmem>>)
    %dma_wait3A_179 = arith.constant 8 : i32
    %dma_wait3A_180 = arith.constant 8 : i32
    %dma_wait3A_181 = arith.constant 0 : i32
    %dma_wait3A_182 = tpu.memref_slice %arg6[%dma_wait3A_180, %dma_wait3A_181] : memref<10x128xf32, #tpu.memory_space<vmem>> -> memref<1x128xf32, #tpu.memory_space<vmem>>
    %dma_wait3A_183 = tpu.memref_squeeze %dma_wait3A_182 : memref<1x128xf32, #tpu.memory_space<vmem>> -> memref<128xf32, #tpu.memory_space<vmem>>
    %dma_wait3A_184 = arith.constant 0 : i32
    %dma_wait3A_185 = tpu.memref_slice %arg5[%dma_wait3A_179, %dma_wait3A_184] : memref<10x128xi32, #tpu.memory_space<vmem>> -> memref<1x128xi32, #tpu.memory_space<vmem>>
    %dma_wait3A_186 = tpu.memref_squeeze %dma_wait3A_185 : memref<1x128xi32, #tpu.memory_space<vmem>> -> memref<128xi32, #tpu.memory_space<vmem>>
    %dma_wait3A_187 = arith.constant 0 : i32
    %dma_wait3A_188 = tpu.memref_slice %arg2[%dma_wait3A_187] : memref<10000000xf32, #tpu.memory_space<hbm>> -> memref<10000000xf32, #tpu.memory_space<hbm>>
    tpu.wait_indirect_dma semaphore(%arg7 : memref<!tpu.dma_semaphore, #tpu.memory_space<semaphore_mem>>) src(%dma_wait3A_188 : memref<10000000xf32, #tpu.memory_space<hbm>>) dst(%dma_wait3A_183 : memref<128xf32, #tpu.memory_space<vmem>>)
    %dma_wait3A_189 = arith.constant 9 : i32
    %dma_wait3A_190 = arith.constant 9 : i32
    %dma_wait3A_191 = arith.constant 0 : i32
    %dma_wait3A_192 = tpu.memref_slice %arg6[%dma_wait3A_190, %dma_wait3A_191] : memref<10x128xf32, #tpu.memory_space<vmem>> -> memref<1x128xf32, #tpu.memory_space<vmem>>
    %dma_wait3A_193 = tpu.memref_squeeze %dma_wait3A_192 : memref<1x128xf32, #tpu.memory_space<vmem>> -> memref<128xf32, #tpu.memory_space<vmem>>
    %dma_wait3A_194 = arith.constant 0 : i32
    %dma_wait3A_195 = tpu.memref_slice %arg5[%dma_wait3A_189, %dma_wait3A_194] : memref<10x128xi32, #tpu.memory_space<vmem>> -> memref<1x128xi32, #tpu.memory_space<vmem>>
    %dma_wait3A_196 = tpu.memref_squeeze %dma_wait3A_195 : memref<1x128xi32, #tpu.memory_space<vmem>> -> memref<128xi32, #tpu.memory_space<vmem>>
    %dma_wait3A_197 = arith.constant 0 : i32
    %dma_wait3A_198 = tpu.memref_slice %arg2[%dma_wait3A_197] : memref<10000000xf32, #tpu.memory_space<hbm>> -> memref<10000000xf32, #tpu.memory_space<hbm>>
    tpu.wait_indirect_dma semaphore(%arg7 : memref<!tpu.dma_semaphore, #tpu.memory_space<semaphore_mem>>) src(%dma_wait3A_198 : memref<10000000xf32, #tpu.memory_space<hbm>>) dst(%dma_wait3A_193 : memref<128xf32, #tpu.memory_space<vmem>>)
    "tpu.region"() ({
      %run_scoped3A = tpu.sem_alloc : memref<!tpu.dma_semaphore, #tpu.memory_space<semaphore_mem>>
      %dma_start3A_199 = arith.constant 0 : i32
      %dma_start3A_200 = arith.constant 0 : i32
      %dma_start3A_201 = tpu.memref_slice %arg4[%add3A, %dma_start3A_199, %dma_start3A_200] : memref<32x10x128xf32, #tpu.memory_space<hbm>> -> memref<1x10x128xf32, #tpu.memory_space<hbm>>
      %dma_start3A_202 = tpu.memref_squeeze %dma_start3A_201 : memref<1x10x128xf32, #tpu.memory_space<hbm>> -> memref<10x128xf32, #tpu.memory_space<hbm>>
      %dma_start3A_203 = arith.constant 0 : i32
      %dma_start3A_204 = arith.constant 0 : i32
      %dma_start3A_205 = tpu.memref_slice %arg4[%add3A, %dma_start3A_203, %dma_start3A_204] : memref<32x10x128xf32, #tpu.memory_space<hbm>> -> memref<1x10x128xf32, #tpu.memory_space<hbm>>
      %dma_start3A_206 = tpu.memref_squeeze %dma_start3A_205 : memref<1x10x128xf32, #tpu.memory_space<hbm>> -> memref<10x128xf32, #tpu.memory_space<hbm>>
      tpu.enqueue_dma source(%arg6 : memref<10x128xf32, #tpu.memory_space<vmem>>) target(%dma_start3A_206 : memref<10x128xf32, #tpu.memory_space<hbm>>) target_semaphore(%run_scoped3A : memref<!tpu.dma_semaphore, #tpu.memory_space<semaphore_mem>>)
      %dma_wait3A_207 = arith.constant 0 : i32
      %dma_wait3A_208 = arith.constant 0 : i32
      %dma_wait3A_209 = tpu.memref_slice %arg4[%add3A, %dma_wait3A_207, %dma_wait3A_208] : memref<32x10x128xf32, #tpu.memory_space<hbm>> -> memref<1x10x128xf32, #tpu.memory_space<hbm>>
      %dma_wait3A_210 = tpu.memref_squeeze %dma_wait3A_209 : memref<1x10x128xf32, #tpu.memory_space<hbm>> -> memref<10x128xf32, #tpu.memory_space<hbm>>
      %dma_wait3A_211 = arith.constant 0 : i32
      %dma_wait3A_212 = arith.constant 0 : i32
      %dma_wait3A_213 = tpu.memref_slice %arg4[%add3A, %dma_wait3A_211, %dma_wait3A_212] : memref<32x10x128xf32, #tpu.memory_space<hbm>> -> memref<1x10x128xf32, #tpu.memory_space<hbm>>
      %dma_wait3A_214 = tpu.memref_squeeze %dma_wait3A_213 : memref<1x10x128xf32, #tpu.memory_space<hbm>> -> memref<10x128xf32, #tpu.memory_space<hbm>>
      tpu.wait_dma2 semaphore(%run_scoped3A : memref<!tpu.dma_semaphore, #tpu.memory_space<semaphore_mem>>) src(%arg6 : memref<10x128xf32, #tpu.memory_space<vmem>>) dst(%dma_wait3A_214 : memref<10x128xf32, #tpu.memory_space<hbm>>)
      tpu.yield
    }) : () -> ()
    return
  }
}

module attributes {stable_mosaic.version = 14 : i64} {
  func.func @_stats_body(%arg0: i32, %arg1: memref<1024x1000xf32, #tpu.memory_space<vmem>>, %arg2: memref<1024x1xi32, #tpu.memory_space<vmem>>, %arg3: memref<1024x10xi32, #tpu.memory_space<vmem>>, %arg4: memref<1024x4xf32, #tpu.memory_space<vmem>>, %arg5: memref<1x1xf32, #tpu.memory_space<vmem>>, %arg6: memref<1024x10xi32, #tpu.memory_space<vmem>>) attributes {dimension_semantics = [#tpu.dimension_semantics<arbitrary>], iteration_bounds = array<i64: 4>, scalar_prefetch = 0 : i64, scratch_operands = 0 : i64, tpu.core_type = #tpu.core_type<tc>, window_params = [{transform_indices = @transform_0, window_bounds = array<i64: 1024, 1000>}, {transform_indices = @transform_1, window_bounds = array<i64: 1024, 1>}, {transform_indices = @transform_2, window_bounds = array<i64: 1024, 10>}, {transform_indices = @transform_3, window_bounds = array<i64: 1024, 4>}, {pipeline_mode = #tpu.pipeline_mode<synchronous>, transform_indices = @transform_4, window_bounds = array<i64: 1, 1>}, {transform_indices = @transform_5, window_bounds = array<i64: 1024, 10>}]} {
    %get3A = arith.constant 0 : index
    %get3A_0 = arith.constant 0 : index
    %get3A_1 = vector.load %arg1[%get3A, %get3A_0] : memref<1024x1000xf32, #tpu.memory_space<vmem>>, vector<1024x1000xf32>
    %iota3A = tpu.iota {dimensions = array<i32: 1>} : vector<1024x1000xi32>
    %ge3A = arith.constant 10 : i32
    %ge3A_2 = vector.broadcast %ge3A : i32 to vector<1024x1000xi32>
    %ge3A_3 = arith.cmpi sge, %iota3A, %ge3A_2 : vector<1024x1000xi32>
    %jit3A = arith.constant -3.400000e+38 : f32
    %broadcast_in_dim3A = vector.broadcast %jit3A : f32 to vector<1024x1000xf32>
    %select_n3A = arith.select %ge3A_3, %get3A_1, %broadcast_in_dim3A : vector<1024x1000xi1>, vector<1024x1000xf32>
    %reduce_max3A = arith.constant dense<0xFF800000> : vector<1024xf32>
    %reduce_max3A_4 = vector.multi_reduction <maximumf>, %select_n3A, %reduce_max3A [1] : vector<1024x1000xf32> to vector<1024xf32>
    %broadcast_in_dim3A_5 = vector.shape_cast %reduce_max3A_4 : vector<1024xf32> to vector<1024x1xf32>
    %sub3A = vector.broadcast %broadcast_in_dim3A_5 : vector<1024x1xf32> to vector<1024x1000xf32>
    %sub3A_6 = arith.subf %get3A_1, %sub3A : vector<1024x1000xf32>
    %exp3A = math.exp %sub3A_6 : vector<1024x1000xf32>
    %jit3A_7 = arith.constant 0.000000e+00 : f32
    %broadcast_in_dim3A_8 = vector.broadcast %jit3A_7 : f32 to vector<1024x1000xf32>
    %select_n3A_9 = arith.select %ge3A_3, %exp3A, %broadcast_in_dim3A_8 : vector<1024x1000xi1>, vector<1024x1000xf32>
    %reduce_sum3A = arith.constant dense<0.000000e+00> : vector<1024xf32>
    %reduce_sum3A_10 = vector.multi_reduction <add>, %select_n3A_9, %reduce_sum3A [1] : vector<1024x1000xf32> to vector<1024xf32>
    %broadcast_in_dim3A_11 = vector.shape_cast %reduce_sum3A_10 : vector<1024xf32> to vector<1024x1xf32>
    %mul3A = arith.mulf %get3A_1, %select_n3A_9 : vector<1024x1000xf32>
    %reduce_sum3A_12 = arith.constant dense<0.000000e+00> : vector<1024xf32>
    %reduce_sum3A_13 = vector.multi_reduction <add>, %mul3A, %reduce_sum3A_12 [1] : vector<1024x1000xf32> to vector<1024xf32>
    %broadcast_in_dim3A_14 = vector.shape_cast %reduce_sum3A_13 : vector<1024xf32> to vector<1024x1xf32>
    %jit3A_15 = arith.constant 3.400000e+38 : f32
    %broadcast_in_dim3A_16 = vector.broadcast %jit3A_15 : f32 to vector<1024x1000xf32>
    %select_n3A_17 = arith.select %ge3A_3, %broadcast_in_dim3A_16, %get3A_1 : vector<1024x1000xi1>, vector<1024x1000xf32>
    %reduce_min3A = arith.constant dense<0x7F800000> : vector<1024xf32>
    %reduce_min3A_18 = vector.multi_reduction <minimumf>, %select_n3A_17, %reduce_min3A [1] : vector<1024x1000xf32> to vector<1024xf32>
    %broadcast_in_dim3A_19 = vector.shape_cast %reduce_min3A_18 : vector<1024xf32> to vector<1024x1xf32>
    %concatenate3A = tpu.concatenate %broadcast_in_dim3A_5, %broadcast_in_dim3A_11, %broadcast_in_dim3A_14, %broadcast_in_dim3A_19 in 1 : vector<1024x1xf32>, vector<1024x1xf32>, vector<1024x1xf32>, vector<1024x1xf32> -> vector<1024x4xf32>
    %swap3A = arith.constant 0 : index
    %swap3A_20 = arith.constant 0 : index
    %swap3A_21 = vector.load %arg4[%swap3A, %swap3A_20] : memref<1024x4xf32, #tpu.memory_space<vmem>>, vector<1024x4xf32>
    tpu.vector_store %arg4[%swap3A, %swap3A_20], %concatenate3A {strides = array<i32>} : memref<1024x4xf32, #tpu.memory_space<vmem>>, vector<1024x4xf32>,
    %sub3A_22 = arith.subf %broadcast_in_dim3A_5, %broadcast_in_dim3A_19 : vector<1024x1xf32>
    %reduce_max3A_23 = vector.shape_cast %sub3A_22 : vector<1024x1xf32> to vector<1x1024x1xf32>
    %reduce_max3A_24 = arith.constant dense<0xFF800000> : vector<1xf32>
    %reduce_max3A_25 = vector.multi_reduction <maximumf>, %reduce_max3A_23, %reduce_max3A_24 [1, 2] : vector<1x1024x1xf32> to vector<1xf32>
    %reduce_max3A_26 = vector.shape_cast %reduce_max3A_25 : vector<1xf32> to vector<1x1x1xf32>
    %reduce_max3A_27 = vector.extract %reduce_max3A_26[0, 0, 0] : f32 from vector<1x1x1xf32>
    %broadcast_in_dim3A_28 = vector.broadcast %reduce_max3A_27 : f32 to vector<1x1xf32>
    %eq3A = arith.constant 0 : i32
    %eq3A_29 = arith.cmpi eq, %arg0, %eq3A : i32
    %convert_element_type3A = arith.extui %eq3A_29 : i1 to i32
    %cond3A = arith.constant 0 : i32
    %cond3A_30 = arith.cmpi ne, %convert_element_type3A, %cond3A : i32
    scf.if %cond3A_30 {
      %swap3A_48 = arith.constant 0 : index
      %swap3A_49 = arith.constant 0 : index
      %swap3A_50 = vector.load %arg5[%swap3A_48, %swap3A_49] : memref<1x1xf32, #tpu.memory_space<vmem>>, vector<1x1xf32>
      tpu.vector_store %arg5[%swap3A_48, %swap3A_49], %broadcast_in_dim3A_28 {strides = array<i32>} : memref<1x1xf32, #tpu.memory_space<vmem>>, vector<1x1xf32>,
    } else {
    }
    %gt3A = arith.constant 0 : i32
    %gt3A_31 = arith.cmpi sgt, %arg0, %gt3A : i32
    %convert_element_type3A_32 = arith.extui %gt3A_31 : i1 to i32
    %cond3A_33 = arith.constant 0 : i32
    %cond3A_34 = arith.cmpi ne, %convert_element_type3A_32, %cond3A_33 : i32
    scf.if %cond3A_34 {
      %get3A_48 = arith.constant 0 : index
      %get3A_49 = arith.constant 0 : index
      %get3A_50 = vector.load %arg5[%get3A_48, %get3A_49] : memref<1x1xf32, #tpu.memory_space<vmem>>, vector<1x1xf32>
      %max3A = arith.maximumf %get3A_50, %broadcast_in_dim3A_28 : vector<1x1xf32>
      %swap3A_51 = arith.constant 0 : index
      %swap3A_52 = arith.constant 0 : index
      %swap3A_53 = vector.load %arg5[%swap3A_51, %swap3A_52] : memref<1x1xf32, #tpu.memory_space<vmem>>, vector<1x1xf32>
      tpu.vector_store %arg5[%swap3A_51, %swap3A_52], %max3A {strides = array<i32>} : memref<1x1xf32, #tpu.memory_space<vmem>>, vector<1x1xf32>,
    } else {
    }
    %get3A_35 = arith.constant 0 : index
    %get3A_36 = arith.constant 0 : index
    %get3A_37 = vector.load %arg2[%get3A_35, %get3A_36] : memref<1024x1xi32, #tpu.memory_space<vmem>>, vector<1024x1xi32>
    %mul3A_38 = arith.constant 1000 : i32
    %mul3A_39 = vector.broadcast %mul3A_38 : i32 to vector<1024x1xi32>
    %mul3A_40 = arith.muli %get3A_37, %mul3A_39 : vector<1024x1xi32>
    %get3A_41 = arith.constant 0 : index
    %get3A_42 = arith.constant 0 : index
    %get3A_43 = vector.load %arg3[%get3A_41, %get3A_42] : memref<1024x10xi32, #tpu.memory_space<vmem>>, vector<1024x10xi32>
    %add3A = vector.broadcast %mul3A_40 : vector<1024x1xi32> to vector<1024x10xi32>
    %add3A_44 = arith.addi %add3A, %get3A_43 : vector<1024x10xi32>
    %swap3A_45 = arith.constant 0 : index
    %swap3A_46 = arith.constant 0 : index
    %swap3A_47 = vector.load %arg6[%swap3A_45, %swap3A_46] : memref<1024x10xi32, #tpu.memory_space<vmem>>, vector<1024x10xi32>
    tpu.vector_store %arg6[%swap3A_45, %swap3A_46], %add3A_44 {strides = array<i32>} : memref<1024x10xi32, #tpu.memory_space<vmem>>, vector<1024x10xi32>,
    return
  }
  func.func @transform_0(%arg0: i32) -> (i32, i32) {
    %c0_i32 = arith.constant 0 : i32
    %c0_i32_0 = arith.constant 0 : i32
    return %arg0, %c0_i32 : i32, i32
  }
  func.func @transform_1(%arg0: i32) -> (i32, i32) {
    %c0_i32 = arith.constant 0 : i32
    %c0_i32_0 = arith.constant 0 : i32
    return %arg0, %c0_i32 : i32, i32
  }
  func.func @transform_2(%arg0: i32) -> (i32, i32) {
    %c0_i32 = arith.constant 0 : i32
    %c0_i32_0 = arith.constant 0 : i32
    return %arg0, %c0_i32 : i32, i32
  }
  func.func @transform_3(%arg0: i32) -> (i32, i32) {
    %c0_i32 = arith.constant 0 : i32
    %c0_i32_0 = arith.constant 0 : i32
    return %arg0, %c0_i32 : i32, i32
  }
  func.func @transform_4(%arg0: i32) -> (i32, i32) {
    %c0_i32 = arith.constant 0 : i32
    %c0_i32_0 = arith.constant 0 : i32
    %c0_i32_1 = arith.constant 0 : i32
    return %c0_i32, %c0_i32_0 : i32, i32
  }
  func.func @transform_5(%arg0: i32) -> (i32, i32) {
    %c0_i32 = arith.constant 0 : i32
    %c0_i32_0 = arith.constant 0 : i32
    return %arg0, %c0_i32 : i32, i32
  }
}

module attributes {stable_mosaic.version = 14 : i64} {
  func.func @_terms_body(%arg0: memref<4096x10xf32, #tpu.memory_space<vmem>>, %arg1: memref<4096x4xf32, #tpu.memory_space<vmem>>, %arg2: memref<1x1xf32, #tpu.memory_space<vmem>>, %arg3: memref<4096x10xf32, #tpu.memory_space<vmem>>, %arg4: memref<4096x10xf32, #tpu.memory_space<vmem>>, %arg5: memref<4096x10xf32, #tpu.memory_space<vmem>>) attributes {dimension_semantics = [], scalar_prefetch = 0 : i64, scratch_operands = 0 : i64, tpu.core_type = #tpu.core_type<tc>} {
    %get3A = arith.constant 0 : index
    %get3A_0 = arith.constant 0 : index
    %get3A_1 = vector.load %arg0[%get3A, %get3A_0] : memref<4096x10xf32, #tpu.memory_space<vmem>>, vector<4096x10xf32>
    %get3A_2 = arith.constant 0 : index
    %get3A_3 = arith.constant 0 : index
    %get3A_4 = vector.load %arg1[%get3A_2, %get3A_3] : memref<4096x4xf32, #tpu.memory_space<vmem>>, vector<4096x1xf32>
    %get3A_5 = arith.constant 0 : index
    %get3A_6 = arith.constant 1 : index
    %get3A_7 = vector.load %arg1[%get3A_5, %get3A_6] : memref<4096x4xf32, #tpu.memory_space<vmem>>, vector<4096x1xf32>
    %get3A_8 = arith.constant 0 : index
    %get3A_9 = arith.constant 2 : index
    %get3A_10 = vector.load %arg1[%get3A_8, %get3A_9] : memref<4096x4xf32, #tpu.memory_space<vmem>>, vector<4096x1xf32>
    %get3A_11 = arith.constant 0 : index
    %get3A_12 = arith.constant 0 : index
    %get3A_13 = vector.load %arg2[%get3A_11, %get3A_12] : memref<1x1xf32, #tpu.memory_space<vmem>>, vector<1x1xf32>
    %sub3A = vector.broadcast %get3A_13 : vector<1x1xf32> to vector<4096x1xf32>
    %sub3A_14 = arith.subf %get3A_4, %sub3A : vector<4096x1xf32>
    %sub3A_15 = vector.broadcast %sub3A_14 : vector<4096x1xf32> to vector<4096x10xf32>
    %sub3A_16 = arith.subf %sub3A_15, %get3A_1 : vector<4096x10xf32>
    %exp3A = math.exp %sub3A_16 : vector<4096x10xf32>
    %mul3A = arith.constant 0.00101010106 : f32
    %mul3A_17 = vector.broadcast %mul3A : f32 to vector<4096x1xf32>
    %mul3A_18 = arith.mulf %get3A_7, %mul3A_17 : vector<4096x1xf32>
    %mul3A_19 = vector.broadcast %mul3A_18 : vector<4096x1xf32> to vector<4096x10xf32>
    %mul3A_20 = arith.mulf %exp3A, %mul3A_19 : vector<4096x10xf32>
    %mul3A_21 = vector.broadcast %get3A_7 : vector<4096x1xf32> to vector<4096x10xf32>
    %mul3A_22 = arith.mulf %get3A_1, %mul3A_21 : vector<4096x10xf32>
    %sub3A_23 = vector.broadcast %get3A_10 : vector<4096x1xf32> to vector<4096x10xf32>
    %sub3A_24 = arith.subf %sub3A_23, %mul3A_22 : vector<4096x10xf32>
    %mul3A_25 = arith.mulf %exp3A, %sub3A_24 : vector<4096x10xf32>
    %swap3A = arith.constant 0 : index
    %swap3A_26 = arith.constant 0 : index
    %swap3A_27 = vector.load %arg4[%swap3A, %swap3A_26] : memref<4096x10xf32, #tpu.memory_space<vmem>>, vector<4096x10xf32>
    tpu.vector_store %arg4[%swap3A, %swap3A_26], %mul3A_25 {strides = array<i32>} : memref<4096x10xf32, #tpu.memory_space<vmem>>, vector<4096x10xf32>,
    %get3A_28 = arith.constant 0 : index
    %get3A_29 = arith.constant 0 : index
    %get3A_30 = vector.load %arg3[%get3A_28, %get3A_29] : memref<4096x10xf32, #tpu.memory_space<vmem>>, vector<4096x10xf32>
    %mul3A_31 = arith.constant 0.899999976 : f32
    %mul3A_32 = vector.broadcast %mul3A_31 : f32 to vector<4096x10xf32>
    %mul3A_33 = arith.mulf %mul3A_32, %get3A_30 : vector<4096x10xf32>
    %mul3A_34 = arith.constant 1.000000e-01 : f32
    %mul3A_35 = vector.broadcast %mul3A_34 : f32 to vector<4096x10xf32>
    %mul3A_36 = arith.mulf %mul3A_35, %mul3A_20 : vector<4096x10xf32>
    %add3A = arith.addf %mul3A_33, %mul3A_36 : vector<4096x10xf32>
    %swap3A_37 = arith.constant 0 : index
    %swap3A_38 = arith.constant 0 : index
    %swap3A_39 = vector.load %arg5[%swap3A_37, %swap3A_38] : memref<4096x10xf32, #tpu.memory_space<vmem>>, vector<4096x10xf32>
    tpu.vector_store %arg5[%swap3A_37, %swap3A_38], %add3A {strides = array<i32>} : memref<4096x10xf32, #tpu.memory_space<vmem>>, vector<4096x10xf32>,
    return
  }
}

module attributes {stable_mosaic.version = 14 : i64} {
  func.func @_sum_body(%arg0: memref<32x16xf32, #tpu.memory_space<vmem>>, %arg1: memref<1x1xf32, #tpu.memory_space<vmem>>) attributes {dimension_semantics = [], scalar_prefetch = 0 : i64, scratch_operands = 0 : i64, tpu.core_type = #tpu.core_type<tc>} {
    %get3A = arith.constant 0 : index
    %get3A_0 = arith.constant 0 : index
    %get3A_1 = vector.load %arg0[%get3A, %get3A_0] : memref<32x16xf32, #tpu.memory_space<vmem>>, vector<32x16xf32>
    %reduce_sum3A = vector.shape_cast %get3A_1 : vector<32x16xf32> to vector<1x32x16xf32>
    %reduce_sum3A_2 = arith.constant dense<0.000000e+00> : vector<1xf32>
    %reduce_sum3A_3 = vector.multi_reduction <add>, %reduce_sum3A, %reduce_sum3A_2 [1, 2] : vector<1x32x16xf32> to vector<1xf32>
    %reduce_sum3A_4 = vector.shape_cast %reduce_sum3A_3 : vector<1xf32> to vector<1x1x1xf32>
    %reduce_sum3A_5 = vector.extract %reduce_sum3A_4[0, 0, 0] : f32 from vector<1x1x1xf32>
    %broadcast_in_dim3A = vector.broadcast %reduce_sum3A_5 : f32 to vector<1x1xf32>
    %mul3A = arith.constant 2.44140625E-4 : f32
    %mul3A_6 = vector.broadcast %mul3A : f32 to vector<1x1xf32>
    %mul3A_7 = arith.mulf %broadcast_in_dim3A, %mul3A_6 : vector<1x1xf32>
    %swap3A = arith.constant 0 : index
    %swap3A_8 = arith.constant 0 : index
    %swap3A_9 = vector.load %arg1[%swap3A, %swap3A_8] : memref<1x1xf32, #tpu.memory_space<vmem>>, vector<1x1xf32>
    tpu.vector_store %arg1[%swap3A, %swap3A_8], %mul3A_7 {strides = array<i32>} : memref<1x1xf32, #tpu.memory_space<vmem>>, vector<1x1xf32>,
    return
  }
}

</mosaic_0001>

<sc_bundles>
// kernel: kernel.10.cloned.1.call-start
scs
__scs_entry_jumppad:
0x0: {  	(pc) =	sbr.rel $0x88, $3  }
0x1: {  	(tag) =	ssettag $0x0;
	lr =	simm.s32 $0x1  }
0x2: {  	[smem:$0x3F9D] =	sst lr;
	_ =	strace $0xD0000000  }
0x3: {  	_ = 	snop  }
0x4: {  	_ = 	snop  }
0x5: {  	_ = 	snop  }
0x6: {  	_ = 	snop  }
0x7: {  	_ = 	snop  }
__scs_overlays_trampoline_lowered:
0x8: {  	[smem:$0x3FAC] =	sst s0  }
0x9: {  	[smem:$0x3FAD] =	sst s1  }
0xa: {  	[smem:$0x3FAE] =	sst s2  }
0xb: {  	[smem:$0x3FAF] =	sst s3  }
0xc: {  	[smem:$0x3FB0] =	sst s4  }
0xd: {  	[smem:$0x3FB1] =	sst s5  }
0xe: {  	[smem:$0x3FB2] =	sst s6  }
0xf: {  	[smem:$0x3FB3] =	sst s7  }
0x10: {  	[smem:$0x3FB4] =	sst s8  }
0x11: {  	[smem:$0x3FB5] =	sst s9;
	s0 =	simm.s32 @!p0 $0x0  }
0x12: {  	s1 =	sld [smem:$0x3F9B];
	s0 =	simm.s32 @p0 $0x1  }
0x13: {  	[smem:$0x3FB6] =	sst s0;
	s0 =	simm.s32 @!p1 $0x0  }
0x14: {  	s2 =	sld [smem:$0x3F9A];
	s0 =	simm.s32 @p1 $0x1  }
0x15: {  	[smem:$0x3FB7] =	sst s0;
	s0 =	simm.s32 @!p2 $0x0  }
0x16: {  	s3 =	sld [smem:$0x3FDB];
	s0 =	simm.s32 @p2 $0x1  }
0x17: {  	s4 =	simm.s32 $0x1BF5;
	[smem:$0x3FB9] =	sst s0  }
0x18: {  	s0 =	sld [smem:$0x3F9C];
	_ =	swait.ge [sflag:s4], $0x0  }
0x19: {  	s7 =	sld [smem:$0x3F9D]  }
0x1a: {  	s8 =	sadd.s32 $0xFFFFE003, lr  }
0x1b: {  	s9 =	sadd.s32 $0xFFFFFEF7, lr;
	s5 =	simm.s32 $0xFFFFFFFF;
	p2 =	slt.u32 s8, $0xFFFFF086  }
0x1c: {  	p1 =	slt.u32 s9, $0xF7A;
	s5 =	simm.s32 @!p2 $0x0  }
0x1d: {  	s5 =	simm.s32 @p1 $0x1;
	p0 =	seq.s32 s7, s2  }
0x1e: {  	s7 =	smul.u32 @!p0 $0xF7A, s2;
	p2 =	seq.s32 @!p0 s5, $0x0  }
0x1f: {  	s9 =	smul.u32 $0xF7A, s1;
	s8 =	simm.s32 @!p0 $0x1BF5;
	p2 =	por !p2, p0  }
0x20: {  	[sflag:s8] =	ssyncset.s32 @!p0 $0xFFFFF086;
	s6 =	sadd.s32 @!p0 s3, s7;
	s7 =	simm.s32 @!p0 $0x108  }
0x21: {  	s3 =	sadd.s32 s3, s9;
	s6 =	sadd.s32 @!p0 $0x88, s6;
	s7 =	simm.s32 @p2 $0x1082  }
0x22: {  	[simem:s7], [sflag:s8] =	dma.local @!p0 [hbm:s6], $0xF7A  }
0x23: {  	s9 =	sor.u32 $0xD0000000, s2;
	s6 =	simm.s32 $0x108;
	_ =	swait.ge @!p0 [sflag:s8], $0x0  }
0x24: {  	s3 =	sadd.s32 $0x88, s3;
	s6 =	simm.s32 @!p1 $0x1082;
	[sflag:s4] =	ssyncset.s32 $0xFFFFF086  }
0x25: {  	[simem:s6], [sflag:s4] =	dma.local [hbm:s3], $0xF7A  }
0x26: {  	[smem:$0x3F9D] =	sst s1;
	(tag) =	ssettag s2;
	_ =	strace s9  }
0x27: {  	s1 =	sld [smem:$0x3FAD]  }
0x28: {  	s2 =	sld [smem:$0x3FAE]  }
0x29: {  	s4 =	sld [smem:$0x3FB0]  }
0x2a: {  	p0 =	seq.s32 s5, $0x0;
	s5 =	sld [smem:$0x3FB1]  }
0x2b: {  	s6 =	sld [smem:$0x3FB2]  }
0x2c: {  	s7 =	sld [smem:$0x3FB3]  }
0x2d: {  	s3 =	simm.s32 $0x108;
	s8 =	sld [smem:$0x3FB4]  }
0x2e: {  	s3 =	simm.s32 @!p0 $0x1082;
	s9 =	sld [smem:$0x3FB5]  }
0x2f: {  	lr =	sadd.s32 s0, s3;
	s0 =	sld [smem:$0x3FAC]  }
0x30: {  	s3 =	sld [smem:$0x3FAF]  }
0x31: {  	[smem:$0x3FB8] =	sst s10  }
0x32: {  	s10 =	sld [smem:$0x3FB6];
	_ =	sdelay $0x3  }
0x33: {  	p0 =	seq.s32 s10, $0x1;
	s10 =	sld [smem:$0x3FB8];
	_ =	sdelay $0x3  }
0x34: {  	[smem:$0x3FB8] =	sst s10  }
0x35: {  	s10 =	sld [smem:$0x3FB7];
	_ =	sdelay $0x3  }
0x36: {  	p1 =	seq.s32 s10, $0x1;
	s10 =	sld [smem:$0x3FB8];
	_ =	sdelay $0x3  }
0x37: {  	[smem:$0x3FB8] =	sst s10  }
0x38: {  	s10 =	sld [smem:$0x3FB9]  }
0x39: {  	_ = 	snop;
	(pc) =	sbr.ind lr, $3  }
0x3a: {  	_ = 	snop  }
0x3b: {  	_ = 	snop  }
0x3c: {  	p2 =	seq.s32 s10, $0x1;
	s10 =	sld [smem:$0x3FB8]  }
0x3d: {  	_ =	shalt  }
0x3e: {  	_ =	shalt  }
0x3f: {  	_ =	shalt  }
0x40: {  	_ =	shalt  }
0x41: {  	_ =	shalt  }
0x42: {  	_ =	shalt  }
0x43: {  	_ =	shalt  }
0x44: {  	_ =	shalt  }
0x45: {  	_ =	shalt  }
0x46: {  	_ =	shalt  }
0x47: {  	_ =	shalt  }
0x48: {  	_ =	shalt  }
0x49: {  	_ =	shalt  }
0x4a: {  	_ =	shalt  }
0x4b: {  	_ =	shalt  }
0x4c: {  	_ =	shalt  }
0x4d: {  	_ =	shalt  }
0x4e: {  	_ =	shalt  }
0x4f: {  	_ =	shalt  }
0x50: {  	_ =	shalt  }
0x51: {  	_ =	shalt  }
0x52: {  	_ =	shalt  }
0x53: {  	_ =	shalt  }
0x54: {  	_ =	shalt  }
0x55: {  	_ =	shalt  }
0x56: {  	_ =	shalt  }
0x57: {  	_ =	shalt  }
0x58: {  	_ =	shalt  }
0x59: {  	_ =	shalt  }
0x5a: {  	_ =	shalt  }
0x5b: {  	_ =	shalt  }
0x5c: {  	_ =	shalt  }
0x5d: {  	_ =	shalt  }
0x5e: {  	_ =	shalt  }
0x5f: {  	_ =	shalt  }
0x60: {  	_ =	shalt  }
0x61: {  	_ =	shalt  }
0x62: {  	_ =	shalt  }
0x63: {  	_ =	shalt  }
0x64: {  	_ =	shalt  }
0x65: {  	_ =	shalt  }
0x66: {  	_ =	shalt  }
0x67: {  	_ =	shalt  }
0x68: {  	_ =	shalt  }
0x69: {  	_ =	shalt  }
0x6a: {  	_ =	shalt  }
0x6b: {  	_ =	shalt  }
0x6c: {  	_ =	shalt  }
0x6d: {  	_ =	shalt  }
0x6e: {  	_ =	shalt  }
0x6f: {  	_ =	shalt  }
0x70: {  	_ =	shalt  }
0x71: {  	_ =	shalt  }
0x72: {  	_ =	shalt  }
0x73: {  	_ =	shalt  }
0x74: {  	_ =	shalt  }
0x75: {  	_ =	shalt  }
0x76: {  	_ =	shalt  }
0x77: {  	_ =	shalt  }
0x78: {  	_ =	shalt  }
0x79: {  	_ =	shalt  }
0x7a: {  	_ =	shalt  }
0x7b: {  	_ =	shalt  }
0x7c: {  	_ =	shalt  }
0x7d: {  	_ =	shalt  }
0x7e: {  	_ =	shalt  }
0x7f: {  	_ =	shalt  }
0x80: {  	_ =	shalt  }
0x81: {  	_ =	shalt  }
0x82: {  	_ =	shalt  }
0x83: {  	_ =	shalt  }
0x84: {  	_ =	shalt  }
0x85: {  	_ =	shalt  }
0x86: {  	_ =	shalt  }
0x87: {  	_ =	shalt  }
.Lfunc_end0:
.L_simem_size_0:
called_computation.1_lowered:
.L_overlay_start_0:
0x88: {  	s2 =	sld [smem:$0x3FD9]  }
0x89: {  	s3 =	sld [smem:$0x3FFE];
	_ =	sdelay $0x1  }
0x8a: {  	s1 =	srdreg.scid  }
0x8b: {  	s0 =	sand.u32 $0x1, s1  }
0x8c: {  	s16 =	sshll.u32 s0, $0xA;
	s2 =	sadd.s32 s3, s2  }
0x8d: {  	s2 =	sadd.s32 s2, s16  }
0x8e: {  	[smem:$0x3FC4] =	sst s2  }
0x8f: {  	_ = 	snop  }
0x90: {  	(tm) =	ssettm $0x1  }
0x91: {  	s17 =	sld [smem:$0x3FFB];
	_ =	sdelay $0x3  }
0x92: {  	_ =	strace s17  }
0x93: {  	s2 =	sld [smem:$0x3FFC];
	_ =	sdelay $0x3  }
0x94: {  	_ =	strace s2  }
0x95: {  	s2 =	sld [smem:$0x3FFD];
	_ =	sdelay $0x3  }
0x96: {  	_ =	strace s2  }
0x97: {  	_ =	strace $0x8FFFFFFF  }
0x98: {  	s18 =	sld [smem:$0x3FDB];
	_ =	sdelay $0x1  }
0x99: {  	s19 =	simm.s32 $_scs_section_size  }
0x9a: {  	s4 =	simm.s32 $_size__tile_overlayer_lowered;
	s5 =	simm.s32 $_tile_overlayer_lowered  }
0x9b: {  	s22 =	simm.s32 $0x1BFF;
	s21 =	sshll.u32 s5, $0x1;
	s2 =	sadd.s32 s19, s18  }
0x9c: {  	s6 =	simm.s32 $0x0;
	s20 =	sshll.u32 s4, $0x1;
	s4 =	sadd.s32 s21, s2  }
0x9d: {  	[timem:s6], [sflag:s22] =	dma.local [hbm:s4], s20  }
0x9e: {  	_ =	swait.ge [sflag:s22], s20  }
0x9f: {  	s3 =	ssub.s32 $0x0, s20;
	[sflag:s22] =	ssyncset.done $0x0  }
0xa0: {  	[sflag:s22] =	ssyncadd.s32 s3;
	_ =	sdelay $0x1  }
0xa1: {  	s23 =	simm.s32 $0x1B8B  }
0xa2: {  	_ =	swait.ge [sflag:s23], $0x1  }
0xa3: {  	[sflag:s23] =	ssyncset.done $0x0  }
0xa4: {  	s25 =	simm.s32 $0x1B8E;
	s24 =	sld [smem:$0x3FFE];
	[sflag:s23] =	ssyncadd.s32 $0xFFFFFFFF  }
0xa5: {  	s26 =	simm.s32 $execute0_lowered;
	[smem:$0x3FD2] =	sst s25  }
0xa6: {  	s4 =	sshll.u32 s26, $0x1;
	_ =	strace $0x80000049;
	[dreg:$0x1] =	wrdreg $0xFFFFFFFF  }
0xa7: {  	s28 =	simm.s32 $_size_execute0_lowered;
	s2 =	sadd.s32 s2, s4;
	[dreg:$0x0] =	wrdreg $0x0  }
0xa8: {  	s4 =	sshll.u32 s28, $0x1;
	[dreg:$0x2] =	wrdreg s2  }
0xa9: {  	[dreg:$0x3] =	wrdreg s4  }
0xaa: {  	[dreg:$0x4] =	wrdreg $0xC0  }
0xab: {  	_ =	task [dreg:s6], $0x5FFFF  }
0xac: {  	[dreg:$0x1] =	wrdreg $0xFFFFFFFF  }
0xad: {  	[dreg:$0x0] =	wrdreg $0x60  }
0xae: {  	[dreg:$0x2] =	wrdreg s24  }
0xaf: {  	[dreg:$0x3] =	wrdreg $0x9  }
0xb0: {  	_ =	task.clear_ibuf [dreg:s6], $0x4FFFF;
	_ =	strace $0x90000049  }
0xb1: {  	s29 =	simm.s32 $0x9;
	_ =	strace $0x8000004B  }
0xb2: {  	_ =	swait.ge [sflag:s29], $0x1  }
0xb3: {  	[sflag:s29] =	ssyncadd.s32 $0xFFFFFFFF  }
0xb4: {  	_ =	strace $0x9000004B  }
0xb5: {  	_ =	sfence  }
0xb6: {  	s30 =	sld [smem:$0x0];
	_ =	sdelay $0x2  }
0xb7: {  	s31 =	sshll.u32 s1, $0xD;
	s1 =	sshrl.u32 s1, $0x2  }
0xb8: {  	s3 =	sand.u32 $0x4000, s31;
	s1 =	sadd.s32 s1, s30  }
0xb9: {  	s0 =	sor.u32 s3, s0;
	s1 =	sshll.u32 s1, $0x11  }
0xba: {  	s0 =	sor.u32 s1, s0  }
0xbb: {  	s0 =	sadd.s32 $0x8F2B, s0  }
0xbc: {  	[sflag:s0] =	ssyncadd.remote.s32 $0x1  }
0xbd: {  	_ =	sfence.sel $0xFFFF  }
0xbe: {  	[dreg:$0x0] =	wrdreg $0xFFFFFFFF;
	(pc) =	sbr.abs _section_cstart, $3  }
0xbf: {  	[dreg:$0x1] =	wrdreg $0xFFFFFFFF  }
0xc0: {  	_ =	task.clear_ibuf [dreg:s6], $0x2FFFF;
	_ =	strace $0x9FFFFFFF  }
0xc1: {  	(tm) =	ssettm $0x7FFFFFFF  }
tec
execute0_lowered:
.L_overlay_start_1:
0x0: {  	(tag) =	ssettag $0x1  }
0x1: {  	s1 =	srdreg.scid;
	s0 =	stileid.u32  }
0x2: {  	s1 =	sand.u32 $0x1, s1;
	s2 =	sshll.u32 s0, $0x1  }
0x3: {  	s4 =	rddreg [dreg:$0x0];
	s3 =	sor.u32 s1, s2;
	s2 =	simm.s32 $0x0  }
0x4: {  	s9 =	simm.s32 $0x2000;
	[smem:$0x7FF] =	sst s2  }
0x5: {  	s10 =	simm.s32 $0x800;
	_ =	strace $0x8000004A;
	[dreg:$0x5] =	wrdreg s9  }
0x6: {  	s11 =	simm.s32 $0x880;
	[dreg:$0x6] =	wrdreg s10  }
0x7: {  	s12 =	simm.s32 $0x100;
	[dreg:$0x7] =	wrdreg s11  }
0x8: {  	s13 =	simm.s32 $0x900;
	[dreg:$0x8] =	wrdreg s12  }
0x9: {  	s14 =	simm.s32 $0x180;
	[dreg:$0x9] =	wrdreg s13  }
0xa: {  	s15 =	simm.s32 $0x980;
	[dreg:$0xa] =	wrdreg s14  }
0xb: {  	s16 =	simm.s32 $0x200;
	s17 =	simm.s32 $0xA00;
	[dreg:$0xb] =	wrdreg s15  }
0xc: {  	s18 =	simm.s32 $0x280;
	s19 =	simm.s32 $0xA80;
	[dreg:$0xc] =	wrdreg s16  }
0xd: {  	s20 =	simm.s32 $0x300;
	s21 =	simm.s32 $0xB00;
	[dreg:$0xd] =	wrdreg s17  }
0xe: {  	s22 =	simm.s32 $0x380;
	s24 =	simm.s32 $0xB80;
	[dreg:$0xe] =	wrdreg s18  }
0xf: {  	s25 =	simm.s32 $0x400;
	s26 =	simm.s32 $0xC00;
	[dreg:$0xf] =	wrdreg s19  }
0x10: {  	s7 =	simm.s32 $0x80;
	s28 =	simm.s32 $0x1400;
	[dreg:$0x10] =	wrdreg s20  }
0x11: {  	s29 =	simm.s32 $0x1C00;
	s30 =	simm.s32 $0x1480;
	[dreg:$0x11] =	wrdreg s21  }
0x12: {  	s31 =	simm.s32 $0x1C80;
	s1 =	ssub.s32 $0x2, s1;
	[dreg:$0x12] =	wrdreg s22  }
0x13: {  	s5 =	sshll.u32 s3, $0x8;
	s3 =	sshll.u32 s3, $0x4;
	[dreg:$0x13] =	wrdreg s24  }
0x14: {  	s23 =	sshrl.u32 s1, $0x1;
	s5 =	sadd.s32 s5, s4;
	[dreg:$0x14] =	wrdreg s25  }
0x15: {  	s3 =	sadd.s32 s3, s4;
	s1 =	ssub.s32 s1, s23;
	[dreg:$0x15] =	wrdreg s26  }
0x16: {  	s10 =	simm.s32 $0x1;
	s12 =	simm.s32 $0x1800;
	s13 =	simm.s32 $0x1080  }
0x17: {  	s14 =	simm.s32 $0x1880;
	s15 =	simm.s32 $0x1100;
	s16 =	simm.s32 $0x1900  }
0x18: {  	s17 =	simm.s32 $0x1180;
	s18 =	simm.s32 $0x1980;
	s19 =	simm.s32 $0x1200  }
0x19: {  	s20 =	simm.s32 $0x1A00;
	s21 =	simm.s32 $0x1280;
	s22 =	simm.s32 $0x1A80  }
0x1a: {  	s23 =	simm.s32 $0x1300;
	s24 =	simm.s32 $0x1B00;
	s6 =	sadd.s32 $0x80400, s5  }
0x1b: {  	s25 =	simm.s32 $0x1380;
	s5 =	sadd.s32 $0x400, s5;
	[dreg:$0x2] =	wrdreg s6  }
0x1c: {  	s26 =	simm.s32 $0x1B80;
	s3 =	sadd.s32 $0x83800, s3;
	[dreg:$0x3] =	wrdreg s5  }
0x1d: {  	[dreg:$0x4] =	wrdreg s3;
	s3 =	sadd.s32 $0x84400, s4;
	s4 =	sadd.s32 $0x82400, s4  }
0x1e: {  	s5 =	smax.u32 s1, $0x1;
	s6 =	simm.s32 $0x2;
	s1 =	simm.s32 $0x2800  }
.LBB2_1:
0x1f: {  	s0 =	rddreg [dreg:$0x2]  }
0x20: {  	[tilespmem:s2], [sflag:$0x2] =	stream.linear.gather [hbm4b:s0+s2], $0x500, $0x38;
	[tilespmem:$0x2880] =	vst v63  }
0x21: {  	_ =	swait.ge [sflag:s6], $0x500  }
0x22: {  	s9 =	rddreg [dreg:$0x3];
	[sflag:s6] =	ssyncset.done $0x0  }
0x23: {  	s8 =	rddreg [dreg:$0x5];
	[sflag:s6] =	ssyncadd.s32 $0xFFFFFB00  }
0x24: {  	[tilespmem:s8], [sflag:$0x2] =	stream.linear.gather [hbm4b:s9+s2], $0x500, $0x38;
	[tilespmem:$0x2880] =	vst v63  }
0x25: {  	_ =	swait.ge [sflag:s6], $0x500  }
0x26: {  	s11 =	rddreg [dreg:$0x6]  }
0x27: {  	s8 =	rddreg [dreg:$0x7]  }
0x28: {  	[sflag:s6] =	ssyncset.done $0x0;
	s9 =	rddreg [dreg:$0x9]  }
0x29: {  	s0 =	rddreg [dreg:$0xa];
	[sflag:s6] =	ssyncadd.s32 $0xFFFFFB00  }
0x2a: {  	[tilespmem:s11], [sflag:$0x1] =	stream.indirect.gather [hbm4b:s3+s7], $0x1, s2, s7, $0xb8;
	[tilespmem:$0x2880] =	vst v63  }
0x2b: {  	s11 =	rddreg [dreg:$0x8]  }
0x2c: {  	[tilespmem:s8], [sflag:$0x1] =	stream.indirect.gather [hbm4b:s3+s7], $0x1, s7, s7, $0xb8;
	[tilespmem:$0x2880] =	vst v63  }
0x2d: {  	s8 =	rddreg [dreg:$0xb]  }
0x2e: {  	[tilespmem:s9], [sflag:$0x1] =	stream.indirect.gather [hbm4b:s3+s7], $0x1, s11, s7, $0xb8;
	[tilespmem:$0x2880] =	vst v63  }
0x2f: {  	s9 =	rddreg [dreg:$0xc]  }
0x30: {  	s11 =	rddreg [dreg:$0xd]  }
0x31: {  	[tilespmem:s8], [sflag:$0x1] =	stream.indirect.gather [hbm4b:s3+s7], $0x1, s0, s7, $0xb8;
	[tilespmem:$0x2880] =	vst v63  }
0x32: {  	s0 =	rddreg [dreg:$0xe]  }
0x33: {  	s8 =	rddreg [dreg:$0xf]  }
0x34: {  	[tilespmem:s11], [sflag:$0x1] =	stream.indirect.gather [hbm4b:s3+s7], $0x1, s9, s7, $0xb8;
	[tilespmem:$0x2880] =	vst v63  }
0x35: {  	s9 =	rddreg [dreg:$0x10]  }
0x36: {  	s11 =	rddreg [dreg:$0x11]  }
0x37: {  	[tilespmem:s8], [sflag:$0x1] =	stream.indirect.gather [hbm4b:s3+s7], $0x1, s0, s7, $0xb8;
	[tilespmem:$0x2880] =	vst v63  }
0x38: {  	s0 =	rddreg [dreg:$0x12]  }
0x39: {  	s8 =	rddreg [dreg:$0x13]  }
0x3a: {  	[tilespmem:s11], [sflag:$0x1] =	stream.indirect.gather [hbm4b:s3+s7], $0x1, s9, s7, $0xb8;
	[tilespmem:$0x2880] =	vst v63  }
0x3b: {  	s9 =	rddreg [dreg:$0x14]  }
0x3c: {  	[tilespmem:s8], [sflag:$0x1] =	stream.indirect.gather [hbm4b:s3+s7], $0x1, s0, s7, $0xb8;
	[tilespmem:$0x2880] =	vst v63  }
0x3d: {  	s11 =	rddreg [dreg:$0x15]  }
0x3e: {  	[tilespmem:s11], [sflag:$0x1] =	stream.indirect.gather [hbm4b:s3+s7], $0x1, s9, s7, $0xb8;
	[tilespmem:$0x2880] =	vst v63  }
0x3f: {  	s9 =	simm.s32 $0x480;
	s11 =	simm.s32 $0xC80  }
0x40: {  	[tilespmem:s11], [sflag:$0x1] =	stream.indirect.gather [hbm4b:s3+s7], $0x1, s9, s7, $0xb8;
	[tilespmem:$0x2880] =	vst v63  }
0x41: {  	_ =	swait.ge [sflag:s10], $0x80  }
0x42: {  	[sflag:s10] =	ssyncset.done $0x0  }
0x43: {  	[sflag:s10] =	ssyncadd.s32 $0xFFFFFF80  }
0x44: {  	_ =	swait.ge [sflag:s10], $0x80  }
0x45: {  	[sflag:s10] =	ssyncset.done $0x0  }
0x46: {  	[sflag:s10] =	ssyncadd.s32 $0xFFFFFF80  }
0x47: {  	_ =	swait.ge [sflag:s10], $0x80  }
0x48: {  	[sflag:s10] =	ssyncset.done $0x0  }
0x49: {  	[sflag:s10] =	ssyncadd.s32 $0xFFFFFF80  }
0x4a: {  	_ =	swait.ge [sflag:s10], $0x80  }
0x4b: {  	[sflag:s10] =	ssyncset.done $0x0  }
0x4c: {  	[sflag:s10] =	ssyncadd.s32 $0xFFFFFF80  }
0x4d: {  	_ =	swait.ge [sflag:s10], $0x80  }
0x4e: {  	[sflag:s10] =	ssyncset.done $0x0  }
0x4f: {  	[sflag:s10] =	ssyncadd.s32 $0xFFFFFF80  }
0x50: {  	_ =	swait.ge [sflag:s10], $0x80  }
0x51: {  	[sflag:s10] =	ssyncset.done $0x0  }
0x52: {  	[sflag:s10] =	ssyncadd.s32 $0xFFFFFF80  }
0x53: {  	_ =	swait.ge [sflag:s10], $0x80  }
0x54: {  	[sflag:s10] =	ssyncset.done $0x0  }
0x55: {  	[sflag:s10] =	ssyncadd.s32 $0xFFFFFF80  }
0x56: {  	_ =	swait.ge [sflag:s10], $0x80  }
0x57: {  	[sflag:s10] =	ssyncset.done $0x0  }
0x58: {  	[sflag:s10] =	ssyncadd.s32 $0xFFFFFF80  }
0x59: {  	_ =	swait.ge [sflag:s10], $0x80  }
0x5a: {  	[sflag:s10] =	ssyncset.done $0x0  }
0x5b: {  	[sflag:s10] =	ssyncadd.s32 $0xFFFFFF80  }
0x5c: {  	_ =	swait.ge [sflag:s10], $0x80  }
0x5d: {  	[sflag:s10] =	ssyncset.done $0x0  }
0x5e: {  	[sflag:s10] =	ssyncadd.s32 $0xFFFFFF80  }
0x5f: {  	v0 =	vld [tilespmem:$0x800]  }
0x60: {  	v1 =	vld [tilespmem:$0x810]  }
0x61: {  	v2 =	vld [tilespmem:$0x820]  }
0x62: {  	v3 =	vld [tilespmem:$0x830]  }
0x63: {  	v4 =	vld [tilespmem:$0x840]  }
0x64: {  	v5 =	vld [tilespmem:$0x850];
	v0 =	vtrunc.f32 v0  }
0x65: {  	v6 =	vld [tilespmem:$0x860];
	v1 =	vtrunc.f32 v1;
	v0 =	vcvt.f32.s32 v0  }
0x66: {  	v7 =	vld [tilespmem:$0x870];
	v2 =	vtrunc.f32 v2;
	v1 =	vcvt.f32.s32 v1  }
0x67: {  	v35 =	vtrunc.f32 v3;
	v34 =	vcvt.f32.s32 v2;
	[tilespmem:$0x1000] =	vst v0  }
0x68: {  	v37 =	vtrunc.f32 v4;
	v36 =	vcvt.f32.s32 v35;
	[tilespmem:$0x1010] =	vst v1  }
0x69: {  	v39 =	vtrunc.f32 v5;
	v38 =	vcvt.f32.s32 v37;
	[tilespmem:$0x1020] =	vst v34  }
0x6a: {  	v41 =	vtrunc.f32 v6;
	v40 =	vcvt.f32.s32 v39;
	[tilespmem:$0x1030] =	vst v36  }
0x6b: {  	v43 =	vtrunc.f32 v7;
	v42 =	vcvt.f32.s32 v41;
	[tilespmem:$0x1040] =	vst v38  }
0x6c: {  	v44 =	vcvt.f32.s32 v43;
	[tilespmem:$0x1050] =	vst v40  }
0x6d: {  	[tilespmem:$0x1060] =	vst v42  }
0x6e: {  	[tilespmem:$0x1070] =	vst v44  }
0x6f: {  	v45 =	vld [tilespmem:$0x880]  }
0x70: {  	v1 =	vld [tilespmem:$0x890]  }
0x71: {  	v46 =	vld [tilespmem:$0x8A0]  }
0x72: {  	v47 =	vld [tilespmem:$0x8B0]  }
0x73: {  	v48 =	vld [tilespmem:$0x8C0]  }
0x74: {  	v49 =	vld [tilespmem:$0x8D0];
	v0 =	vtrunc.f32 v45  }
0x75: {  	v50 =	vld [tilespmem:$0x8E0];
	v1 =	vtrunc.f32 v1;
	v0 =	vcvt.f32.s32 v0  }
0x76: {  	v51 =	vld [tilespmem:$0x8F0];
	v2 =	vtrunc.f32 v46;
	v1 =	vcvt.f32.s32 v1  }
0x77: {  	v54 =	vld [tilespmem:$0x900];
	v53 =	vtrunc.f32 v47;
	v52 =	vcvt.f32.s32 v2;
	[tilespmem:$0x1080] =	vst v0  }
0x78: {  	v57 =	vld [tilespmem:$0x910];
	v56 =	vtrunc.f32 v48;
	v55 =	vcvt.f32.s32 v53;
	[tilespmem:$0x1090] =	vst v1  }
0x79: {  	v60 =	vld [tilespmem:$0x920];
	v59 =	vtrunc.f32 v49;
	v58 =	vcvt.f32.s32 v56;
	[tilespmem:$0x10A0] =	vst v52  }
0x7a: {  	v63 =	vld [tilespmem:$0x930];
	v62 =	vtrunc.f32 v50;
	v61 =	vcvt.f32.s32 v59;
	[tilespmem:$0x10B0] =	vst v55  }
0x7b: {  	v11 =	vld [tilespmem:$0x940];
	v10 =	vtrunc.f32 v51;
	v9 =	vcvt.f32.s32 v62;
	[tilespmem:$0x10C0] =	vst v58  }
0x7c: {  	v14 =	vld [tilespmem:$0x950];
	v13 =	vtrunc.f32 v54;
	v12 =	vcvt.f32.s32 v10;
	[tilespmem:$0x10D0] =	vst v61  }
0x7d: {  	v17 =	vld [tilespmem:$0x960];
	v16 =	vtrunc.f32 v57;
	v15 =	vcvt.f32.s32 v13;
	[tilespmem:$0x10E0] =	vst v9  }
0x7e: {  	v20 =	vld [tilespmem:$0x970];
	v19 =	vtrunc.f32 v60;
	v18 =	vcvt.f32.s32 v16;
	[tilespmem:$0x10F0] =	vst v12  }
0x7f: {  	v23 =	vld [tilespmem:$0x980];
	v22 =	vtrunc.f32 v63;
	v21 =	vcvt.f32.s32 v19;
	[tilespmem:$0x1100] =	vst v15  }
0x80: {  	v26 =	vld [tilespmem:$0x990];
	v25 =	vtrunc.f32 v11;
	v24 =	vcvt.f32.s32 v22;
	[tilespmem:$0x1110] =	vst v18  }
0x81: {  	v29 =	vld [tilespmem:$0x9A0];
	v28 =	vtrunc.f32 v14;
	v27 =	vcvt.f32.s32 v25;
	[tilespmem:$0x1120] =	vst v21  }
0x82: {  	v32 =	vld [tilespmem:$0x9B0];
	v31 =	vtrunc.f32 v17;
	v30 =	vcvt.f32.s32 v28;
	[tilespmem:$0x1130] =	vst v24  }
0x83: {  	v35 =	vld [tilespmem:$0x9C0];
	v34 =	vtrunc.f32 v20;
	v33 =	vcvt.f32.s32 v31;
	[tilespmem:$0x1140] =	vst v27  }
0x84: {  	v38 =	vld [tilespmem:$0x9D0];
	v37 =	vtrunc.f32 v23;
	v36 =	vcvt.f32.s32 v34;
	[tilespmem:$0x1150] =	vst v30  }
0x85: {  	v41 =	vld [tilespmem:$0x9E0];
	v40 =	vtrunc.f32 v26;
	v39 =	vcvt.f32.s32 v37;
	[tilespmem:$0x1160] =	vst v33  }
0x86: {  	v44 =	vld [tilespmem:$0x9F0];
	v43 =	vtrunc.f32 v29;
	v42 =	vcvt.f32.s32 v40;
	[tilespmem:$0x1170] =	vst v36  }
0x87: {  	v46 =	vtrunc.f32 v32;
	v47 =	vld [tilespmem:$0xA00];
	v45 =	vcvt.f32.s32 v43;
	[tilespmem:$0x1180] =	vst v39  }
0x88: {  	v49 =	vtrunc.f32 v35;
	v50 =	vld [tilespmem:$0xA10];
	v48 =	vcvt.f32.s32 v46;
	[tilespmem:$0x1190] =	vst v42  }
0x89: {  	v51 =	vcvt.f32.s32 v49;
	v53 =	vld [tilespmem:$0xA20];
	[tilespmem:$0x11A0] =	vst v45;
	v52 =	vtrunc.f32 v38  }
0x8a: {  	v56 =	vld [tilespmem:$0xA30];
	[tilespmem:$0x11B0] =	vst v48;
	v55 =	vtrunc.f32 v41;
	v54 =	vcvt.f32.s32 v52  }
0x8b: {  	v59 =	vld [tilespmem:$0xA40];
	[tilespmem:$0x11C0] =	vst v51;
	v58 =	vtrunc.f32 v44;
	v57 =	vcvt.f32.s32 v55  }
0x8c: {  	v62 =	vld [tilespmem:$0xA50];
	v60 =	vcvt.f32.s32 v58;
	v61 =	vtrunc.f32 v47;
	[tilespmem:$0x11D0] =	vst v54  }
0x8d: {  	v9 =	vld [tilespmem:$0xA60];
	v8 =	vtrunc.f32 v50;
	[tilespmem:$0x11E0] =	vst v57;
	v63 =	vcvt.f32.s32 v61  }
0x8e: {  	v12 =	vld [tilespmem:$0xA70];
	[tilespmem:$0x11F0] =	vst v60;
	v10 =	vcvt.f32.s32 v8;
	v11 =	vtrunc.f32 v53  }
0x8f: {  	v15 =	vld [tilespmem:$0xA80];
	v14 =	vtrunc.f32 v56;
	v13 =	vcvt.f32.s32 v11;
	[tilespmem:$0x1200] =	vst v63  }
0x90: {  	v18 =	vld [tilespmem:$0xA90];
	v17 =	vtrunc.f32 v59;
	v16 =	vcvt.f32.s32 v14;
	[tilespmem:$0x1210] =	vst v10  }
0x91: {  	v21 =	vld [tilespmem:$0xAA0];
	v20 =	vtrunc.f32 v62;
	v19 =	vcvt.f32.s32 v17;
	[tilespmem:$0x1220] =	vst v13  }
0x92: {  	v24 =	vld [tilespmem:$0xAB0];
	v22 =	vcvt.f32.s32 v20;
	v23 =	vtrunc.f32 v9;
	[tilespmem:$0x1230] =	vst v16  }
0x93: {  	v27 =	vld [tilespmem:$0xAC0];
	v26 =	vtrunc.f32 v12;
	[tilespmem:$0x1240] =	vst v19;
	v25 =	vcvt.f32.s32 v23  }
0x94: {  	v30 =	vld [tilespmem:$0xAD0];
	v29 =	vtrunc.f32 v15;
	[tilespmem:$0x1250] =	vst v22;
	v28 =	vcvt.f32.s32 v26  }
0x95: {  	v33 =	vld [tilespmem:$0xAE0];
	v32 =	vtrunc.f32 v18;
	v31 =	vcvt.f32.s32 v29;
	[tilespmem:$0x1260] =	vst v25  }
0x96: {  	v36 =	vld [tilespmem:$0xAF0];
	v35 =	vtrunc.f32 v21;
	v34 =	vcvt.f32.s32 v32;
	[tilespmem:$0x1270] =	vst v28  }
0x97: {  	v39 =	vld [tilespmem:$0xB00];
	v38 =	vtrunc.f32 v24;
	v37 =	vcvt.f32.s32 v35;
	[tilespmem:$0x1280] =	vst v31  }
0x98: {  	v42 =	vld [tilespmem:$0xB10];
	v41 =	vtrunc.f32 v27;
	v40 =	vcvt.f32.s32 v38;
	[tilespmem:$0x1290] =	vst v34  }
0x99: {  	v45 =	vld [tilespmem:$0xB20];
	v44 =	vtrunc.f32 v30;
	v43 =	vcvt.f32.s32 v41;
	[tilespmem:$0x12A0] =	vst v37  }
0x9a: {  	v48 =	vld [tilespmem:$0xB30];
	v47 =	vtrunc.f32 v33;
	v46 =	vcvt.f32.s32 v44;
	[tilespmem:$0x12B0] =	vst v40  }
0x9b: {  	v51 =	vld [tilespmem:$0xB40];
	v50 =	vtrunc.f32 v36;
	v49 =	vcvt.f32.s32 v47;
	[tilespmem:$0x12C0] =	vst v43  }
0x9c: {  	v54 =	vld [tilespmem:$0xB50];
	v53 =	vtrunc.f32 v39;
	v52 =	vcvt.f32.s32 v50;
	[tilespmem:$0x12D0] =	vst v46  }
0x9d: {  	v57 =	vld [tilespmem:$0xB60];
	v56 =	vtrunc.f32 v42;
	v55 =	vcvt.f32.s32 v53;
	[tilespmem:$0x12E0] =	vst v49  }
0x9e: {  	v60 =	vld [tilespmem:$0xB70];
	v59 =	vtrunc.f32 v45;
	v58 =	vcvt.f32.s32 v56;
	[tilespmem:$0x12F0] =	vst v52  }
0x9f: {  	v11 =	vld [tilespmem:$0xB90];
	v62 =	vtrunc.f32 v48;
	v61 =	vcvt.f32.s32 v59;
	[tilespmem:$0x1300] =	vst v55  }
0xa0: {  	v14 =	vld [tilespmem:$0xBA0];
	v10 =	vtrunc.f32 v51;
	v9 =	vcvt.f32.s32 v62;
	[tilespmem:$0x1310] =	vst v58  }
0xa1: {  	v17 =	vld [tilespmem:$0xBB0];
	v12 =	vcvt.f32.s32 v10;
	[tilespmem:$0x1320] =	vst v61;
	v13 =	vtrunc.f32 v54  }
0xa2: {  	v20 =	vld [tilespmem:$0xBC0];
	[tilespmem:$0x1330] =	vst v9;
	v16 =	vtrunc.f32 v57;
	v15 =	vcvt.f32.s32 v13  }
0xa3: {  	v63 =	vld [tilespmem:$0xB80];
	[tilespmem:$0x1340] =	vst v12;
	v19 =	vtrunc.f32 v60;
	v18 =	vcvt.f32.s32 v16  }
0xa4: {  	v23 =	vld [tilespmem:$0xBD0];
	v21 =	vcvt.f32.s32 v19;
	v25 =	vtrunc.f32 v11;
	[tilespmem:$0x1350] =	vst v15  }
0xa5: {  	v26 =	vld [tilespmem:$0xBE0];
	v28 =	vtrunc.f32 v14;
	v27 =	vcvt.f32.s32 v25;
	[tilespmem:$0x1360] =	vst v18  }
0xa6: {  	v29 =	vld [tilespmem:$0xBF0];
	v31 =	vtrunc.f32 v17;
	v30 =	vcvt.f32.s32 v28;
	[tilespmem:$0x1370] =	vst v21  }
0xa7: {  	v32 =	vld [tilespmem:$0xC00];
	v34 =	vtrunc.f32 v20;
	v33 =	vcvt.f32.s32 v31;
	[tilespmem:$0x1390] =	vst v27  }
0xa8: {  	v35 =	vld [tilespmem:$0xC10];
	v22 =	vtrunc.f32 v63;
	v36 =	vcvt.f32.s32 v34;
	[tilespmem:$0x13A0] =	vst v30  }
0xa9: {  	v38 =	vld [tilespmem:$0xC20];
	v24 =	vcvt.f32.s32 v22;
	v37 =	vtrunc.f32 v23;
	[tilespmem:$0x13B0] =	vst v33  }
0xaa: {  	v41 =	vld [tilespmem:$0xC30];
	v40 =	vtrunc.f32 v26;
	v39 =	vcvt.f32.s32 v37;
	[tilespmem:$0x13C0] =	vst v36  }
0xab: {  	v44 =	vld [tilespmem:$0xC40];
	v43 =	vtrunc.f32 v29;
	v42 =	vcvt.f32.s32 v40;
	[tilespmem:$0x1380] =	vst v24  }
0xac: {  	v47 =	vld [tilespmem:$0xC50];
	v46 =	vtrunc.f32 v32;
	v45 =	vcvt.f32.s32 v43;
	[tilespmem:$0x13D0] =	vst v39  }
0xad: {  	v50 =	vld [tilespmem:$0xC60];
	v49 =	vtrunc.f32 v35;
	v48 =	vcvt.f32.s32 v46;
	[tilespmem:$0x13E0] =	vst v42  }
0xae: {  	v53 =	vld [tilespmem:$0xC70];
	v52 =	vtrunc.f32 v38;
	v51 =	vcvt.f32.s32 v49;
	[tilespmem:$0x13F0] =	vst v45  }
0xaf: {  	v56 =	vld [tilespmem:$0xC80];
	v55 =	vtrunc.f32 v41;
	v54 =	vcvt.f32.s32 v52;
	[tilespmem:$0x1400] =	vst v48  }
0xb0: {  	v59 =	vld [tilespmem:$0xC90];
	v58 =	vtrunc.f32 v44;
	v57 =	vcvt.f32.s32 v55;
	[tilespmem:$0x1410] =	vst v51  }
0xb1: {  	v62 =	vld [tilespmem:$0xCA0];
	v61 =	vtrunc.f32 v47;
	v60 =	vcvt.f32.s32 v58;
	[tilespmem:$0x1420] =	vst v54  }
0xb2: {  	v10 =	vld [tilespmem:$0xCB0];
	v9 =	vtrunc.f32 v50;
	v63 =	vcvt.f32.s32 v61;
	[tilespmem:$0x1430] =	vst v57  }
0xb3: {  	v13 =	vld [tilespmem:$0xCC0];
	v12 =	vtrunc.f32 v53;
	v11 =	vcvt.f32.s32 v9;
	[tilespmem:$0x1440] =	vst v60  }
0xb4: {  	v16 =	vld [tilespmem:$0xCD0];
	v15 =	vtrunc.f32 v56;
	v14 =	vcvt.f32.s32 v12;
	[tilespmem:$0x1450] =	vst v63  }
0xb5: {  	v19 =	vld [tilespmem:$0xCE0];
	v18 =	vtrunc.f32 v59;
	v17 =	vcvt.f32.s32 v15;
	[tilespmem:$0x1460] =	vst v11  }
0xb6: {  	v21 =	vtrunc.f32 v62;
	v22 =	vld [tilespmem:$0xCF0];
	v20 =	vcvt.f32.s32 v18;
	[tilespmem:$0x1470] =	vst v14  }
0xb7: {  	v23 =	vcvt.f32.s32 v21;
	v24 =	vtrunc.f32 v10;
	[tilespmem:$0x1480] =	vst v17  }
0xb8: {  	[tilespmem:$0x1490] =	vst v20;
	v25 =	vcvt.f32.s32 v24;
	v26 =	vtrunc.f32 v13  }
0xb9: {  	[tilespmem:$0x14A0] =	vst v23;
	v28 =	vtrunc.f32 v16;
	v27 =	vcvt.f32.s32 v26  }
0xba: {  	v30 =	vtrunc.f32 v19;
	v29 =	vcvt.f32.s32 v28;
	[tilespmem:$0x14B0] =	vst v25  }
0xbb: {  	v31 =	vcvt.f32.s32 v30;
	v32 =	vtrunc.f32 v22;
	[tilespmem:$0x14C0] =	vst v27  }
0xbc: {  	[tilespmem:$0x14D0] =	vst v29;
	v33 =	vcvt.f32.s32 v32  }
0xbd: {  	[tilespmem:$0x14E0] =	vst v31  }
0xbe: {  	s9 =	simm.s32 $0x1000;
	[tilespmem:$0x14F0] =	vst v33  }
0xbf: {  	[tilespmem:s12], [sflag:$0x1] =	stream.indirect.gather [hbm4b:s4+s7], $0x1, s9, s7, $0xb8;
	[tilespmem:$0x2880] =	vst v63  }
0xc0: {  	_ = 	snop  }
0xc1: {  	[tilespmem:s14], [sflag:$0x1] =	stream.indirect.gather [hbm4b:s4+s7], $0x1, s13, s7, $0xb8;
	[tilespmem:$0x2880] =	vst v63  }
0xc2: {  	_ = 	snop  }
0xc3: {  	[tilespmem:s16], [sflag:$0x1] =	stream.indirect.gather [hbm4b:s4+s7], $0x1, s15, s7, $0xb8;
	[tilespmem:$0x2880] =	vst v63  }
0xc4: {  	_ = 	snop  }
0xc5: {  	[tilespmem:s18], [sflag:$0x1] =	stream.indirect.gather [hbm4b:s4+s7], $0x1, s17, s7, $0xb8;
	[tilespmem:$0x2880] =	vst v63  }
0xc6: {  	_ = 	snop  }
0xc7: {  	[tilespmem:s20], [sflag:$0x1] =	stream.indirect.gather [hbm4b:s4+s7], $0x1, s19, s7, $0xb8;
	[tilespmem:$0x2880] =	vst v63  }
0xc8: {  	_ = 	snop  }
0xc9: {  	[tilespmem:s22], [sflag:$0x1] =	stream.indirect.gather [hbm4b:s4+s7], $0x1, s21, s7, $0xb8;
	[tilespmem:$0x2880] =	vst v63  }
0xca: {  	_ = 	snop  }
0xcb: {  	[tilespmem:s24], [sflag:$0x1] =	stream.indirect.gather [hbm4b:s4+s7], $0x1, s23, s7, $0xb8;
	[tilespmem:$0x2880] =	vst v63  }
0xcc: {  	_ = 	snop  }
0xcd: {  	[tilespmem:s26], [sflag:$0x1] =	stream.indirect.gather [hbm4b:s4+s7], $0x1, s25, s7, $0xb8;
	[tilespmem:$0x2880] =	vst v63  }
0xce: {  	_ = 	snop  }
0xcf: {  	[tilespmem:s29], [sflag:$0x1] =	stream.indirect.gather [hbm4b:s4+s7], $0x1, s28, s7, $0xb8;
	[tilespmem:$0x2880] =	vst v63  }
0xd0: {  	_ = 	snop  }
0xd1: {  	[tilespmem:s31], [sflag:$0x1] =	stream.indirect.gather [hbm4b:s4+s7], $0x1, s30, s7, $0xb8;
	[tilespmem:$0x2880] =	vst v63  }
0xd2: {  	_ =	swait.ge [sflag:s10], $0x80  }
0xd3: {  	[sflag:s10] =	ssyncset.done $0x0  }
0xd4: {  	[sflag:s10] =	ssyncadd.s32 $0xFFFFFF80  }
0xd5: {  	_ =	swait.ge [sflag:s10], $0x80  }
0xd6: {  	[sflag:s10] =	ssyncset.done $0x0  }
0xd7: {  	[sflag:s10] =	ssyncadd.s32 $0xFFFFFF80  }
0xd8: {  	_ =	swait.ge [sflag:s10], $0x80  }
0xd9: {  	[sflag:s10] =	ssyncset.done $0x0  }
0xda: {  	[sflag:s10] =	ssyncadd.s32 $0xFFFFFF80  }
0xdb: {  	_ =	swait.ge [sflag:s10], $0x80  }
0xdc: {  	[sflag:s10] =	ssyncset.done $0x0  }
0xdd: {  	[sflag:s10] =	ssyncadd.s32 $0xFFFFFF80  }
0xde: {  	_ =	swait.ge [sflag:s10], $0x80  }
0xdf: {  	[sflag:s10] =	ssyncset.done $0x0  }
0xe0: {  	[sflag:s10] =	ssyncadd.s32 $0xFFFFFF80  }
0xe1: {  	_ =	swait.ge [sflag:s10], $0x80  }
0xe2: {  	[sflag:s10] =	ssyncset.done $0x0  }
0xe3: {  	[sflag:s10] =	ssyncadd.s32 $0xFFFFFF80  }
0xe4: {  	_ =	swait.ge [sflag:s10], $0x80  }
0xe5: {  	[sflag:s10] =	ssyncset.done $0x0  }
0xe6: {  	[sflag:s10] =	ssyncadd.s32 $0xFFFFFF80  }
0xe7: {  	_ =	swait.ge [sflag:s10], $0x80  }
0xe8: {  	[sflag:s10] =	ssyncset.done $0x0  }
0xe9: {  	[sflag:s10] =	ssyncadd.s32 $0xFFFFFF80  }
0xea: {  	_ =	swait.ge [sflag:s10], $0x80  }
0xeb: {  	[sflag:s10] =	ssyncset.done $0x0  }
0xec: {  	[sflag:s10] =	ssyncadd.s32 $0xFFFFFF80  }
0xed: {  	_ =	swait.ge [sflag:s10], $0x80  }
0xee: {  	[sflag:s10] =	ssyncset.done $0x0  }
0xef: {  	[sflag:s10] =	ssyncadd.s32 $0xFFFFFF80  }
0xf0: {  	v34 =	vld [tilespmem:$0x1800];
	_ =	sdelay $0x2  }
0xf1: {  	v35 =	vld [tilespmem:$0x1810];
	_ =	sdelay $0x1  }
0xf2: {  	v36 =	vld [tilespmem:$0x1820];
	v0 =	vadd.f32 $1.000000010e-10, v34;
	_ =	sdelay $0x1  }
0xf3: {  	(erf) = vrcp.f32 v0  }
0xf4: {  	v38 =	vld [tilespmem:$0x1830];
	v37 =	vadd.f32 $1.000000010e-10, v35  }
0xf5: {  	v40 =	vld [tilespmem:$0x1840]  }
0xf6: {  	v39 =	vadd.f32 $1.000000010e-10, v36;
	(erf) = vrcp.f32 v37  }
0xf7: {  	v41 =	vld [tilespmem:$0x1850]  }
0xf8: {  	v42 =	vld [tilespmem:$0x2000];
	(erf) = vrcp.f32 v39  }
0xf9: {  	v43 =	vld [tilespmem:$0x1860];
	v1 =	vadd.f32 $1.000000010e-10, v38  }
0xfa: {  	v44 =	vld [tilespmem:$0x2010];
	v45 =	vadd.f32 $1.000000010e-10, v40  }
0xfb: {  	v46 =	vld [tilespmem:$0x1870];
	(erf) = vrcp.f32 v1  }
0xfc: {  	v50 =	vld [tilespmem:$0x1880];
	v47 =	vpop (erf);
	(erf) = vrcp.f32 v45  }
0xfd: {  	v54 =	vld [tilespmem:$0x1890];
	v0 =	vadd.f32 $1.000000010e-10, v41  }
0xfe: {  	v48 =	vld [tilespmem:$0x2020]  }
0xff: {  	v52 =	vadd.f32 $1.000000010e-10, v43;
	v49 =	vmul.f32 v47, v42;
	v51 =	vpop (erf);
	(erf) = vrcp.f32 v0  }
0x100: {  	v8 =	vld [tilespmem:$0x2030];
	v56 =	vadd.f32 $1.000000010e-10, v46  }
0x101: {  	v58 =	vld [tilespmem:$0x2040];
	v53 =	vmul.f32 v51, v44;
	v55 =	vpop (erf);
	(erf) = vrcp.f32 v52;
	v1 =	vadd.f32 $0.0e+00, v49  }
0x102: {  	v60 =	vld [tilespmem:$0x18A0];
	v59 =	vadd.f32 $1.000000010e-10, v50;
	v63 =	vadd.f32 $1.000000010e-10, v54  }
0x103: {  	v12 =	vld [tilespmem:$0x18B0];
	v57 =	vmul.f32 v55, v48;
	(erf) = vrcp.f32 v56;
	v1 =	vadd.f32 v53, v1  }
0x104: {  	v62 =	vld [tilespmem:$0x2050];
	v61 =	vpop (erf);
	(erf) = vrcp.f32 v59  }
0x105: {  	v16 =	vld [tilespmem:$0x18C0];
	v2 =	vmul.f32 v61, v8;
	v1 =	vadd.f32 v57, v1;
	v13 =	vpop (erf);
	(erf) = vrcp.f32 v63  }
0x106: {  	v14 =	vld [tilespmem:$0x2060]  }
0x107: {  	v20 =	vld [tilespmem:$0x18D0];
	v3 =	vadd.f32 $1.000000010e-10, v60;
	v1 =	vadd.f32 v2, v1;
	v15 =	vmul.f32 v13, v58  }
0x108: {  	v18 =	vld [tilespmem:$0x2070];
	v5 =	vadd.f32 $1.000000010e-10, v12;
	v17 =	vpop (erf)  }
0x109: {  	v22 =	vld [tilespmem:$0x2080];
	(erf) = vrcp.f32 v3;
	v19 =	vmul.f32 v17, v62;
	v1 =	vadd.f32 v15, v1  }
0x10a: {  	v24 =	vld [tilespmem:$0x18E0];
	v0 =	vadd.f32 $1.000000010e-10, v16;
	v21 =	vpop (erf)  }
0x10b: {  	v28 =	vld [tilespmem:$0x18F0];
	(erf) = vrcp.f32 v5;
	v23 =	vmul.f32 v21, v14;
	v1 =	vadd.f32 v19, v1  }
0x10c: {  	v26 =	vld [tilespmem:$0x2090];
	v4 =	vadd.f32 $1.000000010e-10, v20;
	v25 =	vpop (erf)  }
0x10d: {  	v32 =	vld [tilespmem:$0x1900];
	v27 =	vmul.f32 v25, v18;
	v29 =	vpop (erf);
	(erf) = vrcp.f32 v0;
	v1 =	vadd.f32 v23, v1  }
0x10e: {  	v30 =	vld [tilespmem:$0x20A0];
	v33 =	vpop (erf);
	(erf) = vrcp.f32 v4  }
0x10f: {  	v34 =	vadd.f32 $1.000000010e-10, v24;
	v36 =	vld [tilespmem:$0x20B0];
	v31 =	vmul.f32 v29, v22;
	v1 =	vadd.f32 v27, v1  }
0x110: {  	v38 =	vld [tilespmem:$0x1910];
	v37 =	vadd.f32 $1.000000010e-10, v28  }
0x111: {  	v42 =	vld [tilespmem:$0x1920];
	v35 =	vmul.f32 v33, v26;
	(erf) = vrcp.f32 v34;
	v1 =	vadd.f32 v31, v1  }
0x112: {  	v40 =	vld [tilespmem:$0x20C0];
	v41 =	vadd.f32 $1.000000010e-10, v32;
	v39 =	vpop (erf);
	(erf) = vrcp.f32 v37  }
0x113: {  	v46 =	vld [tilespmem:$0x1930];
	v0 =	vmul.f32 v39, v30;
	v1 =	vadd.f32 v35, v1  }
0x114: {  	v44 =	vld [tilespmem:$0x20D0];
	v43 =	vpop (erf);
	(erf) = vrcp.f32 v41  }
0x115: {  	v50 =	vld [tilespmem:$0x1940];
	v6 =	vadd.f32 $1.000000010e-10, v38;
	v45 =	vmul.f32 v43, v36;
	v0 =	vadd.f32 v0, v1  }
0x116: {  	v48 =	vld [tilespmem:$0x20E0];
	v3 =	vadd.f32 $1.000000010e-10, v42;
	v47 =	vpop (erf)  }
0x117: {  	v54 =	vld [tilespmem:$0x1950];
	v49 =	vmul.f32 v47, v40;
	v0 =	vadd.f32 v45, v0;
	v51 =	vpop (erf);
	(erf) = vrcp.f32 v6  }
0x118: {  	v52 =	vld [tilespmem:$0x20F0];
	v2 =	vadd.f32 $1.000000010e-10, v46  }
0x119: {  	v58 =	vld [tilespmem:$0x1960];
	v0 =	vadd.f32 v49, v0;
	v53 =	vmul.f32 v51, v44;
	(erf) = vrcp.f32 v3  }
0x11a: {  	v56 =	vld [tilespmem:$0x2100];
	v4 =	vadd.f32 $1.000000010e-10, v50;
	v55 =	vpop (erf)  }
0x11b: {  	v62 =	vld [tilespmem:$0x1970];
	v57 =	vmul.f32 v55, v48;
	v59 =	vpop (erf);
	(erf) = vrcp.f32 v2;
	v0 =	vadd.f32 v53, v0  }
0x11c: {  	v60 =	vld [tilespmem:$0x2110];
	v11 =	vadd.f32 $1.000000010e-10, v54  }
0x11d: {  	v13 =	vld [tilespmem:$0x2120];
	v61 =	vmul.f32 v59, v52;
	v63 =	vpop (erf);
	(erf) = vrcp.f32 v4;
	v0 =	vadd.f32 v57, v0  }
0x11e: {  	v15 =	vld [tilespmem:$0x1980];
	v14 =	vadd.f32 $1.000000010e-10, v58  }
0x11f: {  	v19 =	vld [tilespmem:$0x1990];
	v12 =	vmul.f32 v63, v56;
	(erf) = vrcp.f32 v11;
	v0 =	vadd.f32 v61, v0  }
0x120: {  	v17 =	vld [tilespmem:$0x2130];
	v18 =	vadd.f32 $1.000000010e-10, v62;
	v16 =	vpop (erf);
	(erf) = vrcp.f32 v14  }
0x121: {  	v23 =	vld [tilespmem:$0x19A0];
	v0 =	vadd.f32 v12, v0;
	v1 =	vmul.f32 v16, v60  }
0x122: {  	v21 =	vld [tilespmem:$0x2140];
	v20 =	vpop (erf);
	(erf) = vrcp.f32 v18  }
0x123: {  	v5 =	vadd.f32 $1.000000010e-10, v15;
	v27 =	vld [tilespmem:$0x19B0];
	v22 =	vmul.f32 v20, v13;
	v0 =	vadd.f32 v1, v0  }
0x124: {  	v25 =	vld [tilespmem:$0x2150];
	v4 =	vadd.f32 $1.000000010e-10, v19;
	v24 =	vpop (erf)  }
0x125: {  	v31 =	vld [tilespmem:$0x19C0];
	(erf) = vrcp.f32 v5;
	v26 =	vmul.f32 v24, v17;
	v0 =	vadd.f32 v22, v0  }
0x126: {  	v29 =	vld [tilespmem:$0x2160];
	v2 =	vadd.f32 $1.000000010e-10, v23;
	v28 =	vpop (erf)  }
0x127: {  	v35 =	vld [tilespmem:$0x19D0];
	(erf) = vrcp.f32 v4;
	v30 =	vmul.f32 v28, v21;
	v0 =	vadd.f32 v26, v0  }
0x128: {  	v33 =	vld [tilespmem:$0x2170];
	v3 =	vadd.f32 $1.000000010e-10, v27;
	v32 =	vpop (erf)  }
0x129: {  	v39 =	vld [tilespmem:$0x19E0];
	v34 =	vmul.f32 v32, v25;
	v0 =	vadd.f32 v30, v0;
	v36 =	vpop (erf);
	(erf) = vrcp.f32 v2  }
0x12a: {  	v37 =	vld [tilespmem:$0x2180];
	v41 =	vadd.f32 $1.000000010e-10, v31  }
0x12b: {  	v43 =	vld [tilespmem:$0x2190];
	v38 =	vmul.f32 v36, v29;
	v40 =	vpop (erf);
	(erf) = vrcp.f32 v3;
	v0 =	vadd.f32 v34, v0  }
0x12c: {  	v45 =	vld [tilespmem:$0x19F0];
	v44 =	vadd.f32 $1.000000010e-10, v35  }
0x12d: {  	v49 =	vld [tilespmem:$0x1A00];
	v42 =	vmul.f32 v40, v33;
	(erf) = vrcp.f32 v41;
	v0 =	vadd.f32 v38, v0  }
0x12e: {  	v47 =	vld [tilespmem:$0x21A0];
	v48 =	vadd.f32 $1.000000010e-10, v39;
	v46 =	vpop (erf);
	(erf) = vrcp.f32 v44  }
0x12f: {  	v53 =	vld [tilespmem:$0x1A10];
	v1 =	vmul.f32 v46, v37;
	v0 =	vadd.f32 v42, v0  }
0x130: {  	v51 =	vld [tilespmem:$0x21B0];
	v50 =	vpop (erf);
	(erf) = vrcp.f32 v48  }
0x131: {  	v6 =	vadd.f32 $1.000000010e-10, v45;
	v57 =	vld [tilespmem:$0x1A20];
	v52 =	vmul.f32 v50, v43;
	v0 =	vadd.f32 v1, v0  }
0x132: {  	v55 =	vld [tilespmem:$0x21C0];
	v3 =	vadd.f32 $1.000000010e-10, v49;
	v54 =	vpop (erf)  }
0x133: {  	v61 =	vld [tilespmem:$0x1A30];
	(erf) = vrcp.f32 v6;
	v0 =	vadd.f32 v52, v0;
	v56 =	vmul.f32 v54, v47  }
0x134: {  	v59 =	vld [tilespmem:$0x21D0];
	v2 =	vadd.f32 $1.000000010e-10, v53;
	v58 =	vpop (erf)  }
0x135: {  	v13 =	vld [tilespmem:$0x1A40];
	(erf) = vrcp.f32 v3;
	v60 =	vmul.f32 v58, v51;
	v0 =	vadd.f32 v56, v0  }
0x136: {  	v63 =	vld [tilespmem:$0x21E0];
	v4 =	vadd.f32 $1.000000010e-10, v57;
	v62 =	vpop (erf)  }
0x137: {  	v17 =	vld [tilespmem:$0x1A50];
	v12 =	vmul.f32 v62, v55;
	v14 =	vpop (erf);
	(erf) = vrcp.f32 v2;
	v0 =	vadd.f32 v60, v0  }
0x138: {  	v15 =	vld [tilespmem:$0x21F0];
	v19 =	vadd.f32 $1.000000010e-10, v61  }
0x139: {  	v23 =	vld [tilespmem:$0x1A60];
	v16 =	vmul.f32 v14, v59;
	v18 =	vpop (erf);
	(erf) = vrcp.f32 v4;
	v0 =	vadd.f32 v12, v0  }
0x13a: {  	v21 =	vld [tilespmem:$0x2200];
	v22 =	vadd.f32 $1.000000010e-10, v13  }
0x13b: {  	v27 =	vld [tilespmem:$0x1A70];
	v20 =	vmul.f32 v18, v63;
	(erf) = vrcp.f32 v19;
	v0 =	vadd.f32 v16, v0  }
0x13c: {  	v25 =	vld [tilespmem:$0x2210];
	v26 =	vadd.f32 $1.000000010e-10, v17;
	v24 =	vpop (erf);
	(erf) = vrcp.f32 v22  }
0x13d: {  	v31 =	vld [tilespmem:$0x1A80];
	v1 =	vmul.f32 v24, v15;
	v0 =	vadd.f32 v20, v0  }
0x13e: {  	v29 =	vld [tilespmem:$0x2220];
	v28 =	vpop (erf);
	(erf) = vrcp.f32 v26  }
0x13f: {  	v35 =	vld [tilespmem:$0x1A90];
	v5 =	vadd.f32 $1.000000010e-10, v23;
	v30 =	vmul.f32 v28, v21;
	v0 =	vadd.f32 v1, v0  }
0x140: {  	v33 =	vld [tilespmem:$0x2230];
	v4 =	vadd.f32 $1.000000010e-10, v27;
	v32 =	vpop (erf)  }
0x141: {  	v39 =	vld [tilespmem:$0x1AA0];
	(erf) = vrcp.f32 v5;
	v34 =	vmul.f32 v32, v25;
	v0 =	vadd.f32 v30, v0  }
0x142: {  	v37 =	vld [tilespmem:$0x2240];
	v2 =	vadd.f32 $1.000000010e-10, v31;
	v36 =	vpop (erf)  }
0x143: {  	v43 =	vld [tilespmem:$0x1AB0];
	(erf) = vrcp.f32 v4;
	v38 =	vmul.f32 v36, v29;
	v0 =	vadd.f32 v34, v0  }
0x144: {  	v41 =	vld [tilespmem:$0x2250];
	v3 =	vadd.f32 $1.000000010e-10, v35;
	v40 =	vpop (erf)  }
0x145: {  	v47 =	vld [tilespmem:$0x1AC0];
	v42 =	vmul.f32 v40, v33;
	v44 =	vpop (erf);
	(erf) = vrcp.f32 v2;
	v0 =	vadd.f32 v38, v0  }
0x146: {  	v45 =	vld [tilespmem:$0x2260];
	v49 =	vadd.f32 $1.000000010e-10, v39  }
0x147: {  	v53 =	vld [tilespmem:$0x1AD0];
	v46 =	vmul.f32 v44, v37;
	v48 =	vpop (erf);
	(erf) = vrcp.f32 v3;
	v0 =	vadd.f32 v42, v0  }
0x148: {  	v52 =	vadd.f32 $1.000000010e-10, v43;
	v51 =	vld [tilespmem:$0x2270]  }
0x149: {  	v57 =	vld [tilespmem:$0x1AE0];
	v50 =	vmul.f32 v48, v41;
	(erf) = vrcp.f32 v49;
	v0 =	vadd.f32 v46, v0  }
0x14a: {  	v55 =	vld [tilespmem:$0x2280];
	v56 =	vadd.f32 $1.000000010e-10, v47;
	v54 =	vpop (erf);
	(erf) = vrcp.f32 v52  }
0x14b: {  	v61 =	vld [tilespmem:$0x1AF0];
	v1 =	vmul.f32 v54, v45;
	v0 =	vadd.f32 v50, v0  }
0x14c: {  	v59 =	vld [tilespmem:$0x2290];
	v58 =	vpop (erf);
	(erf) = vrcp.f32 v56  }
0x14d: {  	v6 =	vadd.f32 $1.000000010e-10, v53;
	v12 =	vld [tilespmem:$0x1B00];
	v60 =	vmul.f32 v58, v51;
	v0 =	vadd.f32 v1, v0  }
0x14e: {  	v63 =	vld [tilespmem:$0x22A0];
	v3 =	vadd.f32 $1.000000010e-10, v57;
	v62 =	vpop (erf)  }
0x14f: {  	v16 =	vld [tilespmem:$0x1B10];
	(erf) = vrcp.f32 v6;
	v11 =	vmul.f32 v62, v55;
	v0 =	vadd.f32 v60, v0  }
0x150: {  	v14 =	vld [tilespmem:$0x22B0];
	v2 =	vadd.f32 $1.000000010e-10, v61;
	v13 =	vpop (erf)  }
0x151: {  	v20 =	vld [tilespmem:$0x1B20];
	(erf) = vrcp.f32 v3;
	v15 =	vmul.f32 v13, v59;
	v0 =	vadd.f32 v11, v0  }
0x152: {  	v18 =	vld [tilespmem:$0x22C0];
	v4 =	vadd.f32 $1.000000010e-10, v12;
	v17 =	vpop (erf)  }
0x153: {  	v24 =	vld [tilespmem:$0x1B30];
	v19 =	vmul.f32 v17, v63;
	v21 =	vpop (erf);
	(erf) = vrcp.f32 v2;
	v0 =	vadd.f32 v15, v0  }
0x154: {  	v22 =	vld [tilespmem:$0x22D0];
	v26 =	vadd.f32 $1.000000010e-10, v16  }
0x155: {  	v28 =	vld [tilespmem:$0x22E0];
	v23 =	vmul.f32 v21, v14;
	v25 =	vpop (erf);
	(erf) = vrcp.f32 v4;
	v0 =	vadd.f32 v19, v0  }
0x156: {  	v30 =	vld [tilespmem:$0x1B40];
	v29 =	vadd.f32 $1.000000010e-10, v20  }
0x157: {  	v34 =	vld [tilespmem:$0x1B50];
	v27 =	vmul.f32 v25, v18;
	(erf) = vrcp.f32 v26;
	v0 =	vadd.f32 v23, v0  }
0x158: {  	v32 =	vld [tilespmem:$0x22F0];
	v33 =	vadd.f32 $1.000000010e-10, v24;
	v31 =	vpop (erf);
	(erf) = vrcp.f32 v29  }
0x159: {  	v38 =	vld [tilespmem:$0x1B60];
	v1 =	vmul.f32 v31, v22;
	v0 =	vadd.f32 v27, v0  }
0x15a: {  	v36 =	vld [tilespmem:$0x2300];
	v35 =	vpop (erf);
	(erf) = vrcp.f32 v33  }
0x15b: {  	v5 =	vadd.f32 $1.000000010e-10, v30;
	v42 =	vld [tilespmem:$0x1B70];
	v37 =	vmul.f32 v35, v28;
	v0 =	vadd.f32 v1, v0  }
0x15c: {  	v40 =	vld [tilespmem:$0x2310];
	v4 =	vadd.f32 $1.000000010e-10, v34;
	v39 =	vpop (erf)  }
0x15d: {  	v46 =	vld [tilespmem:$0x1B80];
	(erf) = vrcp.f32 v5;
	v41 =	vmul.f32 v39, v32;
	v0 =	vadd.f32 v37, v0  }
0x15e: {  	v44 =	vld [tilespmem:$0x2320];
	v2 =	vadd.f32 $1.000000010e-10, v38;
	v43 =	vpop (erf)  }
0x15f: {  	v50 =	vld [tilespmem:$0x1B90];
	(erf) = vrcp.f32 v4;
	v45 =	vmul.f32 v43, v36;
	v0 =	vadd.f32 v41, v0  }
0x160: {  	v48 =	vld [tilespmem:$0x2330];
	v3 =	vadd.f32 $1.000000010e-10, v42;
	v47 =	vpop (erf)  }
0x161: {  	v54 =	vld [tilespmem:$0x1BA0];
	v49 =	vmul.f32 v47, v40;
	v51 =	vpop (erf);
	(erf) = vrcp.f32 v2;
	v0 =	vadd.f32 v45, v0  }
0x162: {  	v52 =	vld [tilespmem:$0x2340];
	v56 =	vadd.f32 $1.000000010e-10, v46  }
0x163: {  	v58 =	vld [tilespmem:$0x2350];
	v53 =	vmul.f32 v51, v44;
	v55 =	vpop (erf);
	(erf) = vrcp.f32 v3;
	v0 =	vadd.f32 v49, v0  }
0x164: {  	v60 =	vld [tilespmem:$0x1BB0];
	v59 =	vadd.f32 $1.000000010e-10, v50  }
0x165: {  	v12 =	vld [tilespmem:$0x1BC0];
	v57 =	vmul.f32 v55, v48;
	(erf) = vrcp.f32 v56;
	v0 =	vadd.f32 v53, v0  }
0x166: {  	v62 =	vld [tilespmem:$0x2360];
	v63 =	vadd.f32 $1.000000010e-10, v54;
	v61 =	vpop (erf);
	(erf) = vrcp.f32 v59  }
0x167: {  	v16 =	vld [tilespmem:$0x1BD0];
	v1 =	vmul.f32 v61, v52;
	v0 =	vadd.f32 v57, v0  }
0x168: {  	v14 =	vld [tilespmem:$0x2370];
	v13 =	vpop (erf);
	(erf) = vrcp.f32 v63  }
0x169: {  	v20 =	vld [tilespmem:$0x1BE0];
	v6 =	vadd.f32 $1.000000010e-10, v60;
	v15 =	vmul.f32 v13, v58;
	v0 =	vadd.f32 v1, v0  }
0x16a: {  	v18 =	vld [tilespmem:$0x2380];
	v3 =	vadd.f32 $1.000000010e-10, v12;
	v17 =	vpop (erf)  }
0x16b: {  	v24 =	vld [tilespmem:$0x1BF0];
	(erf) = vrcp.f32 v6;
	v19 =	vmul.f32 v17, v62;
	v0 =	vadd.f32 v15, v0  }
0x16c: {  	v22 =	vld [tilespmem:$0x2390];
	v2 =	vadd.f32 $1.000000010e-10, v16;
	v21 =	vpop (erf)  }
0x16d: {  	v28 =	vld [tilespmem:$0x1C00];
	(erf) = vrcp.f32 v3;
	v23 =	vmul.f32 v21, v14;
	v0 =	vadd.f32 v19, v0  }
0x16e: {  	v26 =	vld [tilespmem:$0x23A0];
	v4 =	vadd.f32 $1.000000010e-10, v20;
	v25 =	vpop (erf)  }
0x16f: {  	v32 =	vld [tilespmem:$0x1C10];
	v27 =	vmul.f32 v25, v18;
	v29 =	vpop (erf);
	(erf) = vrcp.f32 v2;
	v0 =	vadd.f32 v23, v0  }
0x170: {  	v30 =	vld [tilespmem:$0x23B0];
	v34 =	vadd.f32 $1.000000010e-10, v24  }
0x171: {  	v38 =	vld [tilespmem:$0x1C20];
	v31 =	vmul.f32 v29, v22;
	v33 =	vpop (erf);
	(erf) = vrcp.f32 v4;
	v0 =	vadd.f32 v27, v0  }
0x172: {  	v36 =	vld [tilespmem:$0x23C0];
	v37 =	vadd.f32 $1.000000010e-10, v28  }
0x173: {  	v42 =	vld [tilespmem:$0x1C30];
	v35 =	vmul.f32 v33, v26;
	(erf) = vrcp.f32 v34;
	v0 =	vadd.f32 v31, v0  }
0x174: {  	v40 =	vld [tilespmem:$0x23D0];
	v41 =	vadd.f32 $1.000000010e-10, v32;
	v39 =	vpop (erf);
	(erf) = vrcp.f32 v37  }
0x175: {  	v46 =	vld [tilespmem:$0x1C40];
	v1 =	vmul.f32 v39, v30;
	v0 =	vadd.f32 v35, v0  }
0x176: {  	v44 =	vld [tilespmem:$0x23E0];
	v43 =	vpop (erf);
	(erf) = vrcp.f32 v41  }
0x177: {  	v50 =	vld [tilespmem:$0x1C50];
	v5 =	vadd.f32 $1.000000010e-10, v38;
	v45 =	vmul.f32 v43, v36;
	v0 =	vadd.f32 v1, v0  }
0x178: {  	v48 =	vld [tilespmem:$0x23F0];
	v4 =	vadd.f32 $1.000000010e-10, v42;
	v47 =	vpop (erf)  }
0x179: {  	v54 =	vld [tilespmem:$0x1C60];
	(erf) = vrcp.f32 v5;
	v49 =	vmul.f32 v47, v40;
	v0 =	vadd.f32 v45, v0  }
0x17a: {  	v52 =	vld [tilespmem:$0x2400];
	v2 =	vadd.f32 $1.000000010e-10, v46;
	v51 =	vpop (erf)  }
0x17b: {  	v58 =	vld [tilespmem:$0x1C70];
	(erf) = vrcp.f32 v4;
	v53 =	vmul.f32 v51, v44;
	v0 =	vadd.f32 v49, v0  }
0x17c: {  	v56 =	vld [tilespmem:$0x2410];
	v3 =	vadd.f32 $1.000000010e-10, v50;
	v55 =	vpop (erf)  }
0x17d: {  	v60 =	vld [tilespmem:$0x2420];
	v57 =	vmul.f32 v55, v48;
	v59 =	vpop (erf);
	(erf) = vrcp.f32 v2;
	v0 =	vadd.f32 v53, v0  }
0x17e: {  	v12 =	vadd.f32 $1.000000010e-10, v54;
	v62 =	vld [tilespmem:$0x1C80]  }
0x17f: {  	v16 =	vld [tilespmem:$0x1C90];
	v61 =	vmul.f32 v59, v52;
	v63 =	vpop (erf);
	(erf) = vrcp.f32 v3;
	v0 =	vadd.f32 v57, v0  }
0x180: {  	v14 =	vld [tilespmem:$0x2430];
	v15 =	vadd.f32 $1.000000010e-10, v58  }
0x181: {  	v20 =	vld [tilespmem:$0x1CA0];
	v13 =	vmul.f32 v63, v56;
	(erf) = vrcp.f32 v12;
	v0 =	vadd.f32 v61, v0  }
0x182: {  	v18 =	vld [tilespmem:$0x2440];
	v17 =	vpop (erf);
	(erf) = vrcp.f32 v15  }
0x183: {  	v24 =	vld [tilespmem:$0x1CB0];
	v19 =	vadd.f32 $1.000000010e-10, v62;
	v1 =	vmul.f32 v17, v60;
	v0 =	vadd.f32 v13, v0  }
0x184: {  	v6 =	vadd.f32 $1.000000010e-10, v16;
	v22 =	vld [tilespmem:$0x2450];
	v21 =	vpop (erf)  }
0x185: {  	v28 =	vld [tilespmem:$0x1CC0];
	(erf) = vrcp.f32 v19;
	v23 =	vmul.f32 v21, v14;
	v0 =	vadd.f32 v1, v0  }
0x186: {  	v26 =	vld [tilespmem:$0x2460];
	v3 =	vadd.f32 $1.000000010e-10, v20;
	v25 =	vpop (erf)  }
0x187: {  	v32 =	vld [tilespmem:$0x1CD0];
	(erf) = vrcp.f32 v6;
	v27 =	vmul.f32 v25, v18;
	v0 =	vadd.f32 v23, v0  }
0x188: {  	v30 =	vld [tilespmem:$0x2470];
	v2 =	vadd.f32 $1.000000010e-10, v24;
	v29 =	vpop (erf)  }
0x189: {  	v36 =	vld [tilespmem:$0x1CE0];
	(erf) = vrcp.f32 v3;
	v31 =	vmul.f32 v29, v22;
	v0 =	vadd.f32 v27, v0  }
0x18a: {  	v34 =	vld [tilespmem:$0x2480];
	v4 =	vadd.f32 $1.000000010e-10, v28;
	v33 =	vpop (erf)  }
0x18b: {  	v40 =	vld [tilespmem:$0x1CF0];
	v35 =	vmul.f32 v33, v26;
	v37 =	vpop (erf);
	(erf) = vrcp.f32 v2;
	v0 =	vadd.f32 v31, v0  }
0x18c: {  	v38 =	vld [tilespmem:$0x2490];
	v7 =	vadd.f32 $1.000000010e-10, v32  }
0x18d: {  	v39 =	vmul.f32 v37, v30;
	(erf) = vrcp.f32 v4;
	v0 =	vadd.f32 v35, v0  }
0x18e: {  	v43 =	vld [tilespmem:$0x24A0];
	v44 =	vadd.f32 $1.000000010e-10, v36;
	v41 =	vpop (erf)  }
0x18f: {  	v42 =	vmul.f32 v41, v34;
	(erf) = vrcp.f32 v7;
	v0 =	vadd.f32 v39, v0  }
0x190: {  	v46 =	vld [tilespmem:$0x24B0];
	v47 =	vadd.f32 $1.000000010e-10, v40;
	v45 =	vpop (erf)  }
0x191: {  	(erf) = vrcp.f32 v44;
	v1 =	vmul.f32 v45, v38;
	v0 =	vadd.f32 v42, v0  }
0x192: {  	v49 =	vld [tilespmem:$0x24C0];
	v48 =	vpop (erf)  }
0x193: {  	(erf) = vrcp.f32 v47;
	v50 =	vmul.f32 v48, v43;
	v0 =	vadd.f32 v1, v0  }
0x194: {  	v52 =	vld [tilespmem:$0x24D0];
	v51 =	vpop (erf)  }
0x195: {  	v53 =	vmul.f32 v51, v46;
	v0 =	vadd.f32 v50, v0  }
0x196: {  	v55 =	vld [tilespmem:$0x24E0];
	v54 =	vpop (erf)  }
0x197: {  	v56 =	vmul.f32 v54, v49;
	v0 =	vadd.f32 v53, v0  }
0x198: {  	v58 =	vld [tilespmem:$0x24F0];
	v57 =	vpop (erf)  }
0x199: {  	v59 =	vmul.f32 v57, v52;
	v0 =	vadd.f32 v56, v0  }
0x19a: {  	v60 =	vpop (erf)  }
0x19b: {  	v61 =	vmul.f32 v60, v55;
	v0 =	vadd.f32 v59, v0  }
0x19c: {  	v62 =	vpop (erf)  }
0x19d: {  	v63 =	vmul.f32 v62, v58;
	v0 =	vadd.f32 v61, v0;
	_ =	sdelay $0x1  }
0x19e: {  	v0 =	vadd.f32 v63, v0  }
0x19f: {  	p0 =	sne.s32 s5, $0x1  }
.Ltmp0:
0x1a0: {  	s11 =	rddreg [dreg:$0x4];
	[tilespmem:$0x2800] =	vst v0;
	(pc) =	sbr.rel @p0 .LBB2_1-.Ltmp0, $4  }
0x1a1: {  	[hbm4b:s11+s2] =	stream.linear.scatter [tilespmem:s1], [sflag:$0x2], $0x80, $0x38;
	[tilespmem:$0x2880] =	vst v63  }
0x1a2: {  	_ =	swait.ge [sflag:s6], $0x80  }
0x1a3: {  	[sflag:s6] =	ssyncset.done $0x0  }
0x1a4: {  	s5 =	sadd.s32 $0xFFFFFFFF, s5;
	[sflag:s6] =	ssyncadd.s32 $0xFFFFFF80  }
0x1a5: {  	_ =	sfence.sel $0x180000  }
0x1a6: {  	[bflag:$0x0] =	sbarrier.arrive $0xFFFF  }
0x1a7: {  	_ =	strace $0x9000004A  }
0x1a8: {  	s0 =	stileid.u32;
	[bflag:$0x2] =	sbarrier.arrive $0xFFFF  }
0x1a9: {  	p0 =	sne.s32 s0, $0x0;
	s0 =	rddreg [dreg:$0x1]  }
0x1aa: {  	s0 =	sadd.s32 @!p0 $0x100000, s0  }
0x1ab: {  	[sflag:s0] =	ssyncadd.tile.s32 @!p0 $0x1;
	_ =	shalt  }
.Lfunc_end2:
_tile_overlayer_lowered:
.L_overlay_start_2:
0x1ac: {  	(tag) =	ssettag $0x2  }
0x1ad: {  	s0 =	rddreg [dreg:$0x0];
	s2 =	stileid.u32  }
0x1ae: {  	s1 =	rddreg [dreg:$0x1];
	p0 =	sne.s32 s2, $0x0  }
0x1af: {  	s3 =	rddreg [dreg:$0x2];
	[bflag:$0x3] =	sbarrier.arrive $0xFFFF;
	s2 =	simm.s32 @!p0 $0x1C02  }
0x1b0: {  	[timem:s3], [sflag:s2] =	dma.local @!p0 [hbm:s0], s1  }
0x1b1: {  	s0 =	simm.s32 @!p0 $0x2  }
0x1b2: {  	_ =	swait.ge @!p0 [sflag:s0], s1  }
0x1b3: {  	s1 =	ssub.s32 @!p0 $0x0, s1;
	[sflag:s0] =	ssyncset.done @!p0 $0x0  }
0x1b4: {  	[sflag:s0] =	ssyncadd.s32 @!p0 s1  }
0x1b5: {  	[bflag:$0x3] =	sbarrier.arrive $0xFFFF  }
0x1b6: {  	_ =	shalt  }

// kernel: kernel.7.cloned.1.call-start
scs
__scs_entry_jumppad:
0x0: {  	(pc) =	sbr.rel $0x88, $3  }
0x1: {  	(tag) =	ssettag $0x0;
	lr =	simm.s32 $0x1  }
0x2: {  	[smem:$0x3F9D] =	sst lr;
	_ =	strace $0xD0000000  }
0x3: {  	_ = 	snop  }
0x4: {  	_ = 	snop  }
0x5: {  	_ = 	snop  }
0x6: {  	_ = 	snop  }
0x7: {  	_ = 	snop  }
__scs_overlays_trampoline_lowered:
0x8: {  	[smem:$0x3FAC] =	sst s0  }
0x9: {  	[smem:$0x3FAD] =	sst s1  }
0xa: {  	[smem:$0x3FAE] =	sst s2  }
0xb: {  	[smem:$0x3FAF] =	sst s3  }
0xc: {  	[smem:$0x3FB0] =	sst s4  }
0xd: {  	[smem:$0x3FB1] =	sst s5  }
0xe: {  	[smem:$0x3FB2] =	sst s6  }
0xf: {  	[smem:$0x3FB3] =	sst s7  }
0x10: {  	[smem:$0x3FB4] =	sst s8  }
0x11: {  	[smem:$0x3FB5] =	sst s9;
	s0 =	simm.s32 @!p0 $0x0  }
0x12: {  	s1 =	sld [smem:$0x3F9B];
	s0 =	simm.s32 @p0 $0x1  }
0x13: {  	[smem:$0x3FB6] =	sst s0;
	s0 =	simm.s32 @!p1 $0x0  }
0x14: {  	s2 =	sld [smem:$0x3F9A];
	s0 =	simm.s32 @p1 $0x1  }
0x15: {  	[smem:$0x3FB7] =	sst s0;
	s0 =	simm.s32 @!p2 $0x0  }
0x16: {  	s3 =	sld [smem:$0x3FDB];
	s0 =	simm.s32 @p2 $0x1  }
0x17: {  	s4 =	simm.s32 $0x1BF5;
	[smem:$0x3FB9] =	sst s0  }
0x18: {  	s0 =	sld [smem:$0x3F9C];
	_ =	swait.ge [sflag:s4], $0x0  }
0x19: {  	s7 =	sld [smem:$0x3F9D]  }
0x1a: {  	s8 =	sadd.s32 $0xFFFFE003, lr  }
0x1b: {  	s9 =	sadd.s32 $0xFFFFFEF7, lr;
	s5 =	simm.s32 $0xFFFFFFFF;
	p2 =	slt.u32 s8, $0xFFFFF086  }
0x1c: {  	p1 =	slt.u32 s9, $0xF7A;
	s5 =	simm.s32 @!p2 $0x0  }
0x1d: {  	s5 =	simm.s32 @p1 $0x1;
	p0 =	seq.s32 s7, s2  }
0x1e: {  	s7 =	smul.u32 @!p0 $0xF7A, s2;
	p2 =	seq.s32 @!p0 s5, $0x0  }
0x1f: {  	s9 =	smul.u32 $0xF7A, s1;
	s8 =	simm.s32 @!p0 $0x1BF5;
	p2 =	por !p2, p0  }
0x20: {  	[sflag:s8] =	ssyncset.s32 @!p0 $0xFFFFF086;
	s6 =	sadd.s32 @!p0 s3, s7;
	s7 =	simm.s32 @!p0 $0x108  }
0x21: {  	s3 =	sadd.s32 s3, s9;
	s6 =	sadd.s32 @!p0 $0x88, s6;
	s7 =	simm.s32 @p2 $0x1082  }
0x22: {  	[simem:s7], [sflag:s8] =	dma.local @!p0 [hbm:s6], $0xF7A  }
0x23: {  	s9 =	sor.u32 $0xD0000000, s2;
	s6 =	simm.s32 $0x108;
	_ =	swait.ge @!p0 [sflag:s8], $0x0  }
0x24: {  	s3 =	sadd.s32 $0x88, s3;
	s6 =	simm.s32 @!p1 $0x1082;
	[sflag:s4] =	ssyncset.s32 $0xFFFFF086  }
0x25: {  	[simem:s6], [sflag:s4] =	dma.local [hbm:s3], $0xF7A  }
0x26: {  	[smem:$0x3F9D] =	sst s1;
	(tag) =	ssettag s2;
	_ =	strace s9  }
0x27: {  	s1 =	sld [smem:$0x3FAD]  }
0x28: {  	s2 =	sld [smem:$0x3FAE]  }
0x29: {  	s4 =	sld [smem:$0x3FB0]  }
0x2a: {  	p0 =	seq.s32 s5, $0x0;
	s5 =	sld [smem:$0x3FB1]  }
0x2b: {  	s6 =	sld [smem:$0x3FB2]  }
0x2c: {  	s7 =	sld [smem:$0x3FB3]  }
0x2d: {  	s3 =	simm.s32 $0x108;
	s8 =	sld [smem:$0x3FB4]  }
0x2e: {  	s3 =	simm.s32 @!p0 $0x1082;
	s9 =	sld [smem:$0x3FB5]  }
0x2f: {  	lr =	sadd.s32 s0, s3;
	s0 =	sld [smem:$0x3FAC]  }
0x30: {  	s3 =	sld [smem:$0x3FAF]  }
0x31: {  	[smem:$0x3FB8] =	sst s10  }
0x32: {  	s10 =	sld [smem:$0x3FB6];
	_ =	sdelay $0x3  }
0x33: {  	p0 =	seq.s32 s10, $0x1;
	s10 =	sld [smem:$0x3FB8];
	_ =	sdelay $0x3  }
0x34: {  	[smem:$0x3FB8] =	sst s10  }
0x35: {  	s10 =	sld [smem:$0x3FB7];
	_ =	sdelay $0x3  }
0x36: {  	p1 =	seq.s32 s10, $0x1;
	s10 =	sld [smem:$0x3FB8];
	_ =	sdelay $0x3  }
0x37: {  	[smem:$0x3FB8] =	sst s10  }
0x38: {  	s10 =	sld [smem:$0x3FB9]  }
0x39: {  	_ = 	snop;
	(pc) =	sbr.ind lr, $3  }
0x3a: {  	_ = 	snop  }
0x3b: {  	_ = 	snop  }
0x3c: {  	p2 =	seq.s32 s10, $0x1;
	s10 =	sld [smem:$0x3FB8]  }
0x3d: {  	_ =	shalt  }
0x3e: {  	_ =	shalt  }
0x3f: {  	_ =	shalt  }
0x40: {  	_ =	shalt  }
0x41: {  	_ =	shalt  }
0x42: {  	_ =	shalt  }
0x43: {  	_ =	shalt  }
0x44: {  	_ =	shalt  }
0x45: {  	_ =	shalt  }
0x46: {  	_ =	shalt  }
0x47: {  	_ =	shalt  }
0x48: {  	_ =	shalt  }
0x49: {  	_ =	shalt  }
0x4a: {  	_ =	shalt  }
0x4b: {  	_ =	shalt  }
0x4c: {  	_ =	shalt  }
0x4d: {  	_ =	shalt  }
0x4e: {  	_ =	shalt  }
0x4f: {  	_ =	shalt  }
0x50: {  	_ =	shalt  }
0x51: {  	_ =	shalt  }
0x52: {  	_ =	shalt  }
0x53: {  	_ =	shalt  }
0x54: {  	_ =	shalt  }
0x55: {  	_ =	shalt  }
0x56: {  	_ =	shalt  }
0x57: {  	_ =	shalt  }
0x58: {  	_ =	shalt  }
0x59: {  	_ =	shalt  }
0x5a: {  	_ =	shalt  }
0x5b: {  	_ =	shalt  }
0x5c: {  	_ =	shalt  }
0x5d: {  	_ =	shalt  }
0x5e: {  	_ =	shalt  }
0x5f: {  	_ =	shalt  }
0x60: {  	_ =	shalt  }
0x61: {  	_ =	shalt  }
0x62: {  	_ =	shalt  }
0x63: {  	_ =	shalt  }
0x64: {  	_ =	shalt  }
0x65: {  	_ =	shalt  }
0x66: {  	_ =	shalt  }
0x67: {  	_ =	shalt  }
0x68: {  	_ =	shalt  }
0x69: {  	_ =	shalt  }
0x6a: {  	_ =	shalt  }
0x6b: {  	_ =	shalt  }
0x6c: {  	_ =	shalt  }
0x6d: {  	_ =	shalt  }
0x6e: {  	_ =	shalt  }
0x6f: {  	_ =	shalt  }
0x70: {  	_ =	shalt  }
0x71: {  	_ =	shalt  }
0x72: {  	_ =	shalt  }
0x73: {  	_ =	shalt  }
0x74: {  	_ =	shalt  }
0x75: {  	_ =	shalt  }
0x76: {  	_ =	shalt  }
0x77: {  	_ =	shalt  }
0x78: {  	_ =	shalt  }
0x79: {  	_ =	shalt  }
0x7a: {  	_ =	shalt  }
0x7b: {  	_ =	shalt  }
0x7c: {  	_ =	shalt  }
0x7d: {  	_ =	shalt  }
0x7e: {  	_ =	shalt  }
0x7f: {  	_ =	shalt  }
0x80: {  	_ =	shalt  }
0x81: {  	_ =	shalt  }
0x82: {  	_ =	shalt  }
0x83: {  	_ =	shalt  }
0x84: {  	_ =	shalt  }
0x85: {  	_ =	shalt  }
0x86: {  	_ =	shalt  }
0x87: {  	_ =	shalt  }
.Lfunc_end0:
.L_simem_size_0:
called_computation_lowered:
.L_overlay_start_0:
0x88: {  	s2 =	sld [smem:$0x3FD9]  }
0x89: {  	s3 =	sld [smem:$0x3FFE];
	_ =	sdelay $0x1  }
0x8a: {  	s1 =	srdreg.scid  }
0x8b: {  	s0 =	sand.u32 $0x1, s1  }
0x8c: {  	s17 =	sshll.u32 s0, $0xA;
	s2 =	sadd.s32 s3, s2  }
0x8d: {  	s2 =	sadd.s32 s2, s17  }
0x8e: {  	[smem:$0x3FC4] =	sst s2  }
0x8f: {  	_ = 	snop  }
0x90: {  	s2 =	sld [smem:$0x3FC6];
	(tm) =	ssettm $0x1  }
0x91: {  	s18 =	sld [smem:$0x3FFB];
	_ =	sdelay $0x3  }
0x92: {  	_ =	strace s18  }
0x93: {  	s3 =	sld [smem:$0x3FFC];
	_ =	sdelay $0x3  }
0x94: {  	_ =	strace s3  }
0x95: {  	s3 =	sld [smem:$0x3FFD];
	_ =	sdelay $0x3  }
0x96: {  	_ =	strace s3  }
0x97: {  	_ =	strace $0x8FFFFFFF  }
0x98: {  	s19 =	sld [smem:$0x3FDB];
	_ =	sdelay $0x1  }
0x99: {  	s4 =	simm.s32 $_scs_section_size  }
0x9a: {  	s5 =	simm.s32 $_size__tile_overlayer_lowered;
	s6 =	simm.s32 $_tile_overlayer_lowered  }
0x9b: {  	s22 =	simm.s32 $0x1BFF;
	s21 =	sshll.u32 s6, $0x1;
	s3 =	sadd.s32 s4, s19  }
0x9c: {  	s7 =	simm.s32 $0x0;
	s20 =	sshll.u32 s5, $0x1;
	s5 =	sadd.s32 s21, s3  }
0x9d: {  	[timem:s7], [sflag:s22] =	dma.local [hbm:s5], s20  }
0x9e: {  	_ =	swait.ge [sflag:s22], s20  }
0x9f: {  	s4 =	ssub.s32 $0x0, s20;
	[sflag:s22] =	ssyncset.done $0x0  }
0xa0: {  	[sflag:s22] =	ssyncadd.s32 s4;
	_ =	sdelay $0x1  }
0xa1: {  	s23 =	simm.s32 $0x1B8B  }
0xa2: {  	_ =	swait.ge [sflag:s23], $0x1  }
0xa3: {  	[sflag:s23] =	ssyncset.done $0x0  }
0xa4: {  	s25 =	simm.s32 $0x1B8E;
	s24 =	sld [smem:$0x3FFE];
	[sflag:s23] =	ssyncadd.s32 $0xFFFFFFFF  }
0xa5: {  	s26 =	simm.s32 $execute0_lowered;
	[smem:$0x3FD2] =	sst s25  }
0xa6: {  	s5 =	sshll.u32 s26, $0x1;
	_ =	strace $0x80000046;
	[dreg:$0x1] =	wrdreg $0xFFFFFFFF  }
0xa7: {  	s28 =	simm.s32 $_size_execute0_lowered;
	s3 =	sadd.s32 s3, s5;
	[dreg:$0x0] =	wrdreg $0x0  }
0xa8: {  	s5 =	sshll.u32 s28, $0x1;
	[dreg:$0x2] =	wrdreg s3  }
0xa9: {  	[dreg:$0x3] =	wrdreg s5  }
0xaa: {  	[dreg:$0x4] =	wrdreg $0xC0  }
0xab: {  	_ =	task [dreg:s7], $0x5FFFF  }
0xac: {  	[dreg:$0x1] =	wrdreg $0xFFFFFFFF  }
0xad: {  	[dreg:$0x0] =	wrdreg $0x60  }
0xae: {  	[dreg:$0x2] =	wrdreg s2  }
0xaf: {  	[dreg:$0x3] =	wrdreg s24  }
0xb0: {  	[dreg:$0x4] =	wrdreg $0x9  }
0xb1: {  	_ =	task.clear_ibuf [dreg:s7], $0x5FFFF;
	_ =	strace $0x90000046  }
0xb2: {  	s29 =	simm.s32 $0x9;
	_ =	strace $0x80000048  }
0xb3: {  	_ =	swait.ge [sflag:s29], $0x1  }
0xb4: {  	[sflag:s29] =	ssyncadd.s32 $0xFFFFFFFF  }
0xb5: {  	_ =	strace $0x90000048  }
0xb6: {  	_ =	sfence  }
0xb7: {  	s30 =	sld [smem:$0x0];
	_ =	sdelay $0x2  }
0xb8: {  	s31 =	sshll.u32 s1, $0xD;
	s1 =	sshrl.u32 s1, $0x2  }
0xb9: {  	s3 =	sand.u32 $0x4000, s31;
	s1 =	sadd.s32 s1, s30  }
0xba: {  	s0 =	sor.u32 s3, s0;
	s1 =	sshll.u32 s1, $0x11  }
0xbb: {  	s0 =	sor.u32 s1, s0  }
0xbc: {  	s0 =	sadd.s32 $0x8F2B, s0  }
0xbd: {  	[sflag:s0] =	ssyncadd.remote.s32 $0x1  }
0xbe: {  	_ =	sfence.sel $0xFFFF  }
0xbf: {  	[dreg:$0x0] =	wrdreg $0xFFFFFFFF;
	(pc) =	sbr.abs _section_cstart, $3  }
0xc0: {  	[dreg:$0x1] =	wrdreg $0xFFFFFFFF  }
0xc1: {  	_ =	task.clear_ibuf [dreg:s7], $0x2FFFF;
	_ =	strace $0x9FFFFFFF  }
0xc2: {  	(tm) =	ssettm $0x7FFFFFFF  }
0xc3: {  	_ =	shalt  }
tec
execute0_lowered:
.L_overlay_start_1:
0x0: {  	(tag) =	ssettag $0x1  }
0x1: {  	s1 =	srdreg.scid  }
0x2: {  	s2 =	rddreg [dreg:$0x0];
	s0 =	stileid.u32;
	s26 =	sand.u32 $0x1, s1  }
0x3: {  	s4 =	rddreg [dreg:$0x1];
	s5 =	sshll.u32 s0, $0x9;
	s6 =	sshll.u32 s26, $0x8  }
0x4: {  	s3 =	simm.s32 $0x0;
	s1 =	rddreg [dreg:$0x2];
	s5 =	sor.u32 s6, s5  }
0x5: {  	[smem:$0x7FF] =	sst s3;
	s28 =	sadd.s32 s5, s4  }
0x6: {  	_ =	strace $0x80000047;
	s4 =	simm.s32 $0x2;
	s5 =	sadd.s32 $0x80400, s28  }
0x7: {  	[tilespmem:s3], [sflag:$0x2] =	stream.linear.gather [hbm4b:s5+s3], $0x500, $0x38;
	[tilespmem:$0x1000] =	vst v63  }
0x8: {  	_ =	swait.ge [sflag:s4], $0x500  }
0x9: {  	[sflag:s4] =	ssyncset.done $0x0  }
0xa: {  	s7 =	simm.s32 $0x800;
	s6 =	simm.s32 $0x80;
	[sflag:s4] =	ssyncadd.s32 $0xFFFFFB00  }
0xb: {  	[tilespmem:s7], [sflag:$0x1] =	stream.indirect.gather [hbm4b:s2+s6], $0x1, s3, s6, $0xb8;
	[tilespmem:$0x1000] =	vst v63  }
0xc: {  	s8 =	simm.s32 $0x880  }
0xd: {  	[tilespmem:s8], [sflag:$0x1] =	stream.indirect.gather [hbm4b:s2+s6], $0x1, s6, s6, $0xb8;
	[tilespmem:$0x1000] =	vst v63  }
0xe: {  	s9 =	simm.s32 $0x100;
	s10 =	simm.s32 $0x900  }
0xf: {  	[tilespmem:s10], [sflag:$0x1] =	stream.indirect.gather [hbm4b:s2+s6], $0x1, s9, s6, $0xb8;
	[tilespmem:$0x1000] =	vst v63  }
0x10: {  	s11 =	simm.s32 $0x180;
	s12 =	simm.s32 $0x980  }
0x11: {  	[tilespmem:s12], [sflag:$0x1] =	stream.indirect.gather [hbm4b:s2+s6], $0x1, s11, s6, $0xb8;
	[tilespmem:$0x1000] =	vst v63  }
0x12: {  	s13 =	simm.s32 $0x200;
	s14 =	simm.s32 $0xA00  }
0x13: {  	[tilespmem:s14], [sflag:$0x1] =	stream.indirect.gather [hbm4b:s2+s6], $0x1, s13, s6, $0xb8;
	[tilespmem:$0x1000] =	vst v63  }
0x14: {  	s15 =	simm.s32 $0x280;
	s16 =	simm.s32 $0xA80  }
0x15: {  	[tilespmem:s16], [sflag:$0x1] =	stream.indirect.gather [hbm4b:s2+s6], $0x1, s15, s6, $0xb8;
	[tilespmem:$0x1000] =	vst v63  }
0x16: {  	s17 =	simm.s32 $0x300;
	s18 =	simm.s32 $0xB00  }
0x17: {  	[tilespmem:s18], [sflag:$0x1] =	stream.indirect.gather [hbm4b:s2+s6], $0x1, s17, s6, $0xb8;
	[tilespmem:$0x1000] =	vst v63  }
0x18: {  	s19 =	simm.s32 $0x380;
	s20 =	simm.s32 $0xB80  }
0x19: {  	[tilespmem:s20], [sflag:$0x1] =	stream.indirect.gather [hbm4b:s2+s6], $0x1, s19, s6, $0xb8;
	[tilespmem:$0x1000] =	vst v63  }
0x1a: {  	s21 =	simm.s32 $0x400;
	s22 =	simm.s32 $0xC00  }
0x1b: {  	[tilespmem:s22], [sflag:$0x1] =	stream.indirect.gather [hbm4b:s2+s6], $0x1, s21, s6, $0xb8;
	[tilespmem:$0x1000] =	vst v63  }
0x1c: {  	s23 =	simm.s32 $0x480;
	s24 =	simm.s32 $0xC80;
	s25 =	simm.s32 $0x1  }
0x1d: {  	[tilespmem:s24], [sflag:$0x1] =	stream.indirect.gather [hbm4b:s2+s6], $0x1, s23, s6, $0xb8;
	[tilespmem:$0x1000] =	vst v63  }
0x1e: {  	_ =	swait.ge [sflag:s25], $0x80  }
0x1f: {  	[sflag:s25] =	ssyncset.done $0x0  }
0x20: {  	[sflag:s25] =	ssyncadd.s32 $0xFFFFFF80  }
0x21: {  	_ =	swait.ge [sflag:s25], $0x80  }
0x22: {  	[sflag:s25] =	ssyncset.done $0x0  }
0x23: {  	[sflag:s25] =	ssyncadd.s32 $0xFFFFFF80  }
0x24: {  	_ =	swait.ge [sflag:s25], $0x80  }
0x25: {  	[sflag:s25] =	ssyncset.done $0x0  }
0x26: {  	[sflag:s25] =	ssyncadd.s32 $0xFFFFFF80  }
0x27: {  	_ =	swait.ge [sflag:s25], $0x80  }
0x28: {  	[sflag:s25] =	ssyncset.done $0x0  }
0x29: {  	[sflag:s25] =	ssyncadd.s32 $0xFFFFFF80  }
0x2a: {  	_ =	swait.ge [sflag:s25], $0x80  }
0x2b: {  	[sflag:s25] =	ssyncset.done $0x0  }
0x2c: {  	[sflag:s25] =	ssyncadd.s32 $0xFFFFFF80  }
0x2d: {  	_ =	swait.ge [sflag:s25], $0x80  }
0x2e: {  	[sflag:s25] =	ssyncset.done $0x0  }
0x2f: {  	[sflag:s25] =	ssyncadd.s32 $0xFFFFFF80  }
0x30: {  	_ =	swait.ge [sflag:s25], $0x80  }
0x31: {  	[sflag:s25] =	ssyncset.done $0x0  }
0x32: {  	[sflag:s25] =	ssyncadd.s32 $0xFFFFFF80  }
0x33: {  	_ =	swait.ge [sflag:s25], $0x80  }
0x34: {  	[sflag:s25] =	ssyncset.done $0x0  }
0x35: {  	s26 =	ssub.s32 $0x2, s26;
	[sflag:s25] =	ssyncadd.s32 $0xFFFFFF80  }
0x36: {  	s29 =	sshrl.u32 s26, $0x1;
	_ =	swait.ge [sflag:s25], $0x80  }
0x37: {  	s29 =	ssub.s32 s26, s29;
	[sflag:s25] =	ssyncset.done $0x0  }
0x38: {  	s26 =	sadd.s32 $0x82400, s28;
	s28 =	smax.u32 s29, $0x1;
	[sflag:s25] =	ssyncadd.s32 $0xFFFFFF80  }
0x39: {  	p0 =	sne.s32 s28, $0x1;
	_ =	swait.ge [sflag:s25], $0x80  }
.Ltmp0:
0x3a: {  	[sflag:s25] =	ssyncset.done $0x0;
	(pc) =	sbr.rel @!p0 .LBB2_2-.Ltmp0, $4  }
0x3b: {  	[sflag:s25] =	ssyncadd.s32 $0xFFFFFF80  }
0x3c: {  	[hbm4b:s26+s3] =	stream.linear.scatter [tilespmem:s7], [sflag:$0x2], $0x500, $0x38;
	[tilespmem:$0x1000] =	vst v63  }
0x3d: {  	_ =	swait.ge [sflag:s4], $0x500  }
0x3e: {  	s28 =	sadd.s32 $0xFFFFFFFF, s28;
	[sflag:s4] =	ssyncset.done $0x0  }
.LBB2_1:
0x3f: {  	p0 =	sne.s32 s28, $0x1;
	s28 =	sadd.s32 $0xFFFFFFFF, s28;
	[sflag:s4] =	ssyncadd.s32 $0xFFFFFB00  }
0x40: {  	[tilespmem:s3], [sflag:$0x2] =	stream.linear.gather [hbm4b:s5+s3], $0x500, $0x38;
	[tilespmem:$0x1000] =	vst v63  }
0x41: {  	_ =	swait.ge [sflag:s4], $0x500  }
0x42: {  	[sflag:s4] =	ssyncset.done $0x0  }
0x43: {  	[sflag:s4] =	ssyncadd.s32 $0xFFFFFB00  }
0x44: {  	[tilespmem:s7], [sflag:$0x1] =	stream.indirect.gather [hbm4b:s2+s6], $0x1, s3, s6, $0xb8;
	[tilespmem:$0x1000] =	vst v63  }
0x45: {  	_ = 	snop  }
0x46: {  	[tilespmem:s8], [sflag:$0x1] =	stream.indirect.gather [hbm4b:s2+s6], $0x1, s6, s6, $0xb8;
	[tilespmem:$0x1000] =	vst v63  }
0x47: {  	_ = 	snop  }
0x48: {  	[tilespmem:s10], [sflag:$0x1] =	stream.indirect.gather [hbm4b:s2+s6], $0x1, s9, s6, $0xb8;
	[tilespmem:$0x1000] =	vst v63  }
0x49: {  	_ = 	snop  }
0x4a: {  	[tilespmem:s12], [sflag:$0x1] =	stream.indirect.gather [hbm4b:s2+s6], $0x1, s11, s6, $0xb8;
	[tilespmem:$0x1000] =	vst v63  }
0x4b: {  	_ = 	snop  }
0x4c: {  	[tilespmem:s14], [sflag:$0x1] =	stream.indirect.gather [hbm4b:s2+s6], $0x1, s13, s6, $0xb8;
	[tilespmem:$0x1000] =	vst v63  }
0x4d: {  	_ = 	snop  }
0x4e: {  	[tilespmem:s16], [sflag:$0x1] =	stream.indirect.gather [hbm4b:s2+s6], $0x1, s15, s6, $0xb8;
	[tilespmem:$0x1000] =	vst v63  }
0x4f: {  	_ = 	snop  }
0x50: {  	[tilespmem:s18], [sflag:$0x1] =	stream.indirect.gather [hbm4b:s2+s6], $0x1, s17, s6, $0xb8;
	[tilespmem:$0x1000] =	vst v63  }
0x51: {  	_ = 	snop  }
0x52: {  	[tilespmem:s20], [sflag:$0x1] =	stream.indirect.gather [hbm4b:s2+s6], $0x1, s19, s6, $0xb8;
	[tilespmem:$0x1000] =	vst v63  }
0x53: {  	_ = 	snop  }
0x54: {  	[tilespmem:s22], [sflag:$0x1] =	stream.indirect.gather [hbm4b:s2+s6], $0x1, s21, s6, $0xb8;
	[tilespmem:$0x1000] =	vst v63  }
0x55: {  	_ = 	snop  }
0x56: {  	[tilespmem:s24], [sflag:$0x1] =	stream.indirect.gather [hbm4b:s2+s6], $0x1, s23, s6, $0xb8;
	[tilespmem:$0x1000] =	vst v63  }
0x57: {  	_ =	swait.ge [sflag:s25], $0x80  }
0x58: {  	[sflag:s25] =	ssyncset.done $0x0  }
0x59: {  	[sflag:s25] =	ssyncadd.s32 $0xFFFFFF80  }
0x5a: {  	_ =	swait.ge [sflag:s25], $0x80  }
0x5b: {  	[sflag:s25] =	ssyncset.done $0x0  }
0x5c: {  	[sflag:s25] =	ssyncadd.s32 $0xFFFFFF80  }
0x5d: {  	_ =	swait.ge [sflag:s25], $0x80  }
0x5e: {  	[sflag:s25] =	ssyncset.done $0x0  }
0x5f: {  	[sflag:s25] =	ssyncadd.s32 $0xFFFFFF80  }
0x60: {  	_ =	swait.ge [sflag:s25], $0x80  }
0x61: {  	[sflag:s25] =	ssyncset.done $0x0  }
0x62: {  	[sflag:s25] =	ssyncadd.s32 $0xFFFFFF80  }
0x63: {  	_ =	swait.ge [sflag:s25], $0x80  }
0x64: {  	[sflag:s25] =	ssyncset.done $0x0  }
0x65: {  	[sflag:s25] =	ssyncadd.s32 $0xFFFFFF80  }
0x66: {  	_ =	swait.ge [sflag:s25], $0x80  }
0x67: {  	[sflag:s25] =	ssyncset.done $0x0  }
0x68: {  	[sflag:s25] =	ssyncadd.s32 $0xFFFFFF80  }
0x69: {  	_ =	swait.ge [sflag:s25], $0x80  }
0x6a: {  	[sflag:s25] =	ssyncset.done $0x0  }
0x6b: {  	[sflag:s25] =	ssyncadd.s32 $0xFFFFFF80  }
0x6c: {  	_ =	swait.ge [sflag:s25], $0x80  }
0x6d: {  	[sflag:s25] =	ssyncset.done $0x0  }
0x6e: {  	[sflag:s25] =	ssyncadd.s32 $0xFFFFFF80  }
0x6f: {  	_ =	swait.ge [sflag:s25], $0x80  }
0x70: {  	[sflag:s25] =	ssyncset.done $0x0  }
0x71: {  	[sflag:s25] =	ssyncadd.s32 $0xFFFFFF80  }
0x72: {  	_ =	swait.ge [sflag:s25], $0x80  }
.Ltmp1:
0x73: {  	[sflag:s25] =	ssyncset.done $0x0;
	(pc) =	sbr.rel @p0 .LBB2_1-.Ltmp1, $4  }
0x74: {  	[sflag:s25] =	ssyncadd.s32 $0xFFFFFF80  }
0x75: {  	[hbm4b:s26+s3] =	stream.linear.scatter [tilespmem:s7], [sflag:$0x2], $0x500, $0x38;
	[tilespmem:$0x1000] =	vst v63  }
0x76: {  	_ =	swait.ge [sflag:s4], $0x500  }
0x77: {  	[sflag:s4] =	ssyncset.done $0x0  }
.LBB2_2:
0x78: {  	[sflag:s4] =	ssyncadd.s32 $0xFFFFFB00  }
0x79: {  	_ =	sfence.sel $0x180000  }
0x7a: {  	[bflag:$0x0] =	sbarrier.arrive $0xFFFF  }
0x7b: {  	p0 =	sne.s32 s0, $0x0;
	_ =	strace $0x90000047  }
0x7c: {  	s0 =	sadd.s32 @!p0 $0x100000, s1;
	[bflag:$0x2] =	sbarrier.arrive $0xFFFF  }
0x7d: {  	[sflag:s0] =	ssyncadd.tile.s32 @!p0 $0x1;
	_ =	shalt  }
.Lfunc_end2:
_tile_overlayer_lowered:
.L_overlay_start_2:
0x7e: {  	(tag) =	ssettag $0x2  }
0x7f: {  	s0 =	rddreg [dreg:$0x0];
	s2 =	stileid.u32  }
0x80: {  	s1 =	rddreg [dreg:$0x1];
	p0 =	sne.s32 s2, $0x0  }
0x81: {  	s3 =	rddreg [dreg:$0x2];
	[bflag:$0x3] =	sbarrier.arrive $0xFFFF;
	s2 =	simm.s32 @!p0 $0x1C02  }
0x82: {  	[timem:s3], [sflag:s2] =	dma.local @!p0 [hbm:s0], s1  }
0x83: {  	s0 =	simm.s32 @!p0 $0x2  }
0x84: {  	_ =	swait.ge @!p0 [sflag:s0], s1  }
0x85: {  	s1 =	ssub.s32 @!p0 $0x0, s1;
	[sflag:s0] =	ssyncset.done @!p0 $0x0  }
0x86: {  	[sflag:s0] =	ssyncadd.s32 @!p0 s1  }
0x87: {  	[bflag:$0x3] =	sbarrier.arrive $0xFFFF  }
0x88: {  	_ =	shalt  }

</sc_bundles>
